<compile_context>
chip_gen: v7x
topology: tpu7x:2x2x1
jax: 0.10.2.dev20260603
libtpu: 0.0.44.dev20260713+nightly
codegen_flags: <defaults>
</compile_context>

<pallas_src>
import jax
import jax.numpy as jnp
from jax import lax
from jax.experimental import pallas as pl
from jax.experimental.pallas import tpu as pltpu
from jax.experimental.pallas import tpu_sc as plsc

N = 10000
E = 320000
H = 128
ED = 16
G = 64
E_ALL = E + N

NC = 2
NS = 16
NW = NC * NS
C = 96
CHUNKS = 108
E_PAD = NW * CHUNKS * C
N_PAD = 10112

_f32 = jnp.float32
_LOG2E = 1.4426950408889634
_LN2 = 0.6931471805599453


def _take16(v, idx):
    return lax.gather(
        v, idx[:, None],
        dimension_numbers=lax.GatherDimensionNumbers(
            offset_dims=(), collapsed_slice_dims=(0,), start_index_map=(0,)),
        slice_sizes=(1,),
        mode=lax.GatherScatterMode.PROMISE_IN_BOUNDS)


def _exp16(x):
    t = x * _LOG2E
    half = jnp.where(t >= 0, jnp.full((16,), 0.5, _f32),
                     jnp.full((16,), -0.5, _f32))
    n = (t + half).astype(jnp.int32)
    g = (t - n.astype(_f32)) * _LN2
    p = jnp.full((16,), 1.0 / 720.0, _f32)
    p = p * g + 1.0 / 120.0
    p = p * g + 1.0 / 24.0
    p = p * g + 1.0 / 6.0
    p = p * g + 0.5
    p = p * g + 1.0
    p = p * g + 1.0
    nc = jnp.clip(n, -126, 127)
    scale = plsc.bitcast((nc + 127) << 23, _f32)
    return p * scale


def _sc_edge_body(xl_hbm, xr_hbm, e_hbm, src_hbm, dst_hbm, att_hbm,
                  out_hbm, den_hbm,
                  src_a, dst_a, xl_b, xr_b, e_b, s_b, den_b, att_b,
                  acc_out, sem_ix, sem_g, sem_g2):
    cid = lax.axis_index("c")
    sid = lax.axis_index("s")
    wid = sid * NC + cid

    def _zrow(i, _):
        for j in range(H // 16):
            xl_b[i, pl.ds(16 * j, 16)] = jnp.zeros((16,), _f32)
        return 0
    lax.fori_loop(0, C, _zrow, 0)

    def _zden(i, _):
        den_b[pl.ds(16 * i, 16)] = jnp.zeros((16,), _f32)
        return 0
    lax.fori_loop(0, N_PAD // 16, _zden, 0)

    rows_per_tile = N_PAD // NS
    row0 = sid * rows_per_tile
    nfull, rem = divmod(rows_per_tile, C)
    for k in range(nfull):
        pltpu.sync_copy(xl_b, acc_out.at[pl.ds(row0 + C * k, C)])
    if rem:
        pltpu.sync_copy(xl_b.at[pl.ds(0, rem)],
                        acc_out.at[pl.ds(row0 + C * nfull, rem)])
    pltpu.sync_copy(att_hbm, att_b)
    plsc.subcore_barrier()

    att_s = [att_b[pl.ds(16 * j, 16)] for j in range(H // 16)]
    iota16 = lax.broadcasted_iota(jnp.int32, (16,), 0)
    lane0 = iota16 == 0

    def _process(base, xl_c, xr_c, e_c, dst_c, s_c):
        def _edge(i, _):
            acc = jnp.zeros((16,), _f32)
            for j in range(H // 16):
                sl = pl.ds(16 * j, 16)
                v = xl_c[i, sl] + xr_c[i, sl] + e_c[i, sl]
                m = jnp.maximum(v, 0.2 * v)
                acc = acc + att_s[j] * m
            total = jnp.sum(acc)
            plsc.store_scatter(s_c, [jnp.full((16,), i, jnp.int32)],
                               jnp.broadcast_to(total, (16,)), mask=lane0)
            return 0
        lax.fori_loop(0, C, _edge, 0, unroll=2)

        for t in range(C // 16):
            sl = pl.ds(16 * t, 16)
            gid = base + 16 * t + iota16
            s16 = jnp.where(gid < E_ALL, _exp16(s_c[sl]),
                            jnp.zeros((16,), _f32))
            s_c[sl] = s16
            sk, sc = plsc.sort_key_val(dst_c[sl], s16)
            for sh in (1, 2, 4, 8):
                idx = jnp.maximum(iota16 - sh, 0)
                m = (iota16 >= sh) & (_take16(sk, idx) == sk)
                sc = sc + jnp.where(m, _take16(sc, idx),
                                    jnp.zeros((16,), _f32))
            nk = _take16(sk, jnp.minimum(iota16 + 1, 15))
            bd = (sk != nk) | (iota16 == 15)
            old = plsc.load_gather(den_b, [sk])
            plsc.store_scatter(den_b, [sk], old + sc, mask=bd)

        def _scale(i, _):
            sv = plsc.load_gather(s_c, [jnp.full((16,), i, jnp.int32)])
            for j in range(H // 16):
                sl = pl.ds(16 * j, 16)
                xl_c[i, sl] = xl_c[i, sl] * sv
            return 0
        lax.fori_loop(0, C, _scale, 0, unroll=2)

        pltpu.sync_copy(xl_c, acc_out.at[dst_c], add=True)

    def _chunk(k, _):
        base = (wid * CHUNKS + k) * C
        ld = [pltpu.async_copy(src_hbm.at[pl.ds(base, C)], src_a, sem_ix),
              pltpu.async_copy(dst_hbm.at[pl.ds(base, C)], dst_a, sem_ix)]
        cp_e = pltpu.async_copy(e_hbm.at[pl.ds(base, C)], e_b, sem_g2)
        for cp in ld:
            cp.wait()
        ga = [pltpu.async_copy(xl_hbm.at[src_a], xl_b, sem_g),
              pltpu.async_copy(xr_hbm.at[dst_a], xr_b, sem_g)]
        for cp in ga:
            cp.wait()
        cp_e.wait()
        _process(base, xl_b, xr_b, e_b, dst_a, s_b)
        return 0
    lax.fori_loop(0, CHUNKS, _chunk, 0)

    plsc.subcore_barrier()
    pltpu.sync_copy(acc_out.at[pl.ds(row0, rows_per_tile)],
                    out_hbm.at[cid, pl.ds(row0, rows_per_tile)])
    pltpu.sync_copy(den_b, den_hbm.at[cid * NS + sid])


_sc_edge = pl.kernel(
    _sc_edge_body,
    out_type=(
        jax.ShapeDtypeStruct((NC, N_PAD, H), _f32),
        jax.ShapeDtypeStruct((NW, N_PAD), _f32),
    ),
    mesh=plsc.VectorSubcoreMesh(core_axis_name="c", subcore_axis_name="s"),
    compiler_params=pltpu.CompilerParams(needs_layout_passes=False),
    scratch_types=[
        pltpu.VMEM((C,), jnp.int32),
        pltpu.VMEM((C,), jnp.int32),
        pltpu.VMEM((C, H), _f32),
        pltpu.VMEM((C, H), _f32),
        pltpu.VMEM((C, H), _f32),
        pltpu.VMEM((C,), _f32),
        pltpu.VMEM((N_PAD,), _f32),
        pltpu.VMEM((H,), _f32),
        pltpu.VMEM_SHARED((N_PAD, H), _f32),
        pltpu.SemaphoreType.DMA,
        pltpu.SemaphoreType.DMA,
        pltpu.SemaphoreType.DMA,
    ],
)


def _easum_body(ea_ref, out_ref):
    i = pl.program_id(0)

    @pl.when(i == 0)
    def _():
        out_ref[...] = jnp.zeros_like(out_ref)
    out_ref[0, :] += jnp.sum(ea_ref[...], axis=0)


def _easum(ea):
    blk = 4000
    return pl.pallas_call(
        _easum_body,
        grid=(E // blk,),
        in_specs=[pl.BlockSpec((blk, ED), lambda i: (i, 0))],
        out_specs=pl.BlockSpec((1, ED), lambda i: (0, 0)),
        out_shape=jax.ShapeDtypeStruct((1, ED), _f32),
    )(ea)


def _edges_body(ea_ref, we1_ref, we2_ref, e1_ref, e2_ref):
    blk = ea_ref[...]
    e1_ref[...] = jnp.dot(blk, we1_ref[...], preferred_element_type=_f32)
    e2_ref[...] = jnp.dot(blk, we2_ref[...], preferred_element_type=_f32)


def _edges(ea_full, we1, we2):
    blk = 2048
    return pl.pallas_call(
        _edges_body,
        grid=(E_PAD // blk,),
        in_specs=[
            pl.BlockSpec((blk, ED), lambda i: (i, 0)),
            pl.BlockSpec((ED, H), lambda i: (0, 0)),
            pl.BlockSpec((ED, H), lambda i: (0, 0)),
        ],
        out_specs=[
            pl.BlockSpec((blk, H), lambda i: (i, 0)),
            pl.BlockSpec((blk, H), lambda i: (i, 0)),
        ],
        out_shape=[
            jax.ShapeDtypeStruct((E_PAD, H), _f32),
            jax.ShapeDtypeStruct((E_PAD, H), _f32),
        ],
    )(ea_full, we1, we2)


def _nodes_body(x_ref, wl_ref, wr_ref, bl_ref, br_ref, xl_ref, xr_ref):
    xv = x_ref[...]
    xl_ref[...] = jnp.dot(xv, wl_ref[...], preferred_element_type=_f32) \
        + bl_ref[...]
    xr_ref[...] = jnp.dot(xv, wr_ref[...], preferred_element_type=_f32) \
        + br_ref[...]


def _nodes(x, wl, wr, bl, br):
    return pl.pallas_call(
        _nodes_body,
        out_shape=[
            jax.ShapeDtypeStruct((N, H), _f32),
            jax.ShapeDtypeStruct((N, H), _f32),
        ],
    )(x, wl, wr, bl.reshape(1, H), br.reshape(1, H))


def _combine(op_ref, dp_ref, bias_ref):
    o = op_ref[0] + op_ref[1]
    d = jnp.sum(dp_ref[...], axis=0)
    return o[:N] / (d[:N, None] + 1e-16) + bias_ref[...]


def _mid_body(op_ref, dp_ref, bias_ref, g_ref, b_ref, wl_ref, wr_ref,
              bl_ref, br_ref, xl_ref, xr_ref):
    h = _combine(op_ref, dp_ref, bias_ref)
    mu = jnp.mean(h, axis=0, keepdims=True)
    var = jnp.mean((h - mu) ** 2, axis=0, keepdims=True)
    h = (h - mu) / jnp.sqrt(var + 1e-5) * g_ref[...] + b_ref[...]
    h = jnp.maximum(h, 0.0)
    xl_ref[...] = jnp.dot(h, wl_ref[...], preferred_element_type=_f32) \
        + bl_ref[...]
    xr_ref[...] = jnp.dot(h, wr_ref[...], preferred_element_type=_f32) \
        + br_ref[...]


def _mid(op, dp, bias, g, b, wl, wr, bl, br):
    return pl.pallas_call(
        _mid_body,
        out_shape=[
            jax.ShapeDtypeStruct((N, H), _f32),
            jax.ShapeDtypeStruct((N, H), _f32),
        ],
    )(op, dp, bias.reshape(1, H), g.reshape(1, H), b.reshape(1, H),
      wl, wr, bl.reshape(1, H), br.reshape(1, H))


def _post_body(op_ref, dp_ref, bias_ref, batch_ref, fcw_ref, fcb_ref, y_ref):
    h = _combine(op_ref, dp_ref, bias_ref)
    bvec = batch_ref[0, :]
    gi = lax.broadcasted_iota(jnp.int32, (G, N), 0)
    oneh = (gi == bvec[None, :]).astype(_f32)
    ps = jnp.dot(oneh, h, preferred_element_type=_f32,
                 precision=lax.Precision.HIGHEST)
    cnt = jnp.sum(oneh, axis=1)
    pooled = ps / jnp.maximum(cnt, 1.0)[:, None]
    y_ref[...] = jnp.dot(pooled, fcw_ref[...], preferred_element_type=_f32) \
        + fcb_ref[...]


def _post(op, dp, bias, batch2d, fcw, fcb):
    return pl.pallas_call(
        _post_body,
        out_shape=jax.ShapeDtypeStruct((G, 1), _f32),
    )(op, dp, bias.reshape(1, H), batch2d, fcw, fcb.reshape(1, 1))


def kernel(x, edge_attr, params, edge_index, batch):
    p1 = params['conv0']
    p2 = params['conv1']
    pad = E_PAD - E_ALL
    loop = jnp.arange(N, dtype=jnp.int32)
    zpad = jnp.zeros((pad,), jnp.int32)
    src = jnp.concatenate([edge_index[0].astype(jnp.int32), loop, zpad])
    dst = jnp.concatenate([edge_index[1].astype(jnp.int32), loop, zpad])

    ea_sum = _easum(edge_attr)
    ea_mean = ea_sum[0] / E
    ea_full = jnp.concatenate(
        [edge_attr, jnp.broadcast_to(ea_mean, (N, ED)),
         jnp.zeros((pad, ED), _f32)], axis=0)
    e1, e2 = _edges(ea_full, p1['We'], p2['We'])

    xl1, xr1 = _nodes(x, p1['Wl'], p1['Wr'], p1['bl'], p1['br'])
    op1, dp1 = _sc_edge(xl1, xr1, e1, src, dst, p1['att'])
    xl2, xr2 = _mid(op1, dp1, p1['bias'], params['bn0_g'], params['bn0_b'],
                    p2['Wl'], p2['Wr'], p2['bl'], p2['br'])
    op2, dp2 = _sc_edge(xl2, xr2, e2, src, dst, p2['att'])
    batch2d = batch.astype(jnp.int32).reshape(1, N)
    return _post(op2, dp2, p2['bias'], batch2d, params['fc_w'], params['fc_b'])

# --- scband reference (transcript-rebuilt; emitter-appended) ---
"""Pipeline reference for scband-graph-encoder-32581621907550 (READ-ONLY COPY).

The authoritative reference and input builder live on the scoring server;
editing this copy changes nothing except your own understanding.
"""

import jax, jax.numpy as jnp
import numpy as np

N_NODES = 10000
N_EDGES = 320000
HIDDEN = 128
EDGE_DIM = 16
NUM_LAYERS = 2
NUM_GRAPHS = 64


def _glorot(k, shape):
    lim = float(np.sqrt(6.0 / (shape[0] + shape[1])))
    return jax.random.uniform(k, shape, minval=-lim, maxval=lim, dtype=jnp.float32)


def setup_inputs(seed: int = 0) -> dict:
    key = jax.random.key(seed)
    ks = jax.random.split(key, 32)
    x = jax.random.normal(ks[0], (N_NODES, HIDDEN), dtype=jnp.float32)
    edge_index = jax.random.randint(ks[1], (2, N_EDGES), 0, N_NODES)
    edge_attr = jax.random.normal(ks[2], (N_EDGES, EDGE_DIM), dtype=jnp.float32)
    batch = jnp.sort(jax.random.randint(ks[3], (N_NODES,), 0, NUM_GRAPHS))
    params = {}
    i = 4
    for l in range(NUM_LAYERS):
        p = {}
        p['Wl'] = _glorot(ks[i], (HIDDEN, HIDDEN)); i += 1
        p['bl'] = jnp.zeros((HIDDEN,), jnp.float32)
        p['Wr'] = _glorot(ks[i], (HIDDEN, HIDDEN)); i += 1
        p['br'] = jnp.zeros((HIDDEN,), jnp.float32)
        p['We'] = _glorot(ks[i], (EDGE_DIM, HIDDEN)); i += 1
        p['att'] = _glorot(ks[i], (1, HIDDEN))[0]; i += 1
        p['bias'] = jnp.zeros((HIDDEN,), jnp.float32)
        params['conv%d' % l] = p
        params['bn%d_g' % l] = jnp.ones((HIDDEN,), jnp.float32)
        params['bn%d_b' % l] = jnp.zeros((HIDDEN,), jnp.float32)
    params['fc_w'] = _glorot(ks[i], (HIDDEN, 1)); i += 1
    params['fc_b'] = jnp.zeros((1,), jnp.float32)
    return {'x': x, 'edge_attr': edge_attr, 'params': params,
            'edge_index': edge_index, 'batch': batch}


def _gatv2_layer(h, src, dst, ea, p, n):
    # PyG GATv2Conv, heads=1, concat=True, negative_slope=0.2
    xl = h @ p['Wl'] + p['bl']
    xr = h @ p['Wr'] + p['br']
    e = ea @ p['We']
    m = xl[src] + xr[dst] + e
    m = jnp.where(m > 0, m, 0.2 * m)  # LeakyReLU
    logits = (m * p['att']).sum(-1)
    lmax = jax.ops.segment_max(logits, dst, num_segments=n)
    lmax = jnp.where(jnp.isfinite(lmax), lmax, 0.0)
    ex = jnp.exp(logits - lmax[dst])
    denom = jax.ops.segment_sum(ex, dst, num_segments=n)
    alpha = ex / (denom[dst] + 1e-16)
    out = jax.ops.segment_sum(xl[src] * alpha[:, None], dst, num_segments=n)
    return out + p['bias']


def _forward(x, edge_attr, params, edge_index, batch):
    n = x.shape[0]
    src0, dst0 = edge_index[0], edge_index[1]
    # add_self_loops=True with fill_value='mean' for edge_attr (PyG default)
    loop = jnp.arange(n)
    src = jnp.concatenate([src0, loop])
    dst = jnp.concatenate([dst0, loop])
    ea_mean = edge_attr.mean(axis=0)
    ea = jnp.concatenate([edge_attr,
                          jnp.broadcast_to(ea_mean, (n, edge_attr.shape[1]))], axis=0)
    h = x
    for l in range(NUM_LAYERS):
        h = _gatv2_layer(h, src, dst, ea, params['conv%d' % l], n)
        if l != NUM_LAYERS - 1:
            mu = h.mean(axis=0)
            var = h.var(axis=0)
            h = (h - mu) / jnp.sqrt(var + 1e-5)
            h = h * params['bn%d_g' % l] + params['bn%d_b' % l]
            h = jnp.maximum(h, 0.0)
    pooled_sum = jax.ops.segment_sum(h, batch, num_segments=NUM_GRAPHS)
    cnt = jax.ops.segment_sum(jnp.ones((n,), jnp.float32), batch, num_segments=NUM_GRAPHS)
    pooled = pooled_sum / jnp.maximum(cnt, 1.0)[:, None]
    return pooled @ params['fc_w'] + params['fc_b']


def reference(x, edge_attr, params, edge_index, batch):
    return _forward(x, edge_attr, params, edge_index, batch)

if __name__ == "__main__":
    import jax
    _d = setup_inputs()
    print(jax.jit(kernel)(*tuple(_d.values())))

</pallas_src>

<mosaic_0001>
#map = affine_map<(d0, d1) -> (0, 0)>
#map1 = affine_map<(d0, d1) -> (0)>
#map2 = affine_map<(d0, d1) -> (0, 0, 0)>
module attributes {stable_mosaic.version = 14 : i64} {
  func.func @_sc_edge_body(%arg0: i32, %arg1: i32, %arg2: memref<10000x128xf32, #tpu.memory_space<hbm>>, %arg3: memref<10000x128xf32, #tpu.memory_space<hbm>>, %arg4: memref<331776x128xf32, #tpu.memory_space<hbm>>, %arg5: memref<331776xi32, #tpu.memory_space<hbm>>, %arg6: memref<331776xi32, #tpu.memory_space<hbm>>, %arg7: memref<128xf32, #tpu.memory_space<hbm>>, %arg8: memref<2x10112x128xf32, #tpu.memory_space<hbm>>, %arg9: memref<32x10112xf32, #tpu.memory_space<hbm>>, %arg10: memref<96xi32, #tpu.memory_space<vmem>>, %arg11: memref<96xi32, #tpu.memory_space<vmem>>, %arg12: memref<96x128xf32, #tpu.memory_space<vmem>>, %arg13: memref<96x128xf32, #tpu.memory_space<vmem>>, %arg14: memref<96x128xf32, #tpu.memory_space<vmem>>, %arg15: memref<96xf32, #tpu.memory_space<vmem>>, %arg16: memref<10112xf32, #tpu.memory_space<vmem>>, %arg17: memref<128xf32, #tpu.memory_space<vmem>>, %arg18: memref<10112x128xf32, #tpu.memory_space<vmem_shared>>, %arg19: memref<!tpu.dma_semaphore, #tpu.memory_space<semaphore_mem>>, %arg20: memref<!tpu.dma_semaphore, #tpu.memory_space<semaphore_mem>>, %arg21: memref<!tpu.dma_semaphore, #tpu.memory_space<semaphore_mem>>) attributes {dimension_semantics = [#tpu.dimension_semantics<core_parallel>, #tpu.dimension_semantics<subcore_parallel>], iteration_bounds = array<i64: 2, 16>, scalar_prefetch = 0 : i64, scratch_operands = 12 : i64, tpu.core_type = #tpu.core_type<sc_vector_subcore>, window_params = [{transform_indices = #map}, {transform_indices = #map}, {transform_indices = #map}, {transform_indices = #map1}, {transform_indices = #map1}, {transform_indices = #map1}, {transform_indices = #map2}, {transform_indices = #map}]} {
    %mul3A = arith.constant 2 : i32
    %mul3A_0 = arith.muli %arg1, %mul3A : i32
    %add3A = arith.addi %mul3A_0, %arg0 : i32
    %scan3A = arith.constant 0 : i32
    %scan3A_1 = arith.constant 0 : i32
    %scan3A_2 = arith.constant 96 : i32
    %scan3A_3 = arith.addi %scan3A_1, %scan3A_2 : i32
    %scan3A_4 = arith.constant 1 : i32
    %scan3A_5 = scf.for %scan3A_58 = %scan3A_1 to %scan3A_3 step %scan3A_4 iter_args(%scan3A_59 = %scan3A) -> (i32)  : i32 {
      %broadcast_in_dim3A = arith.constant 0.000000e+00 : f32
      %broadcast_in_dim3A_60 = vector.broadcast %broadcast_in_dim3A : f32 to vector<16xf32>
      %swap3A = arith.index_cast %scan3A_58 : i32 to index
      %swap3A_61 = arith.constant 0 : index
      %swap3A_62 = tpu.vector_load %arg12[%swap3A, %swap3A_61] {strides = array<i32>} : memref<96x128xf32, #tpu.memory_space<vmem>>, vector<16xf32>,
      tpu.vector_store %arg12[%swap3A, %swap3A_61], %broadcast_in_dim3A_60 {strides = array<i32>} : memref<96x128xf32, #tpu.memory_space<vmem>>, vector<16xf32>,
      %broadcast_in_dim3A_63 = arith.constant 0.000000e+00 : f32
      %broadcast_in_dim3A_64 = vector.broadcast %broadcast_in_dim3A_63 : f32 to vector<16xf32>
      %swap3A_65 = arith.index_cast %scan3A_58 : i32 to index
      %swap3A_66 = arith.constant 16 : index
      %swap3A_67 = tpu.vector_load %arg12[%swap3A_65, %swap3A_66] {strides = array<i32>} : memref<96x128xf32, #tpu.memory_space<vmem>>, vector<16xf32>,
      tpu.vector_store %arg12[%swap3A_65, %swap3A_66], %broadcast_in_dim3A_64 {strides = array<i32>} : memref<96x128xf32, #tpu.memory_space<vmem>>, vector<16xf32>,
      %broadcast_in_dim3A_68 = arith.constant 0.000000e+00 : f32
      %broadcast_in_dim3A_69 = vector.broadcast %broadcast_in_dim3A_68 : f32 to vector<16xf32>
      %swap3A_70 = arith.index_cast %scan3A_58 : i32 to index
      %swap3A_71 = arith.constant 32 : index
      %swap3A_72 = tpu.vector_load %arg12[%swap3A_70, %swap3A_71] {strides = array<i32>} : memref<96x128xf32, #tpu.memory_space<vmem>>, vector<16xf32>,
      tpu.vector_store %arg12[%swap3A_70, %swap3A_71], %broadcast_in_dim3A_69 {strides = array<i32>} : memref<96x128xf32, #tpu.memory_space<vmem>>, vector<16xf32>,
      %broadcast_in_dim3A_73 = arith.constant 0.000000e+00 : f32
      %broadcast_in_dim3A_74 = vector.broadcast %broadcast_in_dim3A_73 : f32 to vector<16xf32>
      %swap3A_75 = arith.index_cast %scan3A_58 : i32 to index
      %swap3A_76 = arith.constant 48 : index
      %swap3A_77 = tpu.vector_load %arg12[%swap3A_75, %swap3A_76] {strides = array<i32>} : memref<96x128xf32, #tpu.memory_space<vmem>>, vector<16xf32>,
      tpu.vector_store %arg12[%swap3A_75, %swap3A_76], %broadcast_in_dim3A_74 {strides = array<i32>} : memref<96x128xf32, #tpu.memory_space<vmem>>, vector<16xf32>,
      %broadcast_in_dim3A_78 = arith.constant 0.000000e+00 : f32
      %broadcast_in_dim3A_79 = vector.broadcast %broadcast_in_dim3A_78 : f32 to vector<16xf32>
      %swap3A_80 = arith.index_cast %scan3A_58 : i32 to index
      %swap3A_81 = arith.constant 64 : index
      %swap3A_82 = tpu.vector_load %arg12[%swap3A_80, %swap3A_81] {strides = array<i32>} : memref<96x128xf32, #tpu.memory_space<vmem>>, vector<16xf32>,
      tpu.vector_store %arg12[%swap3A_80, %swap3A_81], %broadcast_in_dim3A_79 {strides = array<i32>} : memref<96x128xf32, #tpu.memory_space<vmem>>, vector<16xf32>,
      %broadcast_in_dim3A_83 = arith.constant 0.000000e+00 : f32
      %broadcast_in_dim3A_84 = vector.broadcast %broadcast_in_dim3A_83 : f32 to vector<16xf32>
      %swap3A_85 = arith.index_cast %scan3A_58 : i32 to index
      %swap3A_86 = arith.constant 80 : index
      %swap3A_87 = tpu.vector_load %arg12[%swap3A_85, %swap3A_86] {strides = array<i32>} : memref<96x128xf32, #tpu.memory_space<vmem>>, vector<16xf32>,
      tpu.vector_store %arg12[%swap3A_85, %swap3A_86], %broadcast_in_dim3A_84 {strides = array<i32>} : memref<96x128xf32, #tpu.memory_space<vmem>>, vector<16xf32>,
      %broadcast_in_dim3A_88 = arith.constant 0.000000e+00 : f32
      %broadcast_in_dim3A_89 = vector.broadcast %broadcast_in_dim3A_88 : f32 to vector<16xf32>
      %swap3A_90 = arith.index_cast %scan3A_58 : i32 to index
      %swap3A_91 = arith.constant 96 : index
      %swap3A_92 = tpu.vector_load %arg12[%swap3A_90, %swap3A_91] {strides = array<i32>} : memref<96x128xf32, #tpu.memory_space<vmem>>, vector<16xf32>,
      tpu.vector_store %arg12[%swap3A_90, %swap3A_91], %broadcast_in_dim3A_89 {strides = array<i32>} : memref<96x128xf32, #tpu.memory_space<vmem>>, vector<16xf32>,
      %broadcast_in_dim3A_93 = arith.constant 0.000000e+00 : f32
      %broadcast_in_dim3A_94 = vector.broadcast %broadcast_in_dim3A_93 : f32 to vector<16xf32>
      %swap3A_95 = arith.index_cast %scan3A_58 : i32 to index
      %swap3A_96 = arith.constant 112 : index
      %swap3A_97 = tpu.vector_load %arg12[%swap3A_95, %swap3A_96] {strides = array<i32>} : memref<96x128xf32, #tpu.memory_space<vmem>>, vector<16xf32>,
      tpu.vector_store %arg12[%swap3A_95, %swap3A_96], %broadcast_in_dim3A_94 {strides = array<i32>} : memref<96x128xf32, #tpu.memory_space<vmem>>, vector<16xf32>,
      %scan3A_98 = arith.constant 0 : i32
      scf.yield %scan3A_98 : i32
    }
    %scan3A_6 = arith.constant 96 : i32
    %scan3A_7 = arith.constant 0 : i32
    %scan3A_8 = arith.constant 0 : i32
    %scan3A_9 = arith.constant 632 : i32
    %scan3A_10 = arith.addi %scan3A_8, %scan3A_9 : i32
    %scan3A_11 = arith.constant 1 : i32
    %scan3A_12 = scf.for %scan3A_58 = %scan3A_8 to %scan3A_10 step %scan3A_11 iter_args(%scan3A_59 = %scan3A_7) -> (i32)  : i32 {
      %broadcast_in_dim3A = arith.constant 0.000000e+00 : f32
      %broadcast_in_dim3A_60 = vector.broadcast %broadcast_in_dim3A : f32 to vector<16xf32>
      %mul3A_61 = arith.constant 16 : i32
      %mul3A_62 = arith.muli %mul3A_61, %scan3A_58 : i32
      %swap3A = arith.index_cast %mul3A_62 : i32 to index
      %swap3A_63 = tpu.vector_load %arg16[%swap3A] {strides = array<i32>} : memref<10112xf32, #tpu.memory_space<vmem>>, vector<16xf32>,
      tpu.vector_store %arg16[%swap3A], %broadcast_in_dim3A_60 {strides = array<i32>} : memref<10112xf32, #tpu.memory_space<vmem>>, vector<16xf32>,
      %scan3A_64 = arith.constant 0 : i32
      scf.yield %scan3A_64 : i32
    }
    %scan3A_13 = arith.constant 632 : i32
    %mul3A_14 = arith.constant 632 : i32
    %mul3A_15 = arith.muli %arg1, %mul3A_14 : i32
    %add3A_16 = arith.constant 0 : i32
    %add3A_17 = arith.addi %mul3A_15, %add3A_16 : i32
    "tpu.region"() ({
      %run_scoped3A = tpu.sem_alloc : memref<!tpu.dma_semaphore, #tpu.memory_space<semaphore_mem>>
      %dma_start3A = arith.constant 0 : i32
      %dma_start3A_58 = tpu.memref_slice %arg18[%add3A_17, %dma_start3A] : memref<10112x128xf32, #tpu.memory_space<vmem_shared>> -> memref<96x128xf32, #tpu.memory_space<vmem_shared>>
      %dma_start3A_59 = arith.constant 0 : i32
      %dma_start3A_60 = tpu.memref_slice %arg18[%add3A_17, %dma_start3A_59] : memref<10112x128xf32, #tpu.memory_space<vmem_shared>> -> memref<96x128xf32, #tpu.memory_space<vmem_shared>>
      tpu.enqueue_dma source(%arg12 : memref<96x128xf32, #tpu.memory_space<vmem>>) target(%dma_start3A_60 : memref<96x128xf32, #tpu.memory_space<vmem_shared>>) target_semaphore(%run_scoped3A : memref<!tpu.dma_semaphore, #tpu.memory_space<semaphore_mem>>)
      %dma_wait3A = arith.constant 0 : i32
      %dma_wait3A_61 = tpu.memref_slice %arg18[%add3A_17, %dma_wait3A] : memref<10112x128xf32, #tpu.memory_space<vmem_shared>> -> memref<96x128xf32, #tpu.memory_space<vmem_shared>>
      %dma_wait3A_62 = arith.constant 0 : i32
      %dma_wait3A_63 = tpu.memref_slice %arg18[%add3A_17, %dma_wait3A_62] : memref<10112x128xf32, #tpu.memory_space<vmem_shared>> -> memref<96x128xf32, #tpu.memory_space<vmem_shared>>
      tpu.wait_dma2 semaphore(%run_scoped3A : memref<!tpu.dma_semaphore, #tpu.memory_space<semaphore_mem>>) src(%arg12 : memref<96x128xf32, #tpu.memory_space<vmem>>) dst(%dma_wait3A_63 : memref<96x128xf32, #tpu.memory_space<vmem_shared>>)
      tpu.yield
    }) : () -> ()
    %add3A_18 = arith.constant 96 : i32
    %add3A_19 = arith.addi %mul3A_15, %add3A_18 : i32
    "tpu.region"() ({
      %run_scoped3A = tpu.sem_alloc : memref<!tpu.dma_semaphore, #tpu.memory_space<semaphore_mem>>
      %dma_start3A = arith.constant 0 : i32
      %dma_start3A_58 = tpu.memref_slice %arg18[%add3A_19, %dma_start3A] : memref<10112x128xf32, #tpu.memory_space<vmem_shared>> -> memref<96x128xf32, #tpu.memory_space<vmem_shared>>
      %dma_start3A_59 = arith.constant 0 : i32
      %dma_start3A_60 = tpu.memref_slice %arg18[%add3A_19, %dma_start3A_59] : memref<10112x128xf32, #tpu.memory_space<vmem_shared>> -> memref<96x128xf32, #tpu.memory_space<vmem_shared>>
      tpu.enqueue_dma source(%arg12 : memref<96x128xf32, #tpu.memory_space<vmem>>) target(%dma_start3A_60 : memref<96x128xf32, #tpu.memory_space<vmem_shared>>) target_semaphore(%run_scoped3A : memref<!tpu.dma_semaphore, #tpu.memory_space<semaphore_mem>>)
      %dma_wait3A = arith.constant 0 : i32
      %dma_wait3A_61 = tpu.memref_slice %arg18[%add3A_19, %dma_wait3A] : memref<10112x128xf32, #tpu.memory_space<vmem_shared>> -> memref<96x128xf32, #tpu.memory_space<vmem_shared>>
      %dma_wait3A_62 = arith.constant 0 : i32
      %dma_wait3A_63 = tpu.memref_slice %arg18[%add3A_19, %dma_wait3A_62] : memref<10112x128xf32, #tpu.memory_space<vmem_shared>> -> memref<96x128xf32, #tpu.memory_space<vmem_shared>>
      tpu.wait_dma2 semaphore(%run_scoped3A : memref<!tpu.dma_semaphore, #tpu.memory_space<semaphore_mem>>) src(%arg12 : memref<96x128xf32, #tpu.memory_space<vmem>>) dst(%dma_wait3A_63 : memref<96x128xf32, #tpu.memory_space<vmem_shared>>)
      tpu.yield
    }) : () -> ()
    %add3A_20 = arith.constant 192 : i32
    %add3A_21 = arith.addi %mul3A_15, %add3A_20 : i32
    "tpu.region"() ({
      %run_scoped3A = tpu.sem_alloc : memref<!tpu.dma_semaphore, #tpu.memory_space<semaphore_mem>>
      %dma_start3A = arith.constant 0 : i32
      %dma_start3A_58 = tpu.memref_slice %arg18[%add3A_21, %dma_start3A] : memref<10112x128xf32, #tpu.memory_space<vmem_shared>> -> memref<96x128xf32, #tpu.memory_space<vmem_shared>>
      %dma_start3A_59 = arith.constant 0 : i32
      %dma_start3A_60 = tpu.memref_slice %arg18[%add3A_21, %dma_start3A_59] : memref<10112x128xf32, #tpu.memory_space<vmem_shared>> -> memref<96x128xf32, #tpu.memory_space<vmem_shared>>
      tpu.enqueue_dma source(%arg12 : memref<96x128xf32, #tpu.memory_space<vmem>>) target(%dma_start3A_60 : memref<96x128xf32, #tpu.memory_space<vmem_shared>>) target_semaphore(%run_scoped3A : memref<!tpu.dma_semaphore, #tpu.memory_space<semaphore_mem>>)
      %dma_wait3A = arith.constant 0 : i32
      %dma_wait3A_61 = tpu.memref_slice %arg18[%add3A_21, %dma_wait3A] : memref<10112x128xf32, #tpu.memory_space<vmem_shared>> -> memref<96x128xf32, #tpu.memory_space<vmem_shared>>
      %dma_wait3A_62 = arith.constant 0 : i32
      %dma_wait3A_63 = tpu.memref_slice %arg18[%add3A_21, %dma_wait3A_62] : memref<10112x128xf32, #tpu.memory_space<vmem_shared>> -> memref<96x128xf32, #tpu.memory_space<vmem_shared>>
      tpu.wait_dma2 semaphore(%run_scoped3A : memref<!tpu.dma_semaphore, #tpu.memory_space<semaphore_mem>>) src(%arg12 : memref<96x128xf32, #tpu.memory_space<vmem>>) dst(%dma_wait3A_63 : memref<96x128xf32, #tpu.memory_space<vmem_shared>>)
      tpu.yield
    }) : () -> ()
    %add3A_22 = arith.constant 288 : i32
    %add3A_23 = arith.addi %mul3A_15, %add3A_22 : i32
    "tpu.region"() ({
      %run_scoped3A = tpu.sem_alloc : memref<!tpu.dma_semaphore, #tpu.memory_space<semaphore_mem>>
      %dma_start3A = arith.constant 0 : i32
      %dma_start3A_58 = tpu.memref_slice %arg18[%add3A_23, %dma_start3A] : memref<10112x128xf32, #tpu.memory_space<vmem_shared>> -> memref<96x128xf32, #tpu.memory_space<vmem_shared>>
      %dma_start3A_59 = arith.constant 0 : i32
      %dma_start3A_60 = tpu.memref_slice %arg18[%add3A_23, %dma_start3A_59] : memref<10112x128xf32, #tpu.memory_space<vmem_shared>> -> memref<96x128xf32, #tpu.memory_space<vmem_shared>>
      tpu.enqueue_dma source(%arg12 : memref<96x128xf32, #tpu.memory_space<vmem>>) target(%dma_start3A_60 : memref<96x128xf32, #tpu.memory_space<vmem_shared>>) target_semaphore(%run_scoped3A : memref<!tpu.dma_semaphore, #tpu.memory_space<semaphore_mem>>)
      %dma_wait3A = arith.constant 0 : i32
      %dma_wait3A_61 = tpu.memref_slice %arg18[%add3A_23, %dma_wait3A] : memref<10112x128xf32, #tpu.memory_space<vmem_shared>> -> memref<96x128xf32, #tpu.memory_space<vmem_shared>>
      %dma_wait3A_62 = arith.constant 0 : i32
      %dma_wait3A_63 = tpu.memref_slice %arg18[%add3A_23, %dma_wait3A_62] : memref<10112x128xf32, #tpu.memory_space<vmem_shared>> -> memref<96x128xf32, #tpu.memory_space<vmem_shared>>
      tpu.wait_dma2 semaphore(%run_scoped3A : memref<!tpu.dma_semaphore, #tpu.memory_space<semaphore_mem>>) src(%arg12 : memref<96x128xf32, #tpu.memory_space<vmem>>) dst(%dma_wait3A_63 : memref<96x128xf32, #tpu.memory_space<vmem_shared>>)
      tpu.yield
    }) : () -> ()
    %add3A_24 = arith.constant 384 : i32
    %add3A_25 = arith.addi %mul3A_15, %add3A_24 : i32
    "tpu.region"() ({
      %run_scoped3A = tpu.sem_alloc : memref<!tpu.dma_semaphore, #tpu.memory_space<semaphore_mem>>
      %dma_start3A = arith.constant 0 : i32
      %dma_start3A_58 = tpu.memref_slice %arg18[%add3A_25, %dma_start3A] : memref<10112x128xf32, #tpu.memory_space<vmem_shared>> -> memref<96x128xf32, #tpu.memory_space<vmem_shared>>
      %dma_start3A_59 = arith.constant 0 : i32
      %dma_start3A_60 = tpu.memref_slice %arg18[%add3A_25, %dma_start3A_59] : memref<10112x128xf32, #tpu.memory_space<vmem_shared>> -> memref<96x128xf32, #tpu.memory_space<vmem_shared>>
      tpu.enqueue_dma source(%arg12 : memref<96x128xf32, #tpu.memory_space<vmem>>) target(%dma_start3A_60 : memref<96x128xf32, #tpu.memory_space<vmem_shared>>) target_semaphore(%run_scoped3A : memref<!tpu.dma_semaphore, #tpu.memory_space<semaphore_mem>>)
      %dma_wait3A = arith.constant 0 : i32
      %dma_wait3A_61 = tpu.memref_slice %arg18[%add3A_25, %dma_wait3A] : memref<10112x128xf32, #tpu.memory_space<vmem_shared>> -> memref<96x128xf32, #tpu.memory_space<vmem_shared>>
      %dma_wait3A_62 = arith.constant 0 : i32
      %dma_wait3A_63 = tpu.memref_slice %arg18[%add3A_25, %dma_wait3A_62] : memref<10112x128xf32, #tpu.memory_space<vmem_shared>> -> memref<96x128xf32, #tpu.memory_space<vmem_shared>>
      tpu.wait_dma2 semaphore(%run_scoped3A : memref<!tpu.dma_semaphore, #tpu.memory_space<semaphore_mem>>) src(%arg12 : memref<96x128xf32, #tpu.memory_space<vmem>>) dst(%dma_wait3A_63 : memref<96x128xf32, #tpu.memory_space<vmem_shared>>)
      tpu.yield
    }) : () -> ()
    %add3A_26 = arith.constant 480 : i32
    %add3A_27 = arith.addi %mul3A_15, %add3A_26 : i32
    "tpu.region"() ({
      %run_scoped3A = tpu.sem_alloc : memref<!tpu.dma_semaphore, #tpu.memory_space<semaphore_mem>>
      %dma_start3A = arith.constant 0 : i32
      %dma_start3A_58 = tpu.memref_slice %arg18[%add3A_27, %dma_start3A] : memref<10112x128xf32, #tpu.memory_space<vmem_shared>> -> memref<96x128xf32, #tpu.memory_space<vmem_shared>>
      %dma_start3A_59 = arith.constant 0 : i32
      %dma_start3A_60 = tpu.memref_slice %arg18[%add3A_27, %dma_start3A_59] : memref<10112x128xf32, #tpu.memory_space<vmem_shared>> -> memref<96x128xf32, #tpu.memory_space<vmem_shared>>
      tpu.enqueue_dma source(%arg12 : memref<96x128xf32, #tpu.memory_space<vmem>>) target(%dma_start3A_60 : memref<96x128xf32, #tpu.memory_space<vmem_shared>>) target_semaphore(%run_scoped3A : memref<!tpu.dma_semaphore, #tpu.memory_space<semaphore_mem>>)
      %dma_wait3A = arith.constant 0 : i32
      %dma_wait3A_61 = tpu.memref_slice %arg18[%add3A_27, %dma_wait3A] : memref<10112x128xf32, #tpu.memory_space<vmem_shared>> -> memref<96x128xf32, #tpu.memory_space<vmem_shared>>
      %dma_wait3A_62 = arith.constant 0 : i32
      %dma_wait3A_63 = tpu.memref_slice %arg18[%add3A_27, %dma_wait3A_62] : memref<10112x128xf32, #tpu.memory_space<vmem_shared>> -> memref<96x128xf32, #tpu.memory_space<vmem_shared>>
      tpu.wait_dma2 semaphore(%run_scoped3A : memref<!tpu.dma_semaphore, #tpu.memory_space<semaphore_mem>>) src(%arg12 : memref<96x128xf32, #tpu.memory_space<vmem>>) dst(%dma_wait3A_63 : memref<96x128xf32, #tpu.memory_space<vmem_shared>>)
      tpu.yield
    }) : () -> ()
    %add3A_28 = arith.constant 576 : i32
    %add3A_29 = arith.addi %mul3A_15, %add3A_28 : i32
    "tpu.region"() ({
      %run_scoped3A = tpu.sem_alloc : memref<!tpu.dma_semaphore, #tpu.memory_space<semaphore_mem>>
      %dma_start3A = arith.constant 0 : i32
      %dma_start3A_58 = arith.constant 0 : i32
      %dma_start3A_59 = tpu.memref_slice %arg12[%dma_start3A, %dma_start3A_58] : memref<96x128xf32, #tpu.memory_space<vmem>> -> memref<56x128xf32, #tpu.memory_space<vmem>>
      %dma_start3A_60 = arith.constant 0 : i32
      %dma_start3A_61 = tpu.memref_slice %arg18[%add3A_29, %dma_start3A_60] : memref<10112x128xf32, #tpu.memory_space<vmem_shared>> -> memref<56x128xf32, #tpu.memory_space<vmem_shared>>
      %dma_start3A_62 = arith.constant 0 : i32
      %dma_start3A_63 = tpu.memref_slice %arg18[%add3A_29, %dma_start3A_62] : memref<10112x128xf32, #tpu.memory_space<vmem_shared>> -> memref<56x128xf32, #tpu.memory_space<vmem_shared>>
      %dma_start3A_64 = arith.constant 0 : i32
      %dma_start3A_65 = arith.constant 0 : i32
      %dma_start3A_66 = tpu.memref_slice %arg12[%dma_start3A_64, %dma_start3A_65] : memref<96x128xf32, #tpu.memory_space<vmem>> -> memref<56x128xf32, #tpu.memory_space<vmem>>
      tpu.enqueue_dma source(%dma_start3A_66 : memref<56x128xf32, #tpu.memory_space<vmem>>) target(%dma_start3A_63 : memref<56x128xf32, #tpu.memory_space<vmem_shared>>) target_semaphore(%run_scoped3A : memref<!tpu.dma_semaphore, #tpu.memory_space<semaphore_mem>>)
      %dma_wait3A = arith.constant 0 : i32
      %dma_wait3A_67 = arith.constant 0 : i32
      %dma_wait3A_68 = tpu.memref_slice %arg12[%dma_wait3A, %dma_wait3A_67] : memref<96x128xf32, #tpu.memory_space<vmem>> -> memref<56x128xf32, #tpu.memory_space<vmem>>
      %dma_wait3A_69 = arith.constant 0 : i32
      %dma_wait3A_70 = tpu.memref_slice %arg18[%add3A_29, %dma_wait3A_69] : memref<10112x128xf32, #tpu.memory_space<vmem_shared>> -> memref<56x128xf32, #tpu.memory_space<vmem_shared>>
      %dma_wait3A_71 = arith.constant 0 : i32
      %dma_wait3A_72 = tpu.memref_slice %arg18[%add3A_29, %dma_wait3A_71] : memref<10112x128xf32, #tpu.memory_space<vmem_shared>> -> memref<56x128xf32, #tpu.memory_space<vmem_shared>>
      %dma_wait3A_73 = arith.constant 0 : i32
      %dma_wait3A_74 = arith.constant 0 : i32
      %dma_wait3A_75 = tpu.memref_slice %arg12[%dma_wait3A_73, %dma_wait3A_74] : memref<96x128xf32, #tpu.memory_space<vmem>> -> memref<56x128xf32, #tpu.memory_space<vmem>>
      tpu.wait_dma2 semaphore(%run_scoped3A : memref<!tpu.dma_semaphore, #tpu.memory_space<semaphore_mem>>) src(%dma_wait3A_75 : memref<56x128xf32, #tpu.memory_space<vmem>>) dst(%dma_wait3A_72 : memref<56x128xf32, #tpu.memory_space<vmem_shared>>)
      tpu.yield
    }) : () -> ()
    "tpu.region"() ({
      %run_scoped3A = tpu.sem_alloc : memref<!tpu.dma_semaphore, #tpu.memory_space<semaphore_mem>>
      tpu.enqueue_dma source(%arg7 : memref<128xf32, #tpu.memory_space<hbm>>) target(%arg17 : memref<128xf32, #tpu.memory_space<vmem>>) target_semaphore(%run_scoped3A : memref<!tpu.dma_semaphore, #tpu.memory_space<semaphore_mem>>)
      tpu.wait_dma2 semaphore(%run_scoped3A : memref<!tpu.dma_semaphore, #tpu.memory_space<semaphore_mem>>) src(%arg7 : memref<128xf32, #tpu.memory_space<hbm>>) dst(%arg17 : memref<128xf32, #tpu.memory_space<vmem>>)
      tpu.yield
    }) : () -> ()
    %barrier3A = arith.constant 0 : index
    tpu.barrier barrier_id(%barrier3A)
    %get3A = arith.constant 0 : index
    %get3A_30 = tpu.vector_load %arg17[%get3A] {strides = array<i32>} : memref<128xf32, #tpu.memory_space<vmem>>, vector<16xf32>,
    %get3A_31 = arith.constant 16 : index
    %get3A_32 = tpu.vector_load %arg17[%get3A_31] {strides = array<i32>} : memref<128xf32, #tpu.memory_space<vmem>>, vector<16xf32>,
    %get3A_33 = arith.constant 32 : index
    %get3A_34 = tpu.vector_load %arg17[%get3A_33] {strides = array<i32>} : memref<128xf32, #tpu.memory_space<vmem>>, vector<16xf32>,
    %get3A_35 = arith.constant 48 : index
    %get3A_36 = tpu.vector_load %arg17[%get3A_35] {strides = array<i32>} : memref<128xf32, #tpu.memory_space<vmem>>, vector<16xf32>,
    %get3A_37 = arith.constant 64 : index
    %get3A_38 = tpu.vector_load %arg17[%get3A_37] {strides = array<i32>} : memref<128xf32, #tpu.memory_space<vmem>>, vector<16xf32>,
    %get3A_39 = arith.constant 80 : index
    %get3A_40 = tpu.vector_load %arg17[%get3A_39] {strides = array<i32>} : memref<128xf32, #tpu.memory_space<vmem>>, vector<16xf32>,
    %get3A_41 = arith.constant 96 : index
    %get3A_42 = tpu.vector_load %arg17[%get3A_41] {strides = array<i32>} : memref<128xf32, #tpu.memory_space<vmem>>, vector<16xf32>,
    %get3A_43 = arith.constant 112 : index
    %get3A_44 = tpu.vector_load %arg17[%get3A_43] {strides = array<i32>} : memref<128xf32, #tpu.memory_space<vmem>>, vector<16xf32>,
    %iota3A = tpu.iota {dimensions = array<i32: 0>} : vector<16xi32>
    %eq3A = arith.constant 0 : i32
    %eq3A_45 = vector.broadcast %eq3A : i32 to vector<16xi32>
    %eq3A_46 = arith.cmpi eq, %iota3A, %eq3A_45 : vector<16xi32>
    %scan3A_47 = arith.constant 0 : i32
    %scan3A_48 = arith.constant 0 : i32
    %scan3A_49 = arith.constant 108 : i32
    %scan3A_50 = arith.addi %scan3A_48, %scan3A_49 : i32
    %scan3A_51 = arith.constant 1 : i32
    %scan3A_52 = scf.for %scan3A_58 = %scan3A_48 to %scan3A_50 step %scan3A_51 iter_args(%scan3A_59 = %scan3A_47) -> (i32)  : i32 {
      %mul3A_60 = arith.constant 108 : i32
      %mul3A_61 = arith.muli %add3A, %mul3A_60 : i32
      %add3A_62 = arith.addi %mul3A_61, %scan3A_58 : i32
      %mul3A_63 = arith.constant 96 : i32
      %mul3A_64 = arith.muli %add3A_62, %mul3A_63 : i32
      %dma_start3A = tpu.memref_slice %arg5[%mul3A_64] : memref<331776xi32, #tpu.memory_space<hbm>> -> memref<96xi32, #tpu.memory_space<hbm>>
      %dma_start3A_65 = tpu.memref_slice %arg5[%mul3A_64] : memref<331776xi32, #tpu.memory_space<hbm>> -> memref<96xi32, #tpu.memory_space<hbm>>
      tpu.enqueue_dma source(%dma_start3A_65 : memref<96xi32, #tpu.memory_space<hbm>>) target(%arg10 : memref<96xi32, #tpu.memory_space<vmem>>) target_semaphore(%arg19 : memref<!tpu.dma_semaphore, #tpu.memory_space<semaphore_mem>>)
      %dma_start3A_66 = tpu.memref_slice %arg6[%mul3A_64] : memref<331776xi32, #tpu.memory_space<hbm>> -> memref<96xi32, #tpu.memory_space<hbm>>
      %dma_start3A_67 = tpu.memref_slice %arg6[%mul3A_64] : memref<331776xi32, #tpu.memory_space<hbm>> -> memref<96xi32, #tpu.memory_space<hbm>>
      tpu.enqueue_dma source(%dma_start3A_67 : memref<96xi32, #tpu.memory_space<hbm>>) target(%arg11 : memref<96xi32, #tpu.memory_space<vmem>>) target_semaphore(%arg19 : memref<!tpu.dma_semaphore, #tpu.memory_space<semaphore_mem>>)
      %dma_start3A_68 = arith.constant 0 : i32
      %dma_start3A_69 = tpu.memref_slice %arg4[%mul3A_64, %dma_start3A_68] : memref<331776x128xf32, #tpu.memory_space<hbm>> -> memref<96x128xf32, #tpu.memory_space<hbm>>
      %dma_start3A_70 = arith.constant 0 : i32
      %dma_start3A_71 = tpu.memref_slice %arg4[%mul3A_64, %dma_start3A_70] : memref<331776x128xf32, #tpu.memory_space<hbm>> -> memref<96x128xf32, #tpu.memory_space<hbm>>
      tpu.enqueue_dma source(%dma_start3A_71 : memref<96x128xf32, #tpu.memory_space<hbm>>) target(%arg14 : memref<96x128xf32, #tpu.memory_space<vmem>>) target_semaphore(%arg21 : memref<!tpu.dma_semaphore, #tpu.memory_space<semaphore_mem>>)
      %dma_wait3A = tpu.memref_slice %arg5[%mul3A_64] : memref<331776xi32, #tpu.memory_space<hbm>> -> memref<96xi32, #tpu.memory_space<hbm>>
      %dma_wait3A_72 = tpu.memref_slice %arg5[%mul3A_64] : memref<331776xi32, #tpu.memory_space<hbm>> -> memref<96xi32, #tpu.memory_space<hbm>>
      tpu.wait_dma2 semaphore(%arg19 : memref<!tpu.dma_semaphore, #tpu.memory_space<semaphore_mem>>) src(%dma_wait3A_72 : memref<96xi32, #tpu.memory_space<hbm>>) dst(%arg10 : memref<96xi32, #tpu.memory_space<vmem>>)
      %dma_wait3A_73 = tpu.memref_slice %arg6[%mul3A_64] : memref<331776xi32, #tpu.memory_space<hbm>> -> memref<96xi32, #tpu.memory_space<hbm>>
      %dma_wait3A_74 = tpu.memref_slice %arg6[%mul3A_64] : memref<331776xi32, #tpu.memory_space<hbm>> -> memref<96xi32, #tpu.memory_space<hbm>>
      tpu.wait_dma2 semaphore(%arg19 : memref<!tpu.dma_semaphore, #tpu.memory_space<semaphore_mem>>) src(%dma_wait3A_74 : memref<96xi32, #tpu.memory_space<hbm>>) dst(%arg11 : memref<96xi32, #tpu.memory_space<vmem>>)
      %dma_start3A_75 = arith.constant 0 : i32
      %dma_start3A_76 = arith.constant 0 : i32
      %dma_start3A_77 = tpu.memref_slice %arg2[%dma_start3A_75, %dma_start3A_76] : memref<10000x128xf32, #tpu.memory_space<hbm>> -> memref<10000x128xf32, #tpu.memory_space<hbm>>
      tpu.enqueue_indirect_dma source(%dma_start3A_77 : memref<10000x128xf32, #tpu.memory_space<hbm>>) target(%arg12 : memref<96x128xf32, #tpu.memory_space<vmem>>) offsets(%arg10 : memref<96xi32, #tpu.memory_space<vmem>>) semaphore(%arg20 : memref<!tpu.dma_semaphore, #tpu.memory_space<semaphore_mem>>)
      %dma_start3A_78 = arith.constant 0 : i32
      %dma_start3A_79 = arith.constant 0 : i32
      %dma_start3A_80 = tpu.memref_slice %arg3[%dma_start3A_78, %dma_start3A_79] : memref<10000x128xf32, #tpu.memory_space<hbm>> -> memref<10000x128xf32, #tpu.memory_space<hbm>>
      tpu.enqueue_indirect_dma source(%dma_start3A_80 : memref<10000x128xf32, #tpu.memory_space<hbm>>) target(%arg13 : memref<96x128xf32, #tpu.memory_space<vmem>>) offsets(%arg11 : memref<96xi32, #tpu.memory_space<vmem>>) semaphore(%arg20 : memref<!tpu.dma_semaphore, #tpu.memory_space<semaphore_mem>>)
      %dma_wait3A_81 = arith.constant 0 : i32
      %dma_wait3A_82 = arith.constant 0 : i32
      %dma_wait3A_83 = tpu.memref_slice %arg2[%dma_wait3A_81, %dma_wait3A_82] : memref<10000x128xf32, #tpu.memory_space<hbm>> -> memref<10000x128xf32, #tpu.memory_space<hbm>>
      tpu.wait_indirect_dma semaphore(%arg20 : memref<!tpu.dma_semaphore, #tpu.memory_space<semaphore_mem>>) src(%dma_wait3A_83 : memref<10000x128xf32, #tpu.memory_space<hbm>>) dst(%arg12 : memref<96x128xf32, #tpu.memory_space<vmem>>)
      %dma_wait3A_84 = arith.constant 0 : i32
      %dma_wait3A_85 = arith.constant 0 : i32
      %dma_wait3A_86 = tpu.memref_slice %arg3[%dma_wait3A_84, %dma_wait3A_85] : memref<10000x128xf32, #tpu.memory_space<hbm>> -> memref<10000x128xf32, #tpu.memory_space<hbm>>
      tpu.wait_indirect_dma semaphore(%arg20 : memref<!tpu.dma_semaphore, #tpu.memory_space<semaphore_mem>>) src(%dma_wait3A_86 : memref<10000x128xf32, #tpu.memory_space<hbm>>) dst(%arg13 : memref<96x128xf32, #tpu.memory_space<vmem>>)
      %dma_wait3A_87 = arith.constant 0 : i32
      %dma_wait3A_88 = tpu.memref_slice %arg4[%mul3A_64, %dma_wait3A_87] : memref<331776x128xf32, #tpu.memory_space<hbm>> -> memref<96x128xf32, #tpu.memory_space<hbm>>
      %dma_wait3A_89 = arith.constant 0 : i32
      %dma_wait3A_90 = tpu.memref_slice %arg4[%mul3A_64, %dma_wait3A_89] : memref<331776x128xf32, #tpu.memory_space<hbm>> -> memref<96x128xf32, #tpu.memory_space<hbm>>
      tpu.wait_dma2 semaphore(%arg21 : memref<!tpu.dma_semaphore, #tpu.memory_space<semaphore_mem>>) src(%dma_wait3A_90 : memref<96x128xf32, #tpu.memory_space<hbm>>) dst(%arg14 : memref<96x128xf32, #tpu.memory_space<vmem>>)
      %scan3A_91 = arith.constant 0 : i32
      %scan3A_92 = arith.constant 0 : i32
      %scan3A_93 = arith.constant 96 : i32
      %scan3A_94 = arith.addi %scan3A_92, %scan3A_93 : i32
      %scan3A_95 = arith.constant 2 : i32
      %scan3A_96 = scf.for %scan3A_1181 = %scan3A_92 to %scan3A_94 step %scan3A_95 iter_args(%scan3A_1182 = %scan3A_91) -> (i32)  : i32 {
        %broadcast_in_dim3A_1183 = arith.constant 0.000000e+00 : f32
        %broadcast_in_dim3A_1184 = vector.broadcast %broadcast_in_dim3A_1183 : f32 to vector<16xf32>
        %get3A_1185 = arith.index_cast %scan3A_1181 : i32 to index
        %get3A_1186 = arith.constant 0 : index
        %get3A_1187 = tpu.vector_load %arg12[%get3A_1185, %get3A_1186] {strides = array<i32>} : memref<96x128xf32, #tpu.memory_space<vmem>>, vector<16xf32>,
        %get3A_1188 = arith.index_cast %scan3A_1181 : i32 to index
        %get3A_1189 = arith.constant 0 : index
        %get3A_1190 = tpu.vector_load %arg13[%get3A_1188, %get3A_1189] {strides = array<i32>} : memref<96x128xf32, #tpu.memory_space<vmem>>, vector<16xf32>,
        %add3A_1191 = arith.addf %get3A_1187, %get3A_1190 : vector<16xf32>
        %get3A_1192 = arith.index_cast %scan3A_1181 : i32 to index
        %get3A_1193 = arith.constant 0 : index
        %get3A_1194 = tpu.vector_load %arg14[%get3A_1192, %get3A_1193] {strides = array<i32>} : memref<96x128xf32, #tpu.memory_space<vmem>>, vector<16xf32>,
        %add3A_1195 = arith.addf %add3A_1191, %get3A_1194 : vector<16xf32>
        %mul3A_1196 = arith.constant 2.000000e-01 : f32
        %mul3A_1197 = vector.broadcast %mul3A_1196 : f32 to vector<16xf32>
        %mul3A_1198 = arith.mulf %mul3A_1197, %add3A_1195 : vector<16xf32>
        %max3A_1199 = arith.maximumf %add3A_1195, %mul3A_1198 : vector<16xf32>
        %mul3A_1200 = arith.mulf %get3A_30, %max3A_1199 : vector<16xf32>
        %add3A_1201 = arith.addf %broadcast_in_dim3A_1184, %mul3A_1200 : vector<16xf32>
        %get3A_1202 = arith.index_cast %scan3A_1181 : i32 to index
        %get3A_1203 = arith.constant 16 : index
        %get3A_1204 = tpu.vector_load %arg12[%get3A_1202, %get3A_1203] {strides = array<i32>} : memref<96x128xf32, #tpu.memory_space<vmem>>, vector<16xf32>,
        %get3A_1205 = arith.index_cast %scan3A_1181 : i32 to index
        %get3A_1206 = arith.constant 16 : index
        %get3A_1207 = tpu.vector_load %arg13[%get3A_1205, %get3A_1206] {strides = array<i32>} : memref<96x128xf32, #tpu.memory_space<vmem>>, vector<16xf32>,
        %add3A_1208 = arith.addf %get3A_1204, %get3A_1207 : vector<16xf32>
        %get3A_1209 = arith.index_cast %scan3A_1181 : i32 to index
        %get3A_1210 = arith.constant 16 : index
        %get3A_1211 = tpu.vector_load %arg14[%get3A_1209, %get3A_1210] {strides = array<i32>} : memref<96x128xf32, #tpu.memory_space<vmem>>, vector<16xf32>,
        %add3A_1212 = arith.addf %add3A_1208, %get3A_1211 : vector<16xf32>
        %mul3A_1213 = arith.constant 2.000000e-01 : f32
        %mul3A_1214 = vector.broadcast %mul3A_1213 : f32 to vector<16xf32>
        %mul3A_1215 = arith.mulf %mul3A_1214, %add3A_1212 : vector<16xf32>
        %max3A_1216 = arith.maximumf %add3A_1212, %mul3A_1215 : vector<16xf32>
        %mul3A_1217 = arith.mulf %get3A_32, %max3A_1216 : vector<16xf32>
        %add3A_1218 = arith.addf %add3A_1201, %mul3A_1217 : vector<16xf32>
        %get3A_1219 = arith.index_cast %scan3A_1181 : i32 to index
        %get3A_1220 = arith.constant 32 : index
        %get3A_1221 = tpu.vector_load %arg12[%get3A_1219, %get3A_1220] {strides = array<i32>} : memref<96x128xf32, #tpu.memory_space<vmem>>, vector<16xf32>,
        %get3A_1222 = arith.index_cast %scan3A_1181 : i32 to index
        %get3A_1223 = arith.constant 32 : index
        %get3A_1224 = tpu.vector_load %arg13[%get3A_1222, %get3A_1223] {strides = array<i32>} : memref<96x128xf32, #tpu.memory_space<vmem>>, vector<16xf32>,
        %add3A_1225 = arith.addf %get3A_1221, %get3A_1224 : vector<16xf32>
        %get3A_1226 = arith.index_cast %scan3A_1181 : i32 to index
        %get3A_1227 = arith.constant 32 : index
        %get3A_1228 = tpu.vector_load %arg14[%get3A_1226, %get3A_1227] {strides = array<i32>} : memref<96x128xf32, #tpu.memory_space<vmem>>, vector<16xf32>,
        %add3A_1229 = arith.addf %add3A_1225, %get3A_1228 : vector<16xf32>
        %mul3A_1230 = arith.constant 2.000000e-01 : f32
        %mul3A_1231 = vector.broadcast %mul3A_1230 : f32 to vector<16xf32>
        %mul3A_1232 = arith.mulf %mul3A_1231, %add3A_1229 : vector<16xf32>
        %max3A_1233 = arith.maximumf %add3A_1229, %mul3A_1232 : vector<16xf32>
        %mul3A_1234 = arith.mulf %get3A_34, %max3A_1233 : vector<16xf32>
        %add3A_1235 = arith.addf %add3A_1218, %mul3A_1234 : vector<16xf32>
        %get3A_1236 = arith.index_cast %scan3A_1181 : i32 to index
        %get3A_1237 = arith.constant 48 : index
        %get3A_1238 = tpu.vector_load %arg12[%get3A_1236, %get3A_1237] {strides = array<i32>} : memref<96x128xf32, #tpu.memory_space<vmem>>, vector<16xf32>,
        %get3A_1239 = arith.index_cast %scan3A_1181 : i32 to index
        %get3A_1240 = arith.constant 48 : index
        %get3A_1241 = tpu.vector_load %arg13[%get3A_1239, %get3A_1240] {strides = array<i32>} : memref<96x128xf32, #tpu.memory_space<vmem>>, vector<16xf32>,
        %add3A_1242 = arith.addf %get3A_1238, %get3A_1241 : vector<16xf32>
        %get3A_1243 = arith.index_cast %scan3A_1181 : i32 to index
        %get3A_1244 = arith.constant 48 : index
        %get3A_1245 = tpu.vector_load %arg14[%get3A_1243, %get3A_1244] {strides = array<i32>} : memref<96x128xf32, #tpu.memory_space<vmem>>, vector<16xf32>,
        %add3A_1246 = arith.addf %add3A_1242, %get3A_1245 : vector<16xf32>
        %mul3A_1247 = arith.constant 2.000000e-01 : f32
        %mul3A_1248 = vector.broadcast %mul3A_1247 : f32 to vector<16xf32>
        %mul3A_1249 = arith.mulf %mul3A_1248, %add3A_1246 : vector<16xf32>
        %max3A_1250 = arith.maximumf %add3A_1246, %mul3A_1249 : vector<16xf32>
        %mul3A_1251 = arith.mulf %get3A_36, %max3A_1250 : vector<16xf32>
        %add3A_1252 = arith.addf %add3A_1235, %mul3A_1251 : vector<16xf32>
        %get3A_1253 = arith.index_cast %scan3A_1181 : i32 to index
        %get3A_1254 = arith.constant 64 : index
        %get3A_1255 = tpu.vector_load %arg12[%get3A_1253, %get3A_1254] {strides = array<i32>} : memref<96x128xf32, #tpu.memory_space<vmem>>, vector<16xf32>,
        %get3A_1256 = arith.index_cast %scan3A_1181 : i32 to index
        %get3A_1257 = arith.constant 64 : index
        %get3A_1258 = tpu.vector_load %arg13[%get3A_1256, %get3A_1257] {strides = array<i32>} : memref<96x128xf32, #tpu.memory_space<vmem>>, vector<16xf32>,
        %add3A_1259 = arith.addf %get3A_1255, %get3A_1258 : vector<16xf32>
        %get3A_1260 = arith.index_cast %scan3A_1181 : i32 to index
        %get3A_1261 = arith.constant 64 : index
        %get3A_1262 = tpu.vector_load %arg14[%get3A_1260, %get3A_1261] {strides = array<i32>} : memref<96x128xf32, #tpu.memory_space<vmem>>, vector<16xf32>,
        %add3A_1263 = arith.addf %add3A_1259, %get3A_1262 : vector<16xf32>
        %mul3A_1264 = arith.constant 2.000000e-01 : f32
        %mul3A_1265 = vector.broadcast %mul3A_1264 : f32 to vector<16xf32>
        %mul3A_1266 = arith.mulf %mul3A_1265, %add3A_1263 : vector<16xf32>
        %max3A_1267 = arith.maximumf %add3A_1263, %mul3A_1266 : vector<16xf32>
        %mul3A_1268 = arith.mulf %get3A_38, %max3A_1267 : vector<16xf32>
        %add3A_1269 = arith.addf %add3A_1252, %mul3A_1268 : vector<16xf32>
        %get3A_1270 = arith.index_cast %scan3A_1181 : i32 to index
        %get3A_1271 = arith.constant 80 : index
        %get3A_1272 = tpu.vector_load %arg12[%get3A_1270, %get3A_1271] {strides = array<i32>} : memref<96x128xf32, #tpu.memory_space<vmem>>, vector<16xf32>,
        %get3A_1273 = arith.index_cast %scan3A_1181 : i32 to index
        %get3A_1274 = arith.constant 80 : index
        %get3A_1275 = tpu.vector_load %arg13[%get3A_1273, %get3A_1274] {strides = array<i32>} : memref<96x128xf32, #tpu.memory_space<vmem>>, vector<16xf32>,
        %add3A_1276 = arith.addf %get3A_1272, %get3A_1275 : vector<16xf32>
        %get3A_1277 = arith.index_cast %scan3A_1181 : i32 to index
        %get3A_1278 = arith.constant 80 : index
        %get3A_1279 = tpu.vector_load %arg14[%get3A_1277, %get3A_1278] {strides = array<i32>} : memref<96x128xf32, #tpu.memory_space<vmem>>, vector<16xf32>,
        %add3A_1280 = arith.addf %add3A_1276, %get3A_1279 : vector<16xf32>
        %mul3A_1281 = arith.constant 2.000000e-01 : f32
        %mul3A_1282 = vector.broadcast %mul3A_1281 : f32 to vector<16xf32>
        %mul3A_1283 = arith.mulf %mul3A_1282, %add3A_1280 : vector<16xf32>
        %max3A_1284 = arith.maximumf %add3A_1280, %mul3A_1283 : vector<16xf32>
        %mul3A_1285 = arith.mulf %get3A_40, %max3A_1284 : vector<16xf32>
        %add3A_1286 = arith.addf %add3A_1269, %mul3A_1285 : vector<16xf32>
        %get3A_1287 = arith.index_cast %scan3A_1181 : i32 to index
        %get3A_1288 = arith.constant 96 : index
        %get3A_1289 = tpu.vector_load %arg12[%get3A_1287, %get3A_1288] {strides = array<i32>} : memref<96x128xf32, #tpu.memory_space<vmem>>, vector<16xf32>,
        %get3A_1290 = arith.index_cast %scan3A_1181 : i32 to index
        %get3A_1291 = arith.constant 96 : index
        %get3A_1292 = tpu.vector_load %arg13[%get3A_1290, %get3A_1291] {strides = array<i32>} : memref<96x128xf32, #tpu.memory_space<vmem>>, vector<16xf32>,
        %add3A_1293 = arith.addf %get3A_1289, %get3A_1292 : vector<16xf32>
        %get3A_1294 = arith.index_cast %scan3A_1181 : i32 to index
        %get3A_1295 = arith.constant 96 : index
        %get3A_1296 = tpu.vector_load %arg14[%get3A_1294, %get3A_1295] {strides = array<i32>} : memref<96x128xf32, #tpu.memory_space<vmem>>, vector<16xf32>,
        %add3A_1297 = arith.addf %add3A_1293, %get3A_1296 : vector<16xf32>
        %mul3A_1298 = arith.constant 2.000000e-01 : f32
        %mul3A_1299 = vector.broadcast %mul3A_1298 : f32 to vector<16xf32>
        %mul3A_1300 = arith.mulf %mul3A_1299, %add3A_1297 : vector<16xf32>
        %max3A_1301 = arith.maximumf %add3A_1297, %mul3A_1300 : vector<16xf32>
        %mul3A_1302 = arith.mulf %get3A_42, %max3A_1301 : vector<16xf32>
        %add3A_1303 = arith.addf %add3A_1286, %mul3A_1302 : vector<16xf32>
        %get3A_1304 = arith.index_cast %scan3A_1181 : i32 to index
        %get3A_1305 = arith.constant 112 : index
        %get3A_1306 = tpu.vector_load %arg12[%get3A_1304, %get3A_1305] {strides = array<i32>} : memref<96x128xf32, #tpu.memory_space<vmem>>, vector<16xf32>,
        %get3A_1307 = arith.index_cast %scan3A_1181 : i32 to index
        %get3A_1308 = arith.constant 112 : index
        %get3A_1309 = tpu.vector_load %arg13[%get3A_1307, %get3A_1308] {strides = array<i32>} : memref<96x128xf32, #tpu.memory_space<vmem>>, vector<16xf32>,
        %add3A_1310 = arith.addf %get3A_1306, %get3A_1309 : vector<16xf32>
        %get3A_1311 = arith.index_cast %scan3A_1181 : i32 to index
        %get3A_1312 = arith.constant 112 : index
        %get3A_1313 = tpu.vector_load %arg14[%get3A_1311, %get3A_1312] {strides = array<i32>} : memref<96x128xf32, #tpu.memory_space<vmem>>, vector<16xf32>,
        %add3A_1314 = arith.addf %add3A_1310, %get3A_1313 : vector<16xf32>
        %mul3A_1315 = arith.constant 2.000000e-01 : f32
        %mul3A_1316 = vector.broadcast %mul3A_1315 : f32 to vector<16xf32>
        %mul3A_1317 = arith.mulf %mul3A_1316, %add3A_1314 : vector<16xf32>
        %max3A_1318 = arith.maximumf %add3A_1314, %mul3A_1317 : vector<16xf32>
        %mul3A_1319 = arith.mulf %get3A_44, %max3A_1318 : vector<16xf32>
        %add3A_1320 = arith.addf %add3A_1303, %mul3A_1319 : vector<16xf32>
        %reduce_sum3A = arith.constant true
        %reduce_sum3A_1321 = vector.broadcast %reduce_sum3A : i1 to vector<16xi1>
        %reduce_sum3A_1322 = tpu.scan <sum>, %add3A_1320 masked %reduce_sum3A_1321 : vector<16xf32>, vector<16xi1> -> vector<16xf32>
        %reduce_sum3A_1323 = vector.extract %reduce_sum3A_1322[15] : f32 from vector<16xf32>
        %broadcast_in_dim3A_1324 = vector.broadcast %scan3A_1181 : i32 to vector<16xi32>
        %broadcast_in_dim3A_1325 = vector.broadcast %reduce_sum3A_1323 : f32 to vector<16xf32>
        tpu.vector_store_idx %arg15[%broadcast_in_dim3A_1324], %broadcast_in_dim3A_1325 masked %eq3A_46 : memref<96xf32, #tpu.memory_space<vmem>>[vector<16xi32>], vector<16xf32>, vector<16xi1>
        %scan3A_1326 = arith.constant 0 : i32
        %scan3A_1327 = arith.constant 1 : i32
        %scan3A_1328 = arith.addi %scan3A_1181, %scan3A_1327 : i32
        %broadcast_in_dim3A_1329 = arith.constant 0.000000e+00 : f32
        %broadcast_in_dim3A_1330 = vector.broadcast %broadcast_in_dim3A_1329 : f32 to vector<16xf32>
        %get3A_1331 = arith.index_cast %scan3A_1328 : i32 to index
        %get3A_1332 = arith.constant 0 : index
        %get3A_1333 = tpu.vector_load %arg12[%get3A_1331, %get3A_1332] {strides = array<i32>} : memref<96x128xf32, #tpu.memory_space<vmem>>, vector<16xf32>,
        %get3A_1334 = arith.index_cast %scan3A_1328 : i32 to index
        %get3A_1335 = arith.constant 0 : index
        %get3A_1336 = tpu.vector_load %arg13[%get3A_1334, %get3A_1335] {strides = array<i32>} : memref<96x128xf32, #tpu.memory_space<vmem>>, vector<16xf32>,
        %add3A_1337 = arith.addf %get3A_1333, %get3A_1336 : vector<16xf32>
        %get3A_1338 = arith.index_cast %scan3A_1328 : i32 to index
        %get3A_1339 = arith.constant 0 : index
        %get3A_1340 = tpu.vector_load %arg14[%get3A_1338, %get3A_1339] {strides = array<i32>} : memref<96x128xf32, #tpu.memory_space<vmem>>, vector<16xf32>,
        %add3A_1341 = arith.addf %add3A_1337, %get3A_1340 : vector<16xf32>
        %mul3A_1342 = arith.constant 2.000000e-01 : f32
        %mul3A_1343 = vector.broadcast %mul3A_1342 : f32 to vector<16xf32>
        %mul3A_1344 = arith.mulf %mul3A_1343, %add3A_1341 : vector<16xf32>
        %max3A_1345 = arith.maximumf %add3A_1341, %mul3A_1344 : vector<16xf32>
        %mul3A_1346 = arith.mulf %get3A_30, %max3A_1345 : vector<16xf32>
        %add3A_1347 = arith.addf %broadcast_in_dim3A_1330, %mul3A_1346 : vector<16xf32>
        %get3A_1348 = arith.index_cast %scan3A_1328 : i32 to index
        %get3A_1349 = arith.constant 16 : index
        %get3A_1350 = tpu.vector_load %arg12[%get3A_1348, %get3A_1349] {strides = array<i32>} : memref<96x128xf32, #tpu.memory_space<vmem>>, vector<16xf32>,
        %get3A_1351 = arith.index_cast %scan3A_1328 : i32 to index
        %get3A_1352 = arith.constant 16 : index
        %get3A_1353 = tpu.vector_load %arg13[%get3A_1351, %get3A_1352] {strides = array<i32>} : memref<96x128xf32, #tpu.memory_space<vmem>>, vector<16xf32>,
        %add3A_1354 = arith.addf %get3A_1350, %get3A_1353 : vector<16xf32>
        %get3A_1355 = arith.index_cast %scan3A_1328 : i32 to index
        %get3A_1356 = arith.constant 16 : index
        %get3A_1357 = tpu.vector_load %arg14[%get3A_1355, %get3A_1356] {strides = array<i32>} : memref<96x128xf32, #tpu.memory_space<vmem>>, vector<16xf32>,
        %add3A_1358 = arith.addf %add3A_1354, %get3A_1357 : vector<16xf32>
        %mul3A_1359 = arith.constant 2.000000e-01 : f32
        %mul3A_1360 = vector.broadcast %mul3A_1359 : f32 to vector<16xf32>
        %mul3A_1361 = arith.mulf %mul3A_1360, %add3A_1358 : vector<16xf32>
        %max3A_1362 = arith.maximumf %add3A_1358, %mul3A_1361 : vector<16xf32>
        %mul3A_1363 = arith.mulf %get3A_32, %max3A_1362 : vector<16xf32>
        %add3A_1364 = arith.addf %add3A_1347, %mul3A_1363 : vector<16xf32>
        %get3A_1365 = arith.index_cast %scan3A_1328 : i32 to index
        %get3A_1366 = arith.constant 32 : index
        %get3A_1367 = tpu.vector_load %arg12[%get3A_1365, %get3A_1366] {strides = array<i32>} : memref<96x128xf32, #tpu.memory_space<vmem>>, vector<16xf32>,
        %get3A_1368 = arith.index_cast %scan3A_1328 : i32 to index
        %get3A_1369 = arith.constant 32 : index
        %get3A_1370 = tpu.vector_load %arg13[%get3A_1368, %get3A_1369] {strides = array<i32>} : memref<96x128xf32, #tpu.memory_space<vmem>>, vector<16xf32>,
        %add3A_1371 = arith.addf %get3A_1367, %get3A_1370 : vector<16xf32>
        %get3A_1372 = arith.index_cast %scan3A_1328 : i32 to index
        %get3A_1373 = arith.constant 32 : index
        %get3A_1374 = tpu.vector_load %arg14[%get3A_1372, %get3A_1373] {strides = array<i32>} : memref<96x128xf32, #tpu.memory_space<vmem>>, vector<16xf32>,
        %add3A_1375 = arith.addf %add3A_1371, %get3A_1374 : vector<16xf32>
        %mul3A_1376 = arith.constant 2.000000e-01 : f32
        %mul3A_1377 = vector.broadcast %mul3A_1376 : f32 to vector<16xf32>
        %mul3A_1378 = arith.mulf %mul3A_1377, %add3A_1375 : vector<16xf32>
        %max3A_1379 = arith.maximumf %add3A_1375, %mul3A_1378 : vector<16xf32>
        %mul3A_1380 = arith.mulf %get3A_34, %max3A_1379 : vector<16xf32>
        %add3A_1381 = arith.addf %add3A_1364, %mul3A_1380 : vector<16xf32>
        %get3A_1382 = arith.index_cast %scan3A_1328 : i32 to index
        %get3A_1383 = arith.constant 48 : index
        %get3A_1384 = tpu.vector_load %arg12[%get3A_1382, %get3A_1383] {strides = array<i32>} : memref<96x128xf32, #tpu.memory_space<vmem>>, vector<16xf32>,
        %get3A_1385 = arith.index_cast %scan3A_1328 : i32 to index
        %get3A_1386 = arith.constant 48 : index
        %get3A_1387 = tpu.vector_load %arg13[%get3A_1385, %get3A_1386] {strides = array<i32>} : memref<96x128xf32, #tpu.memory_space<vmem>>, vector<16xf32>,
        %add3A_1388 = arith.addf %get3A_1384, %get3A_1387 : vector<16xf32>
        %get3A_1389 = arith.index_cast %scan3A_1328 : i32 to index
        %get3A_1390 = arith.constant 48 : index
        %get3A_1391 = tpu.vector_load %arg14[%get3A_1389, %get3A_1390] {strides = array<i32>} : memref<96x128xf32, #tpu.memory_space<vmem>>, vector<16xf32>,
        %add3A_1392 = arith.addf %add3A_1388, %get3A_1391 : vector<16xf32>
        %mul3A_1393 = arith.constant 2.000000e-01 : f32
        %mul3A_1394 = vector.broadcast %mul3A_1393 : f32 to vector<16xf32>
        %mul3A_1395 = arith.mulf %mul3A_1394, %add3A_1392 : vector<16xf32>
        %max3A_1396 = arith.maximumf %add3A_1392, %mul3A_1395 : vector<16xf32>
        %mul3A_1397 = arith.mulf %get3A_36, %max3A_1396 : vector<16xf32>
        %add3A_1398 = arith.addf %add3A_1381, %mul3A_1397 : vector<16xf32>
        %get3A_1399 = arith.index_cast %scan3A_1328 : i32 to index
        %get3A_1400 = arith.constant 64 : index
        %get3A_1401 = tpu.vector_load %arg12[%get3A_1399, %get3A_1400] {strides = array<i32>} : memref<96x128xf32, #tpu.memory_space<vmem>>, vector<16xf32>,
        %get3A_1402 = arith.index_cast %scan3A_1328 : i32 to index
        %get3A_1403 = arith.constant 64 : index
        %get3A_1404 = tpu.vector_load %arg13[%get3A_1402, %get3A_1403] {strides = array<i32>} : memref<96x128xf32, #tpu.memory_space<vmem>>, vector<16xf32>,
        %add3A_1405 = arith.addf %get3A_1401, %get3A_1404 : vector<16xf32>
        %get3A_1406 = arith.index_cast %scan3A_1328 : i32 to index
        %get3A_1407 = arith.constant 64 : index
        %get3A_1408 = tpu.vector_load %arg14[%get3A_1406, %get3A_1407] {strides = array<i32>} : memref<96x128xf32, #tpu.memory_space<vmem>>, vector<16xf32>,
        %add3A_1409 = arith.addf %add3A_1405, %get3A_1408 : vector<16xf32>
        %mul3A_1410 = arith.constant 2.000000e-01 : f32
        %mul3A_1411 = vector.broadcast %mul3A_1410 : f32 to vector<16xf32>
        %mul3A_1412 = arith.mulf %mul3A_1411, %add3A_1409 : vector<16xf32>
        %max3A_1413 = arith.maximumf %add3A_1409, %mul3A_1412 : vector<16xf32>
        %mul3A_1414 = arith.mulf %get3A_38, %max3A_1413 : vector<16xf32>
        %add3A_1415 = arith.addf %add3A_1398, %mul3A_1414 : vector<16xf32>
        %get3A_1416 = arith.index_cast %scan3A_1328 : i32 to index
        %get3A_1417 = arith.constant 80 : index
        %get3A_1418 = tpu.vector_load %arg12[%get3A_1416, %get3A_1417] {strides = array<i32>} : memref<96x128xf32, #tpu.memory_space<vmem>>, vector<16xf32>,
        %get3A_1419 = arith.index_cast %scan3A_1328 : i32 to index
        %get3A_1420 = arith.constant 80 : index
        %get3A_1421 = tpu.vector_load %arg13[%get3A_1419, %get3A_1420] {strides = array<i32>} : memref<96x128xf32, #tpu.memory_space<vmem>>, vector<16xf32>,
        %add3A_1422 = arith.addf %get3A_1418, %get3A_1421 : vector<16xf32>
        %get3A_1423 = arith.index_cast %scan3A_1328 : i32 to index
        %get3A_1424 = arith.constant 80 : index
        %get3A_1425 = tpu.vector_load %arg14[%get3A_1423, %get3A_1424] {strides = array<i32>} : memref<96x128xf32, #tpu.memory_space<vmem>>, vector<16xf32>,
        %add3A_1426 = arith.addf %add3A_1422, %get3A_1425 : vector<16xf32>
        %mul3A_1427 = arith.constant 2.000000e-01 : f32
        %mul3A_1428 = vector.broadcast %mul3A_1427 : f32 to vector<16xf32>
        %mul3A_1429 = arith.mulf %mul3A_1428, %add3A_1426 : vector<16xf32>
        %max3A_1430 = arith.maximumf %add3A_1426, %mul3A_1429 : vector<16xf32>
        %mul3A_1431 = arith.mulf %get3A_40, %max3A_1430 : vector<16xf32>
        %add3A_1432 = arith.addf %add3A_1415, %mul3A_1431 : vector<16xf32>
        %get3A_1433 = arith.index_cast %scan3A_1328 : i32 to index
        %get3A_1434 = arith.constant 96 : index
        %get3A_1435 = tpu.vector_load %arg12[%get3A_1433, %get3A_1434] {strides = array<i32>} : memref<96x128xf32, #tpu.memory_space<vmem>>, vector<16xf32>,
        %get3A_1436 = arith.index_cast %scan3A_1328 : i32 to index
        %get3A_1437 = arith.constant 96 : index
        %get3A_1438 = tpu.vector_load %arg13[%get3A_1436, %get3A_1437] {strides = array<i32>} : memref<96x128xf32, #tpu.memory_space<vmem>>, vector<16xf32>,
        %add3A_1439 = arith.addf %get3A_1435, %get3A_1438 : vector<16xf32>
        %get3A_1440 = arith.index_cast %scan3A_1328 : i32 to index
        %get3A_1441 = arith.constant 96 : index
        %get3A_1442 = tpu.vector_load %arg14[%get3A_1440, %get3A_1441] {strides = array<i32>} : memref<96x128xf32, #tpu.memory_space<vmem>>, vector<16xf32>,
        %add3A_1443 = arith.addf %add3A_1439, %get3A_1442 : vector<16xf32>
        %mul3A_1444 = arith.constant 2.000000e-01 : f32
        %mul3A_1445 = vector.broadcast %mul3A_1444 : f32 to vector<16xf32>
        %mul3A_1446 = arith.mulf %mul3A_1445, %add3A_1443 : vector<16xf32>
        %max3A_1447 = arith.maximumf %add3A_1443, %mul3A_1446 : vector<16xf32>
        %mul3A_1448 = arith.mulf %get3A_42, %max3A_1447 : vector<16xf32>
        %add3A_1449 = arith.addf %add3A_1432, %mul3A_1448 : vector<16xf32>
        %get3A_1450 = arith.index_cast %scan3A_1328 : i32 to index
        %get3A_1451 = arith.constant 112 : index
        %get3A_1452 = tpu.vector_load %arg12[%get3A_1450, %get3A_1451] {strides = array<i32>} : memref<96x128xf32, #tpu.memory_space<vmem>>, vector<16xf32>,
        %get3A_1453 = arith.index_cast %scan3A_1328 : i32 to index
        %get3A_1454 = arith.constant 112 : index
        %get3A_1455 = tpu.vector_load %arg13[%get3A_1453, %get3A_1454] {strides = array<i32>} : memref<96x128xf32, #tpu.memory_space<vmem>>, vector<16xf32>,
        %add3A_1456 = arith.addf %get3A_1452, %get3A_1455 : vector<16xf32>
        %get3A_1457 = arith.index_cast %scan3A_1328 : i32 to index
        %get3A_1458 = arith.constant 112 : index
        %get3A_1459 = tpu.vector_load %arg14[%get3A_1457, %get3A_1458] {strides = array<i32>} : memref<96x128xf32, #tpu.memory_space<vmem>>, vector<16xf32>,
        %add3A_1460 = arith.addf %add3A_1456, %get3A_1459 : vector<16xf32>
        %mul3A_1461 = arith.constant 2.000000e-01 : f32
        %mul3A_1462 = vector.broadcast %mul3A_1461 : f32 to vector<16xf32>
        %mul3A_1463 = arith.mulf %mul3A_1462, %add3A_1460 : vector<16xf32>
        %max3A_1464 = arith.maximumf %add3A_1460, %mul3A_1463 : vector<16xf32>
        %mul3A_1465 = arith.mulf %get3A_44, %max3A_1464 : vector<16xf32>
        %add3A_1466 = arith.addf %add3A_1449, %mul3A_1465 : vector<16xf32>
        %reduce_sum3A_1467 = arith.constant true
        %reduce_sum3A_1468 = vector.broadcast %reduce_sum3A_1467 : i1 to vector<16xi1>
        %reduce_sum3A_1469 = tpu.scan <sum>, %add3A_1466 masked %reduce_sum3A_1468 : vector<16xf32>, vector<16xi1> -> vector<16xf32>
        %reduce_sum3A_1470 = vector.extract %reduce_sum3A_1469[15] : f32 from vector<16xf32>
        %broadcast_in_dim3A_1471 = vector.broadcast %scan3A_1328 : i32 to vector<16xi32>
        %broadcast_in_dim3A_1472 = vector.broadcast %reduce_sum3A_1470 : f32 to vector<16xf32>
        tpu.vector_store_idx %arg15[%broadcast_in_dim3A_1471], %broadcast_in_dim3A_1472 masked %eq3A_46 : memref<96xf32, #tpu.memory_space<vmem>>[vector<16xi32>], vector<16xf32>, vector<16xi1>
        %scan3A_1473 = arith.constant 0 : i32
        scf.yield %scan3A_1473 : i32
      }
      %scan3A_97 = arith.constant 96 : i32
      %add3A_98 = arith.constant 0 : i32
      %add3A_99 = arith.addi %mul3A_64, %add3A_98 : i32
      %add3A_100 = vector.broadcast %add3A_99 : i32 to vector<16xi32>
      %add3A_101 = arith.addi %add3A_100, %iota3A : vector<16xi32>
      %lt3A = arith.constant 330000 : i32
      %lt3A_102 = vector.broadcast %lt3A : i32 to vector<16xi32>
      %lt3A_103 = arith.cmpi slt, %add3A_101, %lt3A_102 : vector<16xi32>
      %get3A_104 = arith.constant 0 : index
      %get3A_105 = tpu.vector_load %arg15[%get3A_104] {strides = array<i32>} : memref<96xf32, #tpu.memory_space<vmem>>, vector<16xf32>,
      %mul3A_106 = arith.constant 1.44269502 : f32
      %mul3A_107 = vector.broadcast %mul3A_106 : f32 to vector<16xf32>
      %mul3A_108 = arith.mulf %get3A_105, %mul3A_107 : vector<16xf32>
      %ge3A = arith.constant 0.000000e+00 : f32
      %ge3A_109 = vector.broadcast %ge3A : f32 to vector<16xf32>
      %ge3A_110 = arith.cmpf oge, %mul3A_108, %ge3A_109 : vector<16xf32>
      %broadcast_in_dim3A = arith.constant 5.000000e-01 : f32
      %broadcast_in_dim3A_111 = vector.broadcast %broadcast_in_dim3A : f32 to vector<16xf32>
      %broadcast_in_dim3A_112 = arith.constant -5.000000e-01 : f32
      %broadcast_in_dim3A_113 = vector.broadcast %broadcast_in_dim3A_112 : f32 to vector<16xf32>
      %select_n3A = arith.select %ge3A_110, %broadcast_in_dim3A_111, %broadcast_in_dim3A_113 : vector<16xi1>, vector<16xf32>
      %add3A_114 = arith.addf %mul3A_108, %select_n3A : vector<16xf32>
      %convert_element_type3A = arith.fptosi %add3A_114 : vector<16xf32> to vector<16xi32>
      %convert_element_type3A_115 = arith.sitofp %convert_element_type3A : vector<16xi32> to vector<16xf32>
      %sub3A = arith.subf %mul3A_108, %convert_element_type3A_115 : vector<16xf32>
      %mul3A_116 = arith.constant 0.693147182 : f32
      %mul3A_117 = vector.broadcast %mul3A_116 : f32 to vector<16xf32>
      %mul3A_118 = arith.mulf %sub3A, %mul3A_117 : vector<16xf32>
      %broadcast_in_dim3A_119 = arith.constant 0.00138888892 : f32
      %broadcast_in_dim3A_120 = vector.broadcast %broadcast_in_dim3A_119 : f32 to vector<16xf32>
      %mul3A_121 = arith.mulf %broadcast_in_dim3A_120, %mul3A_118 : vector<16xf32>
      %add3A_122 = arith.constant 0.00833333377 : f32
      %add3A_123 = vector.broadcast %add3A_122 : f32 to vector<16xf32>
      %add3A_124 = arith.addf %mul3A_121, %add3A_123 : vector<16xf32>
      %mul3A_125 = arith.mulf %add3A_124, %mul3A_118 : vector<16xf32>
      %add3A_126 = arith.constant 0.0416666679 : f32
      %add3A_127 = vector.broadcast %add3A_126 : f32 to vector<16xf32>
      %add3A_128 = arith.addf %mul3A_125, %add3A_127 : vector<16xf32>
      %mul3A_129 = arith.mulf %add3A_128, %mul3A_118 : vector<16xf32>
      %add3A_130 = arith.constant 0.166666672 : f32
      %add3A_131 = vector.broadcast %add3A_130 : f32 to vector<16xf32>
      %add3A_132 = arith.addf %mul3A_129, %add3A_131 : vector<16xf32>
      %mul3A_133 = arith.mulf %add3A_132, %mul3A_118 : vector<16xf32>
      %add3A_134 = arith.constant 5.000000e-01 : f32
      %add3A_135 = vector.broadcast %add3A_134 : f32 to vector<16xf32>
      %add3A_136 = arith.addf %mul3A_133, %add3A_135 : vector<16xf32>
      %mul3A_137 = arith.mulf %add3A_136, %mul3A_118 : vector<16xf32>
      %add3A_138 = arith.constant 1.000000e+00 : f32
      %add3A_139 = vector.broadcast %add3A_138 : f32 to vector<16xf32>
      %add3A_140 = arith.addf %mul3A_137, %add3A_139 : vector<16xf32>
      %mul3A_141 = arith.mulf %add3A_140, %mul3A_118 : vector<16xf32>
      %add3A_142 = arith.constant 1.000000e+00 : f32
      %add3A_143 = vector.broadcast %add3A_142 : f32 to vector<16xf32>
      %add3A_144 = arith.addf %mul3A_141, %add3A_143 : vector<16xf32>
      %jit3A = arith.constant -126 : i32
      %jit3A_145 = arith.constant 127 : i32
      %max3A = vector.broadcast %jit3A : i32 to vector<16xi32>
      %max3A_146 = arith.maxsi %max3A, %convert_element_type3A : vector<16xi32>
      %min3A = vector.broadcast %jit3A_145 : i32 to vector<16xi32>
      %min3A_147 = arith.minsi %min3A, %max3A_146 : vector<16xi32>
      %add3A_148 = arith.constant 127 : i32
      %add3A_149 = vector.broadcast %add3A_148 : i32 to vector<16xi32>
      %add3A_150 = arith.addi %min3A_147, %add3A_149 : vector<16xi32>
      %shift_left3A = arith.constant 23 : i32
      %shift_left3A_151 = vector.broadcast %shift_left3A : i32 to vector<16xi32>
      %shift_left3A_152 = arith.shli %add3A_150, %shift_left3A_151 : vector<16xi32>
      %bitcast3A = vector.bitcast %shift_left3A_152 : vector<16xi32> to vector<16xf32>
      %mul3A_153 = arith.mulf %add3A_144, %bitcast3A : vector<16xf32>
      %broadcast_in_dim3A_154 = arith.constant 0.000000e+00 : f32
      %broadcast_in_dim3A_155 = vector.broadcast %broadcast_in_dim3A_154 : f32 to vector<16xf32>
      %select_n3A_156 = arith.select %lt3A_103, %mul3A_153, %broadcast_in_dim3A_155 : vector<16xi1>, vector<16xf32>
      %swap3A = arith.constant 0 : index
      %swap3A_157 = tpu.vector_load %arg15[%swap3A] {strides = array<i32>} : memref<96xf32, #tpu.memory_space<vmem>>, vector<16xf32>,
      tpu.vector_store %arg15[%swap3A], %select_n3A_156 {strides = array<i32>} : memref<96xf32, #tpu.memory_space<vmem>>, vector<16xf32>,
      %get3A_158 = arith.constant 0 : index
      %get3A_159 = tpu.vector_load %arg11[%get3A_158] {strides = array<i32>} : memref<96xi32, #tpu.memory_space<vmem>>, vector<16xi32>,
      %masked_sort3A = arith.constant dense<true> : vector<16xi1>
      %masked_sort3A_160 = arith.constant -2147483648 : i32
      %masked_sort3A_161 = vector.broadcast %masked_sort3A_160 : i32 to vector<16xi32>
      %masked_sort3A_162 = arith.xori %get3A_159, %masked_sort3A_161 : vector<16xi32>
      %masked_sort3A_163, %masked_sort3A_164, %masked_sort3A_165 = tpu.sort %masked_sort3A_162, %select_n3A_156 masked %masked_sort3A : (vector<16xi32>, vector<16xf32>, vector<16xi1>) -> (vector<16xi1>, vector<16xi32>, vector<16xf32>)
      %masked_sort3A_166 = arith.xori %masked_sort3A_164, %masked_sort3A_161 : vector<16xi32>
      %sub3A_167 = arith.constant 1 : i32
      %sub3A_168 = vector.broadcast %sub3A_167 : i32 to vector<16xi32>
      %sub3A_169 = arith.subi %iota3A, %sub3A_168 : vector<16xi32>
      %max3A_170 = arith.constant 0 : i32
      %max3A_171 = vector.broadcast %max3A_170 : i32 to vector<16xi32>
      %max3A_172 = arith.maxsi %sub3A_169, %max3A_171 : vector<16xi32>
      %ge3A_173 = arith.constant 1 : i32
      %ge3A_174 = vector.broadcast %ge3A_173 : i32 to vector<16xi32>
      %ge3A_175 = arith.cmpi sge, %iota3A, %ge3A_174 : vector<16xi32>
      %broadcast_in_dim3A_176 = vector.shape_cast %max3A_172 : vector<16xi32> to vector<16x1xi32>
      %gather3A = vector.shape_cast %broadcast_in_dim3A_176 : vector<16x1xi32> to vector<16xi32>
      %gather3A_177 = tpu.dynamic_gather %masked_sort3A_166[%gather3A] in [0] : vector<16xi32>, vector<16xi32> -> vector<16xi32>
      %eq3A_178 = arith.cmpi eq, %gather3A_177, %masked_sort3A_166 : vector<16xi32>
      %and3A = arith.andi %ge3A_175, %eq3A_178 : vector<16xi1>
      %broadcast_in_dim3A_179 = vector.shape_cast %max3A_172 : vector<16xi32> to vector<16x1xi32>
      %gather3A_180 = vector.shape_cast %broadcast_in_dim3A_179 : vector<16x1xi32> to vector<16xi32>
      %gather3A_181 = tpu.dynamic_gather %masked_sort3A_165[%gather3A_180] in [0] : vector<16xf32>, vector<16xi32> -> vector<16xf32>
      %broadcast_in_dim3A_182 = arith.constant 0.000000e+00 : f32
      %broadcast_in_dim3A_183 = vector.broadcast %broadcast_in_dim3A_182 : f32 to vector<16xf32>
      %select_n3A_184 = arith.select %and3A, %gather3A_181, %broadcast_in_dim3A_183 : vector<16xi1>, vector<16xf32>
      %add3A_185 = arith.addf %masked_sort3A_165, %select_n3A_184 : vector<16xf32>
      %sub3A_186 = arith.constant 2 : i32
      %sub3A_187 = vector.broadcast %sub3A_186 : i32 to vector<16xi32>
      %sub3A_188 = arith.subi %iota3A, %sub3A_187 : vector<16xi32>
      %max3A_189 = arith.constant 0 : i32
      %max3A_190 = vector.broadcast %max3A_189 : i32 to vector<16xi32>
      %max3A_191 = arith.maxsi %sub3A_188, %max3A_190 : vector<16xi32>
      %ge3A_192 = arith.constant 2 : i32
      %ge3A_193 = vector.broadcast %ge3A_192 : i32 to vector<16xi32>
      %ge3A_194 = arith.cmpi sge, %iota3A, %ge3A_193 : vector<16xi32>
      %broadcast_in_dim3A_195 = vector.shape_cast %max3A_191 : vector<16xi32> to vector<16x1xi32>
      %gather3A_196 = vector.shape_cast %broadcast_in_dim3A_195 : vector<16x1xi32> to vector<16xi32>
      %gather3A_197 = tpu.dynamic_gather %masked_sort3A_166[%gather3A_196] in [0] : vector<16xi32>, vector<16xi32> -> vector<16xi32>
      %eq3A_198 = arith.cmpi eq, %gather3A_197, %masked_sort3A_166 : vector<16xi32>
      %and3A_199 = arith.andi %ge3A_194, %eq3A_198 : vector<16xi1>
      %broadcast_in_dim3A_200 = vector.shape_cast %max3A_191 : vector<16xi32> to vector<16x1xi32>
      %gather3A_201 = vector.shape_cast %broadcast_in_dim3A_200 : vector<16x1xi32> to vector<16xi32>
      %gather3A_202 = tpu.dynamic_gather %add3A_185[%gather3A_201] in [0] : vector<16xf32>, vector<16xi32> -> vector<16xf32>
      %broadcast_in_dim3A_203 = arith.constant 0.000000e+00 : f32
      %broadcast_in_dim3A_204 = vector.broadcast %broadcast_in_dim3A_203 : f32 to vector<16xf32>
      %select_n3A_205 = arith.select %and3A_199, %gather3A_202, %broadcast_in_dim3A_204 : vector<16xi1>, vector<16xf32>
      %add3A_206 = arith.addf %add3A_185, %select_n3A_205 : vector<16xf32>
      %sub3A_207 = arith.constant 4 : i32
      %sub3A_208 = vector.broadcast %sub3A_207 : i32 to vector<16xi32>
      %sub3A_209 = arith.subi %iota3A, %sub3A_208 : vector<16xi32>
      %max3A_210 = arith.constant 0 : i32
      %max3A_211 = vector.broadcast %max3A_210 : i32 to vector<16xi32>
      %max3A_212 = arith.maxsi %sub3A_209, %max3A_211 : vector<16xi32>
      %ge3A_213 = arith.constant 4 : i32
      %ge3A_214 = vector.broadcast %ge3A_213 : i32 to vector<16xi32>
      %ge3A_215 = arith.cmpi sge, %iota3A, %ge3A_214 : vector<16xi32>
      %broadcast_in_dim3A_216 = vector.shape_cast %max3A_212 : vector<16xi32> to vector<16x1xi32>
      %gather3A_217 = vector.shape_cast %broadcast_in_dim3A_216 : vector<16x1xi32> to vector<16xi32>
      %gather3A_218 = tpu.dynamic_gather %masked_sort3A_166[%gather3A_217] in [0] : vector<16xi32>, vector<16xi32> -> vector<16xi32>
      %eq3A_219 = arith.cmpi eq, %gather3A_218, %masked_sort3A_166 : vector<16xi32>
      %and3A_220 = arith.andi %ge3A_215, %eq3A_219 : vector<16xi1>
      %broadcast_in_dim3A_221 = vector.shape_cast %max3A_212 : vector<16xi32> to vector<16x1xi32>
      %gather3A_222 = vector.shape_cast %broadcast_in_dim3A_221 : vector<16x1xi32> to vector<16xi32>
      %gather3A_223 = tpu.dynamic_gather %add3A_206[%gather3A_222] in [0] : vector<16xf32>, vector<16xi32> -> vector<16xf32>
      %broadcast_in_dim3A_224 = arith.constant 0.000000e+00 : f32
      %broadcast_in_dim3A_225 = vector.broadcast %broadcast_in_dim3A_224 : f32 to vector<16xf32>
      %select_n3A_226 = arith.select %and3A_220, %gather3A_223, %broadcast_in_dim3A_225 : vector<16xi1>, vector<16xf32>
      %add3A_227 = arith.addf %add3A_206, %select_n3A_226 : vector<16xf32>
      %sub3A_228 = arith.constant 8 : i32
      %sub3A_229 = vector.broadcast %sub3A_228 : i32 to vector<16xi32>
      %sub3A_230 = arith.subi %iota3A, %sub3A_229 : vector<16xi32>
      %max3A_231 = arith.constant 0 : i32
      %max3A_232 = vector.broadcast %max3A_231 : i32 to vector<16xi32>
      %max3A_233 = arith.maxsi %sub3A_230, %max3A_232 : vector<16xi32>
      %ge3A_234 = arith.constant 8 : i32
      %ge3A_235 = vector.broadcast %ge3A_234 : i32 to vector<16xi32>
      %ge3A_236 = arith.cmpi sge, %iota3A, %ge3A_235 : vector<16xi32>
      %broadcast_in_dim3A_237 = vector.shape_cast %max3A_233 : vector<16xi32> to vector<16x1xi32>
      %gather3A_238 = vector.shape_cast %broadcast_in_dim3A_237 : vector<16x1xi32> to vector<16xi32>
      %gather3A_239 = tpu.dynamic_gather %masked_sort3A_166[%gather3A_238] in [0] : vector<16xi32>, vector<16xi32> -> vector<16xi32>
      %eq3A_240 = arith.cmpi eq, %gather3A_239, %masked_sort3A_166 : vector<16xi32>
      %and3A_241 = arith.andi %ge3A_236, %eq3A_240 : vector<16xi1>
      %broadcast_in_dim3A_242 = vector.shape_cast %max3A_233 : vector<16xi32> to vector<16x1xi32>
      %gather3A_243 = vector.shape_cast %broadcast_in_dim3A_242 : vector<16x1xi32> to vector<16xi32>
      %gather3A_244 = tpu.dynamic_gather %add3A_227[%gather3A_243] in [0] : vector<16xf32>, vector<16xi32> -> vector<16xf32>
      %broadcast_in_dim3A_245 = arith.constant 0.000000e+00 : f32
      %broadcast_in_dim3A_246 = vector.broadcast %broadcast_in_dim3A_245 : f32 to vector<16xf32>
      %select_n3A_247 = arith.select %and3A_241, %gather3A_244, %broadcast_in_dim3A_246 : vector<16xi1>, vector<16xf32>
      %add3A_248 = arith.addf %add3A_227, %select_n3A_247 : vector<16xf32>
      %add3A_249 = arith.constant 1 : i32
      %add3A_250 = vector.broadcast %add3A_249 : i32 to vector<16xi32>
      %add3A_251 = arith.addi %iota3A, %add3A_250 : vector<16xi32>
      %min3A_252 = arith.constant 15 : i32
      %min3A_253 = vector.broadcast %min3A_252 : i32 to vector<16xi32>
      %min3A_254 = arith.minsi %add3A_251, %min3A_253 : vector<16xi32>
      %broadcast_in_dim3A_255 = vector.shape_cast %min3A_254 : vector<16xi32> to vector<16x1xi32>
      %gather3A_256 = vector.shape_cast %broadcast_in_dim3A_255 : vector<16x1xi32> to vector<16xi32>
      %gather3A_257 = tpu.dynamic_gather %masked_sort3A_166[%gather3A_256] in [0] : vector<16xi32>, vector<16xi32> -> vector<16xi32>
      %ne3A = arith.cmpi ne, %masked_sort3A_166, %gather3A_257 : vector<16xi32>
      %eq3A_258 = arith.constant 15 : i32
      %eq3A_259 = vector.broadcast %eq3A_258 : i32 to vector<16xi32>
      %eq3A_260 = arith.cmpi eq, %iota3A, %eq3A_259 : vector<16xi32>
      %or3A = arith.ori %ne3A, %eq3A_260 : vector<16xi1>
      %gather3A_261 = tpu.vector_load_idx %arg16[%masked_sort3A_166] : memref<10112xf32, #tpu.memory_space<vmem>>[vector<16xi32>], vector<16xf32>,
      %add3A_262 = arith.addf %gather3A_261, %add3A_248 : vector<16xf32>
      tpu.vector_store_idx %arg16[%masked_sort3A_166], %add3A_262 masked %or3A : memref<10112xf32, #tpu.memory_space<vmem>>[vector<16xi32>], vector<16xf32>, vector<16xi1>
      %add3A_263 = arith.constant 16 : i32
      %add3A_264 = arith.addi %mul3A_64, %add3A_263 : i32
      %add3A_265 = vector.broadcast %add3A_264 : i32 to vector<16xi32>
      %add3A_266 = arith.addi %add3A_265, %iota3A : vector<16xi32>
      %lt3A_267 = arith.constant 330000 : i32
      %lt3A_268 = vector.broadcast %lt3A_267 : i32 to vector<16xi32>
      %lt3A_269 = arith.cmpi slt, %add3A_266, %lt3A_268 : vector<16xi32>
      %get3A_270 = arith.constant 16 : index
      %get3A_271 = tpu.vector_load %arg15[%get3A_270] {strides = array<i32>} : memref<96xf32, #tpu.memory_space<vmem>>, vector<16xf32>,
      %mul3A_272 = arith.constant 1.44269502 : f32
      %mul3A_273 = vector.broadcast %mul3A_272 : f32 to vector<16xf32>
      %mul3A_274 = arith.mulf %get3A_271, %mul3A_273 : vector<16xf32>
      %ge3A_275 = arith.constant 0.000000e+00 : f32
      %ge3A_276 = vector.broadcast %ge3A_275 : f32 to vector<16xf32>
      %ge3A_277 = arith.cmpf oge, %mul3A_274, %ge3A_276 : vector<16xf32>
      %broadcast_in_dim3A_278 = arith.constant 5.000000e-01 : f32
      %broadcast_in_dim3A_279 = vector.broadcast %broadcast_in_dim3A_278 : f32 to vector<16xf32>
      %broadcast_in_dim3A_280 = arith.constant -5.000000e-01 : f32
      %broadcast_in_dim3A_281 = vector.broadcast %broadcast_in_dim3A_280 : f32 to vector<16xf32>
      %select_n3A_282 = arith.select %ge3A_277, %broadcast_in_dim3A_279, %broadcast_in_dim3A_281 : vector<16xi1>, vector<16xf32>
      %add3A_283 = arith.addf %mul3A_274, %select_n3A_282 : vector<16xf32>
      %convert_element_type3A_284 = arith.fptosi %add3A_283 : vector<16xf32> to vector<16xi32>
      %convert_element_type3A_285 = arith.sitofp %convert_element_type3A_284 : vector<16xi32> to vector<16xf32>
      %sub3A_286 = arith.subf %mul3A_274, %convert_element_type3A_285 : vector<16xf32>
      %mul3A_287 = arith.constant 0.693147182 : f32
      %mul3A_288 = vector.broadcast %mul3A_287 : f32 to vector<16xf32>
      %mul3A_289 = arith.mulf %sub3A_286, %mul3A_288 : vector<16xf32>
      %broadcast_in_dim3A_290 = arith.constant 0.00138888892 : f32
      %broadcast_in_dim3A_291 = vector.broadcast %broadcast_in_dim3A_290 : f32 to vector<16xf32>
      %mul3A_292 = arith.mulf %broadcast_in_dim3A_291, %mul3A_289 : vector<16xf32>
      %add3A_293 = arith.constant 0.00833333377 : f32
      %add3A_294 = vector.broadcast %add3A_293 : f32 to vector<16xf32>
      %add3A_295 = arith.addf %mul3A_292, %add3A_294 : vector<16xf32>
      %mul3A_296 = arith.mulf %add3A_295, %mul3A_289 : vector<16xf32>
      %add3A_297 = arith.constant 0.0416666679 : f32
      %add3A_298 = vector.broadcast %add3A_297 : f32 to vector<16xf32>
      %add3A_299 = arith.addf %mul3A_296, %add3A_298 : vector<16xf32>
      %mul3A_300 = arith.mulf %add3A_299, %mul3A_289 : vector<16xf32>
      %add3A_301 = arith.constant 0.166666672 : f32
      %add3A_302 = vector.broadcast %add3A_301 : f32 to vector<16xf32>
      %add3A_303 = arith.addf %mul3A_300, %add3A_302 : vector<16xf32>
      %mul3A_304 = arith.mulf %add3A_303, %mul3A_289 : vector<16xf32>
      %add3A_305 = arith.constant 5.000000e-01 : f32
      %add3A_306 = vector.broadcast %add3A_305 : f32 to vector<16xf32>
      %add3A_307 = arith.addf %mul3A_304, %add3A_306 : vector<16xf32>
      %mul3A_308 = arith.mulf %add3A_307, %mul3A_289 : vector<16xf32>
      %add3A_309 = arith.constant 1.000000e+00 : f32
      %add3A_310 = vector.broadcast %add3A_309 : f32 to vector<16xf32>
      %add3A_311 = arith.addf %mul3A_308, %add3A_310 : vector<16xf32>
      %mul3A_312 = arith.mulf %add3A_311, %mul3A_289 : vector<16xf32>
      %add3A_313 = arith.constant 1.000000e+00 : f32
      %add3A_314 = vector.broadcast %add3A_313 : f32 to vector<16xf32>
      %add3A_315 = arith.addf %mul3A_312, %add3A_314 : vector<16xf32>
      %jit3A_316 = arith.constant -126 : i32
      %jit3A_317 = arith.constant 127 : i32
      %max3A_318 = vector.broadcast %jit3A_316 : i32 to vector<16xi32>
      %max3A_319 = arith.maxsi %max3A_318, %convert_element_type3A_284 : vector<16xi32>
      %min3A_320 = vector.broadcast %jit3A_317 : i32 to vector<16xi32>
      %min3A_321 = arith.minsi %min3A_320, %max3A_319 : vector<16xi32>
      %add3A_322 = arith.constant 127 : i32
      %add3A_323 = vector.broadcast %add3A_322 : i32 to vector<16xi32>
      %add3A_324 = arith.addi %min3A_321, %add3A_323 : vector<16xi32>
      %shift_left3A_325 = arith.constant 23 : i32
      %shift_left3A_326 = vector.broadcast %shift_left3A_325 : i32 to vector<16xi32>
      %shift_left3A_327 = arith.shli %add3A_324, %shift_left3A_326 : vector<16xi32>
      %bitcast3A_328 = vector.bitcast %shift_left3A_327 : vector<16xi32> to vector<16xf32>
      %mul3A_329 = arith.mulf %add3A_315, %bitcast3A_328 : vector<16xf32>
      %broadcast_in_dim3A_330 = arith.constant 0.000000e+00 : f32
      %broadcast_in_dim3A_331 = vector.broadcast %broadcast_in_dim3A_330 : f32 to vector<16xf32>
      %select_n3A_332 = arith.select %lt3A_269, %mul3A_329, %broadcast_in_dim3A_331 : vector<16xi1>, vector<16xf32>
      %swap3A_333 = arith.constant 16 : index
      %swap3A_334 = tpu.vector_load %arg15[%swap3A_333] {strides = array<i32>} : memref<96xf32, #tpu.memory_space<vmem>>, vector<16xf32>,
      tpu.vector_store %arg15[%swap3A_333], %select_n3A_332 {strides = array<i32>} : memref<96xf32, #tpu.memory_space<vmem>>, vector<16xf32>,
      %get3A_335 = arith.constant 16 : index
      %get3A_336 = tpu.vector_load %arg11[%get3A_335] {strides = array<i32>} : memref<96xi32, #tpu.memory_space<vmem>>, vector<16xi32>,
      %masked_sort3A_337 = arith.constant dense<true> : vector<16xi1>
      %masked_sort3A_338 = arith.constant -2147483648 : i32
      %masked_sort3A_339 = vector.broadcast %masked_sort3A_338 : i32 to vector<16xi32>
      %masked_sort3A_340 = arith.xori %get3A_336, %masked_sort3A_339 : vector<16xi32>
      %masked_sort3A_341, %masked_sort3A_342, %masked_sort3A_343 = tpu.sort %masked_sort3A_340, %select_n3A_332 masked %masked_sort3A_337 : (vector<16xi32>, vector<16xf32>, vector<16xi1>) -> (vector<16xi1>, vector<16xi32>, vector<16xf32>)
      %masked_sort3A_344 = arith.xori %masked_sort3A_342, %masked_sort3A_339 : vector<16xi32>
      %sub3A_345 = arith.constant 1 : i32
      %sub3A_346 = vector.broadcast %sub3A_345 : i32 to vector<16xi32>
      %sub3A_347 = arith.subi %iota3A, %sub3A_346 : vector<16xi32>
      %max3A_348 = arith.constant 0 : i32
      %max3A_349 = vector.broadcast %max3A_348 : i32 to vector<16xi32>
      %max3A_350 = arith.maxsi %sub3A_347, %max3A_349 : vector<16xi32>
      %ge3A_351 = arith.constant 1 : i32
      %ge3A_352 = vector.broadcast %ge3A_351 : i32 to vector<16xi32>
      %ge3A_353 = arith.cmpi sge, %iota3A, %ge3A_352 : vector<16xi32>
      %broadcast_in_dim3A_354 = vector.shape_cast %max3A_350 : vector<16xi32> to vector<16x1xi32>
      %gather3A_355 = vector.shape_cast %broadcast_in_dim3A_354 : vector<16x1xi32> to vector<16xi32>
      %gather3A_356 = tpu.dynamic_gather %masked_sort3A_344[%gather3A_355] in [0] : vector<16xi32>, vector<16xi32> -> vector<16xi32>
      %eq3A_357 = arith.cmpi eq, %gather3A_356, %masked_sort3A_344 : vector<16xi32>
      %and3A_358 = arith.andi %ge3A_353, %eq3A_357 : vector<16xi1>
      %broadcast_in_dim3A_359 = vector.shape_cast %max3A_350 : vector<16xi32> to vector<16x1xi32>
      %gather3A_360 = vector.shape_cast %broadcast_in_dim3A_359 : vector<16x1xi32> to vector<16xi32>
      %gather3A_361 = tpu.dynamic_gather %masked_sort3A_343[%gather3A_360] in [0] : vector<16xf32>, vector<16xi32> -> vector<16xf32>
      %broadcast_in_dim3A_362 = arith.constant 0.000000e+00 : f32
      %broadcast_in_dim3A_363 = vector.broadcast %broadcast_in_dim3A_362 : f32 to vector<16xf32>
      %select_n3A_364 = arith.select %and3A_358, %gather3A_361, %broadcast_in_dim3A_363 : vector<16xi1>, vector<16xf32>
      %add3A_365 = arith.addf %masked_sort3A_343, %select_n3A_364 : vector<16xf32>
      %sub3A_366 = arith.constant 2 : i32
      %sub3A_367 = vector.broadcast %sub3A_366 : i32 to vector<16xi32>
      %sub3A_368 = arith.subi %iota3A, %sub3A_367 : vector<16xi32>
      %max3A_369 = arith.constant 0 : i32
      %max3A_370 = vector.broadcast %max3A_369 : i32 to vector<16xi32>
      %max3A_371 = arith.maxsi %sub3A_368, %max3A_370 : vector<16xi32>
      %ge3A_372 = arith.constant 2 : i32
      %ge3A_373 = vector.broadcast %ge3A_372 : i32 to vector<16xi32>
      %ge3A_374 = arith.cmpi sge, %iota3A, %ge3A_373 : vector<16xi32>
      %broadcast_in_dim3A_375 = vector.shape_cast %max3A_371 : vector<16xi32> to vector<16x1xi32>
      %gather3A_376 = vector.shape_cast %broadcast_in_dim3A_375 : vector<16x1xi32> to vector<16xi32>
      %gather3A_377 = tpu.dynamic_gather %masked_sort3A_344[%gather3A_376] in [0] : vector<16xi32>, vector<16xi32> -> vector<16xi32>
      %eq3A_378 = arith.cmpi eq, %gather3A_377, %masked_sort3A_344 : vector<16xi32>
      %and3A_379 = arith.andi %ge3A_374, %eq3A_378 : vector<16xi1>
      %broadcast_in_dim3A_380 = vector.shape_cast %max3A_371 : vector<16xi32> to vector<16x1xi32>
      %gather3A_381 = vector.shape_cast %broadcast_in_dim3A_380 : vector<16x1xi32> to vector<16xi32>
      %gather3A_382 = tpu.dynamic_gather %add3A_365[%gather3A_381] in [0] : vector<16xf32>, vector<16xi32> -> vector<16xf32>
      %broadcast_in_dim3A_383 = arith.constant 0.000000e+00 : f32
      %broadcast_in_dim3A_384 = vector.broadcast %broadcast_in_dim3A_383 : f32 to vector<16xf32>
      %select_n3A_385 = arith.select %and3A_379, %gather3A_382, %broadcast_in_dim3A_384 : vector<16xi1>, vector<16xf32>
      %add3A_386 = arith.addf %add3A_365, %select_n3A_385 : vector<16xf32>
      %sub3A_387 = arith.constant 4 : i32
      %sub3A_388 = vector.broadcast %sub3A_387 : i32 to vector<16xi32>
      %sub3A_389 = arith.subi %iota3A, %sub3A_388 : vector<16xi32>
      %max3A_390 = arith.constant 0 : i32
      %max3A_391 = vector.broadcast %max3A_390 : i32 to vector<16xi32>
      %max3A_392 = arith.maxsi %sub3A_389, %max3A_391 : vector<16xi32>
      %ge3A_393 = arith.constant 4 : i32
      %ge3A_394 = vector.broadcast %ge3A_393 : i32 to vector<16xi32>
      %ge3A_395 = arith.cmpi sge, %iota3A, %ge3A_394 : vector<16xi32>
      %broadcast_in_dim3A_396 = vector.shape_cast %max3A_392 : vector<16xi32> to vector<16x1xi32>
      %gather3A_397 = vector.shape_cast %broadcast_in_dim3A_396 : vector<16x1xi32> to vector<16xi32>
      %gather3A_398 = tpu.dynamic_gather %masked_sort3A_344[%gather3A_397] in [0] : vector<16xi32>, vector<16xi32> -> vector<16xi32>
      %eq3A_399 = arith.cmpi eq, %gather3A_398, %masked_sort3A_344 : vector<16xi32>
      %and3A_400 = arith.andi %ge3A_395, %eq3A_399 : vector<16xi1>
      %broadcast_in_dim3A_401 = vector.shape_cast %max3A_392 : vector<16xi32> to vector<16x1xi32>
      %gather3A_402 = vector.shape_cast %broadcast_in_dim3A_401 : vector<16x1xi32> to vector<16xi32>
      %gather3A_403 = tpu.dynamic_gather %add3A_386[%gather3A_402] in [0] : vector<16xf32>, vector<16xi32> -> vector<16xf32>
      %broadcast_in_dim3A_404 = arith.constant 0.000000e+00 : f32
      %broadcast_in_dim3A_405 = vector.broadcast %broadcast_in_dim3A_404 : f32 to vector<16xf32>
      %select_n3A_406 = arith.select %and3A_400, %gather3A_403, %broadcast_in_dim3A_405 : vector<16xi1>, vector<16xf32>
      %add3A_407 = arith.addf %add3A_386, %select_n3A_406 : vector<16xf32>
      %sub3A_408 = arith.constant 8 : i32
      %sub3A_409 = vector.broadcast %sub3A_408 : i32 to vector<16xi32>
      %sub3A_410 = arith.subi %iota3A, %sub3A_409 : vector<16xi32>
      %max3A_411 = arith.constant 0 : i32
      %max3A_412 = vector.broadcast %max3A_411 : i32 to vector<16xi32>
      %max3A_413 = arith.maxsi %sub3A_410, %max3A_412 : vector<16xi32>
      %ge3A_414 = arith.constant 8 : i32
      %ge3A_415 = vector.broadcast %ge3A_414 : i32 to vector<16xi32>
      %ge3A_416 = arith.cmpi sge, %iota3A, %ge3A_415 : vector<16xi32>
      %broadcast_in_dim3A_417 = vector.shape_cast %max3A_413 : vector<16xi32> to vector<16x1xi32>
      %gather3A_418 = vector.shape_cast %broadcast_in_dim3A_417 : vector<16x1xi32> to vector<16xi32>
      %gather3A_419 = tpu.dynamic_gather %masked_sort3A_344[%gather3A_418] in [0] : vector<16xi32>, vector<16xi32> -> vector<16xi32>
      %eq3A_420 = arith.cmpi eq, %gather3A_419, %masked_sort3A_344 : vector<16xi32>
      %and3A_421 = arith.andi %ge3A_416, %eq3A_420 : vector<16xi1>
      %broadcast_in_dim3A_422 = vector.shape_cast %max3A_413 : vector<16xi32> to vector<16x1xi32>
      %gather3A_423 = vector.shape_cast %broadcast_in_dim3A_422 : vector<16x1xi32> to vector<16xi32>
      %gather3A_424 = tpu.dynamic_gather %add3A_407[%gather3A_423] in [0] : vector<16xf32>, vector<16xi32> -> vector<16xf32>
      %broadcast_in_dim3A_425 = arith.constant 0.000000e+00 : f32
      %broadcast_in_dim3A_426 = vector.broadcast %broadcast_in_dim3A_425 : f32 to vector<16xf32>
      %select_n3A_427 = arith.select %and3A_421, %gather3A_424, %broadcast_in_dim3A_426 : vector<16xi1>, vector<16xf32>
      %add3A_428 = arith.addf %add3A_407, %select_n3A_427 : vector<16xf32>
      %add3A_429 = arith.constant 1 : i32
      %add3A_430 = vector.broadcast %add3A_429 : i32 to vector<16xi32>
      %add3A_431 = arith.addi %iota3A, %add3A_430 : vector<16xi32>
      %min3A_432 = arith.constant 15 : i32
      %min3A_433 = vector.broadcast %min3A_432 : i32 to vector<16xi32>
      %min3A_434 = arith.minsi %add3A_431, %min3A_433 : vector<16xi32>
      %broadcast_in_dim3A_435 = vector.shape_cast %min3A_434 : vector<16xi32> to vector<16x1xi32>
      %gather3A_436 = vector.shape_cast %broadcast_in_dim3A_435 : vector<16x1xi32> to vector<16xi32>
      %gather3A_437 = tpu.dynamic_gather %masked_sort3A_344[%gather3A_436] in [0] : vector<16xi32>, vector<16xi32> -> vector<16xi32>
      %ne3A_438 = arith.cmpi ne, %masked_sort3A_344, %gather3A_437 : vector<16xi32>
      %eq3A_439 = arith.constant 15 : i32
      %eq3A_440 = vector.broadcast %eq3A_439 : i32 to vector<16xi32>
      %eq3A_441 = arith.cmpi eq, %iota3A, %eq3A_440 : vector<16xi32>
      %or3A_442 = arith.ori %ne3A_438, %eq3A_441 : vector<16xi1>
      %gather3A_443 = tpu.vector_load_idx %arg16[%masked_sort3A_344] : memref<10112xf32, #tpu.memory_space<vmem>>[vector<16xi32>], vector<16xf32>,
      %add3A_444 = arith.addf %gather3A_443, %add3A_428 : vector<16xf32>
      tpu.vector_store_idx %arg16[%masked_sort3A_344], %add3A_444 masked %or3A_442 : memref<10112xf32, #tpu.memory_space<vmem>>[vector<16xi32>], vector<16xf32>, vector<16xi1>
      %add3A_445 = arith.constant 32 : i32
      %add3A_446 = arith.addi %mul3A_64, %add3A_445 : i32
      %add3A_447 = vector.broadcast %add3A_446 : i32 to vector<16xi32>
      %add3A_448 = arith.addi %add3A_447, %iota3A : vector<16xi32>
      %lt3A_449 = arith.constant 330000 : i32
      %lt3A_450 = vector.broadcast %lt3A_449 : i32 to vector<16xi32>
      %lt3A_451 = arith.cmpi slt, %add3A_448, %lt3A_450 : vector<16xi32>
      %get3A_452 = arith.constant 32 : index
      %get3A_453 = tpu.vector_load %arg15[%get3A_452] {strides = array<i32>} : memref<96xf32, #tpu.memory_space<vmem>>, vector<16xf32>,
      %mul3A_454 = arith.constant 1.44269502 : f32
      %mul3A_455 = vector.broadcast %mul3A_454 : f32 to vector<16xf32>
      %mul3A_456 = arith.mulf %get3A_453, %mul3A_455 : vector<16xf32>
      %ge3A_457 = arith.constant 0.000000e+00 : f32
      %ge3A_458 = vector.broadcast %ge3A_457 : f32 to vector<16xf32>
      %ge3A_459 = arith.cmpf oge, %mul3A_456, %ge3A_458 : vector<16xf32>
      %broadcast_in_dim3A_460 = arith.constant 5.000000e-01 : f32
      %broadcast_in_dim3A_461 = vector.broadcast %broadcast_in_dim3A_460 : f32 to vector<16xf32>
      %broadcast_in_dim3A_462 = arith.constant -5.000000e-01 : f32
      %broadcast_in_dim3A_463 = vector.broadcast %broadcast_in_dim3A_462 : f32 to vector<16xf32>
      %select_n3A_464 = arith.select %ge3A_459, %broadcast_in_dim3A_461, %broadcast_in_dim3A_463 : vector<16xi1>, vector<16xf32>
      %add3A_465 = arith.addf %mul3A_456, %select_n3A_464 : vector<16xf32>
      %convert_element_type3A_466 = arith.fptosi %add3A_465 : vector<16xf32> to vector<16xi32>
      %convert_element_type3A_467 = arith.sitofp %convert_element_type3A_466 : vector<16xi32> to vector<16xf32>
      %sub3A_468 = arith.subf %mul3A_456, %convert_element_type3A_467 : vector<16xf32>
      %mul3A_469 = arith.constant 0.693147182 : f32
      %mul3A_470 = vector.broadcast %mul3A_469 : f32 to vector<16xf32>
      %mul3A_471 = arith.mulf %sub3A_468, %mul3A_470 : vector<16xf32>
      %broadcast_in_dim3A_472 = arith.constant 0.00138888892 : f32
      %broadcast_in_dim3A_473 = vector.broadcast %broadcast_in_dim3A_472 : f32 to vector<16xf32>
      %mul3A_474 = arith.mulf %broadcast_in_dim3A_473, %mul3A_471 : vector<16xf32>
      %add3A_475 = arith.constant 0.00833333377 : f32
      %add3A_476 = vector.broadcast %add3A_475 : f32 to vector<16xf32>
      %add3A_477 = arith.addf %mul3A_474, %add3A_476 : vector<16xf32>
      %mul3A_478 = arith.mulf %add3A_477, %mul3A_471 : vector<16xf32>
      %add3A_479 = arith.constant 0.0416666679 : f32
      %add3A_480 = vector.broadcast %add3A_479 : f32 to vector<16xf32>
      %add3A_481 = arith.addf %mul3A_478, %add3A_480 : vector<16xf32>
      %mul3A_482 = arith.mulf %add3A_481, %mul3A_471 : vector<16xf32>
      %add3A_483 = arith.constant 0.166666672 : f32
      %add3A_484 = vector.broadcast %add3A_483 : f32 to vector<16xf32>
      %add3A_485 = arith.addf %mul3A_482, %add3A_484 : vector<16xf32>
      %mul3A_486 = arith.mulf %add3A_485, %mul3A_471 : vector<16xf32>
      %add3A_487 = arith.constant 5.000000e-01 : f32
      %add3A_488 = vector.broadcast %add3A_487 : f32 to vector<16xf32>
      %add3A_489 = arith.addf %mul3A_486, %add3A_488 : vector<16xf32>
      %mul3A_490 = arith.mulf %add3A_489, %mul3A_471 : vector<16xf32>
      %add3A_491 = arith.constant 1.000000e+00 : f32
      %add3A_492 = vector.broadcast %add3A_491 : f32 to vector<16xf32>
      %add3A_493 = arith.addf %mul3A_490, %add3A_492 : vector<16xf32>
      %mul3A_494 = arith.mulf %add3A_493, %mul3A_471 : vector<16xf32>
      %add3A_495 = arith.constant 1.000000e+00 : f32
      %add3A_496 = vector.broadcast %add3A_495 : f32 to vector<16xf32>
      %add3A_497 = arith.addf %mul3A_494, %add3A_496 : vector<16xf32>
      %jit3A_498 = arith.constant -126 : i32
      %jit3A_499 = arith.constant 127 : i32
      %max3A_500 = vector.broadcast %jit3A_498 : i32 to vector<16xi32>
      %max3A_501 = arith.maxsi %max3A_500, %convert_element_type3A_466 : vector<16xi32>
      %min3A_502 = vector.broadcast %jit3A_499 : i32 to vector<16xi32>
      %min3A_503 = arith.minsi %min3A_502, %max3A_501 : vector<16xi32>
      %add3A_504 = arith.constant 127 : i32
      %add3A_505 = vector.broadcast %add3A_504 : i32 to vector<16xi32>
      %add3A_506 = arith.addi %min3A_503, %add3A_505 : vector<16xi32>
      %shift_left3A_507 = arith.constant 23 : i32
      %shift_left3A_508 = vector.broadcast %shift_left3A_507 : i32 to vector<16xi32>
      %shift_left3A_509 = arith.shli %add3A_506, %shift_left3A_508 : vector<16xi32>
      %bitcast3A_510 = vector.bitcast %shift_left3A_509 : vector<16xi32> to vector<16xf32>
      %mul3A_511 = arith.mulf %add3A_497, %bitcast3A_510 : vector<16xf32>
      %broadcast_in_dim3A_512 = arith.constant 0.000000e+00 : f32
      %broadcast_in_dim3A_513 = vector.broadcast %broadcast_in_dim3A_512 : f32 to vector<16xf32>
      %select_n3A_514 = arith.select %lt3A_451, %mul3A_511, %broadcast_in_dim3A_513 : vector<16xi1>, vector<16xf32>
      %swap3A_515 = arith.constant 32 : index
      %swap3A_516 = tpu.vector_load %arg15[%swap3A_515] {strides = array<i32>} : memref<96xf32, #tpu.memory_space<vmem>>, vector<16xf32>,
      tpu.vector_store %arg15[%swap3A_515], %select_n3A_514 {strides = array<i32>} : memref<96xf32, #tpu.memory_space<vmem>>, vector<16xf32>,
      %get3A_517 = arith.constant 32 : index
      %get3A_518 = tpu.vector_load %arg11[%get3A_517] {strides = array<i32>} : memref<96xi32, #tpu.memory_space<vmem>>, vector<16xi32>,
      %masked_sort3A_519 = arith.constant dense<true> : vector<16xi1>
      %masked_sort3A_520 = arith.constant -2147483648 : i32
      %masked_sort3A_521 = vector.broadcast %masked_sort3A_520 : i32 to vector<16xi32>
      %masked_sort3A_522 = arith.xori %get3A_518, %masked_sort3A_521 : vector<16xi32>
      %masked_sort3A_523, %masked_sort3A_524, %masked_sort3A_525 = tpu.sort %masked_sort3A_522, %select_n3A_514 masked %masked_sort3A_519 : (vector<16xi32>, vector<16xf32>, vector<16xi1>) -> (vector<16xi1>, vector<16xi32>, vector<16xf32>)
      %masked_sort3A_526 = arith.xori %masked_sort3A_524, %masked_sort3A_521 : vector<16xi32>
      %sub3A_527 = arith.constant 1 : i32
      %sub3A_528 = vector.broadcast %sub3A_527 : i32 to vector<16xi32>
      %sub3A_529 = arith.subi %iota3A, %sub3A_528 : vector<16xi32>
      %max3A_530 = arith.constant 0 : i32
      %max3A_531 = vector.broadcast %max3A_530 : i32 to vector<16xi32>
      %max3A_532 = arith.maxsi %sub3A_529, %max3A_531 : vector<16xi32>
      %ge3A_533 = arith.constant 1 : i32
      %ge3A_534 = vector.broadcast %ge3A_533 : i32 to vector<16xi32>
      %ge3A_535 = arith.cmpi sge, %iota3A, %ge3A_534 : vector<16xi32>
      %broadcast_in_dim3A_536 = vector.shape_cast %max3A_532 : vector<16xi32> to vector<16x1xi32>
      %gather3A_537 = vector.shape_cast %broadcast_in_dim3A_536 : vector<16x1xi32> to vector<16xi32>
      %gather3A_538 = tpu.dynamic_gather %masked_sort3A_526[%gather3A_537] in [0] : vector<16xi32>, vector<16xi32> -> vector<16xi32>
      %eq3A_539 = arith.cmpi eq, %gather3A_538, %masked_sort3A_526 : vector<16xi32>
      %and3A_540 = arith.andi %ge3A_535, %eq3A_539 : vector<16xi1>
      %broadcast_in_dim3A_541 = vector.shape_cast %max3A_532 : vector<16xi32> to vector<16x1xi32>
      %gather3A_542 = vector.shape_cast %broadcast_in_dim3A_541 : vector<16x1xi32> to vector<16xi32>
      %gather3A_543 = tpu.dynamic_gather %masked_sort3A_525[%gather3A_542] in [0] : vector<16xf32>, vector<16xi32> -> vector<16xf32>
      %broadcast_in_dim3A_544 = arith.constant 0.000000e+00 : f32
      %broadcast_in_dim3A_545 = vector.broadcast %broadcast_in_dim3A_544 : f32 to vector<16xf32>
      %select_n3A_546 = arith.select %and3A_540, %gather3A_543, %broadcast_in_dim3A_545 : vector<16xi1>, vector<16xf32>
      %add3A_547 = arith.addf %masked_sort3A_525, %select_n3A_546 : vector<16xf32>
      %sub3A_548 = arith.constant 2 : i32
      %sub3A_549 = vector.broadcast %sub3A_548 : i32 to vector<16xi32>
      %sub3A_550 = arith.subi %iota3A, %sub3A_549 : vector<16xi32>
      %max3A_551 = arith.constant 0 : i32
      %max3A_552 = vector.broadcast %max3A_551 : i32 to vector<16xi32>
      %max3A_553 = arith.maxsi %sub3A_550, %max3A_552 : vector<16xi32>
      %ge3A_554 = arith.constant 2 : i32
      %ge3A_555 = vector.broadcast %ge3A_554 : i32 to vector<16xi32>
      %ge3A_556 = arith.cmpi sge, %iota3A, %ge3A_555 : vector<16xi32>
      %broadcast_in_dim3A_557 = vector.shape_cast %max3A_553 : vector<16xi32> to vector<16x1xi32>
      %gather3A_558 = vector.shape_cast %broadcast_in_dim3A_557 : vector<16x1xi32> to vector<16xi32>
      %gather3A_559 = tpu.dynamic_gather %masked_sort3A_526[%gather3A_558] in [0] : vector<16xi32>, vector<16xi32> -> vector<16xi32>
      %eq3A_560 = arith.cmpi eq, %gather3A_559, %masked_sort3A_526 : vector<16xi32>
      %and3A_561 = arith.andi %ge3A_556, %eq3A_560 : vector<16xi1>
      %broadcast_in_dim3A_562 = vector.shape_cast %max3A_553 : vector<16xi32> to vector<16x1xi32>
      %gather3A_563 = vector.shape_cast %broadcast_in_dim3A_562 : vector<16x1xi32> to vector<16xi32>
      %gather3A_564 = tpu.dynamic_gather %add3A_547[%gather3A_563] in [0] : vector<16xf32>, vector<16xi32> -> vector<16xf32>
      %broadcast_in_dim3A_565 = arith.constant 0.000000e+00 : f32
      %broadcast_in_dim3A_566 = vector.broadcast %broadcast_in_dim3A_565 : f32 to vector<16xf32>
      %select_n3A_567 = arith.select %and3A_561, %gather3A_564, %broadcast_in_dim3A_566 : vector<16xi1>, vector<16xf32>
      %add3A_568 = arith.addf %add3A_547, %select_n3A_567 : vector<16xf32>
      %sub3A_569 = arith.constant 4 : i32
      %sub3A_570 = vector.broadcast %sub3A_569 : i32 to vector<16xi32>
      %sub3A_571 = arith.subi %iota3A, %sub3A_570 : vector<16xi32>
      %max3A_572 = arith.constant 0 : i32
      %max3A_573 = vector.broadcast %max3A_572 : i32 to vector<16xi32>
      %max3A_574 = arith.maxsi %sub3A_571, %max3A_573 : vector<16xi32>
      %ge3A_575 = arith.constant 4 : i32
      %ge3A_576 = vector.broadcast %ge3A_575 : i32 to vector<16xi32>
      %ge3A_577 = arith.cmpi sge, %iota3A, %ge3A_576 : vector<16xi32>
      %broadcast_in_dim3A_578 = vector.shape_cast %max3A_574 : vector<16xi32> to vector<16x1xi32>
      %gather3A_579 = vector.shape_cast %broadcast_in_dim3A_578 : vector<16x1xi32> to vector<16xi32>
      %gather3A_580 = tpu.dynamic_gather %masked_sort3A_526[%gather3A_579] in [0] : vector<16xi32>, vector<16xi32> -> vector<16xi32>
      %eq3A_581 = arith.cmpi eq, %gather3A_580, %masked_sort3A_526 : vector<16xi32>
      %and3A_582 = arith.andi %ge3A_577, %eq3A_581 : vector<16xi1>
      %broadcast_in_dim3A_583 = vector.shape_cast %max3A_574 : vector<16xi32> to vector<16x1xi32>
      %gather3A_584 = vector.shape_cast %broadcast_in_dim3A_583 : vector<16x1xi32> to vector<16xi32>
      %gather3A_585 = tpu.dynamic_gather %add3A_568[%gather3A_584] in [0] : vector<16xf32>, vector<16xi32> -> vector<16xf32>
      %broadcast_in_dim3A_586 = arith.constant 0.000000e+00 : f32
      %broadcast_in_dim3A_587 = vector.broadcast %broadcast_in_dim3A_586 : f32 to vector<16xf32>
      %select_n3A_588 = arith.select %and3A_582, %gather3A_585, %broadcast_in_dim3A_587 : vector<16xi1>, vector<16xf32>
      %add3A_589 = arith.addf %add3A_568, %select_n3A_588 : vector<16xf32>
      %sub3A_590 = arith.constant 8 : i32
      %sub3A_591 = vector.broadcast %sub3A_590 : i32 to vector<16xi32>
      %sub3A_592 = arith.subi %iota3A, %sub3A_591 : vector<16xi32>
      %max3A_593 = arith.constant 0 : i32
      %max3A_594 = vector.broadcast %max3A_593 : i32 to vector<16xi32>
      %max3A_595 = arith.maxsi %sub3A_592, %max3A_594 : vector<16xi32>
      %ge3A_596 = arith.constant 8 : i32
      %ge3A_597 = vector.broadcast %ge3A_596 : i32 to vector<16xi32>
      %ge3A_598 = arith.cmpi sge, %iota3A, %ge3A_597 : vector<16xi32>
      %broadcast_in_dim3A_599 = vector.shape_cast %max3A_595 : vector<16xi32> to vector<16x1xi32>
      %gather3A_600 = vector.shape_cast %broadcast_in_dim3A_599 : vector<16x1xi32> to vector<16xi32>
      %gather3A_601 = tpu.dynamic_gather %masked_sort3A_526[%gather3A_600] in [0] : vector<16xi32>, vector<16xi32> -> vector<16xi32>
      %eq3A_602 = arith.cmpi eq, %gather3A_601, %masked_sort3A_526 : vector<16xi32>
      %and3A_603 = arith.andi %ge3A_598, %eq3A_602 : vector<16xi1>
      %broadcast_in_dim3A_604 = vector.shape_cast %max3A_595 : vector<16xi32> to vector<16x1xi32>
      %gather3A_605 = vector.shape_cast %broadcast_in_dim3A_604 : vector<16x1xi32> to vector<16xi32>
      %gather3A_606 = tpu.dynamic_gather %add3A_589[%gather3A_605] in [0] : vector<16xf32>, vector<16xi32> -> vector<16xf32>
      %broadcast_in_dim3A_607 = arith.constant 0.000000e+00 : f32
      %broadcast_in_dim3A_608 = vector.broadcast %broadcast_in_dim3A_607 : f32 to vector<16xf32>
      %select_n3A_609 = arith.select %and3A_603, %gather3A_606, %broadcast_in_dim3A_608 : vector<16xi1>, vector<16xf32>
      %add3A_610 = arith.addf %add3A_589, %select_n3A_609 : vector<16xf32>
      %add3A_611 = arith.constant 1 : i32
      %add3A_612 = vector.broadcast %add3A_611 : i32 to vector<16xi32>
      %add3A_613 = arith.addi %iota3A, %add3A_612 : vector<16xi32>
      %min3A_614 = arith.constant 15 : i32
      %min3A_615 = vector.broadcast %min3A_614 : i32 to vector<16xi32>
      %min3A_616 = arith.minsi %add3A_613, %min3A_615 : vector<16xi32>
      %broadcast_in_dim3A_617 = vector.shape_cast %min3A_616 : vector<16xi32> to vector<16x1xi32>
      %gather3A_618 = vector.shape_cast %broadcast_in_dim3A_617 : vector<16x1xi32> to vector<16xi32>
      %gather3A_619 = tpu.dynamic_gather %masked_sort3A_526[%gather3A_618] in [0] : vector<16xi32>, vector<16xi32> -> vector<16xi32>
      %ne3A_620 = arith.cmpi ne, %masked_sort3A_526, %gather3A_619 : vector<16xi32>
      %eq3A_621 = arith.constant 15 : i32
      %eq3A_622 = vector.broadcast %eq3A_621 : i32 to vector<16xi32>
      %eq3A_623 = arith.cmpi eq, %iota3A, %eq3A_622 : vector<16xi32>
      %or3A_624 = arith.ori %ne3A_620, %eq3A_623 : vector<16xi1>
      %gather3A_625 = tpu.vector_load_idx %arg16[%masked_sort3A_526] : memref<10112xf32, #tpu.memory_space<vmem>>[vector<16xi32>], vector<16xf32>,
      %add3A_626 = arith.addf %gather3A_625, %add3A_610 : vector<16xf32>
      tpu.vector_store_idx %arg16[%masked_sort3A_526], %add3A_626 masked %or3A_624 : memref<10112xf32, #tpu.memory_space<vmem>>[vector<16xi32>], vector<16xf32>, vector<16xi1>
      %add3A_627 = arith.constant 48 : i32
      %add3A_628 = arith.addi %mul3A_64, %add3A_627 : i32
      %add3A_629 = vector.broadcast %add3A_628 : i32 to vector<16xi32>
      %add3A_630 = arith.addi %add3A_629, %iota3A : vector<16xi32>
      %lt3A_631 = arith.constant 330000 : i32
      %lt3A_632 = vector.broadcast %lt3A_631 : i32 to vector<16xi32>
      %lt3A_633 = arith.cmpi slt, %add3A_630, %lt3A_632 : vector<16xi32>
      %get3A_634 = arith.constant 48 : index
      %get3A_635 = tpu.vector_load %arg15[%get3A_634] {strides = array<i32>} : memref<96xf32, #tpu.memory_space<vmem>>, vector<16xf32>,
      %mul3A_636 = arith.constant 1.44269502 : f32
      %mul3A_637 = vector.broadcast %mul3A_636 : f32 to vector<16xf32>
      %mul3A_638 = arith.mulf %get3A_635, %mul3A_637 : vector<16xf32>
      %ge3A_639 = arith.constant 0.000000e+00 : f32
      %ge3A_640 = vector.broadcast %ge3A_639 : f32 to vector<16xf32>
      %ge3A_641 = arith.cmpf oge, %mul3A_638, %ge3A_640 : vector<16xf32>
      %broadcast_in_dim3A_642 = arith.constant 5.000000e-01 : f32
      %broadcast_in_dim3A_643 = vector.broadcast %broadcast_in_dim3A_642 : f32 to vector<16xf32>
      %broadcast_in_dim3A_644 = arith.constant -5.000000e-01 : f32
      %broadcast_in_dim3A_645 = vector.broadcast %broadcast_in_dim3A_644 : f32 to vector<16xf32>
      %select_n3A_646 = arith.select %ge3A_641, %broadcast_in_dim3A_643, %broadcast_in_dim3A_645 : vector<16xi1>, vector<16xf32>
      %add3A_647 = arith.addf %mul3A_638, %select_n3A_646 : vector<16xf32>
      %convert_element_type3A_648 = arith.fptosi %add3A_647 : vector<16xf32> to vector<16xi32>
      %convert_element_type3A_649 = arith.sitofp %convert_element_type3A_648 : vector<16xi32> to vector<16xf32>
      %sub3A_650 = arith.subf %mul3A_638, %convert_element_type3A_649 : vector<16xf32>
      %mul3A_651 = arith.constant 0.693147182 : f32
      %mul3A_652 = vector.broadcast %mul3A_651 : f32 to vector<16xf32>
      %mul3A_653 = arith.mulf %sub3A_650, %mul3A_652 : vector<16xf32>
      %broadcast_in_dim3A_654 = arith.constant 0.00138888892 : f32
      %broadcast_in_dim3A_655 = vector.broadcast %broadcast_in_dim3A_654 : f32 to vector<16xf32>
      %mul3A_656 = arith.mulf %broadcast_in_dim3A_655, %mul3A_653 : vector<16xf32>
      %add3A_657 = arith.constant 0.00833333377 : f32
      %add3A_658 = vector.broadcast %add3A_657 : f32 to vector<16xf32>
      %add3A_659 = arith.addf %mul3A_656, %add3A_658 : vector<16xf32>
      %mul3A_660 = arith.mulf %add3A_659, %mul3A_653 : vector<16xf32>
      %add3A_661 = arith.constant 0.0416666679 : f32
      %add3A_662 = vector.broadcast %add3A_661 : f32 to vector<16xf32>
      %add3A_663 = arith.addf %mul3A_660, %add3A_662 : vector<16xf32>
      %mul3A_664 = arith.mulf %add3A_663, %mul3A_653 : vector<16xf32>
      %add3A_665 = arith.constant 0.166666672 : f32
      %add3A_666 = vector.broadcast %add3A_665 : f32 to vector<16xf32>
      %add3A_667 = arith.addf %mul3A_664, %add3A_666 : vector<16xf32>
      %mul3A_668 = arith.mulf %add3A_667, %mul3A_653 : vector<16xf32>
      %add3A_669 = arith.constant 5.000000e-01 : f32
      %add3A_670 = vector.broadcast %add3A_669 : f32 to vector<16xf32>
      %add3A_671 = arith.addf %mul3A_668, %add3A_670 : vector<16xf32>
      %mul3A_672 = arith.mulf %add3A_671, %mul3A_653 : vector<16xf32>
      %add3A_673 = arith.constant 1.000000e+00 : f32
      %add3A_674 = vector.broadcast %add3A_673 : f32 to vector<16xf32>
      %add3A_675 = arith.addf %mul3A_672, %add3A_674 : vector<16xf32>
      %mul3A_676 = arith.mulf %add3A_675, %mul3A_653 : vector<16xf32>
      %add3A_677 = arith.constant 1.000000e+00 : f32
      %add3A_678 = vector.broadcast %add3A_677 : f32 to vector<16xf32>
      %add3A_679 = arith.addf %mul3A_676, %add3A_678 : vector<16xf32>
      %jit3A_680 = arith.constant -126 : i32
      %jit3A_681 = arith.constant 127 : i32
      %max3A_682 = vector.broadcast %jit3A_680 : i32 to vector<16xi32>
      %max3A_683 = arith.maxsi %max3A_682, %convert_element_type3A_648 : vector<16xi32>
      %min3A_684 = vector.broadcast %jit3A_681 : i32 to vector<16xi32>
      %min3A_685 = arith.minsi %min3A_684, %max3A_683 : vector<16xi32>
      %add3A_686 = arith.constant 127 : i32
      %add3A_687 = vector.broadcast %add3A_686 : i32 to vector<16xi32>
      %add3A_688 = arith.addi %min3A_685, %add3A_687 : vector<16xi32>
      %shift_left3A_689 = arith.constant 23 : i32
      %shift_left3A_690 = vector.broadcast %shift_left3A_689 : i32 to vector<16xi32>
      %shift_left3A_691 = arith.shli %add3A_688, %shift_left3A_690 : vector<16xi32>
      %bitcast3A_692 = vector.bitcast %shift_left3A_691 : vector<16xi32> to vector<16xf32>
      %mul3A_693 = arith.mulf %add3A_679, %bitcast3A_692 : vector<16xf32>
      %broadcast_in_dim3A_694 = arith.constant 0.000000e+00 : f32
      %broadcast_in_dim3A_695 = vector.broadcast %broadcast_in_dim3A_694 : f32 to vector<16xf32>
      %select_n3A_696 = arith.select %lt3A_633, %mul3A_693, %broadcast_in_dim3A_695 : vector<16xi1>, vector<16xf32>
      %swap3A_697 = arith.constant 48 : index
      %swap3A_698 = tpu.vector_load %arg15[%swap3A_697] {strides = array<i32>} : memref<96xf32, #tpu.memory_space<vmem>>, vector<16xf32>,
      tpu.vector_store %arg15[%swap3A_697], %select_n3A_696 {strides = array<i32>} : memref<96xf32, #tpu.memory_space<vmem>>, vector<16xf32>,
      %get3A_699 = arith.constant 48 : index
      %get3A_700 = tpu.vector_load %arg11[%get3A_699] {strides = array<i32>} : memref<96xi32, #tpu.memory_space<vmem>>, vector<16xi32>,
      %masked_sort3A_701 = arith.constant dense<true> : vector<16xi1>
      %masked_sort3A_702 = arith.constant -2147483648 : i32
      %masked_sort3A_703 = vector.broadcast %masked_sort3A_702 : i32 to vector<16xi32>
      %masked_sort3A_704 = arith.xori %get3A_700, %masked_sort3A_703 : vector<16xi32>
      %masked_sort3A_705, %masked_sort3A_706, %masked_sort3A_707 = tpu.sort %masked_sort3A_704, %select_n3A_696 masked %masked_sort3A_701 : (vector<16xi32>, vector<16xf32>, vector<16xi1>) -> (vector<16xi1>, vector<16xi32>, vector<16xf32>)
      %masked_sort3A_708 = arith.xori %masked_sort3A_706, %masked_sort3A_703 : vector<16xi32>
      %sub3A_709 = arith.constant 1 : i32
      %sub3A_710 = vector.broadcast %sub3A_709 : i32 to vector<16xi32>
      %sub3A_711 = arith.subi %iota3A, %sub3A_710 : vector<16xi32>
      %max3A_712 = arith.constant 0 : i32
      %max3A_713 = vector.broadcast %max3A_712 : i32 to vector<16xi32>
      %max3A_714 = arith.maxsi %sub3A_711, %max3A_713 : vector<16xi32>
      %ge3A_715 = arith.constant 1 : i32
      %ge3A_716 = vector.broadcast %ge3A_715 : i32 to vector<16xi32>
      %ge3A_717 = arith.cmpi sge, %iota3A, %ge3A_716 : vector<16xi32>
      %broadcast_in_dim3A_718 = vector.shape_cast %max3A_714 : vector<16xi32> to vector<16x1xi32>
      %gather3A_719 = vector.shape_cast %broadcast_in_dim3A_718 : vector<16x1xi32> to vector<16xi32>
      %gather3A_720 = tpu.dynamic_gather %masked_sort3A_708[%gather3A_719] in [0] : vector<16xi32>, vector<16xi32> -> vector<16xi32>
      %eq3A_721 = arith.cmpi eq, %gather3A_720, %masked_sort3A_708 : vector<16xi32>
      %and3A_722 = arith.andi %ge3A_717, %eq3A_721 : vector<16xi1>
      %broadcast_in_dim3A_723 = vector.shape_cast %max3A_714 : vector<16xi32> to vector<16x1xi32>
      %gather3A_724 = vector.shape_cast %broadcast_in_dim3A_723 : vector<16x1xi32> to vector<16xi32>
      %gather3A_725 = tpu.dynamic_gather %masked_sort3A_707[%gather3A_724] in [0] : vector<16xf32>, vector<16xi32> -> vector<16xf32>
      %broadcast_in_dim3A_726 = arith.constant 0.000000e+00 : f32
      %broadcast_in_dim3A_727 = vector.broadcast %broadcast_in_dim3A_726 : f32 to vector<16xf32>
      %select_n3A_728 = arith.select %and3A_722, %gather3A_725, %broadcast_in_dim3A_727 : vector<16xi1>, vector<16xf32>
      %add3A_729 = arith.addf %masked_sort3A_707, %select_n3A_728 : vector<16xf32>
      %sub3A_730 = arith.constant 2 : i32
      %sub3A_731 = vector.broadcast %sub3A_730 : i32 to vector<16xi32>
      %sub3A_732 = arith.subi %iota3A, %sub3A_731 : vector<16xi32>
      %max3A_733 = arith.constant 0 : i32
      %max3A_734 = vector.broadcast %max3A_733 : i32 to vector<16xi32>
      %max3A_735 = arith.maxsi %sub3A_732, %max3A_734 : vector<16xi32>
      %ge3A_736 = arith.constant 2 : i32
      %ge3A_737 = vector.broadcast %ge3A_736 : i32 to vector<16xi32>
      %ge3A_738 = arith.cmpi sge, %iota3A, %ge3A_737 : vector<16xi32>
      %broadcast_in_dim3A_739 = vector.shape_cast %max3A_735 : vector<16xi32> to vector<16x1xi32>
      %gather3A_740 = vector.shape_cast %broadcast_in_dim3A_739 : vector<16x1xi32> to vector<16xi32>
      %gather3A_741 = tpu.dynamic_gather %masked_sort3A_708[%gather3A_740] in [0] : vector<16xi32>, vector<16xi32> -> vector<16xi32>
      %eq3A_742 = arith.cmpi eq, %gather3A_741, %masked_sort3A_708 : vector<16xi32>
      %and3A_743 = arith.andi %ge3A_738, %eq3A_742 : vector<16xi1>
      %broadcast_in_dim3A_744 = vector.shape_cast %max3A_735 : vector<16xi32> to vector<16x1xi32>
      %gather3A_745 = vector.shape_cast %broadcast_in_dim3A_744 : vector<16x1xi32> to vector<16xi32>
      %gather3A_746 = tpu.dynamic_gather %add3A_729[%gather3A_745] in [0] : vector<16xf32>, vector<16xi32> -> vector<16xf32>
      %broadcast_in_dim3A_747 = arith.constant 0.000000e+00 : f32
      %broadcast_in_dim3A_748 = vector.broadcast %broadcast_in_dim3A_747 : f32 to vector<16xf32>
      %select_n3A_749 = arith.select %and3A_743, %gather3A_746, %broadcast_in_dim3A_748 : vector<16xi1>, vector<16xf32>
      %add3A_750 = arith.addf %add3A_729, %select_n3A_749 : vector<16xf32>
      %sub3A_751 = arith.constant 4 : i32
      %sub3A_752 = vector.broadcast %sub3A_751 : i32 to vector<16xi32>
      %sub3A_753 = arith.subi %iota3A, %sub3A_752 : vector<16xi32>
      %max3A_754 = arith.constant 0 : i32
      %max3A_755 = vector.broadcast %max3A_754 : i32 to vector<16xi32>
      %max3A_756 = arith.maxsi %sub3A_753, %max3A_755 : vector<16xi32>
      %ge3A_757 = arith.constant 4 : i32
      %ge3A_758 = vector.broadcast %ge3A_757 : i32 to vector<16xi32>
      %ge3A_759 = arith.cmpi sge, %iota3A, %ge3A_758 : vector<16xi32>
      %broadcast_in_dim3A_760 = vector.shape_cast %max3A_756 : vector<16xi32> to vector<16x1xi32>
      %gather3A_761 = vector.shape_cast %broadcast_in_dim3A_760 : vector<16x1xi32> to vector<16xi32>
      %gather3A_762 = tpu.dynamic_gather %masked_sort3A_708[%gather3A_761] in [0] : vector<16xi32>, vector<16xi32> -> vector<16xi32>
      %eq3A_763 = arith.cmpi eq, %gather3A_762, %masked_sort3A_708 : vector<16xi32>
      %and3A_764 = arith.andi %ge3A_759, %eq3A_763 : vector<16xi1>
      %broadcast_in_dim3A_765 = vector.shape_cast %max3A_756 : vector<16xi32> to vector<16x1xi32>
      %gather3A_766 = vector.shape_cast %broadcast_in_dim3A_765 : vector<16x1xi32> to vector<16xi32>
      %gather3A_767 = tpu.dynamic_gather %add3A_750[%gather3A_766] in [0] : vector<16xf32>, vector<16xi32> -> vector<16xf32>
      %broadcast_in_dim3A_768 = arith.constant 0.000000e+00 : f32
      %broadcast_in_dim3A_769 = vector.broadcast %broadcast_in_dim3A_768 : f32 to vector<16xf32>
      %select_n3A_770 = arith.select %and3A_764, %gather3A_767, %broadcast_in_dim3A_769 : vector<16xi1>, vector<16xf32>
      %add3A_771 = arith.addf %add3A_750, %select_n3A_770 : vector<16xf32>
      %sub3A_772 = arith.constant 8 : i32
      %sub3A_773 = vector.broadcast %sub3A_772 : i32 to vector<16xi32>
      %sub3A_774 = arith.subi %iota3A, %sub3A_773 : vector<16xi32>
      %max3A_775 = arith.constant 0 : i32
      %max3A_776 = vector.broadcast %max3A_775 : i32 to vector<16xi32>
      %max3A_777 = arith.maxsi %sub3A_774, %max3A_776 : vector<16xi32>
      %ge3A_778 = arith.constant 8 : i32
      %ge3A_779 = vector.broadcast %ge3A_778 : i32 to vector<16xi32>
      %ge3A_780 = arith.cmpi sge, %iota3A, %ge3A_779 : vector<16xi32>
      %broadcast_in_dim3A_781 = vector.shape_cast %max3A_777 : vector<16xi32> to vector<16x1xi32>
      %gather3A_782 = vector.shape_cast %broadcast_in_dim3A_781 : vector<16x1xi32> to vector<16xi32>
      %gather3A_783 = tpu.dynamic_gather %masked_sort3A_708[%gather3A_782] in [0] : vector<16xi32>, vector<16xi32> -> vector<16xi32>
      %eq3A_784 = arith.cmpi eq, %gather3A_783, %masked_sort3A_708 : vector<16xi32>
      %and3A_785 = arith.andi %ge3A_780, %eq3A_784 : vector<16xi1>
      %broadcast_in_dim3A_786 = vector.shape_cast %max3A_777 : vector<16xi32> to vector<16x1xi32>
      %gather3A_787 = vector.shape_cast %broadcast_in_dim3A_786 : vector<16x1xi32> to vector<16xi32>
      %gather3A_788 = tpu.dynamic_gather %add3A_771[%gather3A_787] in [0] : vector<16xf32>, vector<16xi32> -> vector<16xf32>
      %broadcast_in_dim3A_789 = arith.constant 0.000000e+00 : f32
      %broadcast_in_dim3A_790 = vector.broadcast %broadcast_in_dim3A_789 : f32 to vector<16xf32>
      %select_n3A_791 = arith.select %and3A_785, %gather3A_788, %broadcast_in_dim3A_790 : vector<16xi1>, vector<16xf32>
      %add3A_792 = arith.addf %add3A_771, %select_n3A_791 : vector<16xf32>
      %add3A_793 = arith.constant 1 : i32
      %add3A_794 = vector.broadcast %add3A_793 : i32 to vector<16xi32>
      %add3A_795 = arith.addi %iota3A, %add3A_794 : vector<16xi32>
      %min3A_796 = arith.constant 15 : i32
      %min3A_797 = vector.broadcast %min3A_796 : i32 to vector<16xi32>
      %min3A_798 = arith.minsi %add3A_795, %min3A_797 : vector<16xi32>
      %broadcast_in_dim3A_799 = vector.shape_cast %min3A_798 : vector<16xi32> to vector<16x1xi32>
      %gather3A_800 = vector.shape_cast %broadcast_in_dim3A_799 : vector<16x1xi32> to vector<16xi32>
      %gather3A_801 = tpu.dynamic_gather %masked_sort3A_708[%gather3A_800] in [0] : vector<16xi32>, vector<16xi32> -> vector<16xi32>
      %ne3A_802 = arith.cmpi ne, %masked_sort3A_708, %gather3A_801 : vector<16xi32>
      %eq3A_803 = arith.constant 15 : i32
      %eq3A_804 = vector.broadcast %eq3A_803 : i32 to vector<16xi32>
      %eq3A_805 = arith.cmpi eq, %iota3A, %eq3A_804 : vector<16xi32>
      %or3A_806 = arith.ori %ne3A_802, %eq3A_805 : vector<16xi1>
      %gather3A_807 = tpu.vector_load_idx %arg16[%masked_sort3A_708] : memref<10112xf32, #tpu.memory_space<vmem>>[vector<16xi32>], vector<16xf32>,
      %add3A_808 = arith.addf %gather3A_807, %add3A_792 : vector<16xf32>
      tpu.vector_store_idx %arg16[%masked_sort3A_708], %add3A_808 masked %or3A_806 : memref<10112xf32, #tpu.memory_space<vmem>>[vector<16xi32>], vector<16xf32>, vector<16xi1>
      %add3A_809 = arith.constant 64 : i32
      %add3A_810 = arith.addi %mul3A_64, %add3A_809 : i32
      %add3A_811 = vector.broadcast %add3A_810 : i32 to vector<16xi32>
      %add3A_812 = arith.addi %add3A_811, %iota3A : vector<16xi32>
      %lt3A_813 = arith.constant 330000 : i32
      %lt3A_814 = vector.broadcast %lt3A_813 : i32 to vector<16xi32>
      %lt3A_815 = arith.cmpi slt, %add3A_812, %lt3A_814 : vector<16xi32>
      %get3A_816 = arith.constant 64 : index
      %get3A_817 = tpu.vector_load %arg15[%get3A_816] {strides = array<i32>} : memref<96xf32, #tpu.memory_space<vmem>>, vector<16xf32>,
      %mul3A_818 = arith.constant 1.44269502 : f32
      %mul3A_819 = vector.broadcast %mul3A_818 : f32 to vector<16xf32>
      %mul3A_820 = arith.mulf %get3A_817, %mul3A_819 : vector<16xf32>
      %ge3A_821 = arith.constant 0.000000e+00 : f32
      %ge3A_822 = vector.broadcast %ge3A_821 : f32 to vector<16xf32>
      %ge3A_823 = arith.cmpf oge, %mul3A_820, %ge3A_822 : vector<16xf32>
      %broadcast_in_dim3A_824 = arith.constant 5.000000e-01 : f32
      %broadcast_in_dim3A_825 = vector.broadcast %broadcast_in_dim3A_824 : f32 to vector<16xf32>
      %broadcast_in_dim3A_826 = arith.constant -5.000000e-01 : f32
      %broadcast_in_dim3A_827 = vector.broadcast %broadcast_in_dim3A_826 : f32 to vector<16xf32>
      %select_n3A_828 = arith.select %ge3A_823, %broadcast_in_dim3A_825, %broadcast_in_dim3A_827 : vector<16xi1>, vector<16xf32>
      %add3A_829 = arith.addf %mul3A_820, %select_n3A_828 : vector<16xf32>
      %convert_element_type3A_830 = arith.fptosi %add3A_829 : vector<16xf32> to vector<16xi32>
      %convert_element_type3A_831 = arith.sitofp %convert_element_type3A_830 : vector<16xi32> to vector<16xf32>
      %sub3A_832 = arith.subf %mul3A_820, %convert_element_type3A_831 : vector<16xf32>
      %mul3A_833 = arith.constant 0.693147182 : f32
      %mul3A_834 = vector.broadcast %mul3A_833 : f32 to vector<16xf32>
      %mul3A_835 = arith.mulf %sub3A_832, %mul3A_834 : vector<16xf32>
      %broadcast_in_dim3A_836 = arith.constant 0.00138888892 : f32
      %broadcast_in_dim3A_837 = vector.broadcast %broadcast_in_dim3A_836 : f32 to vector<16xf32>
      %mul3A_838 = arith.mulf %broadcast_in_dim3A_837, %mul3A_835 : vector<16xf32>
      %add3A_839 = arith.constant 0.00833333377 : f32
      %add3A_840 = vector.broadcast %add3A_839 : f32 to vector<16xf32>
      %add3A_841 = arith.addf %mul3A_838, %add3A_840 : vector<16xf32>
      %mul3A_842 = arith.mulf %add3A_841, %mul3A_835 : vector<16xf32>
      %add3A_843 = arith.constant 0.0416666679 : f32
      %add3A_844 = vector.broadcast %add3A_843 : f32 to vector<16xf32>
      %add3A_845 = arith.addf %mul3A_842, %add3A_844 : vector<16xf32>
      %mul3A_846 = arith.mulf %add3A_845, %mul3A_835 : vector<16xf32>
      %add3A_847 = arith.constant 0.166666672 : f32
      %add3A_848 = vector.broadcast %add3A_847 : f32 to vector<16xf32>
      %add3A_849 = arith.addf %mul3A_846, %add3A_848 : vector<16xf32>
      %mul3A_850 = arith.mulf %add3A_849, %mul3A_835 : vector<16xf32>
      %add3A_851 = arith.constant 5.000000e-01 : f32
      %add3A_852 = vector.broadcast %add3A_851 : f32 to vector<16xf32>
      %add3A_853 = arith.addf %mul3A_850, %add3A_852 : vector<16xf32>
      %mul3A_854 = arith.mulf %add3A_853, %mul3A_835 : vector<16xf32>
      %add3A_855 = arith.constant 1.000000e+00 : f32
      %add3A_856 = vector.broadcast %add3A_855 : f32 to vector<16xf32>
      %add3A_857 = arith.addf %mul3A_854, %add3A_856 : vector<16xf32>
      %mul3A_858 = arith.mulf %add3A_857, %mul3A_835 : vector<16xf32>
      %add3A_859 = arith.constant 1.000000e+00 : f32
      %add3A_860 = vector.broadcast %add3A_859 : f32 to vector<16xf32>
      %add3A_861 = arith.addf %mul3A_858, %add3A_860 : vector<16xf32>
      %jit3A_862 = arith.constant -126 : i32
      %jit3A_863 = arith.constant 127 : i32
      %max3A_864 = vector.broadcast %jit3A_862 : i32 to vector<16xi32>
      %max3A_865 = arith.maxsi %max3A_864, %convert_element_type3A_830 : vector<16xi32>
      %min3A_866 = vector.broadcast %jit3A_863 : i32 to vector<16xi32>
      %min3A_867 = arith.minsi %min3A_866, %max3A_865 : vector<16xi32>
      %add3A_868 = arith.constant 127 : i32
      %add3A_869 = vector.broadcast %add3A_868 : i32 to vector<16xi32>
      %add3A_870 = arith.addi %min3A_867, %add3A_869 : vector<16xi32>
      %shift_left3A_871 = arith.constant 23 : i32
      %shift_left3A_872 = vector.broadcast %shift_left3A_871 : i32 to vector<16xi32>
      %shift_left3A_873 = arith.shli %add3A_870, %shift_left3A_872 : vector<16xi32>
      %bitcast3A_874 = vector.bitcast %shift_left3A_873 : vector<16xi32> to vector<16xf32>
      %mul3A_875 = arith.mulf %add3A_861, %bitcast3A_874 : vector<16xf32>
      %broadcast_in_dim3A_876 = arith.constant 0.000000e+00 : f32
      %broadcast_in_dim3A_877 = vector.broadcast %broadcast_in_dim3A_876 : f32 to vector<16xf32>
      %select_n3A_878 = arith.select %lt3A_815, %mul3A_875, %broadcast_in_dim3A_877 : vector<16xi1>, vector<16xf32>
      %swap3A_879 = arith.constant 64 : index
      %swap3A_880 = tpu.vector_load %arg15[%swap3A_879] {strides = array<i32>} : memref<96xf32, #tpu.memory_space<vmem>>, vector<16xf32>,
      tpu.vector_store %arg15[%swap3A_879], %select_n3A_878 {strides = array<i32>} : memref<96xf32, #tpu.memory_space<vmem>>, vector<16xf32>,
      %get3A_881 = arith.constant 64 : index
      %get3A_882 = tpu.vector_load %arg11[%get3A_881] {strides = array<i32>} : memref<96xi32, #tpu.memory_space<vmem>>, vector<16xi32>,
      %masked_sort3A_883 = arith.constant dense<true> : vector<16xi1>
      %masked_sort3A_884 = arith.constant -2147483648 : i32
      %masked_sort3A_885 = vector.broadcast %masked_sort3A_884 : i32 to vector<16xi32>
      %masked_sort3A_886 = arith.xori %get3A_882, %masked_sort3A_885 : vector<16xi32>
      %masked_sort3A_887, %masked_sort3A_888, %masked_sort3A_889 = tpu.sort %masked_sort3A_886, %select_n3A_878 masked %masked_sort3A_883 : (vector<16xi32>, vector<16xf32>, vector<16xi1>) -> (vector<16xi1>, vector<16xi32>, vector<16xf32>)
      %masked_sort3A_890 = arith.xori %masked_sort3A_888, %masked_sort3A_885 : vector<16xi32>
      %sub3A_891 = arith.constant 1 : i32
      %sub3A_892 = vector.broadcast %sub3A_891 : i32 to vector<16xi32>
      %sub3A_893 = arith.subi %iota3A, %sub3A_892 : vector<16xi32>
      %max3A_894 = arith.constant 0 : i32
      %max3A_895 = vector.broadcast %max3A_894 : i32 to vector<16xi32>
      %max3A_896 = arith.maxsi %sub3A_893, %max3A_895 : vector<16xi32>
      %ge3A_897 = arith.constant 1 : i32
      %ge3A_898 = vector.broadcast %ge3A_897 : i32 to vector<16xi32>
      %ge3A_899 = arith.cmpi sge, %iota3A, %ge3A_898 : vector<16xi32>
      %broadcast_in_dim3A_900 = vector.shape_cast %max3A_896 : vector<16xi32> to vector<16x1xi32>
      %gather3A_901 = vector.shape_cast %broadcast_in_dim3A_900 : vector<16x1xi32> to vector<16xi32>
      %gather3A_902 = tpu.dynamic_gather %masked_sort3A_890[%gather3A_901] in [0] : vector<16xi32>, vector<16xi32> -> vector<16xi32>
      %eq3A_903 = arith.cmpi eq, %gather3A_902, %masked_sort3A_890 : vector<16xi32>
      %and3A_904 = arith.andi %ge3A_899, %eq3A_903 : vector<16xi1>
      %broadcast_in_dim3A_905 = vector.shape_cast %max3A_896 : vector<16xi32> to vector<16x1xi32>
      %gather3A_906 = vector.shape_cast %broadcast_in_dim3A_905 : vector<16x1xi32> to vector<16xi32>
      %gather3A_907 = tpu.dynamic_gather %masked_sort3A_889[%gather3A_906] in [0] : vector<16xf32>, vector<16xi32> -> vector<16xf32>
      %broadcast_in_dim3A_908 = arith.constant 0.000000e+00 : f32
      %broadcast_in_dim3A_909 = vector.broadcast %broadcast_in_dim3A_908 : f32 to vector<16xf32>
      %select_n3A_910 = arith.select %and3A_904, %gather3A_907, %broadcast_in_dim3A_909 : vector<16xi1>, vector<16xf32>
      %add3A_911 = arith.addf %masked_sort3A_889, %select_n3A_910 : vector<16xf32>
      %sub3A_912 = arith.constant 2 : i32
      %sub3A_913 = vector.broadcast %sub3A_912 : i32 to vector<16xi32>
      %sub3A_914 = arith.subi %iota3A, %sub3A_913 : vector<16xi32>
      %max3A_915 = arith.constant 0 : i32
      %max3A_916 = vector.broadcast %max3A_915 : i32 to vector<16xi32>
      %max3A_917 = arith.maxsi %sub3A_914, %max3A_916 : vector<16xi32>
      %ge3A_918 = arith.constant 2 : i32
      %ge3A_919 = vector.broadcast %ge3A_918 : i32 to vector<16xi32>
      %ge3A_920 = arith.cmpi sge, %iota3A, %ge3A_919 : vector<16xi32>
      %broadcast_in_dim3A_921 = vector.shape_cast %max3A_917 : vector<16xi32> to vector<16x1xi32>
      %gather3A_922 = vector.shape_cast %broadcast_in_dim3A_921 : vector<16x1xi32> to vector<16xi32>
      %gather3A_923 = tpu.dynamic_gather %masked_sort3A_890[%gather3A_922] in [0] : vector<16xi32>, vector<16xi32> -> vector<16xi32>
      %eq3A_924 = arith.cmpi eq, %gather3A_923, %masked_sort3A_890 : vector<16xi32>
      %and3A_925 = arith.andi %ge3A_920, %eq3A_924 : vector<16xi1>
      %broadcast_in_dim3A_926 = vector.shape_cast %max3A_917 : vector<16xi32> to vector<16x1xi32>
      %gather3A_927 = vector.shape_cast %broadcast_in_dim3A_926 : vector<16x1xi32> to vector<16xi32>
      %gather3A_928 = tpu.dynamic_gather %add3A_911[%gather3A_927] in [0] : vector<16xf32>, vector<16xi32> -> vector<16xf32>
      %broadcast_in_dim3A_929 = arith.constant 0.000000e+00 : f32
      %broadcast_in_dim3A_930 = vector.broadcast %broadcast_in_dim3A_929 : f32 to vector<16xf32>
      %select_n3A_931 = arith.select %and3A_925, %gather3A_928, %broadcast_in_dim3A_930 : vector<16xi1>, vector<16xf32>
      %add3A_932 = arith.addf %add3A_911, %select_n3A_931 : vector<16xf32>
      %sub3A_933 = arith.constant 4 : i32
      %sub3A_934 = vector.broadcast %sub3A_933 : i32 to vector<16xi32>
      %sub3A_935 = arith.subi %iota3A, %sub3A_934 : vector<16xi32>
      %max3A_936 = arith.constant 0 : i32
      %max3A_937 = vector.broadcast %max3A_936 : i32 to vector<16xi32>
      %max3A_938 = arith.maxsi %sub3A_935, %max3A_937 : vector<16xi32>
      %ge3A_939 = arith.constant 4 : i32
      %ge3A_940 = vector.broadcast %ge3A_939 : i32 to vector<16xi32>
      %ge3A_941 = arith.cmpi sge, %iota3A, %ge3A_940 : vector<16xi32>
      %broadcast_in_dim3A_942 = vector.shape_cast %max3A_938 : vector<16xi32> to vector<16x1xi32>
      %gather3A_943 = vector.shape_cast %broadcast_in_dim3A_942 : vector<16x1xi32> to vector<16xi32>
      %gather3A_944 = tpu.dynamic_gather %masked_sort3A_890[%gather3A_943] in [0] : vector<16xi32>, vector<16xi32> -> vector<16xi32>
      %eq3A_945 = arith.cmpi eq, %gather3A_944, %masked_sort3A_890 : vector<16xi32>
      %and3A_946 = arith.andi %ge3A_941, %eq3A_945 : vector<16xi1>
      %broadcast_in_dim3A_947 = vector.shape_cast %max3A_938 : vector<16xi32> to vector<16x1xi32>
      %gather3A_948 = vector.shape_cast %broadcast_in_dim3A_947 : vector<16x1xi32> to vector<16xi32>
      %gather3A_949 = tpu.dynamic_gather %add3A_932[%gather3A_948] in [0] : vector<16xf32>, vector<16xi32> -> vector<16xf32>
      %broadcast_in_dim3A_950 = arith.constant 0.000000e+00 : f32
      %broadcast_in_dim3A_951 = vector.broadcast %broadcast_in_dim3A_950 : f32 to vector<16xf32>
      %select_n3A_952 = arith.select %and3A_946, %gather3A_949, %broadcast_in_dim3A_951 : vector<16xi1>, vector<16xf32>
      %add3A_953 = arith.addf %add3A_932, %select_n3A_952 : vector<16xf32>
      %sub3A_954 = arith.constant 8 : i32
      %sub3A_955 = vector.broadcast %sub3A_954 : i32 to vector<16xi32>
      %sub3A_956 = arith.subi %iota3A, %sub3A_955 : vector<16xi32>
      %max3A_957 = arith.constant 0 : i32
      %max3A_958 = vector.broadcast %max3A_957 : i32 to vector<16xi32>
      %max3A_959 = arith.maxsi %sub3A_956, %max3A_958 : vector<16xi32>
      %ge3A_960 = arith.constant 8 : i32
      %ge3A_961 = vector.broadcast %ge3A_960 : i32 to vector<16xi32>
      %ge3A_962 = arith.cmpi sge, %iota3A, %ge3A_961 : vector<16xi32>
      %broadcast_in_dim3A_963 = vector.shape_cast %max3A_959 : vector<16xi32> to vector<16x1xi32>
      %gather3A_964 = vector.shape_cast %broadcast_in_dim3A_963 : vector<16x1xi32> to vector<16xi32>
      %gather3A_965 = tpu.dynamic_gather %masked_sort3A_890[%gather3A_964] in [0] : vector<16xi32>, vector<16xi32> -> vector<16xi32>
      %eq3A_966 = arith.cmpi eq, %gather3A_965, %masked_sort3A_890 : vector<16xi32>
      %and3A_967 = arith.andi %ge3A_962, %eq3A_966 : vector<16xi1>
      %broadcast_in_dim3A_968 = vector.shape_cast %max3A_959 : vector<16xi32> to vector<16x1xi32>
      %gather3A_969 = vector.shape_cast %broadcast_in_dim3A_968 : vector<16x1xi32> to vector<16xi32>
      %gather3A_970 = tpu.dynamic_gather %add3A_953[%gather3A_969] in [0] : vector<16xf32>, vector<16xi32> -> vector<16xf32>
      %broadcast_in_dim3A_971 = arith.constant 0.000000e+00 : f32
      %broadcast_in_dim3A_972 = vector.broadcast %broadcast_in_dim3A_971 : f32 to vector<16xf32>
      %select_n3A_973 = arith.select %and3A_967, %gather3A_970, %broadcast_in_dim3A_972 : vector<16xi1>, vector<16xf32>
      %add3A_974 = arith.addf %add3A_953, %select_n3A_973 : vector<16xf32>
      %add3A_975 = arith.constant 1 : i32
      %add3A_976 = vector.broadcast %add3A_975 : i32 to vector<16xi32>
      %add3A_977 = arith.addi %iota3A, %add3A_976 : vector<16xi32>
      %min3A_978 = arith.constant 15 : i32
      %min3A_979 = vector.broadcast %min3A_978 : i32 to vector<16xi32>
      %min3A_980 = arith.minsi %add3A_977, %min3A_979 : vector<16xi32>
      %broadcast_in_dim3A_981 = vector.shape_cast %min3A_980 : vector<16xi32> to vector<16x1xi32>
      %gather3A_982 = vector.shape_cast %broadcast_in_dim3A_981 : vector<16x1xi32> to vector<16xi32>
      %gather3A_983 = tpu.dynamic_gather %masked_sort3A_890[%gather3A_982] in [0] : vector<16xi32>, vector<16xi32> -> vector<16xi32>
      %ne3A_984 = arith.cmpi ne, %masked_sort3A_890, %gather3A_983 : vector<16xi32>
      %eq3A_985 = arith.constant 15 : i32
      %eq3A_986 = vector.broadcast %eq3A_985 : i32 to vector<16xi32>
      %eq3A_987 = arith.cmpi eq, %iota3A, %eq3A_986 : vector<16xi32>
      %or3A_988 = arith.ori %ne3A_984, %eq3A_987 : vector<16xi1>
      %gather3A_989 = tpu.vector_load_idx %arg16[%masked_sort3A_890] : memref<10112xf32, #tpu.memory_space<vmem>>[vector<16xi32>], vector<16xf32>,
      %add3A_990 = arith.addf %gather3A_989, %add3A_974 : vector<16xf32>
      tpu.vector_store_idx %arg16[%masked_sort3A_890], %add3A_990 masked %or3A_988 : memref<10112xf32, #tpu.memory_space<vmem>>[vector<16xi32>], vector<16xf32>, vector<16xi1>
      %add3A_991 = arith.constant 80 : i32
      %add3A_992 = arith.addi %mul3A_64, %add3A_991 : i32
      %add3A_993 = vector.broadcast %add3A_992 : i32 to vector<16xi32>
      %add3A_994 = arith.addi %add3A_993, %iota3A : vector<16xi32>
      %lt3A_995 = arith.constant 330000 : i32
      %lt3A_996 = vector.broadcast %lt3A_995 : i32 to vector<16xi32>
      %lt3A_997 = arith.cmpi slt, %add3A_994, %lt3A_996 : vector<16xi32>
      %get3A_998 = arith.constant 80 : index
      %get3A_999 = tpu.vector_load %arg15[%get3A_998] {strides = array<i32>} : memref<96xf32, #tpu.memory_space<vmem>>, vector<16xf32>,
      %mul3A_1000 = arith.constant 1.44269502 : f32
      %mul3A_1001 = vector.broadcast %mul3A_1000 : f32 to vector<16xf32>
      %mul3A_1002 = arith.mulf %get3A_999, %mul3A_1001 : vector<16xf32>
      %ge3A_1003 = arith.constant 0.000000e+00 : f32
      %ge3A_1004 = vector.broadcast %ge3A_1003 : f32 to vector<16xf32>
      %ge3A_1005 = arith.cmpf oge, %mul3A_1002, %ge3A_1004 : vector<16xf32>
      %broadcast_in_dim3A_1006 = arith.constant 5.000000e-01 : f32
      %broadcast_in_dim3A_1007 = vector.broadcast %broadcast_in_dim3A_1006 : f32 to vector<16xf32>
      %broadcast_in_dim3A_1008 = arith.constant -5.000000e-01 : f32
      %broadcast_in_dim3A_1009 = vector.broadcast %broadcast_in_dim3A_1008 : f32 to vector<16xf32>
      %select_n3A_1010 = arith.select %ge3A_1005, %broadcast_in_dim3A_1007, %broadcast_in_dim3A_1009 : vector<16xi1>, vector<16xf32>
      %add3A_1011 = arith.addf %mul3A_1002, %select_n3A_1010 : vector<16xf32>
      %convert_element_type3A_1012 = arith.fptosi %add3A_1011 : vector<16xf32> to vector<16xi32>
      %convert_element_type3A_1013 = arith.sitofp %convert_element_type3A_1012 : vector<16xi32> to vector<16xf32>
      %sub3A_1014 = arith.subf %mul3A_1002, %convert_element_type3A_1013 : vector<16xf32>
      %mul3A_1015 = arith.constant 0.693147182 : f32
      %mul3A_1016 = vector.broadcast %mul3A_1015 : f32 to vector<16xf32>
      %mul3A_1017 = arith.mulf %sub3A_1014, %mul3A_1016 : vector<16xf32>
      %broadcast_in_dim3A_1018 = arith.constant 0.00138888892 : f32
      %broadcast_in_dim3A_1019 = vector.broadcast %broadcast_in_dim3A_1018 : f32 to vector<16xf32>
      %mul3A_1020 = arith.mulf %broadcast_in_dim3A_1019, %mul3A_1017 : vector<16xf32>
      %add3A_1021 = arith.constant 0.00833333377 : f32
      %add3A_1022 = vector.broadcast %add3A_1021 : f32 to vector<16xf32>
      %add3A_1023 = arith.addf %mul3A_1020, %add3A_1022 : vector<16xf32>
      %mul3A_1024 = arith.mulf %add3A_1023, %mul3A_1017 : vector<16xf32>
      %add3A_1025 = arith.constant 0.0416666679 : f32
      %add3A_1026 = vector.broadcast %add3A_1025 : f32 to vector<16xf32>
      %add3A_1027 = arith.addf %mul3A_1024, %add3A_1026 : vector<16xf32>
      %mul3A_1028 = arith.mulf %add3A_1027, %mul3A_1017 : vector<16xf32>
      %add3A_1029 = arith.constant 0.166666672 : f32
      %add3A_1030 = vector.broadcast %add3A_1029 : f32 to vector<16xf32>
      %add3A_1031 = arith.addf %mul3A_1028, %add3A_1030 : vector<16xf32>
      %mul3A_1032 = arith.mulf %add3A_1031, %mul3A_1017 : vector<16xf32>
      %add3A_1033 = arith.constant 5.000000e-01 : f32
      %add3A_1034 = vector.broadcast %add3A_1033 : f32 to vector<16xf32>
      %add3A_1035 = arith.addf %mul3A_1032, %add3A_1034 : vector<16xf32>
      %mul3A_1036 = arith.mulf %add3A_1035, %mul3A_1017 : vector<16xf32>
      %add3A_1037 = arith.constant 1.000000e+00 : f32
      %add3A_1038 = vector.broadcast %add3A_1037 : f32 to vector<16xf32>
      %add3A_1039 = arith.addf %mul3A_1036, %add3A_1038 : vector<16xf32>
      %mul3A_1040 = arith.mulf %add3A_1039, %mul3A_1017 : vector<16xf32>
      %add3A_1041 = arith.constant 1.000000e+00 : f32
      %add3A_1042 = vector.broadcast %add3A_1041 : f32 to vector<16xf32>
      %add3A_1043 = arith.addf %mul3A_1040, %add3A_1042 : vector<16xf32>
      %jit3A_1044 = arith.constant -126 : i32
      %jit3A_1045 = arith.constant 127 : i32
      %max3A_1046 = vector.broadcast %jit3A_1044 : i32 to vector<16xi32>
      %max3A_1047 = arith.maxsi %max3A_1046, %convert_element_type3A_1012 : vector<16xi32>
      %min3A_1048 = vector.broadcast %jit3A_1045 : i32 to vector<16xi32>
      %min3A_1049 = arith.minsi %min3A_1048, %max3A_1047 : vector<16xi32>
      %add3A_1050 = arith.constant 127 : i32
      %add3A_1051 = vector.broadcast %add3A_1050 : i32 to vector<16xi32>
      %add3A_1052 = arith.addi %min3A_1049, %add3A_1051 : vector<16xi32>
      %shift_left3A_1053 = arith.constant 23 : i32
      %shift_left3A_1054 = vector.broadcast %shift_left3A_1053 : i32 to vector<16xi32>
      %shift_left3A_1055 = arith.shli %add3A_1052, %shift_left3A_1054 : vector<16xi32>
      %bitcast3A_1056 = vector.bitcast %shift_left3A_1055 : vector<16xi32> to vector<16xf32>
      %mul3A_1057 = arith.mulf %add3A_1043, %bitcast3A_1056 : vector<16xf32>
      %broadcast_in_dim3A_1058 = arith.constant 0.000000e+00 : f32
      %broadcast_in_dim3A_1059 = vector.broadcast %broadcast_in_dim3A_1058 : f32 to vector<16xf32>
      %select_n3A_1060 = arith.select %lt3A_997, %mul3A_1057, %broadcast_in_dim3A_1059 : vector<16xi1>, vector<16xf32>
      %swap3A_1061 = arith.constant 80 : index
      %swap3A_1062 = tpu.vector_load %arg15[%swap3A_1061] {strides = array<i32>} : memref<96xf32, #tpu.memory_space<vmem>>, vector<16xf32>,
      tpu.vector_store %arg15[%swap3A_1061], %select_n3A_1060 {strides = array<i32>} : memref<96xf32, #tpu.memory_space<vmem>>, vector<16xf32>,
      %get3A_1063 = arith.constant 80 : index
      %get3A_1064 = tpu.vector_load %arg11[%get3A_1063] {strides = array<i32>} : memref<96xi32, #tpu.memory_space<vmem>>, vector<16xi32>,
      %masked_sort3A_1065 = arith.constant dense<true> : vector<16xi1>
      %masked_sort3A_1066 = arith.constant -2147483648 : i32
      %masked_sort3A_1067 = vector.broadcast %masked_sort3A_1066 : i32 to vector<16xi32>
      %masked_sort3A_1068 = arith.xori %get3A_1064, %masked_sort3A_1067 : vector<16xi32>
      %masked_sort3A_1069, %masked_sort3A_1070, %masked_sort3A_1071 = tpu.sort %masked_sort3A_1068, %select_n3A_1060 masked %masked_sort3A_1065 : (vector<16xi32>, vector<16xf32>, vector<16xi1>) -> (vector<16xi1>, vector<16xi32>, vector<16xf32>)
      %masked_sort3A_1072 = arith.xori %masked_sort3A_1070, %masked_sort3A_1067 : vector<16xi32>
      %sub3A_1073 = arith.constant 1 : i32
      %sub3A_1074 = vector.broadcast %sub3A_1073 : i32 to vector<16xi32>
      %sub3A_1075 = arith.subi %iota3A, %sub3A_1074 : vector<16xi32>
      %max3A_1076 = arith.constant 0 : i32
      %max3A_1077 = vector.broadcast %max3A_1076 : i32 to vector<16xi32>
      %max3A_1078 = arith.maxsi %sub3A_1075, %max3A_1077 : vector<16xi32>
      %ge3A_1079 = arith.constant 1 : i32
      %ge3A_1080 = vector.broadcast %ge3A_1079 : i32 to vector<16xi32>
      %ge3A_1081 = arith.cmpi sge, %iota3A, %ge3A_1080 : vector<16xi32>
      %broadcast_in_dim3A_1082 = vector.shape_cast %max3A_1078 : vector<16xi32> to vector<16x1xi32>
      %gather3A_1083 = vector.shape_cast %broadcast_in_dim3A_1082 : vector<16x1xi32> to vector<16xi32>
      %gather3A_1084 = tpu.dynamic_gather %masked_sort3A_1072[%gather3A_1083] in [0] : vector<16xi32>, vector<16xi32> -> vector<16xi32>
      %eq3A_1085 = arith.cmpi eq, %gather3A_1084, %masked_sort3A_1072 : vector<16xi32>
      %and3A_1086 = arith.andi %ge3A_1081, %eq3A_1085 : vector<16xi1>
      %broadcast_in_dim3A_1087 = vector.shape_cast %max3A_1078 : vector<16xi32> to vector<16x1xi32>
      %gather3A_1088 = vector.shape_cast %broadcast_in_dim3A_1087 : vector<16x1xi32> to vector<16xi32>
      %gather3A_1089 = tpu.dynamic_gather %masked_sort3A_1071[%gather3A_1088] in [0] : vector<16xf32>, vector<16xi32> -> vector<16xf32>
      %broadcast_in_dim3A_1090 = arith.constant 0.000000e+00 : f32
      %broadcast_in_dim3A_1091 = vector.broadcast %broadcast_in_dim3A_1090 : f32 to vector<16xf32>
      %select_n3A_1092 = arith.select %and3A_1086, %gather3A_1089, %broadcast_in_dim3A_1091 : vector<16xi1>, vector<16xf32>
      %add3A_1093 = arith.addf %masked_sort3A_1071, %select_n3A_1092 : vector<16xf32>
      %sub3A_1094 = arith.constant 2 : i32
      %sub3A_1095 = vector.broadcast %sub3A_1094 : i32 to vector<16xi32>
      %sub3A_1096 = arith.subi %iota3A, %sub3A_1095 : vector<16xi32>
      %max3A_1097 = arith.constant 0 : i32
      %max3A_1098 = vector.broadcast %max3A_1097 : i32 to vector<16xi32>
      %max3A_1099 = arith.maxsi %sub3A_1096, %max3A_1098 : vector<16xi32>
      %ge3A_1100 = arith.constant 2 : i32
      %ge3A_1101 = vector.broadcast %ge3A_1100 : i32 to vector<16xi32>
      %ge3A_1102 = arith.cmpi sge, %iota3A, %ge3A_1101 : vector<16xi32>
      %broadcast_in_dim3A_1103 = vector.shape_cast %max3A_1099 : vector<16xi32> to vector<16x1xi32>
      %gather3A_1104 = vector.shape_cast %broadcast_in_dim3A_1103 : vector<16x1xi32> to vector<16xi32>
      %gather3A_1105 = tpu.dynamic_gather %masked_sort3A_1072[%gather3A_1104] in [0] : vector<16xi32>, vector<16xi32> -> vector<16xi32>
      %eq3A_1106 = arith.cmpi eq, %gather3A_1105, %masked_sort3A_1072 : vector<16xi32>
      %and3A_1107 = arith.andi %ge3A_1102, %eq3A_1106 : vector<16xi1>
      %broadcast_in_dim3A_1108 = vector.shape_cast %max3A_1099 : vector<16xi32> to vector<16x1xi32>
      %gather3A_1109 = vector.shape_cast %broadcast_in_dim3A_1108 : vector<16x1xi32> to vector<16xi32>
      %gather3A_1110 = tpu.dynamic_gather %add3A_1093[%gather3A_1109] in [0] : vector<16xf32>, vector<16xi32> -> vector<16xf32>
      %broadcast_in_dim3A_1111 = arith.constant 0.000000e+00 : f32
      %broadcast_in_dim3A_1112 = vector.broadcast %broadcast_in_dim3A_1111 : f32 to vector<16xf32>
      %select_n3A_1113 = arith.select %and3A_1107, %gather3A_1110, %broadcast_in_dim3A_1112 : vector<16xi1>, vector<16xf32>
      %add3A_1114 = arith.addf %add3A_1093, %select_n3A_1113 : vector<16xf32>
      %sub3A_1115 = arith.constant 4 : i32
      %sub3A_1116 = vector.broadcast %sub3A_1115 : i32 to vector<16xi32>
      %sub3A_1117 = arith.subi %iota3A, %sub3A_1116 : vector<16xi32>
      %max3A_1118 = arith.constant 0 : i32
      %max3A_1119 = vector.broadcast %max3A_1118 : i32 to vector<16xi32>
      %max3A_1120 = arith.maxsi %sub3A_1117, %max3A_1119 : vector<16xi32>
      %ge3A_1121 = arith.constant 4 : i32
      %ge3A_1122 = vector.broadcast %ge3A_1121 : i32 to vector<16xi32>
      %ge3A_1123 = arith.cmpi sge, %iota3A, %ge3A_1122 : vector<16xi32>
      %broadcast_in_dim3A_1124 = vector.shape_cast %max3A_1120 : vector<16xi32> to vector<16x1xi32>
      %gather3A_1125 = vector.shape_cast %broadcast_in_dim3A_1124 : vector<16x1xi32> to vector<16xi32>
      %gather3A_1126 = tpu.dynamic_gather %masked_sort3A_1072[%gather3A_1125] in [0] : vector<16xi32>, vector<16xi32> -> vector<16xi32>
      %eq3A_1127 = arith.cmpi eq, %gather3A_1126, %masked_sort3A_1072 : vector<16xi32>
      %and3A_1128 = arith.andi %ge3A_1123, %eq3A_1127 : vector<16xi1>
      %broadcast_in_dim3A_1129 = vector.shape_cast %max3A_1120 : vector<16xi32> to vector<16x1xi32>
      %gather3A_1130 = vector.shape_cast %broadcast_in_dim3A_1129 : vector<16x1xi32> to vector<16xi32>
      %gather3A_1131 = tpu.dynamic_gather %add3A_1114[%gather3A_1130] in [0] : vector<16xf32>, vector<16xi32> -> vector<16xf32>
      %broadcast_in_dim3A_1132 = arith.constant 0.000000e+00 : f32
      %broadcast_in_dim3A_1133 = vector.broadcast %broadcast_in_dim3A_1132 : f32 to vector<16xf32>
      %select_n3A_1134 = arith.select %and3A_1128, %gather3A_1131, %broadcast_in_dim3A_1133 : vector<16xi1>, vector<16xf32>
      %add3A_1135 = arith.addf %add3A_1114, %select_n3A_1134 : vector<16xf32>
      %sub3A_1136 = arith.constant 8 : i32
      %sub3A_1137 = vector.broadcast %sub3A_1136 : i32 to vector<16xi32>
      %sub3A_1138 = arith.subi %iota3A, %sub3A_1137 : vector<16xi32>
      %max3A_1139 = arith.constant 0 : i32
      %max3A_1140 = vector.broadcast %max3A_1139 : i32 to vector<16xi32>
      %max3A_1141 = arith.maxsi %sub3A_1138, %max3A_1140 : vector<16xi32>
      %ge3A_1142 = arith.constant 8 : i32
      %ge3A_1143 = vector.broadcast %ge3A_1142 : i32 to vector<16xi32>
      %ge3A_1144 = arith.cmpi sge, %iota3A, %ge3A_1143 : vector<16xi32>
      %broadcast_in_dim3A_1145 = vector.shape_cast %max3A_1141 : vector<16xi32> to vector<16x1xi32>
      %gather3A_1146 = vector.shape_cast %broadcast_in_dim3A_1145 : vector<16x1xi32> to vector<16xi32>
      %gather3A_1147 = tpu.dynamic_gather %masked_sort3A_1072[%gather3A_1146] in [0] : vector<16xi32>, vector<16xi32> -> vector<16xi32>
      %eq3A_1148 = arith.cmpi eq, %gather3A_1147, %masked_sort3A_1072 : vector<16xi32>
      %and3A_1149 = arith.andi %ge3A_1144, %eq3A_1148 : vector<16xi1>
      %broadcast_in_dim3A_1150 = vector.shape_cast %max3A_1141 : vector<16xi32> to vector<16x1xi32>
      %gather3A_1151 = vector.shape_cast %broadcast_in_dim3A_1150 : vector<16x1xi32> to vector<16xi32>
      %gather3A_1152 = tpu.dynamic_gather %add3A_1135[%gather3A_1151] in [0] : vector<16xf32>, vector<16xi32> -> vector<16xf32>
      %broadcast_in_dim3A_1153 = arith.constant 0.000000e+00 : f32
      %broadcast_in_dim3A_1154 = vector.broadcast %broadcast_in_dim3A_1153 : f32 to vector<16xf32>
      %select_n3A_1155 = arith.select %and3A_1149, %gather3A_1152, %broadcast_in_dim3A_1154 : vector<16xi1>, vector<16xf32>
      %add3A_1156 = arith.addf %add3A_1135, %select_n3A_1155 : vector<16xf32>
      %add3A_1157 = arith.constant 1 : i32
      %add3A_1158 = vector.broadcast %add3A_1157 : i32 to vector<16xi32>
      %add3A_1159 = arith.addi %iota3A, %add3A_1158 : vector<16xi32>
      %min3A_1160 = arith.constant 15 : i32
      %min3A_1161 = vector.broadcast %min3A_1160 : i32 to vector<16xi32>
      %min3A_1162 = arith.minsi %add3A_1159, %min3A_1161 : vector<16xi32>
      %broadcast_in_dim3A_1163 = vector.shape_cast %min3A_1162 : vector<16xi32> to vector<16x1xi32>
      %gather3A_1164 = vector.shape_cast %broadcast_in_dim3A_1163 : vector<16x1xi32> to vector<16xi32>
      %gather3A_1165 = tpu.dynamic_gather %masked_sort3A_1072[%gather3A_1164] in [0] : vector<16xi32>, vector<16xi32> -> vector<16xi32>
      %ne3A_1166 = arith.cmpi ne, %masked_sort3A_1072, %gather3A_1165 : vector<16xi32>
      %eq3A_1167 = arith.constant 15 : i32
      %eq3A_1168 = vector.broadcast %eq3A_1167 : i32 to vector<16xi32>
      %eq3A_1169 = arith.cmpi eq, %iota3A, %eq3A_1168 : vector<16xi32>
      %or3A_1170 = arith.ori %ne3A_1166, %eq3A_1169 : vector<16xi1>
      %gather3A_1171 = tpu.vector_load_idx %arg16[%masked_sort3A_1072] : memref<10112xf32, #tpu.memory_space<vmem>>[vector<16xi32>], vector<16xf32>,
      %add3A_1172 = arith.addf %gather3A_1171, %add3A_1156 : vector<16xf32>
      tpu.vector_store_idx %arg16[%masked_sort3A_1072], %add3A_1172 masked %or3A_1170 : memref<10112xf32, #tpu.memory_space<vmem>>[vector<16xi32>], vector<16xf32>, vector<16xi1>
      %scan3A_1173 = arith.constant 0 : i32
      %scan3A_1174 = arith.constant 0 : i32
      %scan3A_1175 = arith.constant 96 : i32
      %scan3A_1176 = arith.addi %scan3A_1174, %scan3A_1175 : i32
      %scan3A_1177 = arith.constant 2 : i32
      %scan3A_1178 = scf.for %scan3A_1181 = %scan3A_1174 to %scan3A_1176 step %scan3A_1177 iter_args(%scan3A_1182 = %scan3A_1173) -> (i32)  : i32 {
        %broadcast_in_dim3A_1183 = vector.broadcast %scan3A_1181 : i32 to vector<16xi32>
        %gather3A_1184 = tpu.vector_load_idx %arg15[%broadcast_in_dim3A_1183] : memref<96xf32, #tpu.memory_space<vmem>>[vector<16xi32>], vector<16xf32>,
        %get3A_1185 = arith.index_cast %scan3A_1181 : i32 to index
        %get3A_1186 = arith.constant 0 : index
        %get3A_1187 = tpu.vector_load %arg12[%get3A_1185, %get3A_1186] {strides = array<i32>} : memref<96x128xf32, #tpu.memory_space<vmem>>, vector<16xf32>,
        %mul3A_1188 = arith.mulf %get3A_1187, %gather3A_1184 : vector<16xf32>
        %swap3A_1189 = arith.index_cast %scan3A_1181 : i32 to index
        %swap3A_1190 = arith.constant 0 : index
        %swap3A_1191 = tpu.vector_load %arg12[%swap3A_1189, %swap3A_1190] {strides = array<i32>} : memref<96x128xf32, #tpu.memory_space<vmem>>, vector<16xf32>,
        tpu.vector_store %arg12[%swap3A_1189, %swap3A_1190], %mul3A_1188 {strides = array<i32>} : memref<96x128xf32, #tpu.memory_space<vmem>>, vector<16xf32>,
        %get3A_1192 = arith.index_cast %scan3A_1181 : i32 to index
        %get3A_1193 = arith.constant 16 : index
        %get3A_1194 = tpu.vector_load %arg12[%get3A_1192, %get3A_1193] {strides = array<i32>} : memref<96x128xf32, #tpu.memory_space<vmem>>, vector<16xf32>,
        %mul3A_1195 = arith.mulf %get3A_1194, %gather3A_1184 : vector<16xf32>
        %swap3A_1196 = arith.index_cast %scan3A_1181 : i32 to index
        %swap3A_1197 = arith.constant 16 : index
        %swap3A_1198 = tpu.vector_load %arg12[%swap3A_1196, %swap3A_1197] {strides = array<i32>} : memref<96x128xf32, #tpu.memory_space<vmem>>, vector<16xf32>,
        tpu.vector_store %arg12[%swap3A_1196, %swap3A_1197], %mul3A_1195 {strides = array<i32>} : memref<96x128xf32, #tpu.memory_space<vmem>>, vector<16xf32>,
        %get3A_1199 = arith.index_cast %scan3A_1181 : i32 to index
        %get3A_1200 = arith.constant 32 : index
        %get3A_1201 = tpu.vector_load %arg12[%get3A_1199, %get3A_1200] {strides = array<i32>} : memref<96x128xf32, #tpu.memory_space<vmem>>, vector<16xf32>,
        %mul3A_1202 = arith.mulf %get3A_1201, %gather3A_1184 : vector<16xf32>
        %swap3A_1203 = arith.index_cast %scan3A_1181 : i32 to index
        %swap3A_1204 = arith.constant 32 : index
        %swap3A_1205 = tpu.vector_load %arg12[%swap3A_1203, %swap3A_1204] {strides = array<i32>} : memref<96x128xf32, #tpu.memory_space<vmem>>, vector<16xf32>,
        tpu.vector_store %arg12[%swap3A_1203, %swap3A_1204], %mul3A_1202 {strides = array<i32>} : memref<96x128xf32, #tpu.memory_space<vmem>>, vector<16xf32>,
        %get3A_1206 = arith.index_cast %scan3A_1181 : i32 to index
        %get3A_1207 = arith.constant 48 : index
        %get3A_1208 = tpu.vector_load %arg12[%get3A_1206, %get3A_1207] {strides = array<i32>} : memref<96x128xf32, #tpu.memory_space<vmem>>, vector<16xf32>,
        %mul3A_1209 = arith.mulf %get3A_1208, %gather3A_1184 : vector<16xf32>
        %swap3A_1210 = arith.index_cast %scan3A_1181 : i32 to index
        %swap3A_1211 = arith.constant 48 : index
        %swap3A_1212 = tpu.vector_load %arg12[%swap3A_1210, %swap3A_1211] {strides = array<i32>} : memref<96x128xf32, #tpu.memory_space<vmem>>, vector<16xf32>,
        tpu.vector_store %arg12[%swap3A_1210, %swap3A_1211], %mul3A_1209 {strides = array<i32>} : memref<96x128xf32, #tpu.memory_space<vmem>>, vector<16xf32>,
        %get3A_1213 = arith.index_cast %scan3A_1181 : i32 to index
        %get3A_1214 = arith.constant 64 : index
        %get3A_1215 = tpu.vector_load %arg12[%get3A_1213, %get3A_1214] {strides = array<i32>} : memref<96x128xf32, #tpu.memory_space<vmem>>, vector<16xf32>,
        %mul3A_1216 = arith.mulf %get3A_1215, %gather3A_1184 : vector<16xf32>
        %swap3A_1217 = arith.index_cast %scan3A_1181 : i32 to index
        %swap3A_1218 = arith.constant 64 : index
        %swap3A_1219 = tpu.vector_load %arg12[%swap3A_1217, %swap3A_1218] {strides = array<i32>} : memref<96x128xf32, #tpu.memory_space<vmem>>, vector<16xf32>,
        tpu.vector_store %arg12[%swap3A_1217, %swap3A_1218], %mul3A_1216 {strides = array<i32>} : memref<96x128xf32, #tpu.memory_space<vmem>>, vector<16xf32>,
        %get3A_1220 = arith.index_cast %scan3A_1181 : i32 to index
        %get3A_1221 = arith.constant 80 : index
        %get3A_1222 = tpu.vector_load %arg12[%get3A_1220, %get3A_1221] {strides = array<i32>} : memref<96x128xf32, #tpu.memory_space<vmem>>, vector<16xf32>,
        %mul3A_1223 = arith.mulf %get3A_1222, %gather3A_1184 : vector<16xf32>
        %swap3A_1224 = arith.index_cast %scan3A_1181 : i32 to index
        %swap3A_1225 = arith.constant 80 : index
        %swap3A_1226 = tpu.vector_load %arg12[%swap3A_1224, %swap3A_1225] {strides = array<i32>} : memref<96x128xf32, #tpu.memory_space<vmem>>, vector<16xf32>,
        tpu.vector_store %arg12[%swap3A_1224, %swap3A_1225], %mul3A_1223 {strides = array<i32>} : memref<96x128xf32, #tpu.memory_space<vmem>>, vector<16xf32>,
        %get3A_1227 = arith.index_cast %scan3A_1181 : i32 to index
        %get3A_1228 = arith.constant 96 : index
        %get3A_1229 = tpu.vector_load %arg12[%get3A_1227, %get3A_1228] {strides = array<i32>} : memref<96x128xf32, #tpu.memory_space<vmem>>, vector<16xf32>,
        %mul3A_1230 = arith.mulf %get3A_1229, %gather3A_1184 : vector<16xf32>
        %swap3A_1231 = arith.index_cast %scan3A_1181 : i32 to index
        %swap3A_1232 = arith.constant 96 : index
        %swap3A_1233 = tpu.vector_load %arg12[%swap3A_1231, %swap3A_1232] {strides = array<i32>} : memref<96x128xf32, #tpu.memory_space<vmem>>, vector<16xf32>,
        tpu.vector_store %arg12[%swap3A_1231, %swap3A_1232], %mul3A_1230 {strides = array<i32>} : memref<96x128xf32, #tpu.memory_space<vmem>>, vector<16xf32>,
        %get3A_1234 = arith.index_cast %scan3A_1181 : i32 to index
        %get3A_1235 = arith.constant 112 : index
        %get3A_1236 = tpu.vector_load %arg12[%get3A_1234, %get3A_1235] {strides = array<i32>} : memref<96x128xf32, #tpu.memory_space<vmem>>, vector<16xf32>,
        %mul3A_1237 = arith.mulf %get3A_1236, %gather3A_1184 : vector<16xf32>
        %swap3A_1238 = arith.index_cast %scan3A_1181 : i32 to index
        %swap3A_1239 = arith.constant 112 : index
        %swap3A_1240 = tpu.vector_load %arg12[%swap3A_1238, %swap3A_1239] {strides = array<i32>} : memref<96x128xf32, #tpu.memory_space<vmem>>, vector<16xf32>,
        tpu.vector_store %arg12[%swap3A_1238, %swap3A_1239], %mul3A_1237 {strides = array<i32>} : memref<96x128xf32, #tpu.memory_space<vmem>>, vector<16xf32>,
        %scan3A_1241 = arith.constant 0 : i32
        %scan3A_1242 = arith.constant 1 : i32
        %scan3A_1243 = arith.addi %scan3A_1181, %scan3A_1242 : i32
        %broadcast_in_dim3A_1244 = vector.broadcast %scan3A_1243 : i32 to vector<16xi32>
        %gather3A_1245 = tpu.vector_load_idx %arg15[%broadcast_in_dim3A_1244] : memref<96xf32, #tpu.memory_space<vmem>>[vector<16xi32>], vector<16xf32>,
        %get3A_1246 = arith.index_cast %scan3A_1243 : i32 to index
        %get3A_1247 = arith.constant 0 : index
        %get3A_1248 = tpu.vector_load %arg12[%get3A_1246, %get3A_1247] {strides = array<i32>} : memref<96x128xf32, #tpu.memory_space<vmem>>, vector<16xf32>,
        %mul3A_1249 = arith.mulf %get3A_1248, %gather3A_1245 : vector<16xf32>
        %swap3A_1250 = arith.index_cast %scan3A_1243 : i32 to index
        %swap3A_1251 = arith.constant 0 : index
        %swap3A_1252 = tpu.vector_load %arg12[%swap3A_1250, %swap3A_1251] {strides = array<i32>} : memref<96x128xf32, #tpu.memory_space<vmem>>, vector<16xf32>,
        tpu.vector_store %arg12[%swap3A_1250, %swap3A_1251], %mul3A_1249 {strides = array<i32>} : memref<96x128xf32, #tpu.memory_space<vmem>>, vector<16xf32>,
        %get3A_1253 = arith.index_cast %scan3A_1243 : i32 to index
        %get3A_1254 = arith.constant 16 : index
        %get3A_1255 = tpu.vector_load %arg12[%get3A_1253, %get3A_1254] {strides = array<i32>} : memref<96x128xf32, #tpu.memory_space<vmem>>, vector<16xf32>,
        %mul3A_1256 = arith.mulf %get3A_1255, %gather3A_1245 : vector<16xf32>
        %swap3A_1257 = arith.index_cast %scan3A_1243 : i32 to index
        %swap3A_1258 = arith.constant 16 : index
        %swap3A_1259 = tpu.vector_load %arg12[%swap3A_1257, %swap3A_1258] {strides = array<i32>} : memref<96x128xf32, #tpu.memory_space<vmem>>, vector<16xf32>,
        tpu.vector_store %arg12[%swap3A_1257, %swap3A_1258], %mul3A_1256 {strides = array<i32>} : memref<96x128xf32, #tpu.memory_space<vmem>>, vector<16xf32>,
        %get3A_1260 = arith.index_cast %scan3A_1243 : i32 to index
        %get3A_1261 = arith.constant 32 : index
        %get3A_1262 = tpu.vector_load %arg12[%get3A_1260, %get3A_1261] {strides = array<i32>} : memref<96x128xf32, #tpu.memory_space<vmem>>, vector<16xf32>,
        %mul3A_1263 = arith.mulf %get3A_1262, %gather3A_1245 : vector<16xf32>
        %swap3A_1264 = arith.index_cast %scan3A_1243 : i32 to index
        %swap3A_1265 = arith.constant 32 : index
        %swap3A_1266 = tpu.vector_load %arg12[%swap3A_1264, %swap3A_1265] {strides = array<i32>} : memref<96x128xf32, #tpu.memory_space<vmem>>, vector<16xf32>,
        tpu.vector_store %arg12[%swap3A_1264, %swap3A_1265], %mul3A_1263 {strides = array<i32>} : memref<96x128xf32, #tpu.memory_space<vmem>>, vector<16xf32>,
        %get3A_1267 = arith.index_cast %scan3A_1243 : i32 to index
        %get3A_1268 = arith.constant 48 : index
        %get3A_1269 = tpu.vector_load %arg12[%get3A_1267, %get3A_1268] {strides = array<i32>} : memref<96x128xf32, #tpu.memory_space<vmem>>, vector<16xf32>,
        %mul3A_1270 = arith.mulf %get3A_1269, %gather3A_1245 : vector<16xf32>
        %swap3A_1271 = arith.index_cast %scan3A_1243 : i32 to index
        %swap3A_1272 = arith.constant 48 : index
        %swap3A_1273 = tpu.vector_load %arg12[%swap3A_1271, %swap3A_1272] {strides = array<i32>} : memref<96x128xf32, #tpu.memory_space<vmem>>, vector<16xf32>,
        tpu.vector_store %arg12[%swap3A_1271, %swap3A_1272], %mul3A_1270 {strides = array<i32>} : memref<96x128xf32, #tpu.memory_space<vmem>>, vector<16xf32>,
        %get3A_1274 = arith.index_cast %scan3A_1243 : i32 to index
        %get3A_1275 = arith.constant 64 : index
        %get3A_1276 = tpu.vector_load %arg12[%get3A_1274, %get3A_1275] {strides = array<i32>} : memref<96x128xf32, #tpu.memory_space<vmem>>, vector<16xf32>,
        %mul3A_1277 = arith.mulf %get3A_1276, %gather3A_1245 : vector<16xf32>
        %swap3A_1278 = arith.index_cast %scan3A_1243 : i32 to index
        %swap3A_1279 = arith.constant 64 : index
        %swap3A_1280 = tpu.vector_load %arg12[%swap3A_1278, %swap3A_1279] {strides = array<i32>} : memref<96x128xf32, #tpu.memory_space<vmem>>, vector<16xf32>,
        tpu.vector_store %arg12[%swap3A_1278, %swap3A_1279], %mul3A_1277 {strides = array<i32>} : memref<96x128xf32, #tpu.memory_space<vmem>>, vector<16xf32>,
        %get3A_1281 = arith.index_cast %scan3A_1243 : i32 to index
        %get3A_1282 = arith.constant 80 : index
        %get3A_1283 = tpu.vector_load %arg12[%get3A_1281, %get3A_1282] {strides = array<i32>} : memref<96x128xf32, #tpu.memory_space<vmem>>, vector<16xf32>,
        %mul3A_1284 = arith.mulf %get3A_1283, %gather3A_1245 : vector<16xf32>
        %swap3A_1285 = arith.index_cast %scan3A_1243 : i32 to index
        %swap3A_1286 = arith.constant 80 : index
        %swap3A_1287 = tpu.vector_load %arg12[%swap3A_1285, %swap3A_1286] {strides = array<i32>} : memref<96x128xf32, #tpu.memory_space<vmem>>, vector<16xf32>,
        tpu.vector_store %arg12[%swap3A_1285, %swap3A_1286], %mul3A_1284 {strides = array<i32>} : memref<96x128xf32, #tpu.memory_space<vmem>>, vector<16xf32>,
        %get3A_1288 = arith.index_cast %scan3A_1243 : i32 to index
        %get3A_1289 = arith.constant 96 : index
        %get3A_1290 = tpu.vector_load %arg12[%get3A_1288, %get3A_1289] {strides = array<i32>} : memref<96x128xf32, #tpu.memory_space<vmem>>, vector<16xf32>,
        %mul3A_1291 = arith.mulf %get3A_1290, %gather3A_1245 : vector<16xf32>
        %swap3A_1292 = arith.index_cast %scan3A_1243 : i32 to index
        %swap3A_1293 = arith.constant 96 : index
        %swap3A_1294 = tpu.vector_load %arg12[%swap3A_1292, %swap3A_1293] {strides = array<i32>} : memref<96x128xf32, #tpu.memory_space<vmem>>, vector<16xf32>,
        tpu.vector_store %arg12[%swap3A_1292, %swap3A_1293], %mul3A_1291 {strides = array<i32>} : memref<96x128xf32, #tpu.memory_space<vmem>>, vector<16xf32>,
        %get3A_1295 = arith.index_cast %scan3A_1243 : i32 to index
        %get3A_1296 = arith.constant 112 : index
        %get3A_1297 = tpu.vector_load %arg12[%get3A_1295, %get3A_1296] {strides = array<i32>} : memref<96x128xf32, #tpu.memory_space<vmem>>, vector<16xf32>,
        %mul3A_1298 = arith.mulf %get3A_1297, %gather3A_1245 : vector<16xf32>
        %swap3A_1299 = arith.index_cast %scan3A_1243 : i32 to index
        %swap3A_1300 = arith.constant 112 : index
        %swap3A_1301 = tpu.vector_load %arg12[%swap3A_1299, %swap3A_1300] {strides = array<i32>} : memref<96x128xf32, #tpu.memory_space<vmem>>, vector<16xf32>,
        tpu.vector_store %arg12[%swap3A_1299, %swap3A_1300], %mul3A_1298 {strides = array<i32>} : memref<96x128xf32, #tpu.memory_space<vmem>>, vector<16xf32>,
        %scan3A_1302 = arith.constant 0 : i32
        scf.yield %scan3A_1302 : i32
      }
      %scan3A_1179 = arith.constant 96 : i32
      "tpu.region"() ({
        %run_scoped3A = tpu.sem_alloc : memref<!tpu.dma_semaphore, #tpu.memory_space<semaphore_mem>>
        %dma_start3A_1181 = arith.constant 0 : i32
        %dma_start3A_1182 = arith.constant 0 : i32
        %dma_start3A_1183 = tpu.memref_slice %arg18[%dma_start3A_1181, %dma_start3A_1182] : memref<10112x128xf32, #tpu.memory_space<vmem_shared>> -> memref<10112x128xf32, #tpu.memory_space<vmem_shared>>
        tpu.enqueue_indirect_dma source(%arg12 : memref<96x128xf32, #tpu.memory_space<vmem>>) target(%dma_start3A_1183 : memref<10112x128xf32, #tpu.memory_space<vmem_shared>>) offsets(%arg11 : memref<96xi32, #tpu.memory_space<vmem>>) semaphore(%run_scoped3A : memref<!tpu.dma_semaphore, #tpu.memory_space<semaphore_mem>>) {add = true}
        %dma_wait3A_1184 = arith.constant 0 : i32
        %dma_wait3A_1185 = arith.constant 0 : i32
        %dma_wait3A_1186 = tpu.memref_slice %arg18[%dma_wait3A_1184, %dma_wait3A_1185] : memref<10112x128xf32, #tpu.memory_space<vmem_shared>> -> memref<10112x128xf32, #tpu.memory_space<vmem_shared>>
        tpu.wait_indirect_dma semaphore(%run_scoped3A : memref<!tpu.dma_semaphore, #tpu.memory_space<semaphore_mem>>) src(%arg12 : memref<96x128xf32, #tpu.memory_space<vmem>>) dst(%dma_wait3A_1186 : memref<10112x128xf32, #tpu.memory_space<vmem_shared>>)
        tpu.yield
      }) : () -> ()
      %scan3A_1180 = arith.constant 0 : i32
      scf.yield %scan3A_1180 : i32
    }
    %scan3A_53 = arith.constant 108 : i32
    %barrier3A_54 = arith.constant 0 : index
    tpu.barrier barrier_id(%barrier3A_54)
    "tpu.region"() ({
      %run_scoped3A = tpu.sem_alloc : memref<!tpu.dma_semaphore, #tpu.memory_space<semaphore_mem>>
      %dma_start3A = arith.constant 0 : i32
      %dma_start3A_58 = tpu.memref_slice %arg8[%arg0, %mul3A_15, %dma_start3A] : memref<2x10112x128xf32, #tpu.memory_space<hbm>> -> memref<1x632x128xf32, #tpu.memory_space<hbm>>
      %dma_start3A_59 = tpu.memref_squeeze %dma_start3A_58 : memref<1x632x128xf32, #tpu.memory_space<hbm>> -> memref<632x128xf32, #tpu.memory_space<hbm>>
      %dma_start3A_60 = arith.constant 0 : i32
      %dma_start3A_61 = tpu.memref_slice %arg18[%mul3A_15, %dma_start3A_60] : memref<10112x128xf32, #tpu.memory_space<vmem_shared>> -> memref<632x128xf32, #tpu.memory_space<vmem_shared>>
      tpu.enqueue_dma source(%dma_start3A_61 : memref<632x128xf32, #tpu.memory_space<vmem_shared>>) target(%dma_start3A_59 : memref<632x128xf32, #tpu.memory_space<hbm>>) target_semaphore(%run_scoped3A : memref<!tpu.dma_semaphore, #tpu.memory_space<semaphore_mem>>)
      %dma_wait3A = arith.constant 0 : i32
      %dma_wait3A_62 = tpu.memref_slice %arg8[%arg0, %mul3A_15, %dma_wait3A] : memref<2x10112x128xf32, #tpu.memory_space<hbm>> -> memref<1x632x128xf32, #tpu.memory_space<hbm>>
      %dma_wait3A_63 = tpu.memref_squeeze %dma_wait3A_62 : memref<1x632x128xf32, #tpu.memory_space<hbm>> -> memref<632x128xf32, #tpu.memory_space<hbm>>
      %dma_wait3A_64 = arith.constant 0 : i32
      %dma_wait3A_65 = tpu.memref_slice %arg18[%mul3A_15, %dma_wait3A_64] : memref<10112x128xf32, #tpu.memory_space<vmem_shared>> -> memref<632x128xf32, #tpu.memory_space<vmem_shared>>
      tpu.wait_dma2 semaphore(%run_scoped3A : memref<!tpu.dma_semaphore, #tpu.memory_space<semaphore_mem>>) src(%dma_wait3A_65 : memref<632x128xf32, #tpu.memory_space<vmem_shared>>) dst(%dma_wait3A_63 : memref<632x128xf32, #tpu.memory_space<hbm>>)
      tpu.yield
    }) : () -> ()
    %mul3A_55 = arith.constant 16 : i32
    %mul3A_56 = arith.muli %arg0, %mul3A_55 : i32
    %add3A_57 = arith.addi %mul3A_56, %arg1 : i32
    "tpu.region"() ({
      %run_scoped3A = tpu.sem_alloc : memref<!tpu.dma_semaphore, #tpu.memory_space<semaphore_mem>>
      %dma_start3A = arith.constant 0 : i32
      %dma_start3A_58 = tpu.memref_slice %arg9[%add3A_57, %dma_start3A] : memref<32x10112xf32, #tpu.memory_space<hbm>> -> memref<1x10112xf32, #tpu.memory_space<hbm>>
      %dma_start3A_59 = tpu.memref_squeeze %dma_start3A_58 : memref<1x10112xf32, #tpu.memory_space<hbm>> -> memref<10112xf32, #tpu.memory_space<hbm>>
      %dma_start3A_60 = arith.constant 0 : i32
      %dma_start3A_61 = tpu.memref_slice %arg9[%add3A_57, %dma_start3A_60] : memref<32x10112xf32, #tpu.memory_space<hbm>> -> memref<1x10112xf32, #tpu.memory_space<hbm>>
      %dma_start3A_62 = tpu.memref_squeeze %dma_start3A_61 : memref<1x10112xf32, #tpu.memory_space<hbm>> -> memref<10112xf32, #tpu.memory_space<hbm>>
      tpu.enqueue_dma source(%arg16 : memref<10112xf32, #tpu.memory_space<vmem>>) target(%dma_start3A_62 : memref<10112xf32, #tpu.memory_space<hbm>>) target_semaphore(%run_scoped3A : memref<!tpu.dma_semaphore, #tpu.memory_space<semaphore_mem>>)
      %dma_wait3A = arith.constant 0 : i32
      %dma_wait3A_63 = tpu.memref_slice %arg9[%add3A_57, %dma_wait3A] : memref<32x10112xf32, #tpu.memory_space<hbm>> -> memref<1x10112xf32, #tpu.memory_space<hbm>>
      %dma_wait3A_64 = tpu.memref_squeeze %dma_wait3A_63 : memref<1x10112xf32, #tpu.memory_space<hbm>> -> memref<10112xf32, #tpu.memory_space<hbm>>
      %dma_wait3A_65 = arith.constant 0 : i32
      %dma_wait3A_66 = tpu.memref_slice %arg9[%add3A_57, %dma_wait3A_65] : memref<32x10112xf32, #tpu.memory_space<hbm>> -> memref<1x10112xf32, #tpu.memory_space<hbm>>
      %dma_wait3A_67 = tpu.memref_squeeze %dma_wait3A_66 : memref<1x10112xf32, #tpu.memory_space<hbm>> -> memref<10112xf32, #tpu.memory_space<hbm>>
      tpu.wait_dma2 semaphore(%run_scoped3A : memref<!tpu.dma_semaphore, #tpu.memory_space<semaphore_mem>>) src(%arg16 : memref<10112xf32, #tpu.memory_space<vmem>>) dst(%dma_wait3A_67 : memref<10112xf32, #tpu.memory_space<hbm>>)
      tpu.yield
    }) : () -> ()
    return
  }
}

#map = affine_map<(d0, d1) -> (0, 0)>
#map1 = affine_map<(d0, d1) -> (0)>
#map2 = affine_map<(d0, d1) -> (0, 0, 0)>
module attributes {stable_mosaic.version = 14 : i64} {
  func.func @_sc_edge_body(%arg0: i32, %arg1: i32, %arg2: memref<10000x128xf32, #tpu.memory_space<hbm>>, %arg3: memref<10000x128xf32, #tpu.memory_space<hbm>>, %arg4: memref<331776x128xf32, #tpu.memory_space<hbm>>, %arg5: memref<331776xi32, #tpu.memory_space<hbm>>, %arg6: memref<331776xi32, #tpu.memory_space<hbm>>, %arg7: memref<128xf32, #tpu.memory_space<hbm>>, %arg8: memref<2x10112x128xf32, #tpu.memory_space<hbm>>, %arg9: memref<32x10112xf32, #tpu.memory_space<hbm>>, %arg10: memref<96xi32, #tpu.memory_space<vmem>>, %arg11: memref<96xi32, #tpu.memory_space<vmem>>, %arg12: memref<96x128xf32, #tpu.memory_space<vmem>>, %arg13: memref<96x128xf32, #tpu.memory_space<vmem>>, %arg14: memref<96x128xf32, #tpu.memory_space<vmem>>, %arg15: memref<96xf32, #tpu.memory_space<vmem>>, %arg16: memref<10112xf32, #tpu.memory_space<vmem>>, %arg17: memref<128xf32, #tpu.memory_space<vmem>>, %arg18: memref<10112x128xf32, #tpu.memory_space<vmem_shared>>, %arg19: memref<!tpu.dma_semaphore, #tpu.memory_space<semaphore_mem>>, %arg20: memref<!tpu.dma_semaphore, #tpu.memory_space<semaphore_mem>>, %arg21: memref<!tpu.dma_semaphore, #tpu.memory_space<semaphore_mem>>) attributes {dimension_semantics = [#tpu.dimension_semantics<core_parallel>, #tpu.dimension_semantics<subcore_parallel>], iteration_bounds = array<i64: 2, 16>, scalar_prefetch = 0 : i64, scratch_operands = 12 : i64, tpu.core_type = #tpu.core_type<sc_vector_subcore>, window_params = [{transform_indices = #map}, {transform_indices = #map}, {transform_indices = #map}, {transform_indices = #map1}, {transform_indices = #map1}, {transform_indices = #map1}, {transform_indices = #map2}, {transform_indices = #map}]} {
    %mul3A = arith.constant 2 : i32
    %mul3A_0 = arith.muli %arg1, %mul3A : i32
    %add3A = arith.addi %mul3A_0, %arg0 : i32
    %scan3A = arith.constant 0 : i32
    %scan3A_1 = arith.constant 0 : i32
    %scan3A_2 = arith.constant 96 : i32
    %scan3A_3 = arith.addi %scan3A_1, %scan3A_2 : i32
    %scan3A_4 = arith.constant 1 : i32
    %scan3A_5 = scf.for %scan3A_58 = %scan3A_1 to %scan3A_3 step %scan3A_4 iter_args(%scan3A_59 = %scan3A) -> (i32)  : i32 {
      %broadcast_in_dim3A = arith.constant 0.000000e+00 : f32
      %broadcast_in_dim3A_60 = vector.broadcast %broadcast_in_dim3A : f32 to vector<16xf32>
      %swap3A = arith.index_cast %scan3A_58 : i32 to index
      %swap3A_61 = arith.constant 0 : index
      %swap3A_62 = tpu.vector_load %arg12[%swap3A, %swap3A_61] {strides = array<i32>} : memref<96x128xf32, #tpu.memory_space<vmem>>, vector<16xf32>,
      tpu.vector_store %arg12[%swap3A, %swap3A_61], %broadcast_in_dim3A_60 {strides = array<i32>} : memref<96x128xf32, #tpu.memory_space<vmem>>, vector<16xf32>,
      %broadcast_in_dim3A_63 = arith.constant 0.000000e+00 : f32
      %broadcast_in_dim3A_64 = vector.broadcast %broadcast_in_dim3A_63 : f32 to vector<16xf32>
      %swap3A_65 = arith.index_cast %scan3A_58 : i32 to index
      %swap3A_66 = arith.constant 16 : index
      %swap3A_67 = tpu.vector_load %arg12[%swap3A_65, %swap3A_66] {strides = array<i32>} : memref<96x128xf32, #tpu.memory_space<vmem>>, vector<16xf32>,
      tpu.vector_store %arg12[%swap3A_65, %swap3A_66], %broadcast_in_dim3A_64 {strides = array<i32>} : memref<96x128xf32, #tpu.memory_space<vmem>>, vector<16xf32>,
      %broadcast_in_dim3A_68 = arith.constant 0.000000e+00 : f32
      %broadcast_in_dim3A_69 = vector.broadcast %broadcast_in_dim3A_68 : f32 to vector<16xf32>
      %swap3A_70 = arith.index_cast %scan3A_58 : i32 to index
      %swap3A_71 = arith.constant 32 : index
      %swap3A_72 = tpu.vector_load %arg12[%swap3A_70, %swap3A_71] {strides = array<i32>} : memref<96x128xf32, #tpu.memory_space<vmem>>, vector<16xf32>,
      tpu.vector_store %arg12[%swap3A_70, %swap3A_71], %broadcast_in_dim3A_69 {strides = array<i32>} : memref<96x128xf32, #tpu.memory_space<vmem>>, vector<16xf32>,
      %broadcast_in_dim3A_73 = arith.constant 0.000000e+00 : f32
      %broadcast_in_dim3A_74 = vector.broadcast %broadcast_in_dim3A_73 : f32 to vector<16xf32>
      %swap3A_75 = arith.index_cast %scan3A_58 : i32 to index
      %swap3A_76 = arith.constant 48 : index
      %swap3A_77 = tpu.vector_load %arg12[%swap3A_75, %swap3A_76] {strides = array<i32>} : memref<96x128xf32, #tpu.memory_space<vmem>>, vector<16xf32>,
      tpu.vector_store %arg12[%swap3A_75, %swap3A_76], %broadcast_in_dim3A_74 {strides = array<i32>} : memref<96x128xf32, #tpu.memory_space<vmem>>, vector<16xf32>,
      %broadcast_in_dim3A_78 = arith.constant 0.000000e+00 : f32
      %broadcast_in_dim3A_79 = vector.broadcast %broadcast_in_dim3A_78 : f32 to vector<16xf32>
      %swap3A_80 = arith.index_cast %scan3A_58 : i32 to index
      %swap3A_81 = arith.constant 64 : index
      %swap3A_82 = tpu.vector_load %arg12[%swap3A_80, %swap3A_81] {strides = array<i32>} : memref<96x128xf32, #tpu.memory_space<vmem>>, vector<16xf32>,
      tpu.vector_store %arg12[%swap3A_80, %swap3A_81], %broadcast_in_dim3A_79 {strides = array<i32>} : memref<96x128xf32, #tpu.memory_space<vmem>>, vector<16xf32>,
      %broadcast_in_dim3A_83 = arith.constant 0.000000e+00 : f32
      %broadcast_in_dim3A_84 = vector.broadcast %broadcast_in_dim3A_83 : f32 to vector<16xf32>
      %swap3A_85 = arith.index_cast %scan3A_58 : i32 to index
      %swap3A_86 = arith.constant 80 : index
      %swap3A_87 = tpu.vector_load %arg12[%swap3A_85, %swap3A_86] {strides = array<i32>} : memref<96x128xf32, #tpu.memory_space<vmem>>, vector<16xf32>,
      tpu.vector_store %arg12[%swap3A_85, %swap3A_86], %broadcast_in_dim3A_84 {strides = array<i32>} : memref<96x128xf32, #tpu.memory_space<vmem>>, vector<16xf32>,
      %broadcast_in_dim3A_88 = arith.constant 0.000000e+00 : f32
      %broadcast_in_dim3A_89 = vector.broadcast %broadcast_in_dim3A_88 : f32 to vector<16xf32>
      %swap3A_90 = arith.index_cast %scan3A_58 : i32 to index
      %swap3A_91 = arith.constant 96 : index
      %swap3A_92 = tpu.vector_load %arg12[%swap3A_90, %swap3A_91] {strides = array<i32>} : memref<96x128xf32, #tpu.memory_space<vmem>>, vector<16xf32>,
      tpu.vector_store %arg12[%swap3A_90, %swap3A_91], %broadcast_in_dim3A_89 {strides = array<i32>} : memref<96x128xf32, #tpu.memory_space<vmem>>, vector<16xf32>,
      %broadcast_in_dim3A_93 = arith.constant 0.000000e+00 : f32
      %broadcast_in_dim3A_94 = vector.broadcast %broadcast_in_dim3A_93 : f32 to vector<16xf32>
      %swap3A_95 = arith.index_cast %scan3A_58 : i32 to index
      %swap3A_96 = arith.constant 112 : index
      %swap3A_97 = tpu.vector_load %arg12[%swap3A_95, %swap3A_96] {strides = array<i32>} : memref<96x128xf32, #tpu.memory_space<vmem>>, vector<16xf32>,
      tpu.vector_store %arg12[%swap3A_95, %swap3A_96], %broadcast_in_dim3A_94 {strides = array<i32>} : memref<96x128xf32, #tpu.memory_space<vmem>>, vector<16xf32>,
      %scan3A_98 = arith.constant 0 : i32
      scf.yield %scan3A_98 : i32
    }
    %scan3A_6 = arith.constant 96 : i32
    %scan3A_7 = arith.constant 0 : i32
    %scan3A_8 = arith.constant 0 : i32
    %scan3A_9 = arith.constant 632 : i32
    %scan3A_10 = arith.addi %scan3A_8, %scan3A_9 : i32
    %scan3A_11 = arith.constant 1 : i32
    %scan3A_12 = scf.for %scan3A_58 = %scan3A_8 to %scan3A_10 step %scan3A_11 iter_args(%scan3A_59 = %scan3A_7) -> (i32)  : i32 {
      %broadcast_in_dim3A = arith.constant 0.000000e+00 : f32
      %broadcast_in_dim3A_60 = vector.broadcast %broadcast_in_dim3A : f32 to vector<16xf32>
      %mul3A_61 = arith.constant 16 : i32
      %mul3A_62 = arith.muli %mul3A_61, %scan3A_58 : i32
      %swap3A = arith.index_cast %mul3A_62 : i32 to index
      %swap3A_63 = tpu.vector_load %arg16[%swap3A] {strides = array<i32>} : memref<10112xf32, #tpu.memory_space<vmem>>, vector<16xf32>,
      tpu.vector_store %arg16[%swap3A], %broadcast_in_dim3A_60 {strides = array<i32>} : memref<10112xf32, #tpu.memory_space<vmem>>, vector<16xf32>,
      %scan3A_64 = arith.constant 0 : i32
      scf.yield %scan3A_64 : i32
    }
    %scan3A_13 = arith.constant 632 : i32
    %mul3A_14 = arith.constant 632 : i32
    %mul3A_15 = arith.muli %arg1, %mul3A_14 : i32
    %add3A_16 = arith.constant 0 : i32
    %add3A_17 = arith.addi %mul3A_15, %add3A_16 : i32
    "tpu.region"() ({
      %run_scoped3A = tpu.sem_alloc : memref<!tpu.dma_semaphore, #tpu.memory_space<semaphore_mem>>
      %dma_start3A = arith.constant 0 : i32
      %dma_start3A_58 = tpu.memref_slice %arg18[%add3A_17, %dma_start3A] : memref<10112x128xf32, #tpu.memory_space<vmem_shared>> -> memref<96x128xf32, #tpu.memory_space<vmem_shared>>
      %dma_start3A_59 = arith.constant 0 : i32
      %dma_start3A_60 = tpu.memref_slice %arg18[%add3A_17, %dma_start3A_59] : memref<10112x128xf32, #tpu.memory_space<vmem_shared>> -> memref<96x128xf32, #tpu.memory_space<vmem_shared>>
      tpu.enqueue_dma source(%arg12 : memref<96x128xf32, #tpu.memory_space<vmem>>) target(%dma_start3A_60 : memref<96x128xf32, #tpu.memory_space<vmem_shared>>) target_semaphore(%run_scoped3A : memref<!tpu.dma_semaphore, #tpu.memory_space<semaphore_mem>>)
      %dma_wait3A = arith.constant 0 : i32
      %dma_wait3A_61 = tpu.memref_slice %arg18[%add3A_17, %dma_wait3A] : memref<10112x128xf32, #tpu.memory_space<vmem_shared>> -> memref<96x128xf32, #tpu.memory_space<vmem_shared>>
      %dma_wait3A_62 = arith.constant 0 : i32
      %dma_wait3A_63 = tpu.memref_slice %arg18[%add3A_17, %dma_wait3A_62] : memref<10112x128xf32, #tpu.memory_space<vmem_shared>> -> memref<96x128xf32, #tpu.memory_space<vmem_shared>>
      tpu.wait_dma2 semaphore(%run_scoped3A : memref<!tpu.dma_semaphore, #tpu.memory_space<semaphore_mem>>) src(%arg12 : memref<96x128xf32, #tpu.memory_space<vmem>>) dst(%dma_wait3A_63 : memref<96x128xf32, #tpu.memory_space<vmem_shared>>)
      tpu.yield
    }) : () -> ()
    %add3A_18 = arith.constant 96 : i32
    %add3A_19 = arith.addi %mul3A_15, %add3A_18 : i32
    "tpu.region"() ({
      %run_scoped3A = tpu.sem_alloc : memref<!tpu.dma_semaphore, #tpu.memory_space<semaphore_mem>>
      %dma_start3A = arith.constant 0 : i32
      %dma_start3A_58 = tpu.memref_slice %arg18[%add3A_19, %dma_start3A] : memref<10112x128xf32, #tpu.memory_space<vmem_shared>> -> memref<96x128xf32, #tpu.memory_space<vmem_shared>>
      %dma_start3A_59 = arith.constant 0 : i32
      %dma_start3A_60 = tpu.memref_slice %arg18[%add3A_19, %dma_start3A_59] : memref<10112x128xf32, #tpu.memory_space<vmem_shared>> -> memref<96x128xf32, #tpu.memory_space<vmem_shared>>
      tpu.enqueue_dma source(%arg12 : memref<96x128xf32, #tpu.memory_space<vmem>>) target(%dma_start3A_60 : memref<96x128xf32, #tpu.memory_space<vmem_shared>>) target_semaphore(%run_scoped3A : memref<!tpu.dma_semaphore, #tpu.memory_space<semaphore_mem>>)
      %dma_wait3A = arith.constant 0 : i32
      %dma_wait3A_61 = tpu.memref_slice %arg18[%add3A_19, %dma_wait3A] : memref<10112x128xf32, #tpu.memory_space<vmem_shared>> -> memref<96x128xf32, #tpu.memory_space<vmem_shared>>
      %dma_wait3A_62 = arith.constant 0 : i32
      %dma_wait3A_63 = tpu.memref_slice %arg18[%add3A_19, %dma_wait3A_62] : memref<10112x128xf32, #tpu.memory_space<vmem_shared>> -> memref<96x128xf32, #tpu.memory_space<vmem_shared>>
      tpu.wait_dma2 semaphore(%run_scoped3A : memref<!tpu.dma_semaphore, #tpu.memory_space<semaphore_mem>>) src(%arg12 : memref<96x128xf32, #tpu.memory_space<vmem>>) dst(%dma_wait3A_63 : memref<96x128xf32, #tpu.memory_space<vmem_shared>>)
      tpu.yield
    }) : () -> ()
    %add3A_20 = arith.constant 192 : i32
    %add3A_21 = arith.addi %mul3A_15, %add3A_20 : i32
    "tpu.region"() ({
      %run_scoped3A = tpu.sem_alloc : memref<!tpu.dma_semaphore, #tpu.memory_space<semaphore_mem>>
      %dma_start3A = arith.constant 0 : i32
      %dma_start3A_58 = tpu.memref_slice %arg18[%add3A_21, %dma_start3A] : memref<10112x128xf32, #tpu.memory_space<vmem_shared>> -> memref<96x128xf32, #tpu.memory_space<vmem_shared>>
      %dma_start3A_59 = arith.constant 0 : i32
      %dma_start3A_60 = tpu.memref_slice %arg18[%add3A_21, %dma_start3A_59] : memref<10112x128xf32, #tpu.memory_space<vmem_shared>> -> memref<96x128xf32, #tpu.memory_space<vmem_shared>>
      tpu.enqueue_dma source(%arg12 : memref<96x128xf32, #tpu.memory_space<vmem>>) target(%dma_start3A_60 : memref<96x128xf32, #tpu.memory_space<vmem_shared>>) target_semaphore(%run_scoped3A : memref<!tpu.dma_semaphore, #tpu.memory_space<semaphore_mem>>)
      %dma_wait3A = arith.constant 0 : i32
      %dma_wait3A_61 = tpu.memref_slice %arg18[%add3A_21, %dma_wait3A] : memref<10112x128xf32, #tpu.memory_space<vmem_shared>> -> memref<96x128xf32, #tpu.memory_space<vmem_shared>>
      %dma_wait3A_62 = arith.constant 0 : i32
      %dma_wait3A_63 = tpu.memref_slice %arg18[%add3A_21, %dma_wait3A_62] : memref<10112x128xf32, #tpu.memory_space<vmem_shared>> -> memref<96x128xf32, #tpu.memory_space<vmem_shared>>
      tpu.wait_dma2 semaphore(%run_scoped3A : memref<!tpu.dma_semaphore, #tpu.memory_space<semaphore_mem>>) src(%arg12 : memref<96x128xf32, #tpu.memory_space<vmem>>) dst(%dma_wait3A_63 : memref<96x128xf32, #tpu.memory_space<vmem_shared>>)
      tpu.yield
    }) : () -> ()
    %add3A_22 = arith.constant 288 : i32
    %add3A_23 = arith.addi %mul3A_15, %add3A_22 : i32
    "tpu.region"() ({
      %run_scoped3A = tpu.sem_alloc : memref<!tpu.dma_semaphore, #tpu.memory_space<semaphore_mem>>
      %dma_start3A = arith.constant 0 : i32
      %dma_start3A_58 = tpu.memref_slice %arg18[%add3A_23, %dma_start3A] : memref<10112x128xf32, #tpu.memory_space<vmem_shared>> -> memref<96x128xf32, #tpu.memory_space<vmem_shared>>
      %dma_start3A_59 = arith.constant 0 : i32
      %dma_start3A_60 = tpu.memref_slice %arg18[%add3A_23, %dma_start3A_59] : memref<10112x128xf32, #tpu.memory_space<vmem_shared>> -> memref<96x128xf32, #tpu.memory_space<vmem_shared>>
      tpu.enqueue_dma source(%arg12 : memref<96x128xf32, #tpu.memory_space<vmem>>) target(%dma_start3A_60 : memref<96x128xf32, #tpu.memory_space<vmem_shared>>) target_semaphore(%run_scoped3A : memref<!tpu.dma_semaphore, #tpu.memory_space<semaphore_mem>>)
      %dma_wait3A = arith.constant 0 : i32
      %dma_wait3A_61 = tpu.memref_slice %arg18[%add3A_23, %dma_wait3A] : memref<10112x128xf32, #tpu.memory_space<vmem_shared>> -> memref<96x128xf32, #tpu.memory_space<vmem_shared>>
      %dma_wait3A_62 = arith.constant 0 : i32
      %dma_wait3A_63 = tpu.memref_slice %arg18[%add3A_23, %dma_wait3A_62] : memref<10112x128xf32, #tpu.memory_space<vmem_shared>> -> memref<96x128xf32, #tpu.memory_space<vmem_shared>>
      tpu.wait_dma2 semaphore(%run_scoped3A : memref<!tpu.dma_semaphore, #tpu.memory_space<semaphore_mem>>) src(%arg12 : memref<96x128xf32, #tpu.memory_space<vmem>>) dst(%dma_wait3A_63 : memref<96x128xf32, #tpu.memory_space<vmem_shared>>)
      tpu.yield
    }) : () -> ()
    %add3A_24 = arith.constant 384 : i32
    %add3A_25 = arith.addi %mul3A_15, %add3A_24 : i32
    "tpu.region"() ({
      %run_scoped3A = tpu.sem_alloc : memref<!tpu.dma_semaphore, #tpu.memory_space<semaphore_mem>>
      %dma_start3A = arith.constant 0 : i32
      %dma_start3A_58 = tpu.memref_slice %arg18[%add3A_25, %dma_start3A] : memref<10112x128xf32, #tpu.memory_space<vmem_shared>> -> memref<96x128xf32, #tpu.memory_space<vmem_shared>>
      %dma_start3A_59 = arith.constant 0 : i32
      %dma_start3A_60 = tpu.memref_slice %arg18[%add3A_25, %dma_start3A_59] : memref<10112x128xf32, #tpu.memory_space<vmem_shared>> -> memref<96x128xf32, #tpu.memory_space<vmem_shared>>
      tpu.enqueue_dma source(%arg12 : memref<96x128xf32, #tpu.memory_space<vmem>>) target(%dma_start3A_60 : memref<96x128xf32, #tpu.memory_space<vmem_shared>>) target_semaphore(%run_scoped3A : memref<!tpu.dma_semaphore, #tpu.memory_space<semaphore_mem>>)
      %dma_wait3A = arith.constant 0 : i32
      %dma_wait3A_61 = tpu.memref_slice %arg18[%add3A_25, %dma_wait3A] : memref<10112x128xf32, #tpu.memory_space<vmem_shared>> -> memref<96x128xf32, #tpu.memory_space<vmem_shared>>
      %dma_wait3A_62 = arith.constant 0 : i32
      %dma_wait3A_63 = tpu.memref_slice %arg18[%add3A_25, %dma_wait3A_62] : memref<10112x128xf32, #tpu.memory_space<vmem_shared>> -> memref<96x128xf32, #tpu.memory_space<vmem_shared>>
      tpu.wait_dma2 semaphore(%run_scoped3A : memref<!tpu.dma_semaphore, #tpu.memory_space<semaphore_mem>>) src(%arg12 : memref<96x128xf32, #tpu.memory_space<vmem>>) dst(%dma_wait3A_63 : memref<96x128xf32, #tpu.memory_space<vmem_shared>>)
      tpu.yield
    }) : () -> ()
    %add3A_26 = arith.constant 480 : i32
    %add3A_27 = arith.addi %mul3A_15, %add3A_26 : i32
    "tpu.region"() ({
      %run_scoped3A = tpu.sem_alloc : memref<!tpu.dma_semaphore, #tpu.memory_space<semaphore_mem>>
      %dma_start3A = arith.constant 0 : i32
      %dma_start3A_58 = tpu.memref_slice %arg18[%add3A_27, %dma_start3A] : memref<10112x128xf32, #tpu.memory_space<vmem_shared>> -> memref<96x128xf32, #tpu.memory_space<vmem_shared>>
      %dma_start3A_59 = arith.constant 0 : i32
      %dma_start3A_60 = tpu.memref_slice %arg18[%add3A_27, %dma_start3A_59] : memref<10112x128xf32, #tpu.memory_space<vmem_shared>> -> memref<96x128xf32, #tpu.memory_space<vmem_shared>>
      tpu.enqueue_dma source(%arg12 : memref<96x128xf32, #tpu.memory_space<vmem>>) target(%dma_start3A_60 : memref<96x128xf32, #tpu.memory_space<vmem_shared>>) target_semaphore(%run_scoped3A : memref<!tpu.dma_semaphore, #tpu.memory_space<semaphore_mem>>)
      %dma_wait3A = arith.constant 0 : i32
      %dma_wait3A_61 = tpu.memref_slice %arg18[%add3A_27, %dma_wait3A] : memref<10112x128xf32, #tpu.memory_space<vmem_shared>> -> memref<96x128xf32, #tpu.memory_space<vmem_shared>>
      %dma_wait3A_62 = arith.constant 0 : i32
      %dma_wait3A_63 = tpu.memref_slice %arg18[%add3A_27, %dma_wait3A_62] : memref<10112x128xf32, #tpu.memory_space<vmem_shared>> -> memref<96x128xf32, #tpu.memory_space<vmem_shared>>
      tpu.wait_dma2 semaphore(%run_scoped3A : memref<!tpu.dma_semaphore, #tpu.memory_space<semaphore_mem>>) src(%arg12 : memref<96x128xf32, #tpu.memory_space<vmem>>) dst(%dma_wait3A_63 : memref<96x128xf32, #tpu.memory_space<vmem_shared>>)
      tpu.yield
    }) : () -> ()
    %add3A_28 = arith.constant 576 : i32
    %add3A_29 = arith.addi %mul3A_15, %add3A_28 : i32
    "tpu.region"() ({
      %run_scoped3A = tpu.sem_alloc : memref<!tpu.dma_semaphore, #tpu.memory_space<semaphore_mem>>
      %dma_start3A = arith.constant 0 : i32
      %dma_start3A_58 = arith.constant 0 : i32
      %dma_start3A_59 = tpu.memref_slice %arg12[%dma_start3A, %dma_start3A_58] : memref<96x128xf32, #tpu.memory_space<vmem>> -> memref<56x128xf32, #tpu.memory_space<vmem>>
      %dma_start3A_60 = arith.constant 0 : i32
      %dma_start3A_61 = tpu.memref_slice %arg18[%add3A_29, %dma_start3A_60] : memref<10112x128xf32, #tpu.memory_space<vmem_shared>> -> memref<56x128xf32, #tpu.memory_space<vmem_shared>>
      %dma_start3A_62 = arith.constant 0 : i32
      %dma_start3A_63 = tpu.memref_slice %arg18[%add3A_29, %dma_start3A_62] : memref<10112x128xf32, #tpu.memory_space<vmem_shared>> -> memref<56x128xf32, #tpu.memory_space<vmem_shared>>
      %dma_start3A_64 = arith.constant 0 : i32
      %dma_start3A_65 = arith.constant 0 : i32
      %dma_start3A_66 = tpu.memref_slice %arg12[%dma_start3A_64, %dma_start3A_65] : memref<96x128xf32, #tpu.memory_space<vmem>> -> memref<56x128xf32, #tpu.memory_space<vmem>>
      tpu.enqueue_dma source(%dma_start3A_66 : memref<56x128xf32, #tpu.memory_space<vmem>>) target(%dma_start3A_63 : memref<56x128xf32, #tpu.memory_space<vmem_shared>>) target_semaphore(%run_scoped3A : memref<!tpu.dma_semaphore, #tpu.memory_space<semaphore_mem>>)
      %dma_wait3A = arith.constant 0 : i32
      %dma_wait3A_67 = arith.constant 0 : i32
      %dma_wait3A_68 = tpu.memref_slice %arg12[%dma_wait3A, %dma_wait3A_67] : memref<96x128xf32, #tpu.memory_space<vmem>> -> memref<56x128xf32, #tpu.memory_space<vmem>>
      %dma_wait3A_69 = arith.constant 0 : i32
      %dma_wait3A_70 = tpu.memref_slice %arg18[%add3A_29, %dma_wait3A_69] : memref<10112x128xf32, #tpu.memory_space<vmem_shared>> -> memref<56x128xf32, #tpu.memory_space<vmem_shared>>
      %dma_wait3A_71 = arith.constant 0 : i32
      %dma_wait3A_72 = tpu.memref_slice %arg18[%add3A_29, %dma_wait3A_71] : memref<10112x128xf32, #tpu.memory_space<vmem_shared>> -> memref<56x128xf32, #tpu.memory_space<vmem_shared>>
      %dma_wait3A_73 = arith.constant 0 : i32
      %dma_wait3A_74 = arith.constant 0 : i32
      %dma_wait3A_75 = tpu.memref_slice %arg12[%dma_wait3A_73, %dma_wait3A_74] : memref<96x128xf32, #tpu.memory_space<vmem>> -> memref<56x128xf32, #tpu.memory_space<vmem>>
      tpu.wait_dma2 semaphore(%run_scoped3A : memref<!tpu.dma_semaphore, #tpu.memory_space<semaphore_mem>>) src(%dma_wait3A_75 : memref<56x128xf32, #tpu.memory_space<vmem>>) dst(%dma_wait3A_72 : memref<56x128xf32, #tpu.memory_space<vmem_shared>>)
      tpu.yield
    }) : () -> ()
    "tpu.region"() ({
      %run_scoped3A = tpu.sem_alloc : memref<!tpu.dma_semaphore, #tpu.memory_space<semaphore_mem>>
      tpu.enqueue_dma source(%arg7 : memref<128xf32, #tpu.memory_space<hbm>>) target(%arg17 : memref<128xf32, #tpu.memory_space<vmem>>) target_semaphore(%run_scoped3A : memref<!tpu.dma_semaphore, #tpu.memory_space<semaphore_mem>>)
      tpu.wait_dma2 semaphore(%run_scoped3A : memref<!tpu.dma_semaphore, #tpu.memory_space<semaphore_mem>>) src(%arg7 : memref<128xf32, #tpu.memory_space<hbm>>) dst(%arg17 : memref<128xf32, #tpu.memory_space<vmem>>)
      tpu.yield
    }) : () -> ()
    %barrier3A = arith.constant 0 : index
    tpu.barrier barrier_id(%barrier3A)
    %get3A = arith.constant 0 : index
    %get3A_30 = tpu.vector_load %arg17[%get3A] {strides = array<i32>} : memref<128xf32, #tpu.memory_space<vmem>>, vector<16xf32>,
    %get3A_31 = arith.constant 16 : index
    %get3A_32 = tpu.vector_load %arg17[%get3A_31] {strides = array<i32>} : memref<128xf32, #tpu.memory_space<vmem>>, vector<16xf32>,
    %get3A_33 = arith.constant 32 : index
    %get3A_34 = tpu.vector_load %arg17[%get3A_33] {strides = array<i32>} : memref<128xf32, #tpu.memory_space<vmem>>, vector<16xf32>,
    %get3A_35 = arith.constant 48 : index
    %get3A_36 = tpu.vector_load %arg17[%get3A_35] {strides = array<i32>} : memref<128xf32, #tpu.memory_space<vmem>>, vector<16xf32>,
    %get3A_37 = arith.constant 64 : index
    %get3A_38 = tpu.vector_load %arg17[%get3A_37] {strides = array<i32>} : memref<128xf32, #tpu.memory_space<vmem>>, vector<16xf32>,
    %get3A_39 = arith.constant 80 : index
    %get3A_40 = tpu.vector_load %arg17[%get3A_39] {strides = array<i32>} : memref<128xf32, #tpu.memory_space<vmem>>, vector<16xf32>,
    %get3A_41 = arith.constant 96 : index
    %get3A_42 = tpu.vector_load %arg17[%get3A_41] {strides = array<i32>} : memref<128xf32, #tpu.memory_space<vmem>>, vector<16xf32>,
    %get3A_43 = arith.constant 112 : index
    %get3A_44 = tpu.vector_load %arg17[%get3A_43] {strides = array<i32>} : memref<128xf32, #tpu.memory_space<vmem>>, vector<16xf32>,
    %iota3A = tpu.iota {dimensions = array<i32: 0>} : vector<16xi32>
    %eq3A = arith.constant 0 : i32
    %eq3A_45 = vector.broadcast %eq3A : i32 to vector<16xi32>
    %eq3A_46 = arith.cmpi eq, %iota3A, %eq3A_45 : vector<16xi32>
    %scan3A_47 = arith.constant 0 : i32
    %scan3A_48 = arith.constant 0 : i32
    %scan3A_49 = arith.constant 108 : i32
    %scan3A_50 = arith.addi %scan3A_48, %scan3A_49 : i32
    %scan3A_51 = arith.constant 1 : i32
    %scan3A_52 = scf.for %scan3A_58 = %scan3A_48 to %scan3A_50 step %scan3A_51 iter_args(%scan3A_59 = %scan3A_47) -> (i32)  : i32 {
      %mul3A_60 = arith.constant 108 : i32
      %mul3A_61 = arith.muli %add3A, %mul3A_60 : i32
      %add3A_62 = arith.addi %mul3A_61, %scan3A_58 : i32
      %mul3A_63 = arith.constant 96 : i32
      %mul3A_64 = arith.muli %add3A_62, %mul3A_63 : i32
      %dma_start3A = tpu.memref_slice %arg5[%mul3A_64] : memref<331776xi32, #tpu.memory_space<hbm>> -> memref<96xi32, #tpu.memory_space<hbm>>
      %dma_start3A_65 = tpu.memref_slice %arg5[%mul3A_64] : memref<331776xi32, #tpu.memory_space<hbm>> -> memref<96xi32, #tpu.memory_space<hbm>>
      tpu.enqueue_dma source(%dma_start3A_65 : memref<96xi32, #tpu.memory_space<hbm>>) target(%arg10 : memref<96xi32, #tpu.memory_space<vmem>>) target_semaphore(%arg19 : memref<!tpu.dma_semaphore, #tpu.memory_space<semaphore_mem>>)
      %dma_start3A_66 = tpu.memref_slice %arg6[%mul3A_64] : memref<331776xi32, #tpu.memory_space<hbm>> -> memref<96xi32, #tpu.memory_space<hbm>>
      %dma_start3A_67 = tpu.memref_slice %arg6[%mul3A_64] : memref<331776xi32, #tpu.memory_space<hbm>> -> memref<96xi32, #tpu.memory_space<hbm>>
      tpu.enqueue_dma source(%dma_start3A_67 : memref<96xi32, #tpu.memory_space<hbm>>) target(%arg11 : memref<96xi32, #tpu.memory_space<vmem>>) target_semaphore(%arg19 : memref<!tpu.dma_semaphore, #tpu.memory_space<semaphore_mem>>)
      %dma_start3A_68 = arith.constant 0 : i32
      %dma_start3A_69 = tpu.memref_slice %arg4[%mul3A_64, %dma_start3A_68] : memref<331776x128xf32, #tpu.memory_space<hbm>> -> memref<96x128xf32, #tpu.memory_space<hbm>>
      %dma_start3A_70 = arith.constant 0 : i32
      %dma_start3A_71 = tpu.memref_slice %arg4[%mul3A_64, %dma_start3A_70] : memref<331776x128xf32, #tpu.memory_space<hbm>> -> memref<96x128xf32, #tpu.memory_space<hbm>>
      tpu.enqueue_dma source(%dma_start3A_71 : memref<96x128xf32, #tpu.memory_space<hbm>>) target(%arg14 : memref<96x128xf32, #tpu.memory_space<vmem>>) target_semaphore(%arg21 : memref<!tpu.dma_semaphore, #tpu.memory_space<semaphore_mem>>)
      %dma_wait3A = tpu.memref_slice %arg5[%mul3A_64] : memref<331776xi32, #tpu.memory_space<hbm>> -> memref<96xi32, #tpu.memory_space<hbm>>
      %dma_wait3A_72 = tpu.memref_slice %arg5[%mul3A_64] : memref<331776xi32, #tpu.memory_space<hbm>> -> memref<96xi32, #tpu.memory_space<hbm>>
      tpu.wait_dma2 semaphore(%arg19 : memref<!tpu.dma_semaphore, #tpu.memory_space<semaphore_mem>>) src(%dma_wait3A_72 : memref<96xi32, #tpu.memory_space<hbm>>) dst(%arg10 : memref<96xi32, #tpu.memory_space<vmem>>)
      %dma_wait3A_73 = tpu.memref_slice %arg6[%mul3A_64] : memref<331776xi32, #tpu.memory_space<hbm>> -> memref<96xi32, #tpu.memory_space<hbm>>
      %dma_wait3A_74 = tpu.memref_slice %arg6[%mul3A_64] : memref<331776xi32, #tpu.memory_space<hbm>> -> memref<96xi32, #tpu.memory_space<hbm>>
      tpu.wait_dma2 semaphore(%arg19 : memref<!tpu.dma_semaphore, #tpu.memory_space<semaphore_mem>>) src(%dma_wait3A_74 : memref<96xi32, #tpu.memory_space<hbm>>) dst(%arg11 : memref<96xi32, #tpu.memory_space<vmem>>)
      %dma_start3A_75 = arith.constant 0 : i32
      %dma_start3A_76 = arith.constant 0 : i32
      %dma_start3A_77 = tpu.memref_slice %arg2[%dma_start3A_75, %dma_start3A_76] : memref<10000x128xf32, #tpu.memory_space<hbm>> -> memref<10000x128xf32, #tpu.memory_space<hbm>>
      tpu.enqueue_indirect_dma source(%dma_start3A_77 : memref<10000x128xf32, #tpu.memory_space<hbm>>) target(%arg12 : memref<96x128xf32, #tpu.memory_space<vmem>>) offsets(%arg10 : memref<96xi32, #tpu.memory_space<vmem>>) semaphore(%arg20 : memref<!tpu.dma_semaphore, #tpu.memory_space<semaphore_mem>>)
      %dma_start3A_78 = arith.constant 0 : i32
      %dma_start3A_79 = arith.constant 0 : i32
      %dma_start3A_80 = tpu.memref_slice %arg3[%dma_start3A_78, %dma_start3A_79] : memref<10000x128xf32, #tpu.memory_space<hbm>> -> memref<10000x128xf32, #tpu.memory_space<hbm>>
      tpu.enqueue_indirect_dma source(%dma_start3A_80 : memref<10000x128xf32, #tpu.memory_space<hbm>>) target(%arg13 : memref<96x128xf32, #tpu.memory_space<vmem>>) offsets(%arg11 : memref<96xi32, #tpu.memory_space<vmem>>) semaphore(%arg20 : memref<!tpu.dma_semaphore, #tpu.memory_space<semaphore_mem>>)
      %dma_wait3A_81 = arith.constant 0 : i32
      %dma_wait3A_82 = arith.constant 0 : i32
      %dma_wait3A_83 = tpu.memref_slice %arg2[%dma_wait3A_81, %dma_wait3A_82] : memref<10000x128xf32, #tpu.memory_space<hbm>> -> memref<10000x128xf32, #tpu.memory_space<hbm>>
      tpu.wait_indirect_dma semaphore(%arg20 : memref<!tpu.dma_semaphore, #tpu.memory_space<semaphore_mem>>) src(%dma_wait3A_83 : memref<10000x128xf32, #tpu.memory_space<hbm>>) dst(%arg12 : memref<96x128xf32, #tpu.memory_space<vmem>>)
      %dma_wait3A_84 = arith.constant 0 : i32
      %dma_wait3A_85 = arith.constant 0 : i32
      %dma_wait3A_86 = tpu.memref_slice %arg3[%dma_wait3A_84, %dma_wait3A_85] : memref<10000x128xf32, #tpu.memory_space<hbm>> -> memref<10000x128xf32, #tpu.memory_space<hbm>>
      tpu.wait_indirect_dma semaphore(%arg20 : memref<!tpu.dma_semaphore, #tpu.memory_space<semaphore_mem>>) src(%dma_wait3A_86 : memref<10000x128xf32, #tpu.memory_space<hbm>>) dst(%arg13 : memref<96x128xf32, #tpu.memory_space<vmem>>)
      %dma_wait3A_87 = arith.constant 0 : i32
      %dma_wait3A_88 = tpu.memref_slice %arg4[%mul3A_64, %dma_wait3A_87] : memref<331776x128xf32, #tpu.memory_space<hbm>> -> memref<96x128xf32, #tpu.memory_space<hbm>>
      %dma_wait3A_89 = arith.constant 0 : i32
      %dma_wait3A_90 = tpu.memref_slice %arg4[%mul3A_64, %dma_wait3A_89] : memref<331776x128xf32, #tpu.memory_space<hbm>> -> memref<96x128xf32, #tpu.memory_space<hbm>>
      tpu.wait_dma2 semaphore(%arg21 : memref<!tpu.dma_semaphore, #tpu.memory_space<semaphore_mem>>) src(%dma_wait3A_90 : memref<96x128xf32, #tpu.memory_space<hbm>>) dst(%arg14 : memref<96x128xf32, #tpu.memory_space<vmem>>)
      %scan3A_91 = arith.constant 0 : i32
      %scan3A_92 = arith.constant 0 : i32
      %scan3A_93 = arith.constant 96 : i32
      %scan3A_94 = arith.addi %scan3A_92, %scan3A_93 : i32
      %scan3A_95 = arith.constant 2 : i32
      %scan3A_96 = scf.for %scan3A_1181 = %scan3A_92 to %scan3A_94 step %scan3A_95 iter_args(%scan3A_1182 = %scan3A_91) -> (i32)  : i32 {
        %broadcast_in_dim3A_1183 = arith.constant 0.000000e+00 : f32
        %broadcast_in_dim3A_1184 = vector.broadcast %broadcast_in_dim3A_1183 : f32 to vector<16xf32>
        %get3A_1185 = arith.index_cast %scan3A_1181 : i32 to index
        %get3A_1186 = arith.constant 0 : index
        %get3A_1187 = tpu.vector_load %arg12[%get3A_1185, %get3A_1186] {strides = array<i32>} : memref<96x128xf32, #tpu.memory_space<vmem>>, vector<16xf32>,
        %get3A_1188 = arith.index_cast %scan3A_1181 : i32 to index
        %get3A_1189 = arith.constant 0 : index
        %get3A_1190 = tpu.vector_load %arg13[%get3A_1188, %get3A_1189] {strides = array<i32>} : memref<96x128xf32, #tpu.memory_space<vmem>>, vector<16xf32>,
        %add3A_1191 = arith.addf %get3A_1187, %get3A_1190 : vector<16xf32>
        %get3A_1192 = arith.index_cast %scan3A_1181 : i32 to index
        %get3A_1193 = arith.constant 0 : index
        %get3A_1194 = tpu.vector_load %arg14[%get3A_1192, %get3A_1193] {strides = array<i32>} : memref<96x128xf32, #tpu.memory_space<vmem>>, vector<16xf32>,
        %add3A_1195 = arith.addf %add3A_1191, %get3A_1194 : vector<16xf32>
        %mul3A_1196 = arith.constant 2.000000e-01 : f32
        %mul3A_1197 = vector.broadcast %mul3A_1196 : f32 to vector<16xf32>
        %mul3A_1198 = arith.mulf %mul3A_1197, %add3A_1195 : vector<16xf32>
        %max3A_1199 = arith.maximumf %add3A_1195, %mul3A_1198 : vector<16xf32>
        %mul3A_1200 = arith.mulf %get3A_30, %max3A_1199 : vector<16xf32>
        %add3A_1201 = arith.addf %broadcast_in_dim3A_1184, %mul3A_1200 : vector<16xf32>
        %get3A_1202 = arith.index_cast %scan3A_1181 : i32 to index
        %get3A_1203 = arith.constant 16 : index
        %get3A_1204 = tpu.vector_load %arg12[%get3A_1202, %get3A_1203] {strides = array<i32>} : memref<96x128xf32, #tpu.memory_space<vmem>>, vector<16xf32>,
        %get3A_1205 = arith.index_cast %scan3A_1181 : i32 to index
        %get3A_1206 = arith.constant 16 : index
        %get3A_1207 = tpu.vector_load %arg13[%get3A_1205, %get3A_1206] {strides = array<i32>} : memref<96x128xf32, #tpu.memory_space<vmem>>, vector<16xf32>,
        %add3A_1208 = arith.addf %get3A_1204, %get3A_1207 : vector<16xf32>
        %get3A_1209 = arith.index_cast %scan3A_1181 : i32 to index
        %get3A_1210 = arith.constant 16 : index
        %get3A_1211 = tpu.vector_load %arg14[%get3A_1209, %get3A_1210] {strides = array<i32>} : memref<96x128xf32, #tpu.memory_space<vmem>>, vector<16xf32>,
        %add3A_1212 = arith.addf %add3A_1208, %get3A_1211 : vector<16xf32>
        %mul3A_1213 = arith.constant 2.000000e-01 : f32
        %mul3A_1214 = vector.broadcast %mul3A_1213 : f32 to vector<16xf32>
        %mul3A_1215 = arith.mulf %mul3A_1214, %add3A_1212 : vector<16xf32>
        %max3A_1216 = arith.maximumf %add3A_1212, %mul3A_1215 : vector<16xf32>
        %mul3A_1217 = arith.mulf %get3A_32, %max3A_1216 : vector<16xf32>
        %add3A_1218 = arith.addf %add3A_1201, %mul3A_1217 : vector<16xf32>
        %get3A_1219 = arith.index_cast %scan3A_1181 : i32 to index
        %get3A_1220 = arith.constant 32 : index
        %get3A_1221 = tpu.vector_load %arg12[%get3A_1219, %get3A_1220] {strides = array<i32>} : memref<96x128xf32, #tpu.memory_space<vmem>>, vector<16xf32>,
        %get3A_1222 = arith.index_cast %scan3A_1181 : i32 to index
        %get3A_1223 = arith.constant 32 : index
        %get3A_1224 = tpu.vector_load %arg13[%get3A_1222, %get3A_1223] {strides = array<i32>} : memref<96x128xf32, #tpu.memory_space<vmem>>, vector<16xf32>,
        %add3A_1225 = arith.addf %get3A_1221, %get3A_1224 : vector<16xf32>
        %get3A_1226 = arith.index_cast %scan3A_1181 : i32 to index
        %get3A_1227 = arith.constant 32 : index
        %get3A_1228 = tpu.vector_load %arg14[%get3A_1226, %get3A_1227] {strides = array<i32>} : memref<96x128xf32, #tpu.memory_space<vmem>>, vector<16xf32>,
        %add3A_1229 = arith.addf %add3A_1225, %get3A_1228 : vector<16xf32>
        %mul3A_1230 = arith.constant 2.000000e-01 : f32
        %mul3A_1231 = vector.broadcast %mul3A_1230 : f32 to vector<16xf32>
        %mul3A_1232 = arith.mulf %mul3A_1231, %add3A_1229 : vector<16xf32>
        %max3A_1233 = arith.maximumf %add3A_1229, %mul3A_1232 : vector<16xf32>
        %mul3A_1234 = arith.mulf %get3A_34, %max3A_1233 : vector<16xf32>
        %add3A_1235 = arith.addf %add3A_1218, %mul3A_1234 : vector<16xf32>
        %get3A_1236 = arith.index_cast %scan3A_1181 : i32 to index
        %get3A_1237 = arith.constant 48 : index
        %get3A_1238 = tpu.vector_load %arg12[%get3A_1236, %get3A_1237] {strides = array<i32>} : memref<96x128xf32, #tpu.memory_space<vmem>>, vector<16xf32>,
        %get3A_1239 = arith.index_cast %scan3A_1181 : i32 to index
        %get3A_1240 = arith.constant 48 : index
        %get3A_1241 = tpu.vector_load %arg13[%get3A_1239, %get3A_1240] {strides = array<i32>} : memref<96x128xf32, #tpu.memory_space<vmem>>, vector<16xf32>,
        %add3A_1242 = arith.addf %get3A_1238, %get3A_1241 : vector<16xf32>
        %get3A_1243 = arith.index_cast %scan3A_1181 : i32 to index
        %get3A_1244 = arith.constant 48 : index
        %get3A_1245 = tpu.vector_load %arg14[%get3A_1243, %get3A_1244] {strides = array<i32>} : memref<96x128xf32, #tpu.memory_space<vmem>>, vector<16xf32>,
        %add3A_1246 = arith.addf %add3A_1242, %get3A_1245 : vector<16xf32>
        %mul3A_1247 = arith.constant 2.000000e-01 : f32
        %mul3A_1248 = vector.broadcast %mul3A_1247 : f32 to vector<16xf32>
        %mul3A_1249 = arith.mulf %mul3A_1248, %add3A_1246 : vector<16xf32>
        %max3A_1250 = arith.maximumf %add3A_1246, %mul3A_1249 : vector<16xf32>
        %mul3A_1251 = arith.mulf %get3A_36, %max3A_1250 : vector<16xf32>
        %add3A_1252 = arith.addf %add3A_1235, %mul3A_1251 : vector<16xf32>
        %get3A_1253 = arith.index_cast %scan3A_1181 : i32 to index
        %get3A_1254 = arith.constant 64 : index
        %get3A_1255 = tpu.vector_load %arg12[%get3A_1253, %get3A_1254] {strides = array<i32>} : memref<96x128xf32, #tpu.memory_space<vmem>>, vector<16xf32>,
        %get3A_1256 = arith.index_cast %scan3A_1181 : i32 to index
        %get3A_1257 = arith.constant 64 : index
        %get3A_1258 = tpu.vector_load %arg13[%get3A_1256, %get3A_1257] {strides = array<i32>} : memref<96x128xf32, #tpu.memory_space<vmem>>, vector<16xf32>,
        %add3A_1259 = arith.addf %get3A_1255, %get3A_1258 : vector<16xf32>
        %get3A_1260 = arith.index_cast %scan3A_1181 : i32 to index
        %get3A_1261 = arith.constant 64 : index
        %get3A_1262 = tpu.vector_load %arg14[%get3A_1260, %get3A_1261] {strides = array<i32>} : memref<96x128xf32, #tpu.memory_space<vmem>>, vector<16xf32>,
        %add3A_1263 = arith.addf %add3A_1259, %get3A_1262 : vector<16xf32>
        %mul3A_1264 = arith.constant 2.000000e-01 : f32
        %mul3A_1265 = vector.broadcast %mul3A_1264 : f32 to vector<16xf32>
        %mul3A_1266 = arith.mulf %mul3A_1265, %add3A_1263 : vector<16xf32>
        %max3A_1267 = arith.maximumf %add3A_1263, %mul3A_1266 : vector<16xf32>
        %mul3A_1268 = arith.mulf %get3A_38, %max3A_1267 : vector<16xf32>
        %add3A_1269 = arith.addf %add3A_1252, %mul3A_1268 : vector<16xf32>
        %get3A_1270 = arith.index_cast %scan3A_1181 : i32 to index
        %get3A_1271 = arith.constant 80 : index
        %get3A_1272 = tpu.vector_load %arg12[%get3A_1270, %get3A_1271] {strides = array<i32>} : memref<96x128xf32, #tpu.memory_space<vmem>>, vector<16xf32>,
        %get3A_1273 = arith.index_cast %scan3A_1181 : i32 to index
        %get3A_1274 = arith.constant 80 : index
        %get3A_1275 = tpu.vector_load %arg13[%get3A_1273, %get3A_1274] {strides = array<i32>} : memref<96x128xf32, #tpu.memory_space<vmem>>, vector<16xf32>,
        %add3A_1276 = arith.addf %get3A_1272, %get3A_1275 : vector<16xf32>
        %get3A_1277 = arith.index_cast %scan3A_1181 : i32 to index
        %get3A_1278 = arith.constant 80 : index
        %get3A_1279 = tpu.vector_load %arg14[%get3A_1277, %get3A_1278] {strides = array<i32>} : memref<96x128xf32, #tpu.memory_space<vmem>>, vector<16xf32>,
        %add3A_1280 = arith.addf %add3A_1276, %get3A_1279 : vector<16xf32>
        %mul3A_1281 = arith.constant 2.000000e-01 : f32
        %mul3A_1282 = vector.broadcast %mul3A_1281 : f32 to vector<16xf32>
        %mul3A_1283 = arith.mulf %mul3A_1282, %add3A_1280 : vector<16xf32>
        %max3A_1284 = arith.maximumf %add3A_1280, %mul3A_1283 : vector<16xf32>
        %mul3A_1285 = arith.mulf %get3A_40, %max3A_1284 : vector<16xf32>
        %add3A_1286 = arith.addf %add3A_1269, %mul3A_1285 : vector<16xf32>
        %get3A_1287 = arith.index_cast %scan3A_1181 : i32 to index
        %get3A_1288 = arith.constant 96 : index
        %get3A_1289 = tpu.vector_load %arg12[%get3A_1287, %get3A_1288] {strides = array<i32>} : memref<96x128xf32, #tpu.memory_space<vmem>>, vector<16xf32>,
        %get3A_1290 = arith.index_cast %scan3A_1181 : i32 to index
        %get3A_1291 = arith.constant 96 : index
        %get3A_1292 = tpu.vector_load %arg13[%get3A_1290, %get3A_1291] {strides = array<i32>} : memref<96x128xf32, #tpu.memory_space<vmem>>, vector<16xf32>,
        %add3A_1293 = arith.addf %get3A_1289, %get3A_1292 : vector<16xf32>
        %get3A_1294 = arith.index_cast %scan3A_1181 : i32 to index
        %get3A_1295 = arith.constant 96 : index
        %get3A_1296 = tpu.vector_load %arg14[%get3A_1294, %get3A_1295] {strides = array<i32>} : memref<96x128xf32, #tpu.memory_space<vmem>>, vector<16xf32>,
        %add3A_1297 = arith.addf %add3A_1293, %get3A_1296 : vector<16xf32>
        %mul3A_1298 = arith.constant 2.000000e-01 : f32
        %mul3A_1299 = vector.broadcast %mul3A_1298 : f32 to vector<16xf32>
        %mul3A_1300 = arith.mulf %mul3A_1299, %add3A_1297 : vector<16xf32>
        %max3A_1301 = arith.maximumf %add3A_1297, %mul3A_1300 : vector<16xf32>
        %mul3A_1302 = arith.mulf %get3A_42, %max3A_1301 : vector<16xf32>
        %add3A_1303 = arith.addf %add3A_1286, %mul3A_1302 : vector<16xf32>
        %get3A_1304 = arith.index_cast %scan3A_1181 : i32 to index
        %get3A_1305 = arith.constant 112 : index
        %get3A_1306 = tpu.vector_load %arg12[%get3A_1304, %get3A_1305] {strides = array<i32>} : memref<96x128xf32, #tpu.memory_space<vmem>>, vector<16xf32>,
        %get3A_1307 = arith.index_cast %scan3A_1181 : i32 to index
        %get3A_1308 = arith.constant 112 : index
        %get3A_1309 = tpu.vector_load %arg13[%get3A_1307, %get3A_1308] {strides = array<i32>} : memref<96x128xf32, #tpu.memory_space<vmem>>, vector<16xf32>,
        %add3A_1310 = arith.addf %get3A_1306, %get3A_1309 : vector<16xf32>
        %get3A_1311 = arith.index_cast %scan3A_1181 : i32 to index
        %get3A_1312 = arith.constant 112 : index
        %get3A_1313 = tpu.vector_load %arg14[%get3A_1311, %get3A_1312] {strides = array<i32>} : memref<96x128xf32, #tpu.memory_space<vmem>>, vector<16xf32>,
        %add3A_1314 = arith.addf %add3A_1310, %get3A_1313 : vector<16xf32>
        %mul3A_1315 = arith.constant 2.000000e-01 : f32
        %mul3A_1316 = vector.broadcast %mul3A_1315 : f32 to vector<16xf32>
        %mul3A_1317 = arith.mulf %mul3A_1316, %add3A_1314 : vector<16xf32>
        %max3A_1318 = arith.maximumf %add3A_1314, %mul3A_1317 : vector<16xf32>
        %mul3A_1319 = arith.mulf %get3A_44, %max3A_1318 : vector<16xf32>
        %add3A_1320 = arith.addf %add3A_1303, %mul3A_1319 : vector<16xf32>
        %reduce_sum3A = arith.constant true
        %reduce_sum3A_1321 = vector.broadcast %reduce_sum3A : i1 to vector<16xi1>
        %reduce_sum3A_1322 = tpu.scan <sum>, %add3A_1320 masked %reduce_sum3A_1321 : vector<16xf32>, vector<16xi1> -> vector<16xf32>
        %reduce_sum3A_1323 = vector.extract %reduce_sum3A_1322[15] : f32 from vector<16xf32>
        %broadcast_in_dim3A_1324 = vector.broadcast %scan3A_1181 : i32 to vector<16xi32>
        %broadcast_in_dim3A_1325 = vector.broadcast %reduce_sum3A_1323 : f32 to vector<16xf32>
        tpu.vector_store_idx %arg15[%broadcast_in_dim3A_1324], %broadcast_in_dim3A_1325 masked %eq3A_46 : memref<96xf32, #tpu.memory_space<vmem>>[vector<16xi32>], vector<16xf32>, vector<16xi1>
        %scan3A_1326 = arith.constant 0 : i32
        %scan3A_1327 = arith.constant 1 : i32
        %scan3A_1328 = arith.addi %scan3A_1181, %scan3A_1327 : i32
        %broadcast_in_dim3A_1329 = arith.constant 0.000000e+00 : f32
        %broadcast_in_dim3A_1330 = vector.broadcast %broadcast_in_dim3A_1329 : f32 to vector<16xf32>
        %get3A_1331 = arith.index_cast %scan3A_1328 : i32 to index
        %get3A_1332 = arith.constant 0 : index
        %get3A_1333 = tpu.vector_load %arg12[%get3A_1331, %get3A_1332] {strides = array<i32>} : memref<96x128xf32, #tpu.memory_space<vmem>>, vector<16xf32>,
        %get3A_1334 = arith.index_cast %scan3A_1328 : i32 to index
        %get3A_1335 = arith.constant 0 : index
        %get3A_1336 = tpu.vector_load %arg13[%get3A_1334, %get3A_1335] {strides = array<i32>} : memref<96x128xf32, #tpu.memory_space<vmem>>, vector<16xf32>,
        %add3A_1337 = arith.addf %get3A_1333, %get3A_1336 : vector<16xf32>
        %get3A_1338 = arith.index_cast %scan3A_1328 : i32 to index
        %get3A_1339 = arith.constant 0 : index
        %get3A_1340 = tpu.vector_load %arg14[%get3A_1338, %get3A_1339] {strides = array<i32>} : memref<96x128xf32, #tpu.memory_space<vmem>>, vector<16xf32>,
        %add3A_1341 = arith.addf %add3A_1337, %get3A_1340 : vector<16xf32>
        %mul3A_1342 = arith.constant 2.000000e-01 : f32
        %mul3A_1343 = vector.broadcast %mul3A_1342 : f32 to vector<16xf32>
        %mul3A_1344 = arith.mulf %mul3A_1343, %add3A_1341 : vector<16xf32>
        %max3A_1345 = arith.maximumf %add3A_1341, %mul3A_1344 : vector<16xf32>
        %mul3A_1346 = arith.mulf %get3A_30, %max3A_1345 : vector<16xf32>
        %add3A_1347 = arith.addf %broadcast_in_dim3A_1330, %mul3A_1346 : vector<16xf32>
        %get3A_1348 = arith.index_cast %scan3A_1328 : i32 to index
        %get3A_1349 = arith.constant 16 : index
        %get3A_1350 = tpu.vector_load %arg12[%get3A_1348, %get3A_1349] {strides = array<i32>} : memref<96x128xf32, #tpu.memory_space<vmem>>, vector<16xf32>,
        %get3A_1351 = arith.index_cast %scan3A_1328 : i32 to index
        %get3A_1352 = arith.constant 16 : index
        %get3A_1353 = tpu.vector_load %arg13[%get3A_1351, %get3A_1352] {strides = array<i32>} : memref<96x128xf32, #tpu.memory_space<vmem>>, vector<16xf32>,
        %add3A_1354 = arith.addf %get3A_1350, %get3A_1353 : vector<16xf32>
        %get3A_1355 = arith.index_cast %scan3A_1328 : i32 to index
        %get3A_1356 = arith.constant 16 : index
        %get3A_1357 = tpu.vector_load %arg14[%get3A_1355, %get3A_1356] {strides = array<i32>} : memref<96x128xf32, #tpu.memory_space<vmem>>, vector<16xf32>,
        %add3A_1358 = arith.addf %add3A_1354, %get3A_1357 : vector<16xf32>
        %mul3A_1359 = arith.constant 2.000000e-01 : f32
        %mul3A_1360 = vector.broadcast %mul3A_1359 : f32 to vector<16xf32>
        %mul3A_1361 = arith.mulf %mul3A_1360, %add3A_1358 : vector<16xf32>
        %max3A_1362 = arith.maximumf %add3A_1358, %mul3A_1361 : vector<16xf32>
        %mul3A_1363 = arith.mulf %get3A_32, %max3A_1362 : vector<16xf32>
        %add3A_1364 = arith.addf %add3A_1347, %mul3A_1363 : vector<16xf32>
        %get3A_1365 = arith.index_cast %scan3A_1328 : i32 to index
        %get3A_1366 = arith.constant 32 : index
        %get3A_1367 = tpu.vector_load %arg12[%get3A_1365, %get3A_1366] {strides = array<i32>} : memref<96x128xf32, #tpu.memory_space<vmem>>, vector<16xf32>,
        %get3A_1368 = arith.index_cast %scan3A_1328 : i32 to index
        %get3A_1369 = arith.constant 32 : index
        %get3A_1370 = tpu.vector_load %arg13[%get3A_1368, %get3A_1369] {strides = array<i32>} : memref<96x128xf32, #tpu.memory_space<vmem>>, vector<16xf32>,
        %add3A_1371 = arith.addf %get3A_1367, %get3A_1370 : vector<16xf32>
        %get3A_1372 = arith.index_cast %scan3A_1328 : i32 to index
        %get3A_1373 = arith.constant 32 : index
        %get3A_1374 = tpu.vector_load %arg14[%get3A_1372, %get3A_1373] {strides = array<i32>} : memref<96x128xf32, #tpu.memory_space<vmem>>, vector<16xf32>,
        %add3A_1375 = arith.addf %add3A_1371, %get3A_1374 : vector<16xf32>
        %mul3A_1376 = arith.constant 2.000000e-01 : f32
        %mul3A_1377 = vector.broadcast %mul3A_1376 : f32 to vector<16xf32>
        %mul3A_1378 = arith.mulf %mul3A_1377, %add3A_1375 : vector<16xf32>
        %max3A_1379 = arith.maximumf %add3A_1375, %mul3A_1378 : vector<16xf32>
        %mul3A_1380 = arith.mulf %get3A_34, %max3A_1379 : vector<16xf32>
        %add3A_1381 = arith.addf %add3A_1364, %mul3A_1380 : vector<16xf32>
        %get3A_1382 = arith.index_cast %scan3A_1328 : i32 to index
        %get3A_1383 = arith.constant 48 : index
        %get3A_1384 = tpu.vector_load %arg12[%get3A_1382, %get3A_1383] {strides = array<i32>} : memref<96x128xf32, #tpu.memory_space<vmem>>, vector<16xf32>,
        %get3A_1385 = arith.index_cast %scan3A_1328 : i32 to index
        %get3A_1386 = arith.constant 48 : index
        %get3A_1387 = tpu.vector_load %arg13[%get3A_1385, %get3A_1386] {strides = array<i32>} : memref<96x128xf32, #tpu.memory_space<vmem>>, vector<16xf32>,
        %add3A_1388 = arith.addf %get3A_1384, %get3A_1387 : vector<16xf32>
        %get3A_1389 = arith.index_cast %scan3A_1328 : i32 to index
        %get3A_1390 = arith.constant 48 : index
        %get3A_1391 = tpu.vector_load %arg14[%get3A_1389, %get3A_1390] {strides = array<i32>} : memref<96x128xf32, #tpu.memory_space<vmem>>, vector<16xf32>,
        %add3A_1392 = arith.addf %add3A_1388, %get3A_1391 : vector<16xf32>
        %mul3A_1393 = arith.constant 2.000000e-01 : f32
        %mul3A_1394 = vector.broadcast %mul3A_1393 : f32 to vector<16xf32>
        %mul3A_1395 = arith.mulf %mul3A_1394, %add3A_1392 : vector<16xf32>
        %max3A_1396 = arith.maximumf %add3A_1392, %mul3A_1395 : vector<16xf32>
        %mul3A_1397 = arith.mulf %get3A_36, %max3A_1396 : vector<16xf32>
        %add3A_1398 = arith.addf %add3A_1381, %mul3A_1397 : vector<16xf32>
        %get3A_1399 = arith.index_cast %scan3A_1328 : i32 to index
        %get3A_1400 = arith.constant 64 : index
        %get3A_1401 = tpu.vector_load %arg12[%get3A_1399, %get3A_1400] {strides = array<i32>} : memref<96x128xf32, #tpu.memory_space<vmem>>, vector<16xf32>,
        %get3A_1402 = arith.index_cast %scan3A_1328 : i32 to index
        %get3A_1403 = arith.constant 64 : index
        %get3A_1404 = tpu.vector_load %arg13[%get3A_1402, %get3A_1403] {strides = array<i32>} : memref<96x128xf32, #tpu.memory_space<vmem>>, vector<16xf32>,
        %add3A_1405 = arith.addf %get3A_1401, %get3A_1404 : vector<16xf32>
        %get3A_1406 = arith.index_cast %scan3A_1328 : i32 to index
        %get3A_1407 = arith.constant 64 : index
        %get3A_1408 = tpu.vector_load %arg14[%get3A_1406, %get3A_1407] {strides = array<i32>} : memref<96x128xf32, #tpu.memory_space<vmem>>, vector<16xf32>,
        %add3A_1409 = arith.addf %add3A_1405, %get3A_1408 : vector<16xf32>
        %mul3A_1410 = arith.constant 2.000000e-01 : f32
        %mul3A_1411 = vector.broadcast %mul3A_1410 : f32 to vector<16xf32>
        %mul3A_1412 = arith.mulf %mul3A_1411, %add3A_1409 : vector<16xf32>
        %max3A_1413 = arith.maximumf %add3A_1409, %mul3A_1412 : vector<16xf32>
        %mul3A_1414 = arith.mulf %get3A_38, %max3A_1413 : vector<16xf32>
        %add3A_1415 = arith.addf %add3A_1398, %mul3A_1414 : vector<16xf32>
        %get3A_1416 = arith.index_cast %scan3A_1328 : i32 to index
        %get3A_1417 = arith.constant 80 : index
        %get3A_1418 = tpu.vector_load %arg12[%get3A_1416, %get3A_1417] {strides = array<i32>} : memref<96x128xf32, #tpu.memory_space<vmem>>, vector<16xf32>,
        %get3A_1419 = arith.index_cast %scan3A_1328 : i32 to index
        %get3A_1420 = arith.constant 80 : index
        %get3A_1421 = tpu.vector_load %arg13[%get3A_1419, %get3A_1420] {strides = array<i32>} : memref<96x128xf32, #tpu.memory_space<vmem>>, vector<16xf32>,
        %add3A_1422 = arith.addf %get3A_1418, %get3A_1421 : vector<16xf32>
        %get3A_1423 = arith.index_cast %scan3A_1328 : i32 to index
        %get3A_1424 = arith.constant 80 : index
        %get3A_1425 = tpu.vector_load %arg14[%get3A_1423, %get3A_1424] {strides = array<i32>} : memref<96x128xf32, #tpu.memory_space<vmem>>, vector<16xf32>,
        %add3A_1426 = arith.addf %add3A_1422, %get3A_1425 : vector<16xf32>
        %mul3A_1427 = arith.constant 2.000000e-01 : f32
        %mul3A_1428 = vector.broadcast %mul3A_1427 : f32 to vector<16xf32>
        %mul3A_1429 = arith.mulf %mul3A_1428, %add3A_1426 : vector<16xf32>
        %max3A_1430 = arith.maximumf %add3A_1426, %mul3A_1429 : vector<16xf32>
        %mul3A_1431 = arith.mulf %get3A_40, %max3A_1430 : vector<16xf32>
        %add3A_1432 = arith.addf %add3A_1415, %mul3A_1431 : vector<16xf32>
        %get3A_1433 = arith.index_cast %scan3A_1328 : i32 to index
        %get3A_1434 = arith.constant 96 : index
        %get3A_1435 = tpu.vector_load %arg12[%get3A_1433, %get3A_1434] {strides = array<i32>} : memref<96x128xf32, #tpu.memory_space<vmem>>, vector<16xf32>,
        %get3A_1436 = arith.index_cast %scan3A_1328 : i32 to index
        %get3A_1437 = arith.constant 96 : index
        %get3A_1438 = tpu.vector_load %arg13[%get3A_1436, %get3A_1437] {strides = array<i32>} : memref<96x128xf32, #tpu.memory_space<vmem>>, vector<16xf32>,
        %add3A_1439 = arith.addf %get3A_1435, %get3A_1438 : vector<16xf32>
        %get3A_1440 = arith.index_cast %scan3A_1328 : i32 to index
        %get3A_1441 = arith.constant 96 : index
        %get3A_1442 = tpu.vector_load %arg14[%get3A_1440, %get3A_1441] {strides = array<i32>} : memref<96x128xf32, #tpu.memory_space<vmem>>, vector<16xf32>,
        %add3A_1443 = arith.addf %add3A_1439, %get3A_1442 : vector<16xf32>
        %mul3A_1444 = arith.constant 2.000000e-01 : f32
        %mul3A_1445 = vector.broadcast %mul3A_1444 : f32 to vector<16xf32>
        %mul3A_1446 = arith.mulf %mul3A_1445, %add3A_1443 : vector<16xf32>
        %max3A_1447 = arith.maximumf %add3A_1443, %mul3A_1446 : vector<16xf32>
        %mul3A_1448 = arith.mulf %get3A_42, %max3A_1447 : vector<16xf32>
        %add3A_1449 = arith.addf %add3A_1432, %mul3A_1448 : vector<16xf32>
        %get3A_1450 = arith.index_cast %scan3A_1328 : i32 to index
        %get3A_1451 = arith.constant 112 : index
        %get3A_1452 = tpu.vector_load %arg12[%get3A_1450, %get3A_1451] {strides = array<i32>} : memref<96x128xf32, #tpu.memory_space<vmem>>, vector<16xf32>,
        %get3A_1453 = arith.index_cast %scan3A_1328 : i32 to index
        %get3A_1454 = arith.constant 112 : index
        %get3A_1455 = tpu.vector_load %arg13[%get3A_1453, %get3A_1454] {strides = array<i32>} : memref<96x128xf32, #tpu.memory_space<vmem>>, vector<16xf32>,
        %add3A_1456 = arith.addf %get3A_1452, %get3A_1455 : vector<16xf32>
        %get3A_1457 = arith.index_cast %scan3A_1328 : i32 to index
        %get3A_1458 = arith.constant 112 : index
        %get3A_1459 = tpu.vector_load %arg14[%get3A_1457, %get3A_1458] {strides = array<i32>} : memref<96x128xf32, #tpu.memory_space<vmem>>, vector<16xf32>,
        %add3A_1460 = arith.addf %add3A_1456, %get3A_1459 : vector<16xf32>
        %mul3A_1461 = arith.constant 2.000000e-01 : f32
        %mul3A_1462 = vector.broadcast %mul3A_1461 : f32 to vector<16xf32>
        %mul3A_1463 = arith.mulf %mul3A_1462, %add3A_1460 : vector<16xf32>
        %max3A_1464 = arith.maximumf %add3A_1460, %mul3A_1463 : vector<16xf32>
        %mul3A_1465 = arith.mulf %get3A_44, %max3A_1464 : vector<16xf32>
        %add3A_1466 = arith.addf %add3A_1449, %mul3A_1465 : vector<16xf32>
        %reduce_sum3A_1467 = arith.constant true
        %reduce_sum3A_1468 = vector.broadcast %reduce_sum3A_1467 : i1 to vector<16xi1>
        %reduce_sum3A_1469 = tpu.scan <sum>, %add3A_1466 masked %reduce_sum3A_1468 : vector<16xf32>, vector<16xi1> -> vector<16xf32>
        %reduce_sum3A_1470 = vector.extract %reduce_sum3A_1469[15] : f32 from vector<16xf32>
        %broadcast_in_dim3A_1471 = vector.broadcast %scan3A_1328 : i32 to vector<16xi32>
        %broadcast_in_dim3A_1472 = vector.broadcast %reduce_sum3A_1470 : f32 to vector<16xf32>
        tpu.vector_store_idx %arg15[%broadcast_in_dim3A_1471], %broadcast_in_dim3A_1472 masked %eq3A_46 : memref<96xf32, #tpu.memory_space<vmem>>[vector<16xi32>], vector<16xf32>, vector<16xi1>
        %scan3A_1473 = arith.constant 0 : i32
        scf.yield %scan3A_1473 : i32
      }
      %scan3A_97 = arith.constant 96 : i32
      %add3A_98 = arith.constant 0 : i32
      %add3A_99 = arith.addi %mul3A_64, %add3A_98 : i32
      %add3A_100 = vector.broadcast %add3A_99 : i32 to vector<16xi32>
      %add3A_101 = arith.addi %add3A_100, %iota3A : vector<16xi32>
      %lt3A = arith.constant 330000 : i32
      %lt3A_102 = vector.broadcast %lt3A : i32 to vector<16xi32>
      %lt3A_103 = arith.cmpi slt, %add3A_101, %lt3A_102 : vector<16xi32>
      %get3A_104 = arith.constant 0 : index
      %get3A_105 = tpu.vector_load %arg15[%get3A_104] {strides = array<i32>} : memref<96xf32, #tpu.memory_space<vmem>>, vector<16xf32>,
      %mul3A_106 = arith.constant 1.44269502 : f32
      %mul3A_107 = vector.broadcast %mul3A_106 : f32 to vector<16xf32>
      %mul3A_108 = arith.mulf %get3A_105, %mul3A_107 : vector<16xf32>
      %ge3A = arith.constant 0.000000e+00 : f32
      %ge3A_109 = vector.broadcast %ge3A : f32 to vector<16xf32>
      %ge3A_110 = arith.cmpf oge, %mul3A_108, %ge3A_109 : vector<16xf32>
      %broadcast_in_dim3A = arith.constant 5.000000e-01 : f32
      %broadcast_in_dim3A_111 = vector.broadcast %broadcast_in_dim3A : f32 to vector<16xf32>
      %broadcast_in_dim3A_112 = arith.constant -5.000000e-01 : f32
      %broadcast_in_dim3A_113 = vector.broadcast %broadcast_in_dim3A_112 : f32 to vector<16xf32>
      %select_n3A = arith.select %ge3A_110, %broadcast_in_dim3A_111, %broadcast_in_dim3A_113 : vector<16xi1>, vector<16xf32>
      %add3A_114 = arith.addf %mul3A_108, %select_n3A : vector<16xf32>
      %convert_element_type3A = arith.fptosi %add3A_114 : vector<16xf32> to vector<16xi32>
      %convert_element_type3A_115 = arith.sitofp %convert_element_type3A : vector<16xi32> to vector<16xf32>
      %sub3A = arith.subf %mul3A_108, %convert_element_type3A_115 : vector<16xf32>
      %mul3A_116 = arith.constant 0.693147182 : f32
      %mul3A_117 = vector.broadcast %mul3A_116 : f32 to vector<16xf32>
      %mul3A_118 = arith.mulf %sub3A, %mul3A_117 : vector<16xf32>
      %broadcast_in_dim3A_119 = arith.constant 0.00138888892 : f32
      %broadcast_in_dim3A_120 = vector.broadcast %broadcast_in_dim3A_119 : f32 to vector<16xf32>
      %mul3A_121 = arith.mulf %broadcast_in_dim3A_120, %mul3A_118 : vector<16xf32>
      %add3A_122 = arith.constant 0.00833333377 : f32
      %add3A_123 = vector.broadcast %add3A_122 : f32 to vector<16xf32>
      %add3A_124 = arith.addf %mul3A_121, %add3A_123 : vector<16xf32>
      %mul3A_125 = arith.mulf %add3A_124, %mul3A_118 : vector<16xf32>
      %add3A_126 = arith.constant 0.0416666679 : f32
      %add3A_127 = vector.broadcast %add3A_126 : f32 to vector<16xf32>
      %add3A_128 = arith.addf %mul3A_125, %add3A_127 : vector<16xf32>
      %mul3A_129 = arith.mulf %add3A_128, %mul3A_118 : vector<16xf32>
      %add3A_130 = arith.constant 0.166666672 : f32
      %add3A_131 = vector.broadcast %add3A_130 : f32 to vector<16xf32>
      %add3A_132 = arith.addf %mul3A_129, %add3A_131 : vector<16xf32>
      %mul3A_133 = arith.mulf %add3A_132, %mul3A_118 : vector<16xf32>
      %add3A_134 = arith.constant 5.000000e-01 : f32
      %add3A_135 = vector.broadcast %add3A_134 : f32 to vector<16xf32>
      %add3A_136 = arith.addf %mul3A_133, %add3A_135 : vector<16xf32>
      %mul3A_137 = arith.mulf %add3A_136, %mul3A_118 : vector<16xf32>
      %add3A_138 = arith.constant 1.000000e+00 : f32
      %add3A_139 = vector.broadcast %add3A_138 : f32 to vector<16xf32>
      %add3A_140 = arith.addf %mul3A_137, %add3A_139 : vector<16xf32>
      %mul3A_141 = arith.mulf %add3A_140, %mul3A_118 : vector<16xf32>
      %add3A_142 = arith.constant 1.000000e+00 : f32
      %add3A_143 = vector.broadcast %add3A_142 : f32 to vector<16xf32>
      %add3A_144 = arith.addf %mul3A_141, %add3A_143 : vector<16xf32>
      %jit3A = arith.constant -126 : i32
      %jit3A_145 = arith.constant 127 : i32
      %max3A = vector.broadcast %jit3A : i32 to vector<16xi32>
      %max3A_146 = arith.maxsi %max3A, %convert_element_type3A : vector<16xi32>
      %min3A = vector.broadcast %jit3A_145 : i32 to vector<16xi32>
      %min3A_147 = arith.minsi %min3A, %max3A_146 : vector<16xi32>
      %add3A_148 = arith.constant 127 : i32
      %add3A_149 = vector.broadcast %add3A_148 : i32 to vector<16xi32>
      %add3A_150 = arith.addi %min3A_147, %add3A_149 : vector<16xi32>
      %shift_left3A = arith.constant 23 : i32
      %shift_left3A_151 = vector.broadcast %shift_left3A : i32 to vector<16xi32>
      %shift_left3A_152 = arith.shli %add3A_150, %shift_left3A_151 : vector<16xi32>
      %bitcast3A = vector.bitcast %shift_left3A_152 : vector<16xi32> to vector<16xf32>
      %mul3A_153 = arith.mulf %add3A_144, %bitcast3A : vector<16xf32>
      %broadcast_in_dim3A_154 = arith.constant 0.000000e+00 : f32
      %broadcast_in_dim3A_155 = vector.broadcast %broadcast_in_dim3A_154 : f32 to vector<16xf32>
      %select_n3A_156 = arith.select %lt3A_103, %mul3A_153, %broadcast_in_dim3A_155 : vector<16xi1>, vector<16xf32>
      %swap3A = arith.constant 0 : index
      %swap3A_157 = tpu.vector_load %arg15[%swap3A] {strides = array<i32>} : memref<96xf32, #tpu.memory_space<vmem>>, vector<16xf32>,
      tpu.vector_store %arg15[%swap3A], %select_n3A_156 {strides = array<i32>} : memref<96xf32, #tpu.memory_space<vmem>>, vector<16xf32>,
      %get3A_158 = arith.constant 0 : index
      %get3A_159 = tpu.vector_load %arg11[%get3A_158] {strides = array<i32>} : memref<96xi32, #tpu.memory_space<vmem>>, vector<16xi32>,
      %masked_sort3A = arith.constant dense<true> : vector<16xi1>
      %masked_sort3A_160 = arith.constant -2147483648 : i32
      %masked_sort3A_161 = vector.broadcast %masked_sort3A_160 : i32 to vector<16xi32>
      %masked_sort3A_162 = arith.xori %get3A_159, %masked_sort3A_161 : vector<16xi32>
      %masked_sort3A_163, %masked_sort3A_164, %masked_sort3A_165 = tpu.sort %masked_sort3A_162, %select_n3A_156 masked %masked_sort3A : (vector<16xi32>, vector<16xf32>, vector<16xi1>) -> (vector<16xi1>, vector<16xi32>, vector<16xf32>)
      %masked_sort3A_166 = arith.xori %masked_sort3A_164, %masked_sort3A_161 : vector<16xi32>
      %sub3A_167 = arith.constant 1 : i32
      %sub3A_168 = vector.broadcast %sub3A_167 : i32 to vector<16xi32>
      %sub3A_169 = arith.subi %iota3A, %sub3A_168 : vector<16xi32>
      %max3A_170 = arith.constant 0 : i32
      %max3A_171 = vector.broadcast %max3A_170 : i32 to vector<16xi32>
      %max3A_172 = arith.maxsi %sub3A_169, %max3A_171 : vector<16xi32>
      %ge3A_173 = arith.constant 1 : i32
      %ge3A_174 = vector.broadcast %ge3A_173 : i32 to vector<16xi32>
      %ge3A_175 = arith.cmpi sge, %iota3A, %ge3A_174 : vector<16xi32>
      %broadcast_in_dim3A_176 = vector.shape_cast %max3A_172 : vector<16xi32> to vector<16x1xi32>
      %gather3A = vector.shape_cast %broadcast_in_dim3A_176 : vector<16x1xi32> to vector<16xi32>
      %gather3A_177 = tpu.dynamic_gather %masked_sort3A_166[%gather3A] in [0] : vector<16xi32>, vector<16xi32> -> vector<16xi32>
      %eq3A_178 = arith.cmpi eq, %gather3A_177, %masked_sort3A_166 : vector<16xi32>
      %and3A = arith.andi %ge3A_175, %eq3A_178 : vector<16xi1>
      %broadcast_in_dim3A_179 = vector.shape_cast %max3A_172 : vector<16xi32> to vector<16x1xi32>
      %gather3A_180 = vector.shape_cast %broadcast_in_dim3A_179 : vector<16x1xi32> to vector<16xi32>
      %gather3A_181 = tpu.dynamic_gather %masked_sort3A_165[%gather3A_180] in [0] : vector<16xf32>, vector<16xi32> -> vector<16xf32>
      %broadcast_in_dim3A_182 = arith.constant 0.000000e+00 : f32
      %broadcast_in_dim3A_183 = vector.broadcast %broadcast_in_dim3A_182 : f32 to vector<16xf32>
      %select_n3A_184 = arith.select %and3A, %gather3A_181, %broadcast_in_dim3A_183 : vector<16xi1>, vector<16xf32>
      %add3A_185 = arith.addf %masked_sort3A_165, %select_n3A_184 : vector<16xf32>
      %sub3A_186 = arith.constant 2 : i32
      %sub3A_187 = vector.broadcast %sub3A_186 : i32 to vector<16xi32>
      %sub3A_188 = arith.subi %iota3A, %sub3A_187 : vector<16xi32>
      %max3A_189 = arith.constant 0 : i32
      %max3A_190 = vector.broadcast %max3A_189 : i32 to vector<16xi32>
      %max3A_191 = arith.maxsi %sub3A_188, %max3A_190 : vector<16xi32>
      %ge3A_192 = arith.constant 2 : i32
      %ge3A_193 = vector.broadcast %ge3A_192 : i32 to vector<16xi32>
      %ge3A_194 = arith.cmpi sge, %iota3A, %ge3A_193 : vector<16xi32>
      %broadcast_in_dim3A_195 = vector.shape_cast %max3A_191 : vector<16xi32> to vector<16x1xi32>
      %gather3A_196 = vector.shape_cast %broadcast_in_dim3A_195 : vector<16x1xi32> to vector<16xi32>
      %gather3A_197 = tpu.dynamic_gather %masked_sort3A_166[%gather3A_196] in [0] : vector<16xi32>, vector<16xi32> -> vector<16xi32>
      %eq3A_198 = arith.cmpi eq, %gather3A_197, %masked_sort3A_166 : vector<16xi32>
      %and3A_199 = arith.andi %ge3A_194, %eq3A_198 : vector<16xi1>
      %broadcast_in_dim3A_200 = vector.shape_cast %max3A_191 : vector<16xi32> to vector<16x1xi32>
      %gather3A_201 = vector.shape_cast %broadcast_in_dim3A_200 : vector<16x1xi32> to vector<16xi32>
      %gather3A_202 = tpu.dynamic_gather %add3A_185[%gather3A_201] in [0] : vector<16xf32>, vector<16xi32> -> vector<16xf32>
      %broadcast_in_dim3A_203 = arith.constant 0.000000e+00 : f32
      %broadcast_in_dim3A_204 = vector.broadcast %broadcast_in_dim3A_203 : f32 to vector<16xf32>
      %select_n3A_205 = arith.select %and3A_199, %gather3A_202, %broadcast_in_dim3A_204 : vector<16xi1>, vector<16xf32>
      %add3A_206 = arith.addf %add3A_185, %select_n3A_205 : vector<16xf32>
      %sub3A_207 = arith.constant 4 : i32
      %sub3A_208 = vector.broadcast %sub3A_207 : i32 to vector<16xi32>
      %sub3A_209 = arith.subi %iota3A, %sub3A_208 : vector<16xi32>
      %max3A_210 = arith.constant 0 : i32
      %max3A_211 = vector.broadcast %max3A_210 : i32 to vector<16xi32>
      %max3A_212 = arith.maxsi %sub3A_209, %max3A_211 : vector<16xi32>
      %ge3A_213 = arith.constant 4 : i32
      %ge3A_214 = vector.broadcast %ge3A_213 : i32 to vector<16xi32>
      %ge3A_215 = arith.cmpi sge, %iota3A, %ge3A_214 : vector<16xi32>
      %broadcast_in_dim3A_216 = vector.shape_cast %max3A_212 : vector<16xi32> to vector<16x1xi32>
      %gather3A_217 = vector.shape_cast %broadcast_in_dim3A_216 : vector<16x1xi32> to vector<16xi32>
      %gather3A_218 = tpu.dynamic_gather %masked_sort3A_166[%gather3A_217] in [0] : vector<16xi32>, vector<16xi32> -> vector<16xi32>
      %eq3A_219 = arith.cmpi eq, %gather3A_218, %masked_sort3A_166 : vector<16xi32>
      %and3A_220 = arith.andi %ge3A_215, %eq3A_219 : vector<16xi1>
      %broadcast_in_dim3A_221 = vector.shape_cast %max3A_212 : vector<16xi32> to vector<16x1xi32>
      %gather3A_222 = vector.shape_cast %broadcast_in_dim3A_221 : vector<16x1xi32> to vector<16xi32>
      %gather3A_223 = tpu.dynamic_gather %add3A_206[%gather3A_222] in [0] : vector<16xf32>, vector<16xi32> -> vector<16xf32>
      %broadcast_in_dim3A_224 = arith.constant 0.000000e+00 : f32
      %broadcast_in_dim3A_225 = vector.broadcast %broadcast_in_dim3A_224 : f32 to vector<16xf32>
      %select_n3A_226 = arith.select %and3A_220, %gather3A_223, %broadcast_in_dim3A_225 : vector<16xi1>, vector<16xf32>
      %add3A_227 = arith.addf %add3A_206, %select_n3A_226 : vector<16xf32>
      %sub3A_228 = arith.constant 8 : i32
      %sub3A_229 = vector.broadcast %sub3A_228 : i32 to vector<16xi32>
      %sub3A_230 = arith.subi %iota3A, %sub3A_229 : vector<16xi32>
      %max3A_231 = arith.constant 0 : i32
      %max3A_232 = vector.broadcast %max3A_231 : i32 to vector<16xi32>
      %max3A_233 = arith.maxsi %sub3A_230, %max3A_232 : vector<16xi32>
      %ge3A_234 = arith.constant 8 : i32
      %ge3A_235 = vector.broadcast %ge3A_234 : i32 to vector<16xi32>
      %ge3A_236 = arith.cmpi sge, %iota3A, %ge3A_235 : vector<16xi32>
      %broadcast_in_dim3A_237 = vector.shape_cast %max3A_233 : vector<16xi32> to vector<16x1xi32>
      %gather3A_238 = vector.shape_cast %broadcast_in_dim3A_237 : vector<16x1xi32> to vector<16xi32>
      %gather3A_239 = tpu.dynamic_gather %masked_sort3A_166[%gather3A_238] in [0] : vector<16xi32>, vector<16xi32> -> vector<16xi32>
      %eq3A_240 = arith.cmpi eq, %gather3A_239, %masked_sort3A_166 : vector<16xi32>
      %and3A_241 = arith.andi %ge3A_236, %eq3A_240 : vector<16xi1>
      %broadcast_in_dim3A_242 = vector.shape_cast %max3A_233 : vector<16xi32> to vector<16x1xi32>
      %gather3A_243 = vector.shape_cast %broadcast_in_dim3A_242 : vector<16x1xi32> to vector<16xi32>
      %gather3A_244 = tpu.dynamic_gather %add3A_227[%gather3A_243] in [0] : vector<16xf32>, vector<16xi32> -> vector<16xf32>
      %broadcast_in_dim3A_245 = arith.constant 0.000000e+00 : f32
      %broadcast_in_dim3A_246 = vector.broadcast %broadcast_in_dim3A_245 : f32 to vector<16xf32>
      %select_n3A_247 = arith.select %and3A_241, %gather3A_244, %broadcast_in_dim3A_246 : vector<16xi1>, vector<16xf32>
      %add3A_248 = arith.addf %add3A_227, %select_n3A_247 : vector<16xf32>
      %add3A_249 = arith.constant 1 : i32
      %add3A_250 = vector.broadcast %add3A_249 : i32 to vector<16xi32>
      %add3A_251 = arith.addi %iota3A, %add3A_250 : vector<16xi32>
      %min3A_252 = arith.constant 15 : i32
      %min3A_253 = vector.broadcast %min3A_252 : i32 to vector<16xi32>
      %min3A_254 = arith.minsi %add3A_251, %min3A_253 : vector<16xi32>
      %broadcast_in_dim3A_255 = vector.shape_cast %min3A_254 : vector<16xi32> to vector<16x1xi32>
      %gather3A_256 = vector.shape_cast %broadcast_in_dim3A_255 : vector<16x1xi32> to vector<16xi32>
      %gather3A_257 = tpu.dynamic_gather %masked_sort3A_166[%gather3A_256] in [0] : vector<16xi32>, vector<16xi32> -> vector<16xi32>
      %ne3A = arith.cmpi ne, %masked_sort3A_166, %gather3A_257 : vector<16xi32>
      %eq3A_258 = arith.constant 15 : i32
      %eq3A_259 = vector.broadcast %eq3A_258 : i32 to vector<16xi32>
      %eq3A_260 = arith.cmpi eq, %iota3A, %eq3A_259 : vector<16xi32>
      %or3A = arith.ori %ne3A, %eq3A_260 : vector<16xi1>
      %gather3A_261 = tpu.vector_load_idx %arg16[%masked_sort3A_166] : memref<10112xf32, #tpu.memory_space<vmem>>[vector<16xi32>], vector<16xf32>,
      %add3A_262 = arith.addf %gather3A_261, %add3A_248 : vector<16xf32>
      tpu.vector_store_idx %arg16[%masked_sort3A_166], %add3A_262 masked %or3A : memref<10112xf32, #tpu.memory_space<vmem>>[vector<16xi32>], vector<16xf32>, vector<16xi1>
      %add3A_263 = arith.constant 16 : i32
      %add3A_264 = arith.addi %mul3A_64, %add3A_263 : i32
      %add3A_265 = vector.broadcast %add3A_264 : i32 to vector<16xi32>
      %add3A_266 = arith.addi %add3A_265, %iota3A : vector<16xi32>
      %lt3A_267 = arith.constant 330000 : i32
      %lt3A_268 = vector.broadcast %lt3A_267 : i32 to vector<16xi32>
      %lt3A_269 = arith.cmpi slt, %add3A_266, %lt3A_268 : vector<16xi32>
      %get3A_270 = arith.constant 16 : index
      %get3A_271 = tpu.vector_load %arg15[%get3A_270] {strides = array<i32>} : memref<96xf32, #tpu.memory_space<vmem>>, vector<16xf32>,
      %mul3A_272 = arith.constant 1.44269502 : f32
      %mul3A_273 = vector.broadcast %mul3A_272 : f32 to vector<16xf32>
      %mul3A_274 = arith.mulf %get3A_271, %mul3A_273 : vector<16xf32>
      %ge3A_275 = arith.constant 0.000000e+00 : f32
      %ge3A_276 = vector.broadcast %ge3A_275 : f32 to vector<16xf32>
      %ge3A_277 = arith.cmpf oge, %mul3A_274, %ge3A_276 : vector<16xf32>
      %broadcast_in_dim3A_278 = arith.constant 5.000000e-01 : f32
      %broadcast_in_dim3A_279 = vector.broadcast %broadcast_in_dim3A_278 : f32 to vector<16xf32>
      %broadcast_in_dim3A_280 = arith.constant -5.000000e-01 : f32
      %broadcast_in_dim3A_281 = vector.broadcast %broadcast_in_dim3A_280 : f32 to vector<16xf32>
      %select_n3A_282 = arith.select %ge3A_277, %broadcast_in_dim3A_279, %broadcast_in_dim3A_281 : vector<16xi1>, vector<16xf32>
      %add3A_283 = arith.addf %mul3A_274, %select_n3A_282 : vector<16xf32>
      %convert_element_type3A_284 = arith.fptosi %add3A_283 : vector<16xf32> to vector<16xi32>
      %convert_element_type3A_285 = arith.sitofp %convert_element_type3A_284 : vector<16xi32> to vector<16xf32>
      %sub3A_286 = arith.subf %mul3A_274, %convert_element_type3A_285 : vector<16xf32>
      %mul3A_287 = arith.constant 0.693147182 : f32
      %mul3A_288 = vector.broadcast %mul3A_287 : f32 to vector<16xf32>
      %mul3A_289 = arith.mulf %sub3A_286, %mul3A_288 : vector<16xf32>
      %broadcast_in_dim3A_290 = arith.constant 0.00138888892 : f32
      %broadcast_in_dim3A_291 = vector.broadcast %broadcast_in_dim3A_290 : f32 to vector<16xf32>
      %mul3A_292 = arith.mulf %broadcast_in_dim3A_291, %mul3A_289 : vector<16xf32>
      %add3A_293 = arith.constant 0.00833333377 : f32
      %add3A_294 = vector.broadcast %add3A_293 : f32 to vector<16xf32>
      %add3A_295 = arith.addf %mul3A_292, %add3A_294 : vector<16xf32>
      %mul3A_296 = arith.mulf %add3A_295, %mul3A_289 : vector<16xf32>
      %add3A_297 = arith.constant 0.0416666679 : f32
      %add3A_298 = vector.broadcast %add3A_297 : f32 to vector<16xf32>
      %add3A_299 = arith.addf %mul3A_296, %add3A_298 : vector<16xf32>
      %mul3A_300 = arith.mulf %add3A_299, %mul3A_289 : vector<16xf32>
      %add3A_301 = arith.constant 0.166666672 : f32
      %add3A_302 = vector.broadcast %add3A_301 : f32 to vector<16xf32>
      %add3A_303 = arith.addf %mul3A_300, %add3A_302 : vector<16xf32>
      %mul3A_304 = arith.mulf %add3A_303, %mul3A_289 : vector<16xf32>
      %add3A_305 = arith.constant 5.000000e-01 : f32
      %add3A_306 = vector.broadcast %add3A_305 : f32 to vector<16xf32>
      %add3A_307 = arith.addf %mul3A_304, %add3A_306 : vector<16xf32>
      %mul3A_308 = arith.mulf %add3A_307, %mul3A_289 : vector<16xf32>
      %add3A_309 = arith.constant 1.000000e+00 : f32
      %add3A_310 = vector.broadcast %add3A_309 : f32 to vector<16xf32>
      %add3A_311 = arith.addf %mul3A_308, %add3A_310 : vector<16xf32>
      %mul3A_312 = arith.mulf %add3A_311, %mul3A_289 : vector<16xf32>
      %add3A_313 = arith.constant 1.000000e+00 : f32
      %add3A_314 = vector.broadcast %add3A_313 : f32 to vector<16xf32>
      %add3A_315 = arith.addf %mul3A_312, %add3A_314 : vector<16xf32>
      %jit3A_316 = arith.constant -126 : i32
      %jit3A_317 = arith.constant 127 : i32
      %max3A_318 = vector.broadcast %jit3A_316 : i32 to vector<16xi32>
      %max3A_319 = arith.maxsi %max3A_318, %convert_element_type3A_284 : vector<16xi32>
      %min3A_320 = vector.broadcast %jit3A_317 : i32 to vector<16xi32>
      %min3A_321 = arith.minsi %min3A_320, %max3A_319 : vector<16xi32>
      %add3A_322 = arith.constant 127 : i32
      %add3A_323 = vector.broadcast %add3A_322 : i32 to vector<16xi32>
      %add3A_324 = arith.addi %min3A_321, %add3A_323 : vector<16xi32>
      %shift_left3A_325 = arith.constant 23 : i32
      %shift_left3A_326 = vector.broadcast %shift_left3A_325 : i32 to vector<16xi32>
      %shift_left3A_327 = arith.shli %add3A_324, %shift_left3A_326 : vector<16xi32>
      %bitcast3A_328 = vector.bitcast %shift_left3A_327 : vector<16xi32> to vector<16xf32>
      %mul3A_329 = arith.mulf %add3A_315, %bitcast3A_328 : vector<16xf32>
      %broadcast_in_dim3A_330 = arith.constant 0.000000e+00 : f32
      %broadcast_in_dim3A_331 = vector.broadcast %broadcast_in_dim3A_330 : f32 to vector<16xf32>
      %select_n3A_332 = arith.select %lt3A_269, %mul3A_329, %broadcast_in_dim3A_331 : vector<16xi1>, vector<16xf32>
      %swap3A_333 = arith.constant 16 : index
      %swap3A_334 = tpu.vector_load %arg15[%swap3A_333] {strides = array<i32>} : memref<96xf32, #tpu.memory_space<vmem>>, vector<16xf32>,
      tpu.vector_store %arg15[%swap3A_333], %select_n3A_332 {strides = array<i32>} : memref<96xf32, #tpu.memory_space<vmem>>, vector<16xf32>,
      %get3A_335 = arith.constant 16 : index
      %get3A_336 = tpu.vector_load %arg11[%get3A_335] {strides = array<i32>} : memref<96xi32, #tpu.memory_space<vmem>>, vector<16xi32>,
      %masked_sort3A_337 = arith.constant dense<true> : vector<16xi1>
      %masked_sort3A_338 = arith.constant -2147483648 : i32
      %masked_sort3A_339 = vector.broadcast %masked_sort3A_338 : i32 to vector<16xi32>
      %masked_sort3A_340 = arith.xori %get3A_336, %masked_sort3A_339 : vector<16xi32>
      %masked_sort3A_341, %masked_sort3A_342, %masked_sort3A_343 = tpu.sort %masked_sort3A_340, %select_n3A_332 masked %masked_sort3A_337 : (vector<16xi32>, vector<16xf32>, vector<16xi1>) -> (vector<16xi1>, vector<16xi32>, vector<16xf32>)
      %masked_sort3A_344 = arith.xori %masked_sort3A_342, %masked_sort3A_339 : vector<16xi32>
      %sub3A_345 = arith.constant 1 : i32
      %sub3A_346 = vector.broadcast %sub3A_345 : i32 to vector<16xi32>
      %sub3A_347 = arith.subi %iota3A, %sub3A_346 : vector<16xi32>
      %max3A_348 = arith.constant 0 : i32
      %max3A_349 = vector.broadcast %max3A_348 : i32 to vector<16xi32>
      %max3A_350 = arith.maxsi %sub3A_347, %max3A_349 : vector<16xi32>
      %ge3A_351 = arith.constant 1 : i32
      %ge3A_352 = vector.broadcast %ge3A_351 : i32 to vector<16xi32>
      %ge3A_353 = arith.cmpi sge, %iota3A, %ge3A_352 : vector<16xi32>
      %broadcast_in_dim3A_354 = vector.shape_cast %max3A_350 : vector<16xi32> to vector<16x1xi32>
      %gather3A_355 = vector.shape_cast %broadcast_in_dim3A_354 : vector<16x1xi32> to vector<16xi32>
      %gather3A_356 = tpu.dynamic_gather %masked_sort3A_344[%gather3A_355] in [0] : vector<16xi32>, vector<16xi32> -> vector<16xi32>
      %eq3A_357 = arith.cmpi eq, %gather3A_356, %masked_sort3A_344 : vector<16xi32>
      %and3A_358 = arith.andi %ge3A_353, %eq3A_357 : vector<16xi1>
      %broadcast_in_dim3A_359 = vector.shape_cast %max3A_350 : vector<16xi32> to vector<16x1xi32>
      %gather3A_360 = vector.shape_cast %broadcast_in_dim3A_359 : vector<16x1xi32> to vector<16xi32>
      %gather3A_361 = tpu.dynamic_gather %masked_sort3A_343[%gather3A_360] in [0] : vector<16xf32>, vector<16xi32> -> vector<16xf32>
      %broadcast_in_dim3A_362 = arith.constant 0.000000e+00 : f32
      %broadcast_in_dim3A_363 = vector.broadcast %broadcast_in_dim3A_362 : f32 to vector<16xf32>
      %select_n3A_364 = arith.select %and3A_358, %gather3A_361, %broadcast_in_dim3A_363 : vector<16xi1>, vector<16xf32>
      %add3A_365 = arith.addf %masked_sort3A_343, %select_n3A_364 : vector<16xf32>
      %sub3A_366 = arith.constant 2 : i32
      %sub3A_367 = vector.broadcast %sub3A_366 : i32 to vector<16xi32>
      %sub3A_368 = arith.subi %iota3A, %sub3A_367 : vector<16xi32>
      %max3A_369 = arith.constant 0 : i32
      %max3A_370 = vector.broadcast %max3A_369 : i32 to vector<16xi32>
      %max3A_371 = arith.maxsi %sub3A_368, %max3A_370 : vector<16xi32>
      %ge3A_372 = arith.constant 2 : i32
      %ge3A_373 = vector.broadcast %ge3A_372 : i32 to vector<16xi32>
      %ge3A_374 = arith.cmpi sge, %iota3A, %ge3A_373 : vector<16xi32>
      %broadcast_in_dim3A_375 = vector.shape_cast %max3A_371 : vector<16xi32> to vector<16x1xi32>
      %gather3A_376 = vector.shape_cast %broadcast_in_dim3A_375 : vector<16x1xi32> to vector<16xi32>
      %gather3A_377 = tpu.dynamic_gather %masked_sort3A_344[%gather3A_376] in [0] : vector<16xi32>, vector<16xi32> -> vector<16xi32>
      %eq3A_378 = arith.cmpi eq, %gather3A_377, %masked_sort3A_344 : vector<16xi32>
      %and3A_379 = arith.andi %ge3A_374, %eq3A_378 : vector<16xi1>
      %broadcast_in_dim3A_380 = vector.shape_cast %max3A_371 : vector<16xi32> to vector<16x1xi32>
      %gather3A_381 = vector.shape_cast %broadcast_in_dim3A_380 : vector<16x1xi32> to vector<16xi32>
      %gather3A_382 = tpu.dynamic_gather %add3A_365[%gather3A_381] in [0] : vector<16xf32>, vector<16xi32> -> vector<16xf32>
      %broadcast_in_dim3A_383 = arith.constant 0.000000e+00 : f32
      %broadcast_in_dim3A_384 = vector.broadcast %broadcast_in_dim3A_383 : f32 to vector<16xf32>
      %select_n3A_385 = arith.select %and3A_379, %gather3A_382, %broadcast_in_dim3A_384 : vector<16xi1>, vector<16xf32>
      %add3A_386 = arith.addf %add3A_365, %select_n3A_385 : vector<16xf32>
      %sub3A_387 = arith.constant 4 : i32
      %sub3A_388 = vector.broadcast %sub3A_387 : i32 to vector<16xi32>
      %sub3A_389 = arith.subi %iota3A, %sub3A_388 : vector<16xi32>
      %max3A_390 = arith.constant 0 : i32
      %max3A_391 = vector.broadcast %max3A_390 : i32 to vector<16xi32>
      %max3A_392 = arith.maxsi %sub3A_389, %max3A_391 : vector<16xi32>
      %ge3A_393 = arith.constant 4 : i32
      %ge3A_394 = vector.broadcast %ge3A_393 : i32 to vector<16xi32>
      %ge3A_395 = arith.cmpi sge, %iota3A, %ge3A_394 : vector<16xi32>
      %broadcast_in_dim3A_396 = vector.shape_cast %max3A_392 : vector<16xi32> to vector<16x1xi32>
      %gather3A_397 = vector.shape_cast %broadcast_in_dim3A_396 : vector<16x1xi32> to vector<16xi32>
      %gather3A_398 = tpu.dynamic_gather %masked_sort3A_344[%gather3A_397] in [0] : vector<16xi32>, vector<16xi32> -> vector<16xi32>
      %eq3A_399 = arith.cmpi eq, %gather3A_398, %masked_sort3A_344 : vector<16xi32>
      %and3A_400 = arith.andi %ge3A_395, %eq3A_399 : vector<16xi1>
      %broadcast_in_dim3A_401 = vector.shape_cast %max3A_392 : vector<16xi32> to vector<16x1xi32>
      %gather3A_402 = vector.shape_cast %broadcast_in_dim3A_401 : vector<16x1xi32> to vector<16xi32>
      %gather3A_403 = tpu.dynamic_gather %add3A_386[%gather3A_402] in [0] : vector<16xf32>, vector<16xi32> -> vector<16xf32>
      %broadcast_in_dim3A_404 = arith.constant 0.000000e+00 : f32
      %broadcast_in_dim3A_405 = vector.broadcast %broadcast_in_dim3A_404 : f32 to vector<16xf32>
      %select_n3A_406 = arith.select %and3A_400, %gather3A_403, %broadcast_in_dim3A_405 : vector<16xi1>, vector<16xf32>
      %add3A_407 = arith.addf %add3A_386, %select_n3A_406 : vector<16xf32>
      %sub3A_408 = arith.constant 8 : i32
      %sub3A_409 = vector.broadcast %sub3A_408 : i32 to vector<16xi32>
      %sub3A_410 = arith.subi %iota3A, %sub3A_409 : vector<16xi32>
      %max3A_411 = arith.constant 0 : i32
      %max3A_412 = vector.broadcast %max3A_411 : i32 to vector<16xi32>
      %max3A_413 = arith.maxsi %sub3A_410, %max3A_412 : vector<16xi32>
      %ge3A_414 = arith.constant 8 : i32
      %ge3A_415 = vector.broadcast %ge3A_414 : i32 to vector<16xi32>
      %ge3A_416 = arith.cmpi sge, %iota3A, %ge3A_415 : vector<16xi32>
      %broadcast_in_dim3A_417 = vector.shape_cast %max3A_413 : vector<16xi32> to vector<16x1xi32>
      %gather3A_418 = vector.shape_cast %broadcast_in_dim3A_417 : vector<16x1xi32> to vector<16xi32>
      %gather3A_419 = tpu.dynamic_gather %masked_sort3A_344[%gather3A_418] in [0] : vector<16xi32>, vector<16xi32> -> vector<16xi32>
      %eq3A_420 = arith.cmpi eq, %gather3A_419, %masked_sort3A_344 : vector<16xi32>
      %and3A_421 = arith.andi %ge3A_416, %eq3A_420 : vector<16xi1>
      %broadcast_in_dim3A_422 = vector.shape_cast %max3A_413 : vector<16xi32> to vector<16x1xi32>
      %gather3A_423 = vector.shape_cast %broadcast_in_dim3A_422 : vector<16x1xi32> to vector<16xi32>
      %gather3A_424 = tpu.dynamic_gather %add3A_407[%gather3A_423] in [0] : vector<16xf32>, vector<16xi32> -> vector<16xf32>
      %broadcast_in_dim3A_425 = arith.constant 0.000000e+00 : f32
      %broadcast_in_dim3A_426 = vector.broadcast %broadcast_in_dim3A_425 : f32 to vector<16xf32>
      %select_n3A_427 = arith.select %and3A_421, %gather3A_424, %broadcast_in_dim3A_426 : vector<16xi1>, vector<16xf32>
      %add3A_428 = arith.addf %add3A_407, %select_n3A_427 : vector<16xf32>
      %add3A_429 = arith.constant 1 : i32
      %add3A_430 = vector.broadcast %add3A_429 : i32 to vector<16xi32>
      %add3A_431 = arith.addi %iota3A, %add3A_430 : vector<16xi32>
      %min3A_432 = arith.constant 15 : i32
      %min3A_433 = vector.broadcast %min3A_432 : i32 to vector<16xi32>
      %min3A_434 = arith.minsi %add3A_431, %min3A_433 : vector<16xi32>
      %broadcast_in_dim3A_435 = vector.shape_cast %min3A_434 : vector<16xi32> to vector<16x1xi32>
      %gather3A_436 = vector.shape_cast %broadcast_in_dim3A_435 : vector<16x1xi32> to vector<16xi32>
      %gather3A_437 = tpu.dynamic_gather %masked_sort3A_344[%gather3A_436] in [0] : vector<16xi32>, vector<16xi32> -> vector<16xi32>
      %ne3A_438 = arith.cmpi ne, %masked_sort3A_344, %gather3A_437 : vector<16xi32>
      %eq3A_439 = arith.constant 15 : i32
      %eq3A_440 = vector.broadcast %eq3A_439 : i32 to vector<16xi32>
      %eq3A_441 = arith.cmpi eq, %iota3A, %eq3A_440 : vector<16xi32>
      %or3A_442 = arith.ori %ne3A_438, %eq3A_441 : vector<16xi1>
      %gather3A_443 = tpu.vector_load_idx %arg16[%masked_sort3A_344] : memref<10112xf32, #tpu.memory_space<vmem>>[vector<16xi32>], vector<16xf32>,
      %add3A_444 = arith.addf %gather3A_443, %add3A_428 : vector<16xf32>
      tpu.vector_store_idx %arg16[%masked_sort3A_344], %add3A_444 masked %or3A_442 : memref<10112xf32, #tpu.memory_space<vmem>>[vector<16xi32>], vector<16xf32>, vector<16xi1>
      %add3A_445 = arith.constant 32 : i32
      %add3A_446 = arith.addi %mul3A_64, %add3A_445 : i32
      %add3A_447 = vector.broadcast %add3A_446 : i32 to vector<16xi32>
      %add3A_448 = arith.addi %add3A_447, %iota3A : vector<16xi32>
      %lt3A_449 = arith.constant 330000 : i32
      %lt3A_450 = vector.broadcast %lt3A_449 : i32 to vector<16xi32>
      %lt3A_451 = arith.cmpi slt, %add3A_448, %lt3A_450 : vector<16xi32>
      %get3A_452 = arith.constant 32 : index
      %get3A_453 = tpu.vector_load %arg15[%get3A_452] {strides = array<i32>} : memref<96xf32, #tpu.memory_space<vmem>>, vector<16xf32>,
      %mul3A_454 = arith.constant 1.44269502 : f32
      %mul3A_455 = vector.broadcast %mul3A_454 : f32 to vector<16xf32>
      %mul3A_456 = arith.mulf %get3A_453, %mul3A_455 : vector<16xf32>
      %ge3A_457 = arith.constant 0.000000e+00 : f32
      %ge3A_458 = vector.broadcast %ge3A_457 : f32 to vector<16xf32>
      %ge3A_459 = arith.cmpf oge, %mul3A_456, %ge3A_458 : vector<16xf32>
      %broadcast_in_dim3A_460 = arith.constant 5.000000e-01 : f32
      %broadcast_in_dim3A_461 = vector.broadcast %broadcast_in_dim3A_460 : f32 to vector<16xf32>
      %broadcast_in_dim3A_462 = arith.constant -5.000000e-01 : f32
      %broadcast_in_dim3A_463 = vector.broadcast %broadcast_in_dim3A_462 : f32 to vector<16xf32>
      %select_n3A_464 = arith.select %ge3A_459, %broadcast_in_dim3A_461, %broadcast_in_dim3A_463 : vector<16xi1>, vector<16xf32>
      %add3A_465 = arith.addf %mul3A_456, %select_n3A_464 : vector<16xf32>
      %convert_element_type3A_466 = arith.fptosi %add3A_465 : vector<16xf32> to vector<16xi32>
      %convert_element_type3A_467 = arith.sitofp %convert_element_type3A_466 : vector<16xi32> to vector<16xf32>
      %sub3A_468 = arith.subf %mul3A_456, %convert_element_type3A_467 : vector<16xf32>
      %mul3A_469 = arith.constant 0.693147182 : f32
      %mul3A_470 = vector.broadcast %mul3A_469 : f32 to vector<16xf32>
      %mul3A_471 = arith.mulf %sub3A_468, %mul3A_470 : vector<16xf32>
      %broadcast_in_dim3A_472 = arith.constant 0.00138888892 : f32
      %broadcast_in_dim3A_473 = vector.broadcast %broadcast_in_dim3A_472 : f32 to vector<16xf32>
      %mul3A_474 = arith.mulf %broadcast_in_dim3A_473, %mul3A_471 : vector<16xf32>
      %add3A_475 = arith.constant 0.00833333377 : f32
      %add3A_476 = vector.broadcast %add3A_475 : f32 to vector<16xf32>
      %add3A_477 = arith.addf %mul3A_474, %add3A_476 : vector<16xf32>
      %mul3A_478 = arith.mulf %add3A_477, %mul3A_471 : vector<16xf32>
      %add3A_479 = arith.constant 0.0416666679 : f32
      %add3A_480 = vector.broadcast %add3A_479 : f32 to vector<16xf32>
      %add3A_481 = arith.addf %mul3A_478, %add3A_480 : vector<16xf32>
      %mul3A_482 = arith.mulf %add3A_481, %mul3A_471 : vector<16xf32>
      %add3A_483 = arith.constant 0.166666672 : f32
      %add3A_484 = vector.broadcast %add3A_483 : f32 to vector<16xf32>
      %add3A_485 = arith.addf %mul3A_482, %add3A_484 : vector<16xf32>
      %mul3A_486 = arith.mulf %add3A_485, %mul3A_471 : vector<16xf32>
      %add3A_487 = arith.constant 5.000000e-01 : f32
      %add3A_488 = vector.broadcast %add3A_487 : f32 to vector<16xf32>
      %add3A_489 = arith.addf %mul3A_486, %add3A_488 : vector<16xf32>
      %mul3A_490 = arith.mulf %add3A_489, %mul3A_471 : vector<16xf32>
      %add3A_491 = arith.constant 1.000000e+00 : f32
      %add3A_492 = vector.broadcast %add3A_491 : f32 to vector<16xf32>
      %add3A_493 = arith.addf %mul3A_490, %add3A_492 : vector<16xf32>
      %mul3A_494 = arith.mulf %add3A_493, %mul3A_471 : vector<16xf32>
      %add3A_495 = arith.constant 1.000000e+00 : f32
      %add3A_496 = vector.broadcast %add3A_495 : f32 to vector<16xf32>
      %add3A_497 = arith.addf %mul3A_494, %add3A_496 : vector<16xf32>
      %jit3A_498 = arith.constant -126 : i32
      %jit3A_499 = arith.constant 127 : i32
      %max3A_500 = vector.broadcast %jit3A_498 : i32 to vector<16xi32>
      %max3A_501 = arith.maxsi %max3A_500, %convert_element_type3A_466 : vector<16xi32>
      %min3A_502 = vector.broadcast %jit3A_499 : i32 to vector<16xi32>
      %min3A_503 = arith.minsi %min3A_502, %max3A_501 : vector<16xi32>
      %add3A_504 = arith.constant 127 : i32
      %add3A_505 = vector.broadcast %add3A_504 : i32 to vector<16xi32>
      %add3A_506 = arith.addi %min3A_503, %add3A_505 : vector<16xi32>
      %shift_left3A_507 = arith.constant 23 : i32
      %shift_left3A_508 = vector.broadcast %shift_left3A_507 : i32 to vector<16xi32>
      %shift_left3A_509 = arith.shli %add3A_506, %shift_left3A_508 : vector<16xi32>
      %bitcast3A_510 = vector.bitcast %shift_left3A_509 : vector<16xi32> to vector<16xf32>
      %mul3A_511 = arith.mulf %add3A_497, %bitcast3A_510 : vector<16xf32>
      %broadcast_in_dim3A_512 = arith.constant 0.000000e+00 : f32
      %broadcast_in_dim3A_513 = vector.broadcast %broadcast_in_dim3A_512 : f32 to vector<16xf32>
      %select_n3A_514 = arith.select %lt3A_451, %mul3A_511, %broadcast_in_dim3A_513 : vector<16xi1>, vector<16xf32>
      %swap3A_515 = arith.constant 32 : index
      %swap3A_516 = tpu.vector_load %arg15[%swap3A_515] {strides = array<i32>} : memref<96xf32, #tpu.memory_space<vmem>>, vector<16xf32>,
      tpu.vector_store %arg15[%swap3A_515], %select_n3A_514 {strides = array<i32>} : memref<96xf32, #tpu.memory_space<vmem>>, vector<16xf32>,
      %get3A_517 = arith.constant 32 : index
      %get3A_518 = tpu.vector_load %arg11[%get3A_517] {strides = array<i32>} : memref<96xi32, #tpu.memory_space<vmem>>, vector<16xi32>,
      %masked_sort3A_519 = arith.constant dense<true> : vector<16xi1>
      %masked_sort3A_520 = arith.constant -2147483648 : i32
      %masked_sort3A_521 = vector.broadcast %masked_sort3A_520 : i32 to vector<16xi32>
      %masked_sort3A_522 = arith.xori %get3A_518, %masked_sort3A_521 : vector<16xi32>
      %masked_sort3A_523, %masked_sort3A_524, %masked_sort3A_525 = tpu.sort %masked_sort3A_522, %select_n3A_514 masked %masked_sort3A_519 : (vector<16xi32>, vector<16xf32>, vector<16xi1>) -> (vector<16xi1>, vector<16xi32>, vector<16xf32>)
      %masked_sort3A_526 = arith.xori %masked_sort3A_524, %masked_sort3A_521 : vector<16xi32>
      %sub3A_527 = arith.constant 1 : i32
      %sub3A_528 = vector.broadcast %sub3A_527 : i32 to vector<16xi32>
      %sub3A_529 = arith.subi %iota3A, %sub3A_528 : vector<16xi32>
      %max3A_530 = arith.constant 0 : i32
      %max3A_531 = vector.broadcast %max3A_530 : i32 to vector<16xi32>
      %max3A_532 = arith.maxsi %sub3A_529, %max3A_531 : vector<16xi32>
      %ge3A_533 = arith.constant 1 : i32
      %ge3A_534 = vector.broadcast %ge3A_533 : i32 to vector<16xi32>
      %ge3A_535 = arith.cmpi sge, %iota3A, %ge3A_534 : vector<16xi32>
      %broadcast_in_dim3A_536 = vector.shape_cast %max3A_532 : vector<16xi32> to vector<16x1xi32>
      %gather3A_537 = vector.shape_cast %broadcast_in_dim3A_536 : vector<16x1xi32> to vector<16xi32>
      %gather3A_538 = tpu.dynamic_gather %masked_sort3A_526[%gather3A_537] in [0] : vector<16xi32>, vector<16xi32> -> vector<16xi32>
      %eq3A_539 = arith.cmpi eq, %gather3A_538, %masked_sort3A_526 : vector<16xi32>
      %and3A_540 = arith.andi %ge3A_535, %eq3A_539 : vector<16xi1>
      %broadcast_in_dim3A_541 = vector.shape_cast %max3A_532 : vector<16xi32> to vector<16x1xi32>
      %gather3A_542 = vector.shape_cast %broadcast_in_dim3A_541 : vector<16x1xi32> to vector<16xi32>
      %gather3A_543 = tpu.dynamic_gather %masked_sort3A_525[%gather3A_542] in [0] : vector<16xf32>, vector<16xi32> -> vector<16xf32>
      %broadcast_in_dim3A_544 = arith.constant 0.000000e+00 : f32
      %broadcast_in_dim3A_545 = vector.broadcast %broadcast_in_dim3A_544 : f32 to vector<16xf32>
      %select_n3A_546 = arith.select %and3A_540, %gather3A_543, %broadcast_in_dim3A_545 : vector<16xi1>, vector<16xf32>
      %add3A_547 = arith.addf %masked_sort3A_525, %select_n3A_546 : vector<16xf32>
      %sub3A_548 = arith.constant 2 : i32
      %sub3A_549 = vector.broadcast %sub3A_548 : i32 to vector<16xi32>
      %sub3A_550 = arith.subi %iota3A, %sub3A_549 : vector<16xi32>
      %max3A_551 = arith.constant 0 : i32
      %max3A_552 = vector.broadcast %max3A_551 : i32 to vector<16xi32>
      %max3A_553 = arith.maxsi %sub3A_550, %max3A_552 : vector<16xi32>
      %ge3A_554 = arith.constant 2 : i32
      %ge3A_555 = vector.broadcast %ge3A_554 : i32 to vector<16xi32>
      %ge3A_556 = arith.cmpi sge, %iota3A, %ge3A_555 : vector<16xi32>
      %broadcast_in_dim3A_557 = vector.shape_cast %max3A_553 : vector<16xi32> to vector<16x1xi32>
      %gather3A_558 = vector.shape_cast %broadcast_in_dim3A_557 : vector<16x1xi32> to vector<16xi32>
      %gather3A_559 = tpu.dynamic_gather %masked_sort3A_526[%gather3A_558] in [0] : vector<16xi32>, vector<16xi32> -> vector<16xi32>
      %eq3A_560 = arith.cmpi eq, %gather3A_559, %masked_sort3A_526 : vector<16xi32>
      %and3A_561 = arith.andi %ge3A_556, %eq3A_560 : vector<16xi1>
      %broadcast_in_dim3A_562 = vector.shape_cast %max3A_553 : vector<16xi32> to vector<16x1xi32>
      %gather3A_563 = vector.shape_cast %broadcast_in_dim3A_562 : vector<16x1xi32> to vector<16xi32>
      %gather3A_564 = tpu.dynamic_gather %add3A_547[%gather3A_563] in [0] : vector<16xf32>, vector<16xi32> -> vector<16xf32>
      %broadcast_in_dim3A_565 = arith.constant 0.000000e+00 : f32
      %broadcast_in_dim3A_566 = vector.broadcast %broadcast_in_dim3A_565 : f32 to vector<16xf32>
      %select_n3A_567 = arith.select %and3A_561, %gather3A_564, %broadcast_in_dim3A_566 : vector<16xi1>, vector<16xf32>
      %add3A_568 = arith.addf %add3A_547, %select_n3A_567 : vector<16xf32>
      %sub3A_569 = arith.constant 4 : i32
      %sub3A_570 = vector.broadcast %sub3A_569 : i32 to vector<16xi32>
      %sub3A_571 = arith.subi %iota3A, %sub3A_570 : vector<16xi32>
      %max3A_572 = arith.constant 0 : i32
      %max3A_573 = vector.broadcast %max3A_572 : i32 to vector<16xi32>
      %max3A_574 = arith.maxsi %sub3A_571, %max3A_573 : vector<16xi32>
      %ge3A_575 = arith.constant 4 : i32
      %ge3A_576 = vector.broadcast %ge3A_575 : i32 to vector<16xi32>
      %ge3A_577 = arith.cmpi sge, %iota3A, %ge3A_576 : vector<16xi32>
      %broadcast_in_dim3A_578 = vector.shape_cast %max3A_574 : vector<16xi32> to vector<16x1xi32>
      %gather3A_579 = vector.shape_cast %broadcast_in_dim3A_578 : vector<16x1xi32> to vector<16xi32>
      %gather3A_580 = tpu.dynamic_gather %masked_sort3A_526[%gather3A_579] in [0] : vector<16xi32>, vector<16xi32> -> vector<16xi32>
      %eq3A_581 = arith.cmpi eq, %gather3A_580, %masked_sort3A_526 : vector<16xi32>
      %and3A_582 = arith.andi %ge3A_577, %eq3A_581 : vector<16xi1>
      %broadcast_in_dim3A_583 = vector.shape_cast %max3A_574 : vector<16xi32> to vector<16x1xi32>
      %gather3A_584 = vector.shape_cast %broadcast_in_dim3A_583 : vector<16x1xi32> to vector<16xi32>
      %gather3A_585 = tpu.dynamic_gather %add3A_568[%gather3A_584] in [0] : vector<16xf32>, vector<16xi32> -> vector<16xf32>
      %broadcast_in_dim3A_586 = arith.constant 0.000000e+00 : f32
      %broadcast_in_dim3A_587 = vector.broadcast %broadcast_in_dim3A_586 : f32 to vector<16xf32>
      %select_n3A_588 = arith.select %and3A_582, %gather3A_585, %broadcast_in_dim3A_587 : vector<16xi1>, vector<16xf32>
      %add3A_589 = arith.addf %add3A_568, %select_n3A_588 : vector<16xf32>
      %sub3A_590 = arith.constant 8 : i32
      %sub3A_591 = vector.broadcast %sub3A_590 : i32 to vector<16xi32>
      %sub3A_592 = arith.subi %iota3A, %sub3A_591 : vector<16xi32>
      %max3A_593 = arith.constant 0 : i32
      %max3A_594 = vector.broadcast %max3A_593 : i32 to vector<16xi32>
      %max3A_595 = arith.maxsi %sub3A_592, %max3A_594 : vector<16xi32>
      %ge3A_596 = arith.constant 8 : i32
      %ge3A_597 = vector.broadcast %ge3A_596 : i32 to vector<16xi32>
      %ge3A_598 = arith.cmpi sge, %iota3A, %ge3A_597 : vector<16xi32>
      %broadcast_in_dim3A_599 = vector.shape_cast %max3A_595 : vector<16xi32> to vector<16x1xi32>
      %gather3A_600 = vector.shape_cast %broadcast_in_dim3A_599 : vector<16x1xi32> to vector<16xi32>
      %gather3A_601 = tpu.dynamic_gather %masked_sort3A_526[%gather3A_600] in [0] : vector<16xi32>, vector<16xi32> -> vector<16xi32>
      %eq3A_602 = arith.cmpi eq, %gather3A_601, %masked_sort3A_526 : vector<16xi32>
      %and3A_603 = arith.andi %ge3A_598, %eq3A_602 : vector<16xi1>
      %broadcast_in_dim3A_604 = vector.shape_cast %max3A_595 : vector<16xi32> to vector<16x1xi32>
      %gather3A_605 = vector.shape_cast %broadcast_in_dim3A_604 : vector<16x1xi32> to vector<16xi32>
      %gather3A_606 = tpu.dynamic_gather %add3A_589[%gather3A_605] in [0] : vector<16xf32>, vector<16xi32> -> vector<16xf32>
      %broadcast_in_dim3A_607 = arith.constant 0.000000e+00 : f32
      %broadcast_in_dim3A_608 = vector.broadcast %broadcast_in_dim3A_607 : f32 to vector<16xf32>
      %select_n3A_609 = arith.select %and3A_603, %gather3A_606, %broadcast_in_dim3A_608 : vector<16xi1>, vector<16xf32>
      %add3A_610 = arith.addf %add3A_589, %select_n3A_609 : vector<16xf32>
      %add3A_611 = arith.constant 1 : i32
      %add3A_612 = vector.broadcast %add3A_611 : i32 to vector<16xi32>
      %add3A_613 = arith.addi %iota3A, %add3A_612 : vector<16xi32>
      %min3A_614 = arith.constant 15 : i32
      %min3A_615 = vector.broadcast %min3A_614 : i32 to vector<16xi32>
      %min3A_616 = arith.minsi %add3A_613, %min3A_615 : vector<16xi32>
      %broadcast_in_dim3A_617 = vector.shape_cast %min3A_616 : vector<16xi32> to vector<16x1xi32>
      %gather3A_618 = vector.shape_cast %broadcast_in_dim3A_617 : vector<16x1xi32> to vector<16xi32>
      %gather3A_619 = tpu.dynamic_gather %masked_sort3A_526[%gather3A_618] in [0] : vector<16xi32>, vector<16xi32> -> vector<16xi32>
      %ne3A_620 = arith.cmpi ne, %masked_sort3A_526, %gather3A_619 : vector<16xi32>
      %eq3A_621 = arith.constant 15 : i32
      %eq3A_622 = vector.broadcast %eq3A_621 : i32 to vector<16xi32>
      %eq3A_623 = arith.cmpi eq, %iota3A, %eq3A_622 : vector<16xi32>
      %or3A_624 = arith.ori %ne3A_620, %eq3A_623 : vector<16xi1>
      %gather3A_625 = tpu.vector_load_idx %arg16[%masked_sort3A_526] : memref<10112xf32, #tpu.memory_space<vmem>>[vector<16xi32>], vector<16xf32>,
      %add3A_626 = arith.addf %gather3A_625, %add3A_610 : vector<16xf32>
      tpu.vector_store_idx %arg16[%masked_sort3A_526], %add3A_626 masked %or3A_624 : memref<10112xf32, #tpu.memory_space<vmem>>[vector<16xi32>], vector<16xf32>, vector<16xi1>
      %add3A_627 = arith.constant 48 : i32
      %add3A_628 = arith.addi %mul3A_64, %add3A_627 : i32
      %add3A_629 = vector.broadcast %add3A_628 : i32 to vector<16xi32>
      %add3A_630 = arith.addi %add3A_629, %iota3A : vector<16xi32>
      %lt3A_631 = arith.constant 330000 : i32
      %lt3A_632 = vector.broadcast %lt3A_631 : i32 to vector<16xi32>
      %lt3A_633 = arith.cmpi slt, %add3A_630, %lt3A_632 : vector<16xi32>
      %get3A_634 = arith.constant 48 : index
      %get3A_635 = tpu.vector_load %arg15[%get3A_634] {strides = array<i32>} : memref<96xf32, #tpu.memory_space<vmem>>, vector<16xf32>,
      %mul3A_636 = arith.constant 1.44269502 : f32
      %mul3A_637 = vector.broadcast %mul3A_636 : f32 to vector<16xf32>
      %mul3A_638 = arith.mulf %get3A_635, %mul3A_637 : vector<16xf32>
      %ge3A_639 = arith.constant 0.000000e+00 : f32
      %ge3A_640 = vector.broadcast %ge3A_639 : f32 to vector<16xf32>
      %ge3A_641 = arith.cmpf oge, %mul3A_638, %ge3A_640 : vector<16xf32>
      %broadcast_in_dim3A_642 = arith.constant 5.000000e-01 : f32
      %broadcast_in_dim3A_643 = vector.broadcast %broadcast_in_dim3A_642 : f32 to vector<16xf32>
      %broadcast_in_dim3A_644 = arith.constant -5.000000e-01 : f32
      %broadcast_in_dim3A_645 = vector.broadcast %broadcast_in_dim3A_644 : f32 to vector<16xf32>
      %select_n3A_646 = arith.select %ge3A_641, %broadcast_in_dim3A_643, %broadcast_in_dim3A_645 : vector<16xi1>, vector<16xf32>
      %add3A_647 = arith.addf %mul3A_638, %select_n3A_646 : vector<16xf32>
      %convert_element_type3A_648 = arith.fptosi %add3A_647 : vector<16xf32> to vector<16xi32>
      %convert_element_type3A_649 = arith.sitofp %convert_element_type3A_648 : vector<16xi32> to vector<16xf32>
      %sub3A_650 = arith.subf %mul3A_638, %convert_element_type3A_649 : vector<16xf32>
      %mul3A_651 = arith.constant 0.693147182 : f32
      %mul3A_652 = vector.broadcast %mul3A_651 : f32 to vector<16xf32>
      %mul3A_653 = arith.mulf %sub3A_650, %mul3A_652 : vector<16xf32>
      %broadcast_in_dim3A_654 = arith.constant 0.00138888892 : f32
      %broadcast_in_dim3A_655 = vector.broadcast %broadcast_in_dim3A_654 : f32 to vector<16xf32>
      %mul3A_656 = arith.mulf %broadcast_in_dim3A_655, %mul3A_653 : vector<16xf32>
      %add3A_657 = arith.constant 0.00833333377 : f32
      %add3A_658 = vector.broadcast %add3A_657 : f32 to vector<16xf32>
      %add3A_659 = arith.addf %mul3A_656, %add3A_658 : vector<16xf32>
      %mul3A_660 = arith.mulf %add3A_659, %mul3A_653 : vector<16xf32>
      %add3A_661 = arith.constant 0.0416666679 : f32
      %add3A_662 = vector.broadcast %add3A_661 : f32 to vector<16xf32>
      %add3A_663 = arith.addf %mul3A_660, %add3A_662 : vector<16xf32>
      %mul3A_664 = arith.mulf %add3A_663, %mul3A_653 : vector<16xf32>
      %add3A_665 = arith.constant 0.166666672 : f32
      %add3A_666 = vector.broadcast %add3A_665 : f32 to vector<16xf32>
      %add3A_667 = arith.addf %mul3A_664, %add3A_666 : vector<16xf32>
      %mul3A_668 = arith.mulf %add3A_667, %mul3A_653 : vector<16xf32>
      %add3A_669 = arith.constant 5.000000e-01 : f32
      %add3A_670 = vector.broadcast %add3A_669 : f32 to vector<16xf32>
      %add3A_671 = arith.addf %mul3A_668, %add3A_670 : vector<16xf32>
      %mul3A_672 = arith.mulf %add3A_671, %mul3A_653 : vector<16xf32>
      %add3A_673 = arith.constant 1.000000e+00 : f32
      %add3A_674 = vector.broadcast %add3A_673 : f32 to vector<16xf32>
      %add3A_675 = arith.addf %mul3A_672, %add3A_674 : vector<16xf32>
      %mul3A_676 = arith.mulf %add3A_675, %mul3A_653 : vector<16xf32>
      %add3A_677 = arith.constant 1.000000e+00 : f32
      %add3A_678 = vector.broadcast %add3A_677 : f32 to vector<16xf32>
      %add3A_679 = arith.addf %mul3A_676, %add3A_678 : vector<16xf32>
      %jit3A_680 = arith.constant -126 : i32
      %jit3A_681 = arith.constant 127 : i32
      %max3A_682 = vector.broadcast %jit3A_680 : i32 to vector<16xi32>
      %max3A_683 = arith.maxsi %max3A_682, %convert_element_type3A_648 : vector<16xi32>
      %min3A_684 = vector.broadcast %jit3A_681 : i32 to vector<16xi32>
      %min3A_685 = arith.minsi %min3A_684, %max3A_683 : vector<16xi32>
      %add3A_686 = arith.constant 127 : i32
      %add3A_687 = vector.broadcast %add3A_686 : i32 to vector<16xi32>
      %add3A_688 = arith.addi %min3A_685, %add3A_687 : vector<16xi32>
      %shift_left3A_689 = arith.constant 23 : i32
      %shift_left3A_690 = vector.broadcast %shift_left3A_689 : i32 to vector<16xi32>
      %shift_left3A_691 = arith.shli %add3A_688, %shift_left3A_690 : vector<16xi32>
      %bitcast3A_692 = vector.bitcast %shift_left3A_691 : vector<16xi32> to vector<16xf32>
      %mul3A_693 = arith.mulf %add3A_679, %bitcast3A_692 : vector<16xf32>
      %broadcast_in_dim3A_694 = arith.constant 0.000000e+00 : f32
      %broadcast_in_dim3A_695 = vector.broadcast %broadcast_in_dim3A_694 : f32 to vector<16xf32>
      %select_n3A_696 = arith.select %lt3A_633, %mul3A_693, %broadcast_in_dim3A_695 : vector<16xi1>, vector<16xf32>
      %swap3A_697 = arith.constant 48 : index
      %swap3A_698 = tpu.vector_load %arg15[%swap3A_697] {strides = array<i32>} : memref<96xf32, #tpu.memory_space<vmem>>, vector<16xf32>,
      tpu.vector_store %arg15[%swap3A_697], %select_n3A_696 {strides = array<i32>} : memref<96xf32, #tpu.memory_space<vmem>>, vector<16xf32>,
      %get3A_699 = arith.constant 48 : index
      %get3A_700 = tpu.vector_load %arg11[%get3A_699] {strides = array<i32>} : memref<96xi32, #tpu.memory_space<vmem>>, vector<16xi32>,
      %masked_sort3A_701 = arith.constant dense<true> : vector<16xi1>
      %masked_sort3A_702 = arith.constant -2147483648 : i32
      %masked_sort3A_703 = vector.broadcast %masked_sort3A_702 : i32 to vector<16xi32>
      %masked_sort3A_704 = arith.xori %get3A_700, %masked_sort3A_703 : vector<16xi32>
      %masked_sort3A_705, %masked_sort3A_706, %masked_sort3A_707 = tpu.sort %masked_sort3A_704, %select_n3A_696 masked %masked_sort3A_701 : (vector<16xi32>, vector<16xf32>, vector<16xi1>) -> (vector<16xi1>, vector<16xi32>, vector<16xf32>)
      %masked_sort3A_708 = arith.xori %masked_sort3A_706, %masked_sort3A_703 : vector<16xi32>
      %sub3A_709 = arith.constant 1 : i32
      %sub3A_710 = vector.broadcast %sub3A_709 : i32 to vector<16xi32>
      %sub3A_711 = arith.subi %iota3A, %sub3A_710 : vector<16xi32>
      %max3A_712 = arith.constant 0 : i32
      %max3A_713 = vector.broadcast %max3A_712 : i32 to vector<16xi32>
      %max3A_714 = arith.maxsi %sub3A_711, %max3A_713 : vector<16xi32>
      %ge3A_715 = arith.constant 1 : i32
      %ge3A_716 = vector.broadcast %ge3A_715 : i32 to vector<16xi32>
      %ge3A_717 = arith.cmpi sge, %iota3A, %ge3A_716 : vector<16xi32>
      %broadcast_in_dim3A_718 = vector.shape_cast %max3A_714 : vector<16xi32> to vector<16x1xi32>
      %gather3A_719 = vector.shape_cast %broadcast_in_dim3A_718 : vector<16x1xi32> to vector<16xi32>
      %gather3A_720 = tpu.dynamic_gather %masked_sort3A_708[%gather3A_719] in [0] : vector<16xi32>, vector<16xi32> -> vector<16xi32>
      %eq3A_721 = arith.cmpi eq, %gather3A_720, %masked_sort3A_708 : vector<16xi32>
      %and3A_722 = arith.andi %ge3A_717, %eq3A_721 : vector<16xi1>
      %broadcast_in_dim3A_723 = vector.shape_cast %max3A_714 : vector<16xi32> to vector<16x1xi32>
      %gather3A_724 = vector.shape_cast %broadcast_in_dim3A_723 : vector<16x1xi32> to vector<16xi32>
      %gather3A_725 = tpu.dynamic_gather %masked_sort3A_707[%gather3A_724] in [0] : vector<16xf32>, vector<16xi32> -> vector<16xf32>
      %broadcast_in_dim3A_726 = arith.constant 0.000000e+00 : f32
      %broadcast_in_dim3A_727 = vector.broadcast %broadcast_in_dim3A_726 : f32 to vector<16xf32>
      %select_n3A_728 = arith.select %and3A_722, %gather3A_725, %broadcast_in_dim3A_727 : vector<16xi1>, vector<16xf32>
      %add3A_729 = arith.addf %masked_sort3A_707, %select_n3A_728 : vector<16xf32>
      %sub3A_730 = arith.constant 2 : i32
      %sub3A_731 = vector.broadcast %sub3A_730 : i32 to vector<16xi32>
      %sub3A_732 = arith.subi %iota3A, %sub3A_731 : vector<16xi32>
      %max3A_733 = arith.constant 0 : i32
      %max3A_734 = vector.broadcast %max3A_733 : i32 to vector<16xi32>
      %max3A_735 = arith.maxsi %sub3A_732, %max3A_734 : vector<16xi32>
      %ge3A_736 = arith.constant 2 : i32
      %ge3A_737 = vector.broadcast %ge3A_736 : i32 to vector<16xi32>
      %ge3A_738 = arith.cmpi sge, %iota3A, %ge3A_737 : vector<16xi32>
      %broadcast_in_dim3A_739 = vector.shape_cast %max3A_735 : vector<16xi32> to vector<16x1xi32>
      %gather3A_740 = vector.shape_cast %broadcast_in_dim3A_739 : vector<16x1xi32> to vector<16xi32>
      %gather3A_741 = tpu.dynamic_gather %masked_sort3A_708[%gather3A_740] in [0] : vector<16xi32>, vector<16xi32> -> vector<16xi32>
      %eq3A_742 = arith.cmpi eq, %gather3A_741, %masked_sort3A_708 : vector<16xi32>
      %and3A_743 = arith.andi %ge3A_738, %eq3A_742 : vector<16xi1>
      %broadcast_in_dim3A_744 = vector.shape_cast %max3A_735 : vector<16xi32> to vector<16x1xi32>
      %gather3A_745 = vector.shape_cast %broadcast_in_dim3A_744 : vector<16x1xi32> to vector<16xi32>
      %gather3A_746 = tpu.dynamic_gather %add3A_729[%gather3A_745] in [0] : vector<16xf32>, vector<16xi32> -> vector<16xf32>
      %broadcast_in_dim3A_747 = arith.constant 0.000000e+00 : f32
      %broadcast_in_dim3A_748 = vector.broadcast %broadcast_in_dim3A_747 : f32 to vector<16xf32>
      %select_n3A_749 = arith.select %and3A_743, %gather3A_746, %broadcast_in_dim3A_748 : vector<16xi1>, vector<16xf32>
      %add3A_750 = arith.addf %add3A_729, %select_n3A_749 : vector<16xf32>
      %sub3A_751 = arith.constant 4 : i32
      %sub3A_752 = vector.broadcast %sub3A_751 : i32 to vector<16xi32>
      %sub3A_753 = arith.subi %iota3A, %sub3A_752 : vector<16xi32>
      %max3A_754 = arith.constant 0 : i32
      %max3A_755 = vector.broadcast %max3A_754 : i32 to vector<16xi32>
      %max3A_756 = arith.maxsi %sub3A_753, %max3A_755 : vector<16xi32>
      %ge3A_757 = arith.constant 4 : i32
      %ge3A_758 = vector.broadcast %ge3A_757 : i32 to vector<16xi32>
      %ge3A_759 = arith.cmpi sge, %iota3A, %ge3A_758 : vector<16xi32>
      %broadcast_in_dim3A_760 = vector.shape_cast %max3A_756 : vector<16xi32> to vector<16x1xi32>
      %gather3A_761 = vector.shape_cast %broadcast_in_dim3A_760 : vector<16x1xi32> to vector<16xi32>
      %gather3A_762 = tpu.dynamic_gather %masked_sort3A_708[%gather3A_761] in [0] : vector<16xi32>, vector<16xi32> -> vector<16xi32>
      %eq3A_763 = arith.cmpi eq, %gather3A_762, %masked_sort3A_708 : vector<16xi32>
      %and3A_764 = arith.andi %ge3A_759, %eq3A_763 : vector<16xi1>
      %broadcast_in_dim3A_765 = vector.shape_cast %max3A_756 : vector<16xi32> to vector<16x1xi32>
      %gather3A_766 = vector.shape_cast %broadcast_in_dim3A_765 : vector<16x1xi32> to vector<16xi32>
      %gather3A_767 = tpu.dynamic_gather %add3A_750[%gather3A_766] in [0] : vector<16xf32>, vector<16xi32> -> vector<16xf32>
      %broadcast_in_dim3A_768 = arith.constant 0.000000e+00 : f32
      %broadcast_in_dim3A_769 = vector.broadcast %broadcast_in_dim3A_768 : f32 to vector<16xf32>
      %select_n3A_770 = arith.select %and3A_764, %gather3A_767, %broadcast_in_dim3A_769 : vector<16xi1>, vector<16xf32>
      %add3A_771 = arith.addf %add3A_750, %select_n3A_770 : vector<16xf32>
      %sub3A_772 = arith.constant 8 : i32
      %sub3A_773 = vector.broadcast %sub3A_772 : i32 to vector<16xi32>
      %sub3A_774 = arith.subi %iota3A, %sub3A_773 : vector<16xi32>
      %max3A_775 = arith.constant 0 : i32
      %max3A_776 = vector.broadcast %max3A_775 : i32 to vector<16xi32>
      %max3A_777 = arith.maxsi %sub3A_774, %max3A_776 : vector<16xi32>
      %ge3A_778 = arith.constant 8 : i32
      %ge3A_779 = vector.broadcast %ge3A_778 : i32 to vector<16xi32>
      %ge3A_780 = arith.cmpi sge, %iota3A, %ge3A_779 : vector<16xi32>
      %broadcast_in_dim3A_781 = vector.shape_cast %max3A_777 : vector<16xi32> to vector<16x1xi32>
      %gather3A_782 = vector.shape_cast %broadcast_in_dim3A_781 : vector<16x1xi32> to vector<16xi32>
      %gather3A_783 = tpu.dynamic_gather %masked_sort3A_708[%gather3A_782] in [0] : vector<16xi32>, vector<16xi32> -> vector<16xi32>
      %eq3A_784 = arith.cmpi eq, %gather3A_783, %masked_sort3A_708 : vector<16xi32>
      %and3A_785 = arith.andi %ge3A_780, %eq3A_784 : vector<16xi1>
      %broadcast_in_dim3A_786 = vector.shape_cast %max3A_777 : vector<16xi32> to vector<16x1xi32>
      %gather3A_787 = vector.shape_cast %broadcast_in_dim3A_786 : vector<16x1xi32> to vector<16xi32>
      %gather3A_788 = tpu.dynamic_gather %add3A_771[%gather3A_787] in [0] : vector<16xf32>, vector<16xi32> -> vector<16xf32>
      %broadcast_in_dim3A_789 = arith.constant 0.000000e+00 : f32
      %broadcast_in_dim3A_790 = vector.broadcast %broadcast_in_dim3A_789 : f32 to vector<16xf32>
      %select_n3A_791 = arith.select %and3A_785, %gather3A_788, %broadcast_in_dim3A_790 : vector<16xi1>, vector<16xf32>
      %add3A_792 = arith.addf %add3A_771, %select_n3A_791 : vector<16xf32>
      %add3A_793 = arith.constant 1 : i32
      %add3A_794 = vector.broadcast %add3A_793 : i32 to vector<16xi32>
      %add3A_795 = arith.addi %iota3A, %add3A_794 : vector<16xi32>
      %min3A_796 = arith.constant 15 : i32
      %min3A_797 = vector.broadcast %min3A_796 : i32 to vector<16xi32>
      %min3A_798 = arith.minsi %add3A_795, %min3A_797 : vector<16xi32>
      %broadcast_in_dim3A_799 = vector.shape_cast %min3A_798 : vector<16xi32> to vector<16x1xi32>
      %gather3A_800 = vector.shape_cast %broadcast_in_dim3A_799 : vector<16x1xi32> to vector<16xi32>
      %gather3A_801 = tpu.dynamic_gather %masked_sort3A_708[%gather3A_800] in [0] : vector<16xi32>, vector<16xi32> -> vector<16xi32>
      %ne3A_802 = arith.cmpi ne, %masked_sort3A_708, %gather3A_801 : vector<16xi32>
      %eq3A_803 = arith.constant 15 : i32
      %eq3A_804 = vector.broadcast %eq3A_803 : i32 to vector<16xi32>
      %eq3A_805 = arith.cmpi eq, %iota3A, %eq3A_804 : vector<16xi32>
      %or3A_806 = arith.ori %ne3A_802, %eq3A_805 : vector<16xi1>
      %gather3A_807 = tpu.vector_load_idx %arg16[%masked_sort3A_708] : memref<10112xf32, #tpu.memory_space<vmem>>[vector<16xi32>], vector<16xf32>,
      %add3A_808 = arith.addf %gather3A_807, %add3A_792 : vector<16xf32>
      tpu.vector_store_idx %arg16[%masked_sort3A_708], %add3A_808 masked %or3A_806 : memref<10112xf32, #tpu.memory_space<vmem>>[vector<16xi32>], vector<16xf32>, vector<16xi1>
      %add3A_809 = arith.constant 64 : i32
      %add3A_810 = arith.addi %mul3A_64, %add3A_809 : i32
      %add3A_811 = vector.broadcast %add3A_810 : i32 to vector<16xi32>
      %add3A_812 = arith.addi %add3A_811, %iota3A : vector<16xi32>
      %lt3A_813 = arith.constant 330000 : i32
      %lt3A_814 = vector.broadcast %lt3A_813 : i32 to vector<16xi32>
      %lt3A_815 = arith.cmpi slt, %add3A_812, %lt3A_814 : vector<16xi32>
      %get3A_816 = arith.constant 64 : index
      %get3A_817 = tpu.vector_load %arg15[%get3A_816] {strides = array<i32>} : memref<96xf32, #tpu.memory_space<vmem>>, vector<16xf32>,
      %mul3A_818 = arith.constant 1.44269502 : f32
      %mul3A_819 = vector.broadcast %mul3A_818 : f32 to vector<16xf32>
      %mul3A_820 = arith.mulf %get3A_817, %mul3A_819 : vector<16xf32>
      %ge3A_821 = arith.constant 0.000000e+00 : f32
      %ge3A_822 = vector.broadcast %ge3A_821 : f32 to vector<16xf32>
      %ge3A_823 = arith.cmpf oge, %mul3A_820, %ge3A_822 : vector<16xf32>
      %broadcast_in_dim3A_824 = arith.constant 5.000000e-01 : f32
      %broadcast_in_dim3A_825 = vector.broadcast %broadcast_in_dim3A_824 : f32 to vector<16xf32>
      %broadcast_in_dim3A_826 = arith.constant -5.000000e-01 : f32
      %broadcast_in_dim3A_827 = vector.broadcast %broadcast_in_dim3A_826 : f32 to vector<16xf32>
      %select_n3A_828 = arith.select %ge3A_823, %broadcast_in_dim3A_825, %broadcast_in_dim3A_827 : vector<16xi1>, vector<16xf32>
      %add3A_829 = arith.addf %mul3A_820, %select_n3A_828 : vector<16xf32>
      %convert_element_type3A_830 = arith.fptosi %add3A_829 : vector<16xf32> to vector<16xi32>
      %convert_element_type3A_831 = arith.sitofp %convert_element_type3A_830 : vector<16xi32> to vector<16xf32>
      %sub3A_832 = arith.subf %mul3A_820, %convert_element_type3A_831 : vector<16xf32>
      %mul3A_833 = arith.constant 0.693147182 : f32
      %mul3A_834 = vector.broadcast %mul3A_833 : f32 to vector<16xf32>
      %mul3A_835 = arith.mulf %sub3A_832, %mul3A_834 : vector<16xf32>
      %broadcast_in_dim3A_836 = arith.constant 0.00138888892 : f32
      %broadcast_in_dim3A_837 = vector.broadcast %broadcast_in_dim3A_836 : f32 to vector<16xf32>
      %mul3A_838 = arith.mulf %broadcast_in_dim3A_837, %mul3A_835 : vector<16xf32>
      %add3A_839 = arith.constant 0.00833333377 : f32
      %add3A_840 = vector.broadcast %add3A_839 : f32 to vector<16xf32>
      %add3A_841 = arith.addf %mul3A_838, %add3A_840 : vector<16xf32>
      %mul3A_842 = arith.mulf %add3A_841, %mul3A_835 : vector<16xf32>
      %add3A_843 = arith.constant 0.0416666679 : f32
      %add3A_844 = vector.broadcast %add3A_843 : f32 to vector<16xf32>
      %add3A_845 = arith.addf %mul3A_842, %add3A_844 : vector<16xf32>
      %mul3A_846 = arith.mulf %add3A_845, %mul3A_835 : vector<16xf32>
      %add3A_847 = arith.constant 0.166666672 : f32
      %add3A_848 = vector.broadcast %add3A_847 : f32 to vector<16xf32>
      %add3A_849 = arith.addf %mul3A_846, %add3A_848 : vector<16xf32>
      %mul3A_850 = arith.mulf %add3A_849, %mul3A_835 : vector<16xf32>
      %add3A_851 = arith.constant 5.000000e-01 : f32
      %add3A_852 = vector.broadcast %add3A_851 : f32 to vector<16xf32>
      %add3A_853 = arith.addf %mul3A_850, %add3A_852 : vector<16xf32>
      %mul3A_854 = arith.mulf %add3A_853, %mul3A_835 : vector<16xf32>
      %add3A_855 = arith.constant 1.000000e+00 : f32
      %add3A_856 = vector.broadcast %add3A_855 : f32 to vector<16xf32>
      %add3A_857 = arith.addf %mul3A_854, %add3A_856 : vector<16xf32>
      %mul3A_858 = arith.mulf %add3A_857, %mul3A_835 : vector<16xf32>
      %add3A_859 = arith.constant 1.000000e+00 : f32
      %add3A_860 = vector.broadcast %add3A_859 : f32 to vector<16xf32>
      %add3A_861 = arith.addf %mul3A_858, %add3A_860 : vector<16xf32>
      %jit3A_862 = arith.constant -126 : i32
      %jit3A_863 = arith.constant 127 : i32
      %max3A_864 = vector.broadcast %jit3A_862 : i32 to vector<16xi32>
      %max3A_865 = arith.maxsi %max3A_864, %convert_element_type3A_830 : vector<16xi32>
      %min3A_866 = vector.broadcast %jit3A_863 : i32 to vector<16xi32>
      %min3A_867 = arith.minsi %min3A_866, %max3A_865 : vector<16xi32>
      %add3A_868 = arith.constant 127 : i32
      %add3A_869 = vector.broadcast %add3A_868 : i32 to vector<16xi32>
      %add3A_870 = arith.addi %min3A_867, %add3A_869 : vector<16xi32>
      %shift_left3A_871 = arith.constant 23 : i32
      %shift_left3A_872 = vector.broadcast %shift_left3A_871 : i32 to vector<16xi32>
      %shift_left3A_873 = arith.shli %add3A_870, %shift_left3A_872 : vector<16xi32>
      %bitcast3A_874 = vector.bitcast %shift_left3A_873 : vector<16xi32> to vector<16xf32>
      %mul3A_875 = arith.mulf %add3A_861, %bitcast3A_874 : vector<16xf32>
      %broadcast_in_dim3A_876 = arith.constant 0.000000e+00 : f32
      %broadcast_in_dim3A_877 = vector.broadcast %broadcast_in_dim3A_876 : f32 to vector<16xf32>
      %select_n3A_878 = arith.select %lt3A_815, %mul3A_875, %broadcast_in_dim3A_877 : vector<16xi1>, vector<16xf32>
      %swap3A_879 = arith.constant 64 : index
      %swap3A_880 = tpu.vector_load %arg15[%swap3A_879] {strides = array<i32>} : memref<96xf32, #tpu.memory_space<vmem>>, vector<16xf32>,
      tpu.vector_store %arg15[%swap3A_879], %select_n3A_878 {strides = array<i32>} : memref<96xf32, #tpu.memory_space<vmem>>, vector<16xf32>,
      %get3A_881 = arith.constant 64 : index
      %get3A_882 = tpu.vector_load %arg11[%get3A_881] {strides = array<i32>} : memref<96xi32, #tpu.memory_space<vmem>>, vector<16xi32>,
      %masked_sort3A_883 = arith.constant dense<true> : vector<16xi1>
      %masked_sort3A_884 = arith.constant -2147483648 : i32
      %masked_sort3A_885 = vector.broadcast %masked_sort3A_884 : i32 to vector<16xi32>
      %masked_sort3A_886 = arith.xori %get3A_882, %masked_sort3A_885 : vector<16xi32>
      %masked_sort3A_887, %masked_sort3A_888, %masked_sort3A_889 = tpu.sort %masked_sort3A_886, %select_n3A_878 masked %masked_sort3A_883 : (vector<16xi32>, vector<16xf32>, vector<16xi1>) -> (vector<16xi1>, vector<16xi32>, vector<16xf32>)
      %masked_sort3A_890 = arith.xori %masked_sort3A_888, %masked_sort3A_885 : vector<16xi32>
      %sub3A_891 = arith.constant 1 : i32
      %sub3A_892 = vector.broadcast %sub3A_891 : i32 to vector<16xi32>
      %sub3A_893 = arith.subi %iota3A, %sub3A_892 : vector<16xi32>
      %max3A_894 = arith.constant 0 : i32
      %max3A_895 = vector.broadcast %max3A_894 : i32 to vector<16xi32>
      %max3A_896 = arith.maxsi %sub3A_893, %max3A_895 : vector<16xi32>
      %ge3A_897 = arith.constant 1 : i32
      %ge3A_898 = vector.broadcast %ge3A_897 : i32 to vector<16xi32>
      %ge3A_899 = arith.cmpi sge, %iota3A, %ge3A_898 : vector<16xi32>
      %broadcast_in_dim3A_900 = vector.shape_cast %max3A_896 : vector<16xi32> to vector<16x1xi32>
      %gather3A_901 = vector.shape_cast %broadcast_in_dim3A_900 : vector<16x1xi32> to vector<16xi32>
      %gather3A_902 = tpu.dynamic_gather %masked_sort3A_890[%gather3A_901] in [0] : vector<16xi32>, vector<16xi32> -> vector<16xi32>
      %eq3A_903 = arith.cmpi eq, %gather3A_902, %masked_sort3A_890 : vector<16xi32>
      %and3A_904 = arith.andi %ge3A_899, %eq3A_903 : vector<16xi1>
      %broadcast_in_dim3A_905 = vector.shape_cast %max3A_896 : vector<16xi32> to vector<16x1xi32>
      %gather3A_906 = vector.shape_cast %broadcast_in_dim3A_905 : vector<16x1xi32> to vector<16xi32>
      %gather3A_907 = tpu.dynamic_gather %masked_sort3A_889[%gather3A_906] in [0] : vector<16xf32>, vector<16xi32> -> vector<16xf32>
      %broadcast_in_dim3A_908 = arith.constant 0.000000e+00 : f32
      %broadcast_in_dim3A_909 = vector.broadcast %broadcast_in_dim3A_908 : f32 to vector<16xf32>
      %select_n3A_910 = arith.select %and3A_904, %gather3A_907, %broadcast_in_dim3A_909 : vector<16xi1>, vector<16xf32>
      %add3A_911 = arith.addf %masked_sort3A_889, %select_n3A_910 : vector<16xf32>
      %sub3A_912 = arith.constant 2 : i32
      %sub3A_913 = vector.broadcast %sub3A_912 : i32 to vector<16xi32>
      %sub3A_914 = arith.subi %iota3A, %sub3A_913 : vector<16xi32>
      %max3A_915 = arith.constant 0 : i32
      %max3A_916 = vector.broadcast %max3A_915 : i32 to vector<16xi32>
      %max3A_917 = arith.maxsi %sub3A_914, %max3A_916 : vector<16xi32>
      %ge3A_918 = arith.constant 2 : i32
      %ge3A_919 = vector.broadcast %ge3A_918 : i32 to vector<16xi32>
      %ge3A_920 = arith.cmpi sge, %iota3A, %ge3A_919 : vector<16xi32>
      %broadcast_in_dim3A_921 = vector.shape_cast %max3A_917 : vector<16xi32> to vector<16x1xi32>
      %gather3A_922 = vector.shape_cast %broadcast_in_dim3A_921 : vector<16x1xi32> to vector<16xi32>
      %gather3A_923 = tpu.dynamic_gather %masked_sort3A_890[%gather3A_922] in [0] : vector<16xi32>, vector<16xi32> -> vector<16xi32>
      %eq3A_924 = arith.cmpi eq, %gather3A_923, %masked_sort3A_890 : vector<16xi32>
      %and3A_925 = arith.andi %ge3A_920, %eq3A_924 : vector<16xi1>
      %broadcast_in_dim3A_926 = vector.shape_cast %max3A_917 : vector<16xi32> to vector<16x1xi32>
      %gather3A_927 = vector.shape_cast %broadcast_in_dim3A_926 : vector<16x1xi32> to vector<16xi32>
      %gather3A_928 = tpu.dynamic_gather %add3A_911[%gather3A_927] in [0] : vector<16xf32>, vector<16xi32> -> vector<16xf32>
      %broadcast_in_dim3A_929 = arith.constant 0.000000e+00 : f32
      %broadcast_in_dim3A_930 = vector.broadcast %broadcast_in_dim3A_929 : f32 to vector<16xf32>
      %select_n3A_931 = arith.select %and3A_925, %gather3A_928, %broadcast_in_dim3A_930 : vector<16xi1>, vector<16xf32>
      %add3A_932 = arith.addf %add3A_911, %select_n3A_931 : vector<16xf32>
      %sub3A_933 = arith.constant 4 : i32
      %sub3A_934 = vector.broadcast %sub3A_933 : i32 to vector<16xi32>
      %sub3A_935 = arith.subi %iota3A, %sub3A_934 : vector<16xi32>
      %max3A_936 = arith.constant 0 : i32
      %max3A_937 = vector.broadcast %max3A_936 : i32 to vector<16xi32>
      %max3A_938 = arith.maxsi %sub3A_935, %max3A_937 : vector<16xi32>
      %ge3A_939 = arith.constant 4 : i32
      %ge3A_940 = vector.broadcast %ge3A_939 : i32 to vector<16xi32>
      %ge3A_941 = arith.cmpi sge, %iota3A, %ge3A_940 : vector<16xi32>
      %broadcast_in_dim3A_942 = vector.shape_cast %max3A_938 : vector<16xi32> to vector<16x1xi32>
      %gather3A_943 = vector.shape_cast %broadcast_in_dim3A_942 : vector<16x1xi32> to vector<16xi32>
      %gather3A_944 = tpu.dynamic_gather %masked_sort3A_890[%gather3A_943] in [0] : vector<16xi32>, vector<16xi32> -> vector<16xi32>
      %eq3A_945 = arith.cmpi eq, %gather3A_944, %masked_sort3A_890 : vector<16xi32>
      %and3A_946 = arith.andi %ge3A_941, %eq3A_945 : vector<16xi1>
      %broadcast_in_dim3A_947 = vector.shape_cast %max3A_938 : vector<16xi32> to vector<16x1xi32>
      %gather3A_948 = vector.shape_cast %broadcast_in_dim3A_947 : vector<16x1xi32> to vector<16xi32>
      %gather3A_949 = tpu.dynamic_gather %add3A_932[%gather3A_948] in [0] : vector<16xf32>, vector<16xi32> -> vector<16xf32>
      %broadcast_in_dim3A_950 = arith.constant 0.000000e+00 : f32
      %broadcast_in_dim3A_951 = vector.broadcast %broadcast_in_dim3A_950 : f32 to vector<16xf32>
      %select_n3A_952 = arith.select %and3A_946, %gather3A_949, %broadcast_in_dim3A_951 : vector<16xi1>, vector<16xf32>
      %add3A_953 = arith.addf %add3A_932, %select_n3A_952 : vector<16xf32>
      %sub3A_954 = arith.constant 8 : i32
      %sub3A_955 = vector.broadcast %sub3A_954 : i32 to vector<16xi32>
      %sub3A_956 = arith.subi %iota3A, %sub3A_955 : vector<16xi32>
      %max3A_957 = arith.constant 0 : i32
      %max3A_958 = vector.broadcast %max3A_957 : i32 to vector<16xi32>
      %max3A_959 = arith.maxsi %sub3A_956, %max3A_958 : vector<16xi32>
      %ge3A_960 = arith.constant 8 : i32
      %ge3A_961 = vector.broadcast %ge3A_960 : i32 to vector<16xi32>
      %ge3A_962 = arith.cmpi sge, %iota3A, %ge3A_961 : vector<16xi32>
      %broadcast_in_dim3A_963 = vector.shape_cast %max3A_959 : vector<16xi32> to vector<16x1xi32>
      %gather3A_964 = vector.shape_cast %broadcast_in_dim3A_963 : vector<16x1xi32> to vector<16xi32>
      %gather3A_965 = tpu.dynamic_gather %masked_sort3A_890[%gather3A_964] in [0] : vector<16xi32>, vector<16xi32> -> vector<16xi32>
      %eq3A_966 = arith.cmpi eq, %gather3A_965, %masked_sort3A_890 : vector<16xi32>
      %and3A_967 = arith.andi %ge3A_962, %eq3A_966 : vector<16xi1>
      %broadcast_in_dim3A_968 = vector.shape_cast %max3A_959 : vector<16xi32> to vector<16x1xi32>
      %gather3A_969 = vector.shape_cast %broadcast_in_dim3A_968 : vector<16x1xi32> to vector<16xi32>
      %gather3A_970 = tpu.dynamic_gather %add3A_953[%gather3A_969] in [0] : vector<16xf32>, vector<16xi32> -> vector<16xf32>
      %broadcast_in_dim3A_971 = arith.constant 0.000000e+00 : f32
      %broadcast_in_dim3A_972 = vector.broadcast %broadcast_in_dim3A_971 : f32 to vector<16xf32>
      %select_n3A_973 = arith.select %and3A_967, %gather3A_970, %broadcast_in_dim3A_972 : vector<16xi1>, vector<16xf32>
      %add3A_974 = arith.addf %add3A_953, %select_n3A_973 : vector<16xf32>
      %add3A_975 = arith.constant 1 : i32
      %add3A_976 = vector.broadcast %add3A_975 : i32 to vector<16xi32>
      %add3A_977 = arith.addi %iota3A, %add3A_976 : vector<16xi32>
      %min3A_978 = arith.constant 15 : i32
      %min3A_979 = vector.broadcast %min3A_978 : i32 to vector<16xi32>
      %min3A_980 = arith.minsi %add3A_977, %min3A_979 : vector<16xi32>
      %broadcast_in_dim3A_981 = vector.shape_cast %min3A_980 : vector<16xi32> to vector<16x1xi32>
      %gather3A_982 = vector.shape_cast %broadcast_in_dim3A_981 : vector<16x1xi32> to vector<16xi32>
      %gather3A_983 = tpu.dynamic_gather %masked_sort3A_890[%gather3A_982] in [0] : vector<16xi32>, vector<16xi32> -> vector<16xi32>
      %ne3A_984 = arith.cmpi ne, %masked_sort3A_890, %gather3A_983 : vector<16xi32>
      %eq3A_985 = arith.constant 15 : i32
      %eq3A_986 = vector.broadcast %eq3A_985 : i32 to vector<16xi32>
      %eq3A_987 = arith.cmpi eq, %iota3A, %eq3A_986 : vector<16xi32>
      %or3A_988 = arith.ori %ne3A_984, %eq3A_987 : vector<16xi1>
      %gather3A_989 = tpu.vector_load_idx %arg16[%masked_sort3A_890] : memref<10112xf32, #tpu.memory_space<vmem>>[vector<16xi32>], vector<16xf32>,
      %add3A_990 = arith.addf %gather3A_989, %add3A_974 : vector<16xf32>
      tpu.vector_store_idx %arg16[%masked_sort3A_890], %add3A_990 masked %or3A_988 : memref<10112xf32, #tpu.memory_space<vmem>>[vector<16xi32>], vector<16xf32>, vector<16xi1>
      %add3A_991 = arith.constant 80 : i32
      %add3A_992 = arith.addi %mul3A_64, %add3A_991 : i32
      %add3A_993 = vector.broadcast %add3A_992 : i32 to vector<16xi32>
      %add3A_994 = arith.addi %add3A_993, %iota3A : vector<16xi32>
      %lt3A_995 = arith.constant 330000 : i32
      %lt3A_996 = vector.broadcast %lt3A_995 : i32 to vector<16xi32>
      %lt3A_997 = arith.cmpi slt, %add3A_994, %lt3A_996 : vector<16xi32>
      %get3A_998 = arith.constant 80 : index
      %get3A_999 = tpu.vector_load %arg15[%get3A_998] {strides = array<i32>} : memref<96xf32, #tpu.memory_space<vmem>>, vector<16xf32>,
      %mul3A_1000 = arith.constant 1.44269502 : f32
      %mul3A_1001 = vector.broadcast %mul3A_1000 : f32 to vector<16xf32>
      %mul3A_1002 = arith.mulf %get3A_999, %mul3A_1001 : vector<16xf32>
      %ge3A_1003 = arith.constant 0.000000e+00 : f32
      %ge3A_1004 = vector.broadcast %ge3A_1003 : f32 to vector<16xf32>
      %ge3A_1005 = arith.cmpf oge, %mul3A_1002, %ge3A_1004 : vector<16xf32>
      %broadcast_in_dim3A_1006 = arith.constant 5.000000e-01 : f32
      %broadcast_in_dim3A_1007 = vector.broadcast %broadcast_in_dim3A_1006 : f32 to vector<16xf32>
      %broadcast_in_dim3A_1008 = arith.constant -5.000000e-01 : f32
      %broadcast_in_dim3A_1009 = vector.broadcast %broadcast_in_dim3A_1008 : f32 to vector<16xf32>
      %select_n3A_1010 = arith.select %ge3A_1005, %broadcast_in_dim3A_1007, %broadcast_in_dim3A_1009 : vector<16xi1>, vector<16xf32>
      %add3A_1011 = arith.addf %mul3A_1002, %select_n3A_1010 : vector<16xf32>
      %convert_element_type3A_1012 = arith.fptosi %add3A_1011 : vector<16xf32> to vector<16xi32>
      %convert_element_type3A_1013 = arith.sitofp %convert_element_type3A_1012 : vector<16xi32> to vector<16xf32>
      %sub3A_1014 = arith.subf %mul3A_1002, %convert_element_type3A_1013 : vector<16xf32>
      %mul3A_1015 = arith.constant 0.693147182 : f32
      %mul3A_1016 = vector.broadcast %mul3A_1015 : f32 to vector<16xf32>
      %mul3A_1017 = arith.mulf %sub3A_1014, %mul3A_1016 : vector<16xf32>
      %broadcast_in_dim3A_1018 = arith.constant 0.00138888892 : f32
      %broadcast_in_dim3A_1019 = vector.broadcast %broadcast_in_dim3A_1018 : f32 to vector<16xf32>
      %mul3A_1020 = arith.mulf %broadcast_in_dim3A_1019, %mul3A_1017 : vector<16xf32>
      %add3A_1021 = arith.constant 0.00833333377 : f32
      %add3A_1022 = vector.broadcast %add3A_1021 : f32 to vector<16xf32>
      %add3A_1023 = arith.addf %mul3A_1020, %add3A_1022 : vector<16xf32>
      %mul3A_1024 = arith.mulf %add3A_1023, %mul3A_1017 : vector<16xf32>
      %add3A_1025 = arith.constant 0.0416666679 : f32
      %add3A_1026 = vector.broadcast %add3A_1025 : f32 to vector<16xf32>
      %add3A_1027 = arith.addf %mul3A_1024, %add3A_1026 : vector<16xf32>
      %mul3A_1028 = arith.mulf %add3A_1027, %mul3A_1017 : vector<16xf32>
      %add3A_1029 = arith.constant 0.166666672 : f32
      %add3A_1030 = vector.broadcast %add3A_1029 : f32 to vector<16xf32>
      %add3A_1031 = arith.addf %mul3A_1028, %add3A_1030 : vector<16xf32>
      %mul3A_1032 = arith.mulf %add3A_1031, %mul3A_1017 : vector<16xf32>
      %add3A_1033 = arith.constant 5.000000e-01 : f32
      %add3A_1034 = vector.broadcast %add3A_1033 : f32 to vector<16xf32>
      %add3A_1035 = arith.addf %mul3A_1032, %add3A_1034 : vector<16xf32>
      %mul3A_1036 = arith.mulf %add3A_1035, %mul3A_1017 : vector<16xf32>
      %add3A_1037 = arith.constant 1.000000e+00 : f32
      %add3A_1038 = vector.broadcast %add3A_1037 : f32 to vector<16xf32>
      %add3A_1039 = arith.addf %mul3A_1036, %add3A_1038 : vector<16xf32>
      %mul3A_1040 = arith.mulf %add3A_1039, %mul3A_1017 : vector<16xf32>
      %add3A_1041 = arith.constant 1.000000e+00 : f32
      %add3A_1042 = vector.broadcast %add3A_1041 : f32 to vector<16xf32>
      %add3A_1043 = arith.addf %mul3A_1040, %add3A_1042 : vector<16xf32>
      %jit3A_1044 = arith.constant -126 : i32
      %jit3A_1045 = arith.constant 127 : i32
      %max3A_1046 = vector.broadcast %jit3A_1044 : i32 to vector<16xi32>
      %max3A_1047 = arith.maxsi %max3A_1046, %convert_element_type3A_1012 : vector<16xi32>
      %min3A_1048 = vector.broadcast %jit3A_1045 : i32 to vector<16xi32>
      %min3A_1049 = arith.minsi %min3A_1048, %max3A_1047 : vector<16xi32>
      %add3A_1050 = arith.constant 127 : i32
      %add3A_1051 = vector.broadcast %add3A_1050 : i32 to vector<16xi32>
      %add3A_1052 = arith.addi %min3A_1049, %add3A_1051 : vector<16xi32>
      %shift_left3A_1053 = arith.constant 23 : i32
      %shift_left3A_1054 = vector.broadcast %shift_left3A_1053 : i32 to vector<16xi32>
      %shift_left3A_1055 = arith.shli %add3A_1052, %shift_left3A_1054 : vector<16xi32>
      %bitcast3A_1056 = vector.bitcast %shift_left3A_1055 : vector<16xi32> to vector<16xf32>
      %mul3A_1057 = arith.mulf %add3A_1043, %bitcast3A_1056 : vector<16xf32>
      %broadcast_in_dim3A_1058 = arith.constant 0.000000e+00 : f32
      %broadcast_in_dim3A_1059 = vector.broadcast %broadcast_in_dim3A_1058 : f32 to vector<16xf32>
      %select_n3A_1060 = arith.select %lt3A_997, %mul3A_1057, %broadcast_in_dim3A_1059 : vector<16xi1>, vector<16xf32>
      %swap3A_1061 = arith.constant 80 : index
      %swap3A_1062 = tpu.vector_load %arg15[%swap3A_1061] {strides = array<i32>} : memref<96xf32, #tpu.memory_space<vmem>>, vector<16xf32>,
      tpu.vector_store %arg15[%swap3A_1061], %select_n3A_1060 {strides = array<i32>} : memref<96xf32, #tpu.memory_space<vmem>>, vector<16xf32>,
      %get3A_1063 = arith.constant 80 : index
      %get3A_1064 = tpu.vector_load %arg11[%get3A_1063] {strides = array<i32>} : memref<96xi32, #tpu.memory_space<vmem>>, vector<16xi32>,
      %masked_sort3A_1065 = arith.constant dense<true> : vector<16xi1>
      %masked_sort3A_1066 = arith.constant -2147483648 : i32
      %masked_sort3A_1067 = vector.broadcast %masked_sort3A_1066 : i32 to vector<16xi32>
      %masked_sort3A_1068 = arith.xori %get3A_1064, %masked_sort3A_1067 : vector<16xi32>
      %masked_sort3A_1069, %masked_sort3A_1070, %masked_sort3A_1071 = tpu.sort %masked_sort3A_1068, %select_n3A_1060 masked %masked_sort3A_1065 : (vector<16xi32>, vector<16xf32>, vector<16xi1>) -> (vector<16xi1>, vector<16xi32>, vector<16xf32>)
      %masked_sort3A_1072 = arith.xori %masked_sort3A_1070, %masked_sort3A_1067 : vector<16xi32>
      %sub3A_1073 = arith.constant 1 : i32
      %sub3A_1074 = vector.broadcast %sub3A_1073 : i32 to vector<16xi32>
      %sub3A_1075 = arith.subi %iota3A, %sub3A_1074 : vector<16xi32>
      %max3A_1076 = arith.constant 0 : i32
      %max3A_1077 = vector.broadcast %max3A_1076 : i32 to vector<16xi32>
      %max3A_1078 = arith.maxsi %sub3A_1075, %max3A_1077 : vector<16xi32>
      %ge3A_1079 = arith.constant 1 : i32
      %ge3A_1080 = vector.broadcast %ge3A_1079 : i32 to vector<16xi32>
      %ge3A_1081 = arith.cmpi sge, %iota3A, %ge3A_1080 : vector<16xi32>
      %broadcast_in_dim3A_1082 = vector.shape_cast %max3A_1078 : vector<16xi32> to vector<16x1xi32>
      %gather3A_1083 = vector.shape_cast %broadcast_in_dim3A_1082 : vector<16x1xi32> to vector<16xi32>
      %gather3A_1084 = tpu.dynamic_gather %masked_sort3A_1072[%gather3A_1083] in [0] : vector<16xi32>, vector<16xi32> -> vector<16xi32>
      %eq3A_1085 = arith.cmpi eq, %gather3A_1084, %masked_sort3A_1072 : vector<16xi32>
      %and3A_1086 = arith.andi %ge3A_1081, %eq3A_1085 : vector<16xi1>
      %broadcast_in_dim3A_1087 = vector.shape_cast %max3A_1078 : vector<16xi32> to vector<16x1xi32>
      %gather3A_1088 = vector.shape_cast %broadcast_in_dim3A_1087 : vector<16x1xi32> to vector<16xi32>
      %gather3A_1089 = tpu.dynamic_gather %masked_sort3A_1071[%gather3A_1088] in [0] : vector<16xf32>, vector<16xi32> -> vector<16xf32>
      %broadcast_in_dim3A_1090 = arith.constant 0.000000e+00 : f32
      %broadcast_in_dim3A_1091 = vector.broadcast %broadcast_in_dim3A_1090 : f32 to vector<16xf32>
      %select_n3A_1092 = arith.select %and3A_1086, %gather3A_1089, %broadcast_in_dim3A_1091 : vector<16xi1>, vector<16xf32>
      %add3A_1093 = arith.addf %masked_sort3A_1071, %select_n3A_1092 : vector<16xf32>
      %sub3A_1094 = arith.constant 2 : i32
      %sub3A_1095 = vector.broadcast %sub3A_1094 : i32 to vector<16xi32>
      %sub3A_1096 = arith.subi %iota3A, %sub3A_1095 : vector<16xi32>
      %max3A_1097 = arith.constant 0 : i32
      %max3A_1098 = vector.broadcast %max3A_1097 : i32 to vector<16xi32>
      %max3A_1099 = arith.maxsi %sub3A_1096, %max3A_1098 : vector<16xi32>
      %ge3A_1100 = arith.constant 2 : i32
      %ge3A_1101 = vector.broadcast %ge3A_1100 : i32 to vector<16xi32>
      %ge3A_1102 = arith.cmpi sge, %iota3A, %ge3A_1101 : vector<16xi32>
      %broadcast_in_dim3A_1103 = vector.shape_cast %max3A_1099 : vector<16xi32> to vector<16x1xi32>
      %gather3A_1104 = vector.shape_cast %broadcast_in_dim3A_1103 : vector<16x1xi32> to vector<16xi32>
      %gather3A_1105 = tpu.dynamic_gather %masked_sort3A_1072[%gather3A_1104] in [0] : vector<16xi32>, vector<16xi32> -> vector<16xi32>
      %eq3A_1106 = arith.cmpi eq, %gather3A_1105, %masked_sort3A_1072 : vector<16xi32>
      %and3A_1107 = arith.andi %ge3A_1102, %eq3A_1106 : vector<16xi1>
      %broadcast_in_dim3A_1108 = vector.shape_cast %max3A_1099 : vector<16xi32> to vector<16x1xi32>
      %gather3A_1109 = vector.shape_cast %broadcast_in_dim3A_1108 : vector<16x1xi32> to vector<16xi32>
      %gather3A_1110 = tpu.dynamic_gather %add3A_1093[%gather3A_1109] in [0] : vector<16xf32>, vector<16xi32> -> vector<16xf32>
      %broadcast_in_dim3A_1111 = arith.constant 0.000000e+00 : f32
      %broadcast_in_dim3A_1112 = vector.broadcast %broadcast_in_dim3A_1111 : f32 to vector<16xf32>
      %select_n3A_1113 = arith.select %and3A_1107, %gather3A_1110, %broadcast_in_dim3A_1112 : vector<16xi1>, vector<16xf32>
      %add3A_1114 = arith.addf %add3A_1093, %select_n3A_1113 : vector<16xf32>
      %sub3A_1115 = arith.constant 4 : i32
      %sub3A_1116 = vector.broadcast %sub3A_1115 : i32 to vector<16xi32>
      %sub3A_1117 = arith.subi %iota3A, %sub3A_1116 : vector<16xi32>
      %max3A_1118 = arith.constant 0 : i32
      %max3A_1119 = vector.broadcast %max3A_1118 : i32 to vector<16xi32>
      %max3A_1120 = arith.maxsi %sub3A_1117, %max3A_1119 : vector<16xi32>
      %ge3A_1121 = arith.constant 4 : i32
      %ge3A_1122 = vector.broadcast %ge3A_1121 : i32 to vector<16xi32>
      %ge3A_1123 = arith.cmpi sge, %iota3A, %ge3A_1122 : vector<16xi32>
      %broadcast_in_dim3A_1124 = vector.shape_cast %max3A_1120 : vector<16xi32> to vector<16x1xi32>
      %gather3A_1125 = vector.shape_cast %broadcast_in_dim3A_1124 : vector<16x1xi32> to vector<16xi32>
      %gather3A_1126 = tpu.dynamic_gather %masked_sort3A_1072[%gather3A_1125] in [0] : vector<16xi32>, vector<16xi32> -> vector<16xi32>
      %eq3A_1127 = arith.cmpi eq, %gather3A_1126, %masked_sort3A_1072 : vector<16xi32>
      %and3A_1128 = arith.andi %ge3A_1123, %eq3A_1127 : vector<16xi1>
      %broadcast_in_dim3A_1129 = vector.shape_cast %max3A_1120 : vector<16xi32> to vector<16x1xi32>
      %gather3A_1130 = vector.shape_cast %broadcast_in_dim3A_1129 : vector<16x1xi32> to vector<16xi32>
      %gather3A_1131 = tpu.dynamic_gather %add3A_1114[%gather3A_1130] in [0] : vector<16xf32>, vector<16xi32> -> vector<16xf32>
      %broadcast_in_dim3A_1132 = arith.constant 0.000000e+00 : f32
      %broadcast_in_dim3A_1133 = vector.broadcast %broadcast_in_dim3A_1132 : f32 to vector<16xf32>
      %select_n3A_1134 = arith.select %and3A_1128, %gather3A_1131, %broadcast_in_dim3A_1133 : vector<16xi1>, vector<16xf32>
      %add3A_1135 = arith.addf %add3A_1114, %select_n3A_1134 : vector<16xf32>
      %sub3A_1136 = arith.constant 8 : i32
      %sub3A_1137 = vector.broadcast %sub3A_1136 : i32 to vector<16xi32>
      %sub3A_1138 = arith.subi %iota3A, %sub3A_1137 : vector<16xi32>
      %max3A_1139 = arith.constant 0 : i32
      %max3A_1140 = vector.broadcast %max3A_1139 : i32 to vector<16xi32>
      %max3A_1141 = arith.maxsi %sub3A_1138, %max3A_1140 : vector<16xi32>
      %ge3A_1142 = arith.constant 8 : i32
      %ge3A_1143 = vector.broadcast %ge3A_1142 : i32 to vector<16xi32>
      %ge3A_1144 = arith.cmpi sge, %iota3A, %ge3A_1143 : vector<16xi32>
      %broadcast_in_dim3A_1145 = vector.shape_cast %max3A_1141 : vector<16xi32> to vector<16x1xi32>
      %gather3A_1146 = vector.shape_cast %broadcast_in_dim3A_1145 : vector<16x1xi32> to vector<16xi32>
      %gather3A_1147 = tpu.dynamic_gather %masked_sort3A_1072[%gather3A_1146] in [0] : vector<16xi32>, vector<16xi32> -> vector<16xi32>
      %eq3A_1148 = arith.cmpi eq, %gather3A_1147, %masked_sort3A_1072 : vector<16xi32>
      %and3A_1149 = arith.andi %ge3A_1144, %eq3A_1148 : vector<16xi1>
      %broadcast_in_dim3A_1150 = vector.shape_cast %max3A_1141 : vector<16xi32> to vector<16x1xi32>
      %gather3A_1151 = vector.shape_cast %broadcast_in_dim3A_1150 : vector<16x1xi32> to vector<16xi32>
      %gather3A_1152 = tpu.dynamic_gather %add3A_1135[%gather3A_1151] in [0] : vector<16xf32>, vector<16xi32> -> vector<16xf32>
      %broadcast_in_dim3A_1153 = arith.constant 0.000000e+00 : f32
      %broadcast_in_dim3A_1154 = vector.broadcast %broadcast_in_dim3A_1153 : f32 to vector<16xf32>
      %select_n3A_1155 = arith.select %and3A_1149, %gather3A_1152, %broadcast_in_dim3A_1154 : vector<16xi1>, vector<16xf32>
      %add3A_1156 = arith.addf %add3A_1135, %select_n3A_1155 : vector<16xf32>
      %add3A_1157 = arith.constant 1 : i32
      %add3A_1158 = vector.broadcast %add3A_1157 : i32 to vector<16xi32>
      %add3A_1159 = arith.addi %iota3A, %add3A_1158 : vector<16xi32>
      %min3A_1160 = arith.constant 15 : i32
      %min3A_1161 = vector.broadcast %min3A_1160 : i32 to vector<16xi32>
      %min3A_1162 = arith.minsi %add3A_1159, %min3A_1161 : vector<16xi32>
      %broadcast_in_dim3A_1163 = vector.shape_cast %min3A_1162 : vector<16xi32> to vector<16x1xi32>
      %gather3A_1164 = vector.shape_cast %broadcast_in_dim3A_1163 : vector<16x1xi32> to vector<16xi32>
      %gather3A_1165 = tpu.dynamic_gather %masked_sort3A_1072[%gather3A_1164] in [0] : vector<16xi32>, vector<16xi32> -> vector<16xi32>
      %ne3A_1166 = arith.cmpi ne, %masked_sort3A_1072, %gather3A_1165 : vector<16xi32>
      %eq3A_1167 = arith.constant 15 : i32
      %eq3A_1168 = vector.broadcast %eq3A_1167 : i32 to vector<16xi32>
      %eq3A_1169 = arith.cmpi eq, %iota3A, %eq3A_1168 : vector<16xi32>
      %or3A_1170 = arith.ori %ne3A_1166, %eq3A_1169 : vector<16xi1>
      %gather3A_1171 = tpu.vector_load_idx %arg16[%masked_sort3A_1072] : memref<10112xf32, #tpu.memory_space<vmem>>[vector<16xi32>], vector<16xf32>,
      %add3A_1172 = arith.addf %gather3A_1171, %add3A_1156 : vector<16xf32>
      tpu.vector_store_idx %arg16[%masked_sort3A_1072], %add3A_1172 masked %or3A_1170 : memref<10112xf32, #tpu.memory_space<vmem>>[vector<16xi32>], vector<16xf32>, vector<16xi1>
      %scan3A_1173 = arith.constant 0 : i32
      %scan3A_1174 = arith.constant 0 : i32
      %scan3A_1175 = arith.constant 96 : i32
      %scan3A_1176 = arith.addi %scan3A_1174, %scan3A_1175 : i32
      %scan3A_1177 = arith.constant 2 : i32
      %scan3A_1178 = scf.for %scan3A_1181 = %scan3A_1174 to %scan3A_1176 step %scan3A_1177 iter_args(%scan3A_1182 = %scan3A_1173) -> (i32)  : i32 {
        %broadcast_in_dim3A_1183 = vector.broadcast %scan3A_1181 : i32 to vector<16xi32>
        %gather3A_1184 = tpu.vector_load_idx %arg15[%broadcast_in_dim3A_1183] : memref<96xf32, #tpu.memory_space<vmem>>[vector<16xi32>], vector<16xf32>,
        %get3A_1185 = arith.index_cast %scan3A_1181 : i32 to index
        %get3A_1186 = arith.constant 0 : index
        %get3A_1187 = tpu.vector_load %arg12[%get3A_1185, %get3A_1186] {strides = array<i32>} : memref<96x128xf32, #tpu.memory_space<vmem>>, vector<16xf32>,
        %mul3A_1188 = arith.mulf %get3A_1187, %gather3A_1184 : vector<16xf32>
        %swap3A_1189 = arith.index_cast %scan3A_1181 : i32 to index
        %swap3A_1190 = arith.constant 0 : index
        %swap3A_1191 = tpu.vector_load %arg12[%swap3A_1189, %swap3A_1190] {strides = array<i32>} : memref<96x128xf32, #tpu.memory_space<vmem>>, vector<16xf32>,
        tpu.vector_store %arg12[%swap3A_1189, %swap3A_1190], %mul3A_1188 {strides = array<i32>} : memref<96x128xf32, #tpu.memory_space<vmem>>, vector<16xf32>,
        %get3A_1192 = arith.index_cast %scan3A_1181 : i32 to index
        %get3A_1193 = arith.constant 16 : index
        %get3A_1194 = tpu.vector_load %arg12[%get3A_1192, %get3A_1193] {strides = array<i32>} : memref<96x128xf32, #tpu.memory_space<vmem>>, vector<16xf32>,
        %mul3A_1195 = arith.mulf %get3A_1194, %gather3A_1184 : vector<16xf32>
        %swap3A_1196 = arith.index_cast %scan3A_1181 : i32 to index
        %swap3A_1197 = arith.constant 16 : index
        %swap3A_1198 = tpu.vector_load %arg12[%swap3A_1196, %swap3A_1197] {strides = array<i32>} : memref<96x128xf32, #tpu.memory_space<vmem>>, vector<16xf32>,
        tpu.vector_store %arg12[%swap3A_1196, %swap3A_1197], %mul3A_1195 {strides = array<i32>} : memref<96x128xf32, #tpu.memory_space<vmem>>, vector<16xf32>,
        %get3A_1199 = arith.index_cast %scan3A_1181 : i32 to index
        %get3A_1200 = arith.constant 32 : index
        %get3A_1201 = tpu.vector_load %arg12[%get3A_1199, %get3A_1200] {strides = array<i32>} : memref<96x128xf32, #tpu.memory_space<vmem>>, vector<16xf32>,
        %mul3A_1202 = arith.mulf %get3A_1201, %gather3A_1184 : vector<16xf32>
        %swap3A_1203 = arith.index_cast %scan3A_1181 : i32 to index
        %swap3A_1204 = arith.constant 32 : index
        %swap3A_1205 = tpu.vector_load %arg12[%swap3A_1203, %swap3A_1204] {strides = array<i32>} : memref<96x128xf32, #tpu.memory_space<vmem>>, vector<16xf32>,
        tpu.vector_store %arg12[%swap3A_1203, %swap3A_1204], %mul3A_1202 {strides = array<i32>} : memref<96x128xf32, #tpu.memory_space<vmem>>, vector<16xf32>,
        %get3A_1206 = arith.index_cast %scan3A_1181 : i32 to index
        %get3A_1207 = arith.constant 48 : index
        %get3A_1208 = tpu.vector_load %arg12[%get3A_1206, %get3A_1207] {strides = array<i32>} : memref<96x128xf32, #tpu.memory_space<vmem>>, vector<16xf32>,
        %mul3A_1209 = arith.mulf %get3A_1208, %gather3A_1184 : vector<16xf32>
        %swap3A_1210 = arith.index_cast %scan3A_1181 : i32 to index
        %swap3A_1211 = arith.constant 48 : index
        %swap3A_1212 = tpu.vector_load %arg12[%swap3A_1210, %swap3A_1211] {strides = array<i32>} : memref<96x128xf32, #tpu.memory_space<vmem>>, vector<16xf32>,
        tpu.vector_store %arg12[%swap3A_1210, %swap3A_1211], %mul3A_1209 {strides = array<i32>} : memref<96x128xf32, #tpu.memory_space<vmem>>, vector<16xf32>,
        %get3A_1213 = arith.index_cast %scan3A_1181 : i32 to index
        %get3A_1214 = arith.constant 64 : index
        %get3A_1215 = tpu.vector_load %arg12[%get3A_1213, %get3A_1214] {strides = array<i32>} : memref<96x128xf32, #tpu.memory_space<vmem>>, vector<16xf32>,
        %mul3A_1216 = arith.mulf %get3A_1215, %gather3A_1184 : vector<16xf32>
        %swap3A_1217 = arith.index_cast %scan3A_1181 : i32 to index
        %swap3A_1218 = arith.constant 64 : index
        %swap3A_1219 = tpu.vector_load %arg12[%swap3A_1217, %swap3A_1218] {strides = array<i32>} : memref<96x128xf32, #tpu.memory_space<vmem>>, vector<16xf32>,
        tpu.vector_store %arg12[%swap3A_1217, %swap3A_1218], %mul3A_1216 {strides = array<i32>} : memref<96x128xf32, #tpu.memory_space<vmem>>, vector<16xf32>,
        %get3A_1220 = arith.index_cast %scan3A_1181 : i32 to index
        %get3A_1221 = arith.constant 80 : index
        %get3A_1222 = tpu.vector_load %arg12[%get3A_1220, %get3A_1221] {strides = array<i32>} : memref<96x128xf32, #tpu.memory_space<vmem>>, vector<16xf32>,
        %mul3A_1223 = arith.mulf %get3A_1222, %gather3A_1184 : vector<16xf32>
        %swap3A_1224 = arith.index_cast %scan3A_1181 : i32 to index
        %swap3A_1225 = arith.constant 80 : index
        %swap3A_1226 = tpu.vector_load %arg12[%swap3A_1224, %swap3A_1225] {strides = array<i32>} : memref<96x128xf32, #tpu.memory_space<vmem>>, vector<16xf32>,
        tpu.vector_store %arg12[%swap3A_1224, %swap3A_1225], %mul3A_1223 {strides = array<i32>} : memref<96x128xf32, #tpu.memory_space<vmem>>, vector<16xf32>,
        %get3A_1227 = arith.index_cast %scan3A_1181 : i32 to index
        %get3A_1228 = arith.constant 96 : index
        %get3A_1229 = tpu.vector_load %arg12[%get3A_1227, %get3A_1228] {strides = array<i32>} : memref<96x128xf32, #tpu.memory_space<vmem>>, vector<16xf32>,
        %mul3A_1230 = arith.mulf %get3A_1229, %gather3A_1184 : vector<16xf32>
        %swap3A_1231 = arith.index_cast %scan3A_1181 : i32 to index
        %swap3A_1232 = arith.constant 96 : index
        %swap3A_1233 = tpu.vector_load %arg12[%swap3A_1231, %swap3A_1232] {strides = array<i32>} : memref<96x128xf32, #tpu.memory_space<vmem>>, vector<16xf32>,
        tpu.vector_store %arg12[%swap3A_1231, %swap3A_1232], %mul3A_1230 {strides = array<i32>} : memref<96x128xf32, #tpu.memory_space<vmem>>, vector<16xf32>,
        %get3A_1234 = arith.index_cast %scan3A_1181 : i32 to index
        %get3A_1235 = arith.constant 112 : index
        %get3A_1236 = tpu.vector_load %arg12[%get3A_1234, %get3A_1235] {strides = array<i32>} : memref<96x128xf32, #tpu.memory_space<vmem>>, vector<16xf32>,
        %mul3A_1237 = arith.mulf %get3A_1236, %gather3A_1184 : vector<16xf32>
        %swap3A_1238 = arith.index_cast %scan3A_1181 : i32 to index
        %swap3A_1239 = arith.constant 112 : index
        %swap3A_1240 = tpu.vector_load %arg12[%swap3A_1238, %swap3A_1239] {strides = array<i32>} : memref<96x128xf32, #tpu.memory_space<vmem>>, vector<16xf32>,
        tpu.vector_store %arg12[%swap3A_1238, %swap3A_1239], %mul3A_1237 {strides = array<i32>} : memref<96x128xf32, #tpu.memory_space<vmem>>, vector<16xf32>,
        %scan3A_1241 = arith.constant 0 : i32
        %scan3A_1242 = arith.constant 1 : i32
        %scan3A_1243 = arith.addi %scan3A_1181, %scan3A_1242 : i32
        %broadcast_in_dim3A_1244 = vector.broadcast %scan3A_1243 : i32 to vector<16xi32>
        %gather3A_1245 = tpu.vector_load_idx %arg15[%broadcast_in_dim3A_1244] : memref<96xf32, #tpu.memory_space<vmem>>[vector<16xi32>], vector<16xf32>,
        %get3A_1246 = arith.index_cast %scan3A_1243 : i32 to index
        %get3A_1247 = arith.constant 0 : index
        %get3A_1248 = tpu.vector_load %arg12[%get3A_1246, %get3A_1247] {strides = array<i32>} : memref<96x128xf32, #tpu.memory_space<vmem>>, vector<16xf32>,
        %mul3A_1249 = arith.mulf %get3A_1248, %gather3A_1245 : vector<16xf32>
        %swap3A_1250 = arith.index_cast %scan3A_1243 : i32 to index
        %swap3A_1251 = arith.constant 0 : index
        %swap3A_1252 = tpu.vector_load %arg12[%swap3A_1250, %swap3A_1251] {strides = array<i32>} : memref<96x128xf32, #tpu.memory_space<vmem>>, vector<16xf32>,
        tpu.vector_store %arg12[%swap3A_1250, %swap3A_1251], %mul3A_1249 {strides = array<i32>} : memref<96x128xf32, #tpu.memory_space<vmem>>, vector<16xf32>,
        %get3A_1253 = arith.index_cast %scan3A_1243 : i32 to index
        %get3A_1254 = arith.constant 16 : index
        %get3A_1255 = tpu.vector_load %arg12[%get3A_1253, %get3A_1254] {strides = array<i32>} : memref<96x128xf32, #tpu.memory_space<vmem>>, vector<16xf32>,
        %mul3A_1256 = arith.mulf %get3A_1255, %gather3A_1245 : vector<16xf32>
        %swap3A_1257 = arith.index_cast %scan3A_1243 : i32 to index
        %swap3A_1258 = arith.constant 16 : index
        %swap3A_1259 = tpu.vector_load %arg12[%swap3A_1257, %swap3A_1258] {strides = array<i32>} : memref<96x128xf32, #tpu.memory_space<vmem>>, vector<16xf32>,
        tpu.vector_store %arg12[%swap3A_1257, %swap3A_1258], %mul3A_1256 {strides = array<i32>} : memref<96x128xf32, #tpu.memory_space<vmem>>, vector<16xf32>,
        %get3A_1260 = arith.index_cast %scan3A_1243 : i32 to index
        %get3A_1261 = arith.constant 32 : index
        %get3A_1262 = tpu.vector_load %arg12[%get3A_1260, %get3A_1261] {strides = array<i32>} : memref<96x128xf32, #tpu.memory_space<vmem>>, vector<16xf32>,
        %mul3A_1263 = arith.mulf %get3A_1262, %gather3A_1245 : vector<16xf32>
        %swap3A_1264 = arith.index_cast %scan3A_1243 : i32 to index
        %swap3A_1265 = arith.constant 32 : index
        %swap3A_1266 = tpu.vector_load %arg12[%swap3A_1264, %swap3A_1265] {strides = array<i32>} : memref<96x128xf32, #tpu.memory_space<vmem>>, vector<16xf32>,
        tpu.vector_store %arg12[%swap3A_1264, %swap3A_1265], %mul3A_1263 {strides = array<i32>} : memref<96x128xf32, #tpu.memory_space<vmem>>, vector<16xf32>,
        %get3A_1267 = arith.index_cast %scan3A_1243 : i32 to index
        %get3A_1268 = arith.constant 48 : index
        %get3A_1269 = tpu.vector_load %arg12[%get3A_1267, %get3A_1268] {strides = array<i32>} : memref<96x128xf32, #tpu.memory_space<vmem>>, vector<16xf32>,
        %mul3A_1270 = arith.mulf %get3A_1269, %gather3A_1245 : vector<16xf32>
        %swap3A_1271 = arith.index_cast %scan3A_1243 : i32 to index
        %swap3A_1272 = arith.constant 48 : index
        %swap3A_1273 = tpu.vector_load %arg12[%swap3A_1271, %swap3A_1272] {strides = array<i32>} : memref<96x128xf32, #tpu.memory_space<vmem>>, vector<16xf32>,
        tpu.vector_store %arg12[%swap3A_1271, %swap3A_1272], %mul3A_1270 {strides = array<i32>} : memref<96x128xf32, #tpu.memory_space<vmem>>, vector<16xf32>,
        %get3A_1274 = arith.index_cast %scan3A_1243 : i32 to index
        %get3A_1275 = arith.constant 64 : index
        %get3A_1276 = tpu.vector_load %arg12[%get3A_1274, %get3A_1275] {strides = array<i32>} : memref<96x128xf32, #tpu.memory_space<vmem>>, vector<16xf32>,
        %mul3A_1277 = arith.mulf %get3A_1276, %gather3A_1245 : vector<16xf32>
        %swap3A_1278 = arith.index_cast %scan3A_1243 : i32 to index
        %swap3A_1279 = arith.constant 64 : index
        %swap3A_1280 = tpu.vector_load %arg12[%swap3A_1278, %swap3A_1279] {strides = array<i32>} : memref<96x128xf32, #tpu.memory_space<vmem>>, vector<16xf32>,
        tpu.vector_store %arg12[%swap3A_1278, %swap3A_1279], %mul3A_1277 {strides = array<i32>} : memref<96x128xf32, #tpu.memory_space<vmem>>, vector<16xf32>,
        %get3A_1281 = arith.index_cast %scan3A_1243 : i32 to index
        %get3A_1282 = arith.constant 80 : index
        %get3A_1283 = tpu.vector_load %arg12[%get3A_1281, %get3A_1282] {strides = array<i32>} : memref<96x128xf32, #tpu.memory_space<vmem>>, vector<16xf32>,
        %mul3A_1284 = arith.mulf %get3A_1283, %gather3A_1245 : vector<16xf32>
        %swap3A_1285 = arith.index_cast %scan3A_1243 : i32 to index
        %swap3A_1286 = arith.constant 80 : index
        %swap3A_1287 = tpu.vector_load %arg12[%swap3A_1285, %swap3A_1286] {strides = array<i32>} : memref<96x128xf32, #tpu.memory_space<vmem>>, vector<16xf32>,
        tpu.vector_store %arg12[%swap3A_1285, %swap3A_1286], %mul3A_1284 {strides = array<i32>} : memref<96x128xf32, #tpu.memory_space<vmem>>, vector<16xf32>,
        %get3A_1288 = arith.index_cast %scan3A_1243 : i32 to index
        %get3A_1289 = arith.constant 96 : index
        %get3A_1290 = tpu.vector_load %arg12[%get3A_1288, %get3A_1289] {strides = array<i32>} : memref<96x128xf32, #tpu.memory_space<vmem>>, vector<16xf32>,
        %mul3A_1291 = arith.mulf %get3A_1290, %gather3A_1245 : vector<16xf32>
        %swap3A_1292 = arith.index_cast %scan3A_1243 : i32 to index
        %swap3A_1293 = arith.constant 96 : index
        %swap3A_1294 = tpu.vector_load %arg12[%swap3A_1292, %swap3A_1293] {strides = array<i32>} : memref<96x128xf32, #tpu.memory_space<vmem>>, vector<16xf32>,
        tpu.vector_store %arg12[%swap3A_1292, %swap3A_1293], %mul3A_1291 {strides = array<i32>} : memref<96x128xf32, #tpu.memory_space<vmem>>, vector<16xf32>,
        %get3A_1295 = arith.index_cast %scan3A_1243 : i32 to index
        %get3A_1296 = arith.constant 112 : index
        %get3A_1297 = tpu.vector_load %arg12[%get3A_1295, %get3A_1296] {strides = array<i32>} : memref<96x128xf32, #tpu.memory_space<vmem>>, vector<16xf32>,
        %mul3A_1298 = arith.mulf %get3A_1297, %gather3A_1245 : vector<16xf32>
        %swap3A_1299 = arith.index_cast %scan3A_1243 : i32 to index
        %swap3A_1300 = arith.constant 112 : index
        %swap3A_1301 = tpu.vector_load %arg12[%swap3A_1299, %swap3A_1300] {strides = array<i32>} : memref<96x128xf32, #tpu.memory_space<vmem>>, vector<16xf32>,
        tpu.vector_store %arg12[%swap3A_1299, %swap3A_1300], %mul3A_1298 {strides = array<i32>} : memref<96x128xf32, #tpu.memory_space<vmem>>, vector<16xf32>,
        %scan3A_1302 = arith.constant 0 : i32
        scf.yield %scan3A_1302 : i32
      }
      %scan3A_1179 = arith.constant 96 : i32
      "tpu.region"() ({
        %run_scoped3A = tpu.sem_alloc : memref<!tpu.dma_semaphore, #tpu.memory_space<semaphore_mem>>
        %dma_start3A_1181 = arith.constant 0 : i32
        %dma_start3A_1182 = arith.constant 0 : i32
        %dma_start3A_1183 = tpu.memref_slice %arg18[%dma_start3A_1181, %dma_start3A_1182] : memref<10112x128xf32, #tpu.memory_space<vmem_shared>> -> memref<10112x128xf32, #tpu.memory_space<vmem_shared>>
        tpu.enqueue_indirect_dma source(%arg12 : memref<96x128xf32, #tpu.memory_space<vmem>>) target(%dma_start3A_1183 : memref<10112x128xf32, #tpu.memory_space<vmem_shared>>) offsets(%arg11 : memref<96xi32, #tpu.memory_space<vmem>>) semaphore(%run_scoped3A : memref<!tpu.dma_semaphore, #tpu.memory_space<semaphore_mem>>) {add = true}
        %dma_wait3A_1184 = arith.constant 0 : i32
        %dma_wait3A_1185 = arith.constant 0 : i32
        %dma_wait3A_1186 = tpu.memref_slice %arg18[%dma_wait3A_1184, %dma_wait3A_1185] : memref<10112x128xf32, #tpu.memory_space<vmem_shared>> -> memref<10112x128xf32, #tpu.memory_space<vmem_shared>>
        tpu.wait_indirect_dma semaphore(%run_scoped3A : memref<!tpu.dma_semaphore, #tpu.memory_space<semaphore_mem>>) src(%arg12 : memref<96x128xf32, #tpu.memory_space<vmem>>) dst(%dma_wait3A_1186 : memref<10112x128xf32, #tpu.memory_space<vmem_shared>>)
        tpu.yield
      }) : () -> ()
      %scan3A_1180 = arith.constant 0 : i32
      scf.yield %scan3A_1180 : i32
    }
    %scan3A_53 = arith.constant 108 : i32
    %barrier3A_54 = arith.constant 0 : index
    tpu.barrier barrier_id(%barrier3A_54)
    "tpu.region"() ({
      %run_scoped3A = tpu.sem_alloc : memref<!tpu.dma_semaphore, #tpu.memory_space<semaphore_mem>>
      %dma_start3A = arith.constant 0 : i32
      %dma_start3A_58 = tpu.memref_slice %arg8[%arg0, %mul3A_15, %dma_start3A] : memref<2x10112x128xf32, #tpu.memory_space<hbm>> -> memref<1x632x128xf32, #tpu.memory_space<hbm>>
      %dma_start3A_59 = tpu.memref_squeeze %dma_start3A_58 : memref<1x632x128xf32, #tpu.memory_space<hbm>> -> memref<632x128xf32, #tpu.memory_space<hbm>>
      %dma_start3A_60 = arith.constant 0 : i32
      %dma_start3A_61 = tpu.memref_slice %arg18[%mul3A_15, %dma_start3A_60] : memref<10112x128xf32, #tpu.memory_space<vmem_shared>> -> memref<632x128xf32, #tpu.memory_space<vmem_shared>>
      tpu.enqueue_dma source(%dma_start3A_61 : memref<632x128xf32, #tpu.memory_space<vmem_shared>>) target(%dma_start3A_59 : memref<632x128xf32, #tpu.memory_space<hbm>>) target_semaphore(%run_scoped3A : memref<!tpu.dma_semaphore, #tpu.memory_space<semaphore_mem>>)
      %dma_wait3A = arith.constant 0 : i32
      %dma_wait3A_62 = tpu.memref_slice %arg8[%arg0, %mul3A_15, %dma_wait3A] : memref<2x10112x128xf32, #tpu.memory_space<hbm>> -> memref<1x632x128xf32, #tpu.memory_space<hbm>>
      %dma_wait3A_63 = tpu.memref_squeeze %dma_wait3A_62 : memref<1x632x128xf32, #tpu.memory_space<hbm>> -> memref<632x128xf32, #tpu.memory_space<hbm>>
      %dma_wait3A_64 = arith.constant 0 : i32
      %dma_wait3A_65 = tpu.memref_slice %arg18[%mul3A_15, %dma_wait3A_64] : memref<10112x128xf32, #tpu.memory_space<vmem_shared>> -> memref<632x128xf32, #tpu.memory_space<vmem_shared>>
      tpu.wait_dma2 semaphore(%run_scoped3A : memref<!tpu.dma_semaphore, #tpu.memory_space<semaphore_mem>>) src(%dma_wait3A_65 : memref<632x128xf32, #tpu.memory_space<vmem_shared>>) dst(%dma_wait3A_63 : memref<632x128xf32, #tpu.memory_space<hbm>>)
      tpu.yield
    }) : () -> ()
    %mul3A_55 = arith.constant 16 : i32
    %mul3A_56 = arith.muli %arg0, %mul3A_55 : i32
    %add3A_57 = arith.addi %mul3A_56, %arg1 : i32
    "tpu.region"() ({
      %run_scoped3A = tpu.sem_alloc : memref<!tpu.dma_semaphore, #tpu.memory_space<semaphore_mem>>
      %dma_start3A = arith.constant 0 : i32
      %dma_start3A_58 = tpu.memref_slice %arg9[%add3A_57, %dma_start3A] : memref<32x10112xf32, #tpu.memory_space<hbm>> -> memref<1x10112xf32, #tpu.memory_space<hbm>>
      %dma_start3A_59 = tpu.memref_squeeze %dma_start3A_58 : memref<1x10112xf32, #tpu.memory_space<hbm>> -> memref<10112xf32, #tpu.memory_space<hbm>>
      %dma_start3A_60 = arith.constant 0 : i32
      %dma_start3A_61 = tpu.memref_slice %arg9[%add3A_57, %dma_start3A_60] : memref<32x10112xf32, #tpu.memory_space<hbm>> -> memref<1x10112xf32, #tpu.memory_space<hbm>>
      %dma_start3A_62 = tpu.memref_squeeze %dma_start3A_61 : memref<1x10112xf32, #tpu.memory_space<hbm>> -> memref<10112xf32, #tpu.memory_space<hbm>>
      tpu.enqueue_dma source(%arg16 : memref<10112xf32, #tpu.memory_space<vmem>>) target(%dma_start3A_62 : memref<10112xf32, #tpu.memory_space<hbm>>) target_semaphore(%run_scoped3A : memref<!tpu.dma_semaphore, #tpu.memory_space<semaphore_mem>>)
      %dma_wait3A = arith.constant 0 : i32
      %dma_wait3A_63 = tpu.memref_slice %arg9[%add3A_57, %dma_wait3A] : memref<32x10112xf32, #tpu.memory_space<hbm>> -> memref<1x10112xf32, #tpu.memory_space<hbm>>
      %dma_wait3A_64 = tpu.memref_squeeze %dma_wait3A_63 : memref<1x10112xf32, #tpu.memory_space<hbm>> -> memref<10112xf32, #tpu.memory_space<hbm>>
      %dma_wait3A_65 = arith.constant 0 : i32
      %dma_wait3A_66 = tpu.memref_slice %arg9[%add3A_57, %dma_wait3A_65] : memref<32x10112xf32, #tpu.memory_space<hbm>> -> memref<1x10112xf32, #tpu.memory_space<hbm>>
      %dma_wait3A_67 = tpu.memref_squeeze %dma_wait3A_66 : memref<1x10112xf32, #tpu.memory_space<hbm>> -> memref<10112xf32, #tpu.memory_space<hbm>>
      tpu.wait_dma2 semaphore(%run_scoped3A : memref<!tpu.dma_semaphore, #tpu.memory_space<semaphore_mem>>) src(%arg16 : memref<10112xf32, #tpu.memory_space<vmem>>) dst(%dma_wait3A_67 : memref<10112xf32, #tpu.memory_space<hbm>>)
      tpu.yield
    }) : () -> ()
    return
  }
}

module attributes {stable_mosaic.version = 14 : i64} {
  func.func @_easum_body(%arg0: i32, %arg1: memref<4000x16xf32, #tpu.memory_space<vmem>>, %arg2: memref<1x16xf32, #tpu.memory_space<vmem>>) attributes {dimension_semantics = [#tpu.dimension_semantics<arbitrary>], iteration_bounds = array<i64: 80>, scalar_prefetch = 0 : i64, scratch_operands = 0 : i64, tpu.core_type = #tpu.core_type<tc>, window_params = [{transform_indices = @transform_0, window_bounds = array<i64: 4000, 16>}, {pipeline_mode = #tpu.pipeline_mode<synchronous>, transform_indices = @transform_1, window_bounds = array<i64: 1, 16>}]} {
    %eq3A = arith.constant 0 : i32
    %eq3A_0 = arith.cmpi eq, %arg0, %eq3A : i32
    %convert_element_type3A = arith.extui %eq3A_0 : i1 to i32
    %cond3A = arith.constant 0 : i32
    %cond3A_1 = arith.cmpi ne, %convert_element_type3A, %cond3A : i32
    scf.if %cond3A_1 {
      %broadcast_in_dim3A = arith.constant 0.000000e+00 : f32
      %broadcast_in_dim3A_13 = vector.broadcast %broadcast_in_dim3A : f32 to vector<1x16xf32>
      %swap3A_14 = arith.constant 0 : index
      %swap3A_15 = arith.constant 0 : index
      %swap3A_16 = vector.load %arg2[%swap3A_14, %swap3A_15] : memref<1x16xf32, #tpu.memory_space<vmem>>, vector<1x16xf32>
      tpu.vector_store %arg2[%swap3A_14, %swap3A_15], %broadcast_in_dim3A_13 {strides = array<i32>} : memref<1x16xf32, #tpu.memory_space<vmem>>, vector<1x16xf32>,
    } else {
    }
    %get3A = arith.constant 0 : index
    %get3A_2 = arith.constant 0 : index
    %get3A_3 = vector.load %arg2[%get3A, %get3A_2] : memref<1x16xf32, #tpu.memory_space<vmem>>, vector<1x16xf32>
    %get3A_4 = vector.shape_cast %get3A_3 : vector<1x16xf32> to vector<16xf32>
    %get3A_5 = arith.constant 0 : index
    %get3A_6 = arith.constant 0 : index
    %get3A_7 = vector.load %arg1[%get3A_5, %get3A_6] : memref<4000x16xf32, #tpu.memory_space<vmem>>, vector<4000x16xf32>
    %reduce_sum3A = arith.constant dense<0.000000e+00> : vector<16xf32>
    %reduce_sum3A_8 = vector.multi_reduction <add>, %get3A_7, %reduce_sum3A [0] : vector<4000x16xf32> to vector<16xf32>
    %add3A = arith.addf %get3A_4, %reduce_sum3A_8 : vector<16xf32>
    %swap3A = arith.constant 0 : index
    %swap3A_9 = arith.constant 0 : index
    %swap3A_10 = vector.load %arg2[%swap3A, %swap3A_9] : memref<1x16xf32, #tpu.memory_space<vmem>>, vector<1x16xf32>
    %swap3A_11 = vector.shape_cast %swap3A_10 : vector<1x16xf32> to vector<16xf32>
    %swap3A_12 = vector.shape_cast %add3A : vector<16xf32> to vector<1x16xf32>
    tpu.vector_store %arg2[%swap3A, %swap3A_9], %swap3A_12 {strides = array<i32>} : memref<1x16xf32, #tpu.memory_space<vmem>>, vector<1x16xf32>,
    return
  }
  func.func @transform_0(%arg0: i32) -> (i32, i32) {
    %c0_i32 = arith.constant 0 : i32
    %c0_i32_0 = arith.constant 0 : i32
    return %arg0, %c0_i32 : i32, i32
  }
  func.func @transform_1(%arg0: i32) -> (i32, i32) {
    %c0_i32 = arith.constant 0 : i32
    %c0_i32_0 = arith.constant 0 : i32
    %c0_i32_1 = arith.constant 0 : i32
    return %c0_i32, %c0_i32_0 : i32, i32
  }
}

module attributes {stable_mosaic.version = 14 : i64} {
  func.func @_edges_body(%arg0: i32, %arg1: memref<2048x16xf32, #tpu.memory_space<vmem>>, %arg2: memref<16x128xf32, #tpu.memory_space<vmem>>, %arg3: memref<16x128xf32, #tpu.memory_space<vmem>>, %arg4: memref<2048x128xf32, #tpu.memory_space<vmem>>, %arg5: memref<2048x128xf32, #tpu.memory_space<vmem>>) attributes {dimension_semantics = [#tpu.dimension_semantics<arbitrary>], iteration_bounds = array<i64: 162>, scalar_prefetch = 0 : i64, scratch_operands = 0 : i64, tpu.core_type = #tpu.core_type<tc>, window_params = [{transform_indices = @transform_0, window_bounds = array<i64: 2048, 16>}, {pipeline_mode = #tpu.pipeline_mode<synchronous>, transform_indices = @transform_1, window_bounds = array<i64: 16, 128>}, {pipeline_mode = #tpu.pipeline_mode<synchronous>, transform_indices = @transform_2, window_bounds = array<i64: 16, 128>}, {transform_indices = @transform_3, window_bounds = array<i64: 2048, 128>}, {transform_indices = @transform_4, window_bounds = array<i64: 2048, 128>}]} {
    %get3A = arith.constant 0 : index
    %get3A_0 = arith.constant 0 : index
    %get3A_1 = vector.load %arg1[%get3A, %get3A_0] : memref<2048x16xf32, #tpu.memory_space<vmem>>, vector<2048x16xf32>
    %get3A_2 = arith.constant 0 : index
    %get3A_3 = arith.constant 0 : index
    %get3A_4 = vector.load %arg2[%get3A_2, %get3A_3] : memref<16x128xf32, #tpu.memory_space<vmem>>, vector<16x128xf32>
    %dot_general3A = arith.constant dense<0.000000e+00> : vector<2048x128xf32>
    %dot_general3A_5 = tpu.matmul %get3A_1, %get3A_4, %dot_general3A {dimension_numbers = #tpu.dot_dimension_numbers<[1], [0], [0], [1], [0, 0, 1, 1], [], []>, transpose_lhs_hint = false} : vector<2048x16xf32>, vector<16x128xf32>, vector<2048x128xf32> -> vector<2048x128xf32>
    %swap3A = arith.constant 0 : index
    %swap3A_6 = arith.constant 0 : index
    %swap3A_7 = vector.load %arg4[%swap3A, %swap3A_6] : memref<2048x128xf32, #tpu.memory_space<vmem>>, vector<2048x128xf32>
    tpu.vector_store %arg4[%swap3A, %swap3A_6], %dot_general3A_5 {strides = array<i32>} : memref<2048x128xf32, #tpu.memory_space<vmem>>, vector<2048x128xf32>,
    %get3A_8 = arith.constant 0 : index
    %get3A_9 = arith.constant 0 : index
    %get3A_10 = vector.load %arg3[%get3A_8, %get3A_9] : memref<16x128xf32, #tpu.memory_space<vmem>>, vector<16x128xf32>
    %dot_general3A_11 = arith.constant dense<0.000000e+00> : vector<2048x128xf32>
    %dot_general3A_12 = tpu.matmul %get3A_1, %get3A_10, %dot_general3A_11 {dimension_numbers = #tpu.dot_dimension_numbers<[1], [0], [0], [1], [0, 0, 1, 1], [], []>, transpose_lhs_hint = false} : vector<2048x16xf32>, vector<16x128xf32>, vector<2048x128xf32> -> vector<2048x128xf32>
    %swap3A_13 = arith.constant 0 : index
    %swap3A_14 = arith.constant 0 : index
    %swap3A_15 = vector.load %arg5[%swap3A_13, %swap3A_14] : memref<2048x128xf32, #tpu.memory_space<vmem>>, vector<2048x128xf32>
    tpu.vector_store %arg5[%swap3A_13, %swap3A_14], %dot_general3A_12 {strides = array<i32>} : memref<2048x128xf32, #tpu.memory_space<vmem>>, vector<2048x128xf32>,
    return
  }
  func.func @transform_0(%arg0: i32) -> (i32, i32) {
    %c0_i32 = arith.constant 0 : i32
    %c0_i32_0 = arith.constant 0 : i32
    return %arg0, %c0_i32 : i32, i32
  }
  func.func @transform_1(%arg0: i32) -> (i32, i32) {
    %c0_i32 = arith.constant 0 : i32
    %c0_i32_0 = arith.constant 0 : i32
    %c0_i32_1 = arith.constant 0 : i32
    return %c0_i32, %c0_i32_0 : i32, i32
  }
  func.func @transform_2(%arg0: i32) -> (i32, i32) {
    %c0_i32 = arith.constant 0 : i32
    %c0_i32_0 = arith.constant 0 : i32
    %c0_i32_1 = arith.constant 0 : i32
    return %c0_i32, %c0_i32_0 : i32, i32
  }
  func.func @transform_3(%arg0: i32) -> (i32, i32) {
    %c0_i32 = arith.constant 0 : i32
    %c0_i32_0 = arith.constant 0 : i32
    return %arg0, %c0_i32 : i32, i32
  }
  func.func @transform_4(%arg0: i32) -> (i32, i32) {
    %c0_i32 = arith.constant 0 : i32
    %c0_i32_0 = arith.constant 0 : i32
    return %arg0, %c0_i32 : i32, i32
  }
}

module attributes {stable_mosaic.version = 14 : i64} {
  func.func @_nodes_body(%arg0: memref<10000x128xf32, #tpu.memory_space<vmem>>, %arg1: memref<128x128xf32, #tpu.memory_space<vmem>>, %arg2: memref<128x128xf32, #tpu.memory_space<vmem>>, %arg3: memref<1x128xf32, #tpu.memory_space<vmem>>, %arg4: memref<1x128xf32, #tpu.memory_space<vmem>>, %arg5: memref<10000x128xf32, #tpu.memory_space<vmem>>, %arg6: memref<10000x128xf32, #tpu.memory_space<vmem>>) attributes {dimension_semantics = [], scalar_prefetch = 0 : i64, scratch_operands = 0 : i64, tpu.core_type = #tpu.core_type<tc>} {
    %get3A = arith.constant 0 : index
    %get3A_0 = arith.constant 0 : index
    %get3A_1 = vector.load %arg0[%get3A, %get3A_0] : memref<10000x128xf32, #tpu.memory_space<vmem>>, vector<10000x128xf32>
    %get3A_2 = arith.constant 0 : index
    %get3A_3 = arith.constant 0 : index
    %get3A_4 = vector.load %arg1[%get3A_2, %get3A_3] : memref<128x128xf32, #tpu.memory_space<vmem>>, vector<128x128xf32>
    %dot_general3A = arith.constant dense<0.000000e+00> : vector<10000x128xf32>
    %dot_general3A_5 = tpu.matmul %get3A_1, %get3A_4, %dot_general3A {dimension_numbers = #tpu.dot_dimension_numbers<[1], [0], [0], [1], [0, 0, 1, 1], [], []>, transpose_lhs_hint = false} : vector<10000x128xf32>, vector<128x128xf32>, vector<10000x128xf32> -> vector<10000x128xf32>
    %get3A_6 = arith.constant 0 : index
    %get3A_7 = arith.constant 0 : index
    %get3A_8 = vector.load %arg3[%get3A_6, %get3A_7] : memref<1x128xf32, #tpu.memory_space<vmem>>, vector<1x128xf32>
    %add3A = vector.broadcast %get3A_8 : vector<1x128xf32> to vector<10000x128xf32>
    %add3A_9 = arith.addf %dot_general3A_5, %add3A : vector<10000x128xf32>
    %swap3A = arith.constant 0 : index
    %swap3A_10 = arith.constant 0 : index
    %swap3A_11 = vector.load %arg5[%swap3A, %swap3A_10] : memref<10000x128xf32, #tpu.memory_space<vmem>>, vector<10000x128xf32>
    tpu.vector_store %arg5[%swap3A, %swap3A_10], %add3A_9 {strides = array<i32>} : memref<10000x128xf32, #tpu.memory_space<vmem>>, vector<10000x128xf32>,
    %get3A_12 = arith.constant 0 : index
    %get3A_13 = arith.constant 0 : index
    %get3A_14 = vector.load %arg2[%get3A_12, %get3A_13] : memref<128x128xf32, #tpu.memory_space<vmem>>, vector<128x128xf32>
    %dot_general3A_15 = arith.constant dense<0.000000e+00> : vector<10000x128xf32>
    %dot_general3A_16 = tpu.matmul %get3A_1, %get3A_14, %dot_general3A_15 {dimension_numbers = #tpu.dot_dimension_numbers<[1], [0], [0], [1], [0, 0, 1, 1], [], []>, transpose_lhs_hint = false} : vector<10000x128xf32>, vector<128x128xf32>, vector<10000x128xf32> -> vector<10000x128xf32>
    %get3A_17 = arith.constant 0 : index
    %get3A_18 = arith.constant 0 : index
    %get3A_19 = vector.load %arg4[%get3A_17, %get3A_18] : memref<1x128xf32, #tpu.memory_space<vmem>>, vector<1x128xf32>
    %add3A_20 = vector.broadcast %get3A_19 : vector<1x128xf32> to vector<10000x128xf32>
    %add3A_21 = arith.addf %dot_general3A_16, %add3A_20 : vector<10000x128xf32>
    %swap3A_22 = arith.constant 0 : index
    %swap3A_23 = arith.constant 0 : index
    %swap3A_24 = vector.load %arg6[%swap3A_22, %swap3A_23] : memref<10000x128xf32, #tpu.memory_space<vmem>>, vector<10000x128xf32>
    tpu.vector_store %arg6[%swap3A_22, %swap3A_23], %add3A_21 {strides = array<i32>} : memref<10000x128xf32, #tpu.memory_space<vmem>>, vector<10000x128xf32>,
    return
  }
}

module attributes {stable_mosaic.version = 14 : i64} {
  func.func @_mid_body(%arg0: memref<2x10112x128xf32, #tpu.memory_space<vmem>>, %arg1: memref<32x10112xf32, #tpu.memory_space<vmem>>, %arg2: memref<1x128xf32, #tpu.memory_space<vmem>>, %arg3: memref<1x128xf32, #tpu.memory_space<vmem>>, %arg4: memref<1x128xf32, #tpu.memory_space<vmem>>, %arg5: memref<128x128xf32, #tpu.memory_space<vmem>>, %arg6: memref<128x128xf32, #tpu.memory_space<vmem>>, %arg7: memref<1x128xf32, #tpu.memory_space<vmem>>, %arg8: memref<1x128xf32, #tpu.memory_space<vmem>>, %arg9: memref<10000x128xf32, #tpu.memory_space<vmem>>, %arg10: memref<10000x128xf32, #tpu.memory_space<vmem>>) attributes {dimension_semantics = [], scalar_prefetch = 0 : i64, scratch_operands = 0 : i64, tpu.core_type = #tpu.core_type<tc>} {
    %get3A = arith.constant 0 : index
    %get3A_0 = arith.constant 0 : index
    %get3A_1 = arith.constant 0 : index
    %get3A_2 = vector.load %arg0[%get3A, %get3A_0, %get3A_1] : memref<2x10112x128xf32, #tpu.memory_space<vmem>>, vector<1x10112x128xf32>
    %get3A_3 = vector.shape_cast %get3A_2 : vector<1x10112x128xf32> to vector<10112x128xf32>
    %get3A_4 = arith.constant 1 : index
    %get3A_5 = arith.constant 0 : index
    %get3A_6 = arith.constant 0 : index
    %get3A_7 = vector.load %arg0[%get3A_4, %get3A_5, %get3A_6] : memref<2x10112x128xf32, #tpu.memory_space<vmem>>, vector<1x10112x128xf32>
    %get3A_8 = vector.shape_cast %get3A_7 : vector<1x10112x128xf32> to vector<10112x128xf32>
    %add3A = arith.addf %get3A_3, %get3A_8 : vector<10112x128xf32>
    %get3A_9 = arith.constant 0 : index
    %get3A_10 = arith.constant 0 : index
    %get3A_11 = vector.load %arg1[%get3A_9, %get3A_10] : memref<32x10112xf32, #tpu.memory_space<vmem>>, vector<32x10112xf32>
    %reduce_sum3A = arith.constant dense<0.000000e+00> : vector<10112xf32>
    %reduce_sum3A_12 = vector.multi_reduction <add>, %get3A_11, %reduce_sum3A [0] : vector<32x10112xf32> to vector<10112xf32>
    %slice3A = vector.extract_strided_slice %add3A {offsets = [0, 0], sizes = [10000, 128], strides = [1, 1]} : vector<10112x128xf32> to vector<10000x128xf32>
    %slice3A_13 = vector.extract_strided_slice %reduce_sum3A_12 {offsets = [0], sizes = [10000], strides = [1]} : vector<10112xf32> to vector<10000xf32>
    %broadcast_in_dim3A = vector.shape_cast %slice3A_13 : vector<10000xf32> to vector<10000x1xf32>
    %add3A_14 = arith.constant 1.000000e-16 : f32
    %add3A_15 = vector.broadcast %add3A_14 : f32 to vector<10000x1xf32>
    %add3A_16 = arith.addf %broadcast_in_dim3A, %add3A_15 : vector<10000x1xf32>
    %div3A = vector.broadcast %add3A_16 : vector<10000x1xf32> to vector<10000x128xf32>
    %div3A_17 = arith.divf %slice3A, %div3A : vector<10000x128xf32>
    %get3A_18 = arith.constant 0 : index
    %get3A_19 = arith.constant 0 : index
    %get3A_20 = vector.load %arg2[%get3A_18, %get3A_19] : memref<1x128xf32, #tpu.memory_space<vmem>>, vector<1x128xf32>
    %add3A_21 = vector.broadcast %get3A_20 : vector<1x128xf32> to vector<10000x128xf32>
    %add3A_22 = arith.addf %div3A_17, %add3A_21 : vector<10000x128xf32>
    %reduce_sum3A_23 = arith.constant dense<0.000000e+00> : vector<128xf32>
    %reduce_sum3A_24 = vector.multi_reduction <add>, %add3A_22, %reduce_sum3A_23 [0] : vector<10000x128xf32> to vector<128xf32>
    %broadcast_in_dim3A_25 = vector.shape_cast %reduce_sum3A_24 : vector<128xf32> to vector<1x128xf32>
    %div3A_26 = arith.constant 1.000000e+04 : f32
    %div3A_27 = vector.broadcast %div3A_26 : f32 to vector<1x128xf32>
    %div3A_28 = arith.divf %broadcast_in_dim3A_25, %div3A_27 : vector<1x128xf32>
    %sub3A = vector.broadcast %div3A_28 : vector<1x128xf32> to vector<10000x128xf32>
    %sub3A_29 = arith.subf %add3A_22, %sub3A : vector<10000x128xf32>
    %integer_pow3A = arith.mulf %sub3A_29, %sub3A_29 : vector<10000x128xf32>
    %reduce_sum3A_30 = arith.constant dense<0.000000e+00> : vector<128xf32>
    %reduce_sum3A_31 = vector.multi_reduction <add>, %integer_pow3A, %reduce_sum3A_30 [0] : vector<10000x128xf32> to vector<128xf32>
    %broadcast_in_dim3A_32 = vector.shape_cast %reduce_sum3A_31 : vector<128xf32> to vector<1x128xf32>
    %div3A_33 = arith.constant 1.000000e+04 : f32
    %div3A_34 = vector.broadcast %div3A_33 : f32 to vector<1x128xf32>
    %div3A_35 = arith.divf %broadcast_in_dim3A_32, %div3A_34 : vector<1x128xf32>
    %sub3A_36 = vector.broadcast %div3A_28 : vector<1x128xf32> to vector<10000x128xf32>
    %sub3A_37 = arith.subf %add3A_22, %sub3A_36 : vector<10000x128xf32>
    %add3A_38 = arith.constant 9.99999974E-6 : f32
    %add3A_39 = vector.broadcast %add3A_38 : f32 to vector<1x128xf32>
    %add3A_40 = arith.addf %div3A_35, %add3A_39 : vector<1x128xf32>
    %sqrt3A = math.sqrt %add3A_40 : vector<1x128xf32>
    %div3A_41 = vector.broadcast %sqrt3A : vector<1x128xf32> to vector<10000x128xf32>
    %div3A_42 = arith.divf %sub3A_37, %div3A_41 : vector<10000x128xf32>
    %get3A_43 = arith.constant 0 : index
    %get3A_44 = arith.constant 0 : index
    %get3A_45 = vector.load %arg3[%get3A_43, %get3A_44] : memref<1x128xf32, #tpu.memory_space<vmem>>, vector<1x128xf32>
    %mul3A = vector.broadcast %get3A_45 : vector<1x128xf32> to vector<10000x128xf32>
    %mul3A_46 = arith.mulf %div3A_42, %mul3A : vector<10000x128xf32>
    %get3A_47 = arith.constant 0 : index
    %get3A_48 = arith.constant 0 : index
    %get3A_49 = vector.load %arg4[%get3A_47, %get3A_48] : memref<1x128xf32, #tpu.memory_space<vmem>>, vector<1x128xf32>
    %add3A_50 = vector.broadcast %get3A_49 : vector<1x128xf32> to vector<10000x128xf32>
    %add3A_51 = arith.addf %mul3A_46, %add3A_50 : vector<10000x128xf32>
    %max3A = arith.constant 0.000000e+00 : f32
    %max3A_52 = vector.broadcast %max3A : f32 to vector<10000x128xf32>
    %max3A_53 = arith.maximumf %add3A_51, %max3A_52 : vector<10000x128xf32>
    %get3A_54 = arith.constant 0 : index
    %get3A_55 = arith.constant 0 : index
    %get3A_56 = vector.load %arg5[%get3A_54, %get3A_55] : memref<128x128xf32, #tpu.memory_space<vmem>>, vector<128x128xf32>
    %dot_general3A = arith.constant dense<0.000000e+00> : vector<10000x128xf32>
    %dot_general3A_57 = tpu.matmul %max3A_53, %get3A_56, %dot_general3A {dimension_numbers = #tpu.dot_dimension_numbers<[1], [0], [0], [1], [0, 0, 1, 1], [], []>, transpose_lhs_hint = false} : vector<10000x128xf32>, vector<128x128xf32>, vector<10000x128xf32> -> vector<10000x128xf32>
    %get3A_58 = arith.constant 0 : index
    %get3A_59 = arith.constant 0 : index
    %get3A_60 = vector.load %arg7[%get3A_58, %get3A_59] : memref<1x128xf32, #tpu.memory_space<vmem>>, vector<1x128xf32>
    %add3A_61 = vector.broadcast %get3A_60 : vector<1x128xf32> to vector<10000x128xf32>
    %add3A_62 = arith.addf %dot_general3A_57, %add3A_61 : vector<10000x128xf32>
    %swap3A = arith.constant 0 : index
    %swap3A_63 = arith.constant 0 : index
    %swap3A_64 = vector.load %arg9[%swap3A, %swap3A_63] : memref<10000x128xf32, #tpu.memory_space<vmem>>, vector<10000x128xf32>
    tpu.vector_store %arg9[%swap3A, %swap3A_63], %add3A_62 {strides = array<i32>} : memref<10000x128xf32, #tpu.memory_space<vmem>>, vector<10000x128xf32>,
    %get3A_65 = arith.constant 0 : index
    %get3A_66 = arith.constant 0 : index
    %get3A_67 = vector.load %arg6[%get3A_65, %get3A_66] : memref<128x128xf32, #tpu.memory_space<vmem>>, vector<128x128xf32>
    %dot_general3A_68 = arith.constant dense<0.000000e+00> : vector<10000x128xf32>
    %dot_general3A_69 = tpu.matmul %max3A_53, %get3A_67, %dot_general3A_68 {dimension_numbers = #tpu.dot_dimension_numbers<[1], [0], [0], [1], [0, 0, 1, 1], [], []>, transpose_lhs_hint = false} : vector<10000x128xf32>, vector<128x128xf32>, vector<10000x128xf32> -> vector<10000x128xf32>
    %get3A_70 = arith.constant 0 : index
    %get3A_71 = arith.constant 0 : index
    %get3A_72 = vector.load %arg8[%get3A_70, %get3A_71] : memref<1x128xf32, #tpu.memory_space<vmem>>, vector<1x128xf32>
    %add3A_73 = vector.broadcast %get3A_72 : vector<1x128xf32> to vector<10000x128xf32>
    %add3A_74 = arith.addf %dot_general3A_69, %add3A_73 : vector<10000x128xf32>
    %swap3A_75 = arith.constant 0 : index
    %swap3A_76 = arith.constant 0 : index
    %swap3A_77 = vector.load %arg10[%swap3A_75, %swap3A_76] : memref<10000x128xf32, #tpu.memory_space<vmem>>, vector<10000x128xf32>
    tpu.vector_store %arg10[%swap3A_75, %swap3A_76], %add3A_74 {strides = array<i32>} : memref<10000x128xf32, #tpu.memory_space<vmem>>, vector<10000x128xf32>,
    return
  }
}

module attributes {stable_mosaic.version = 14 : i64} {
  func.func @_post_body(%arg0: memref<2x10112x128xf32, #tpu.memory_space<vmem>>, %arg1: memref<32x10112xf32, #tpu.memory_space<vmem>>, %arg2: memref<1x128xf32, #tpu.memory_space<vmem>>, %arg3: memref<1x10000xi32, #tpu.memory_space<vmem>>, %arg4: memref<128x1xf32, #tpu.memory_space<vmem>>, %arg5: memref<1x1xf32, #tpu.memory_space<vmem>>, %arg6: memref<64x1xf32, #tpu.memory_space<vmem>>) attributes {dimension_semantics = [], scalar_prefetch = 0 : i64, scratch_operands = 0 : i64, tpu.core_type = #tpu.core_type<tc>} {
    %get3A = arith.constant 0 : index
    %get3A_0 = arith.constant 0 : index
    %get3A_1 = arith.constant 0 : index
    %get3A_2 = vector.load %arg0[%get3A, %get3A_0, %get3A_1] : memref<2x10112x128xf32, #tpu.memory_space<vmem>>, vector<1x10112x128xf32>
    %get3A_3 = vector.shape_cast %get3A_2 : vector<1x10112x128xf32> to vector<10112x128xf32>
    %get3A_4 = arith.constant 1 : index
    %get3A_5 = arith.constant 0 : index
    %get3A_6 = arith.constant 0 : index
    %get3A_7 = vector.load %arg0[%get3A_4, %get3A_5, %get3A_6] : memref<2x10112x128xf32, #tpu.memory_space<vmem>>, vector<1x10112x128xf32>
    %get3A_8 = vector.shape_cast %get3A_7 : vector<1x10112x128xf32> to vector<10112x128xf32>
    %add3A = arith.addf %get3A_3, %get3A_8 : vector<10112x128xf32>
    %get3A_9 = arith.constant 0 : index
    %get3A_10 = arith.constant 0 : index
    %get3A_11 = vector.load %arg1[%get3A_9, %get3A_10] : memref<32x10112xf32, #tpu.memory_space<vmem>>, vector<32x10112xf32>
    %reduce_sum3A = arith.constant dense<0.000000e+00> : vector<10112xf32>
    %reduce_sum3A_12 = vector.multi_reduction <add>, %get3A_11, %reduce_sum3A [0] : vector<32x10112xf32> to vector<10112xf32>
    %slice3A = vector.extract_strided_slice %add3A {offsets = [0, 0], sizes = [10000, 128], strides = [1, 1]} : vector<10112x128xf32> to vector<10000x128xf32>
    %slice3A_13 = vector.extract_strided_slice %reduce_sum3A_12 {offsets = [0], sizes = [10000], strides = [1]} : vector<10112xf32> to vector<10000xf32>
    %broadcast_in_dim3A = vector.shape_cast %slice3A_13 : vector<10000xf32> to vector<10000x1xf32>
    %add3A_14 = arith.constant 1.000000e-16 : f32
    %add3A_15 = vector.broadcast %add3A_14 : f32 to vector<10000x1xf32>
    %add3A_16 = arith.addf %broadcast_in_dim3A, %add3A_15 : vector<10000x1xf32>
    %div3A = vector.broadcast %add3A_16 : vector<10000x1xf32> to vector<10000x128xf32>
    %div3A_17 = arith.divf %slice3A, %div3A : vector<10000x128xf32>
    %get3A_18 = arith.constant 0 : index
    %get3A_19 = arith.constant 0 : index
    %get3A_20 = vector.load %arg2[%get3A_18, %get3A_19] : memref<1x128xf32, #tpu.memory_space<vmem>>, vector<1x128xf32>
    %add3A_21 = vector.broadcast %get3A_20 : vector<1x128xf32> to vector<10000x128xf32>
    %add3A_22 = arith.addf %div3A_17, %add3A_21 : vector<10000x128xf32>
    %get3A_23 = arith.constant 0 : index
    %get3A_24 = arith.constant 0 : index
    %get3A_25 = vector.load %arg3[%get3A_23, %get3A_24] : memref<1x10000xi32, #tpu.memory_space<vmem>>, vector<1x10000xi32>
    %get3A_26 = vector.shape_cast %get3A_25 : vector<1x10000xi32> to vector<10000xi32>
    %iota3A = tpu.iota {dimensions = array<i32: 0>} : vector<64x10000xi32>
    %broadcast_in_dim3A_27 = vector.shape_cast %get3A_26 : vector<10000xi32> to vector<1x10000xi32>
    %eq3A = vector.broadcast %broadcast_in_dim3A_27 : vector<1x10000xi32> to vector<64x10000xi32>
    %eq3A_28 = arith.cmpi eq, %iota3A, %eq3A : vector<64x10000xi32>
    %convert_element_type3A = arith.extui %eq3A_28 : vector<64x10000xi1> to vector<64x10000xi32>
    %convert_element_type3A_29 = arith.sitofp %convert_element_type3A : vector<64x10000xi32> to vector<64x10000xf32>
    %dot_general3A = arith.constant dense<0.000000e+00> : vector<64x128xf32>
    %dot_general3A_30 = tpu.matmul %convert_element_type3A_29, %add3A_22, %dot_general3A {dimension_numbers = #tpu.dot_dimension_numbers<[1], [0], [0], [1], [0, 0, 1, 1], [], []>, precision = #tpu.contract_precision<fp32>, transpose_lhs_hint = false} : vector<64x10000xf32>, vector<10000x128xf32>, vector<64x128xf32> -> vector<64x128xf32>
    %reduce_sum3A_31 = arith.constant dense<0.000000e+00> : vector<64xf32>
    %reduce_sum3A_32 = vector.multi_reduction <add>, %convert_element_type3A_29, %reduce_sum3A_31 [1] : vector<64x10000xf32> to vector<64xf32>
    %max3A = arith.constant 1.000000e+00 : f32
    %max3A_33 = vector.broadcast %max3A : f32 to vector<64xf32>
    %max3A_34 = arith.maximumf %reduce_sum3A_32, %max3A_33 : vector<64xf32>
    %broadcast_in_dim3A_35 = vector.shape_cast %max3A_34 : vector<64xf32> to vector<64x1xf32>
    %div3A_36 = vector.broadcast %broadcast_in_dim3A_35 : vector<64x1xf32> to vector<64x128xf32>
    %div3A_37 = arith.divf %dot_general3A_30, %div3A_36 : vector<64x128xf32>
    %get3A_38 = arith.constant 0 : index
    %get3A_39 = arith.constant 0 : index
    %get3A_40 = vector.load %arg4[%get3A_38, %get3A_39] : memref<128x1xf32, #tpu.memory_space<vmem>>, vector<128x1xf32>
    %dot_general3A_41 = arith.constant dense<0.000000e+00> : vector<64x1xf32>
    %dot_general3A_42 = tpu.matmul %div3A_37, %get3A_40, %dot_general3A_41 {dimension_numbers = #tpu.dot_dimension_numbers<[1], [0], [0], [1], [0, 0, 1, 1], [], []>, transpose_lhs_hint = false} : vector<64x128xf32>, vector<128x1xf32>, vector<64x1xf32> -> vector<64x1xf32>
    %get3A_43 = arith.constant 0 : index
    %get3A_44 = arith.constant 0 : index
    %get3A_45 = vector.load %arg5[%get3A_43, %get3A_44] : memref<1x1xf32, #tpu.memory_space<vmem>>, vector<1x1xf32>
    %add3A_46 = vector.broadcast %get3A_45 : vector<1x1xf32> to vector<64x1xf32>
    %add3A_47 = arith.addf %dot_general3A_42, %add3A_46 : vector<64x1xf32>
    %swap3A = arith.constant 0 : index
    %swap3A_48 = arith.constant 0 : index
    %swap3A_49 = vector.load %arg6[%swap3A, %swap3A_48] : memref<64x1xf32, #tpu.memory_space<vmem>>, vector<64x1xf32>
    tpu.vector_store %arg6[%swap3A, %swap3A_48], %add3A_47 {strides = array<i32>} : memref<64x1xf32, #tpu.memory_space<vmem>>, vector<64x1xf32>,
    return
  }
}

</mosaic_0001>

<sc_bundles>
// kernel: kernel.12.cloned.1.call-start
scs
__scs_entry_jumppad:
0x0: {  	(pc) =	sbr.rel $0x88, $3  }
0x1: {  	(tag) =	ssettag $0x0;
	lr =	simm.s32 $0x1  }
0x2: {  	[smem:$0x3F8B] =	sst lr;
	_ =	strace $0xD0000000  }
0x3: {  	_ = 	snop  }
0x4: {  	_ = 	snop  }
0x5: {  	_ = 	snop  }
0x6: {  	_ = 	snop  }
0x7: {  	_ = 	snop  }
__scs_overlays_trampoline_lowered:
0x8: {  	[smem:$0x3F9A] =	sst s0  }
0x9: {  	[smem:$0x3F9B] =	sst s1  }
0xa: {  	[smem:$0x3F9C] =	sst s2  }
0xb: {  	[smem:$0x3F9D] =	sst s3  }
0xc: {  	[smem:$0x3F9E] =	sst s4  }
0xd: {  	[smem:$0x3F9F] =	sst s5  }
0xe: {  	[smem:$0x3FA0] =	sst s6  }
0xf: {  	[smem:$0x3FA1] =	sst s7  }
0x10: {  	[smem:$0x3FA2] =	sst s8  }
0x11: {  	[smem:$0x3FA3] =	sst s9;
	s0 =	simm.s32 @!p0 $0x0  }
0x12: {  	s1 =	sld [smem:$0x3F89];
	s0 =	simm.s32 @p0 $0x1  }
0x13: {  	[smem:$0x3FA4] =	sst s0;
	s0 =	simm.s32 @!p1 $0x0  }
0x14: {  	s2 =	sld [smem:$0x3F88];
	s0 =	simm.s32 @p1 $0x1  }
0x15: {  	[smem:$0x3FA5] =	sst s0;
	s0 =	simm.s32 @!p2 $0x0  }
0x16: {  	s3 =	sld [smem:$0x3FDB];
	s0 =	simm.s32 @p2 $0x1  }
0x17: {  	s4 =	simm.s32 $0x1BF5;
	[smem:$0x3FA7] =	sst s0  }
0x18: {  	s0 =	sld [smem:$0x3F8A];
	_ =	swait.ge [sflag:s4], $0x0  }
0x19: {  	s7 =	sld [smem:$0x3F8B]  }
0x1a: {  	s8 =	sadd.s32 $0xFFFFE003, lr  }
0x1b: {  	s9 =	sadd.s32 $0xFFFFFEF7, lr;
	s5 =	simm.s32 $0xFFFFFFFF;
	p2 =	slt.u32 s8, $0xFFFFF086  }
0x1c: {  	p1 =	slt.u32 s9, $0xF7A;
	s5 =	simm.s32 @!p2 $0x0  }
0x1d: {  	s5 =	simm.s32 @p1 $0x1;
	p0 =	seq.s32 s7, s2  }
0x1e: {  	s7 =	smul.u32 @!p0 $0xF7A, s2;
	p2 =	seq.s32 @!p0 s5, $0x0  }
0x1f: {  	s9 =	smul.u32 $0xF7A, s1;
	s8 =	simm.s32 @!p0 $0x1BF5;
	p2 =	por !p2, p0  }
0x20: {  	[sflag:s8] =	ssyncset.s32 @!p0 $0xFFFFF086;
	s6 =	sadd.s32 @!p0 s3, s7;
	s7 =	simm.s32 @!p0 $0x108  }
0x21: {  	s3 =	sadd.s32 s3, s9;
	s6 =	sadd.s32 @!p0 $0x88, s6;
	s7 =	simm.s32 @p2 $0x1082  }
0x22: {  	[simem:s7], [sflag:s8] =	dma.local @!p0 [hbm:s6], $0xF7A  }
0x23: {  	s9 =	sor.u32 $0xD0000000, s2;
	s6 =	simm.s32 $0x108;
	_ =	swait.ge @!p0 [sflag:s8], $0x0  }
0x24: {  	s3 =	sadd.s32 $0x88, s3;
	s6 =	simm.s32 @!p1 $0x1082;
	[sflag:s4] =	ssyncset.s32 $0xFFFFF086  }
0x25: {  	[simem:s6], [sflag:s4] =	dma.local [hbm:s3], $0xF7A  }
0x26: {  	[smem:$0x3F8B] =	sst s1;
	(tag) =	ssettag s2;
	_ =	strace s9  }
0x27: {  	s1 =	sld [smem:$0x3F9B]  }
0x28: {  	s2 =	sld [smem:$0x3F9C]  }
0x29: {  	s4 =	sld [smem:$0x3F9E]  }
0x2a: {  	p0 =	seq.s32 s5, $0x0;
	s5 =	sld [smem:$0x3F9F]  }
0x2b: {  	s6 =	sld [smem:$0x3FA0]  }
0x2c: {  	s7 =	sld [smem:$0x3FA1]  }
0x2d: {  	s3 =	simm.s32 $0x108;
	s8 =	sld [smem:$0x3FA2]  }
0x2e: {  	s3 =	simm.s32 @!p0 $0x1082;
	s9 =	sld [smem:$0x3FA3]  }
0x2f: {  	lr =	sadd.s32 s0, s3;
	s0 =	sld [smem:$0x3F9A]  }
0x30: {  	s3 =	sld [smem:$0x3F9D]  }
0x31: {  	[smem:$0x3FA6] =	sst s10  }
0x32: {  	s10 =	sld [smem:$0x3FA4];
	_ =	sdelay $0x3  }
0x33: {  	p0 =	seq.s32 s10, $0x1;
	s10 =	sld [smem:$0x3FA6];
	_ =	sdelay $0x3  }
0x34: {  	[smem:$0x3FA6] =	sst s10  }
0x35: {  	s10 =	sld [smem:$0x3FA5];
	_ =	sdelay $0x3  }
0x36: {  	p1 =	seq.s32 s10, $0x1;
	s10 =	sld [smem:$0x3FA6];
	_ =	sdelay $0x3  }
0x37: {  	[smem:$0x3FA6] =	sst s10  }
0x38: {  	s10 =	sld [smem:$0x3FA7]  }
0x39: {  	_ = 	snop;
	(pc) =	sbr.ind lr, $3  }
0x3a: {  	_ = 	snop  }
0x3b: {  	_ = 	snop  }
0x3c: {  	p2 =	seq.s32 s10, $0x1;
	s10 =	sld [smem:$0x3FA6]  }
0x3d: {  	_ =	shalt  }
0x3e: {  	_ =	shalt  }
0x3f: {  	_ =	shalt  }
0x40: {  	_ =	shalt  }
0x41: {  	_ =	shalt  }
0x42: {  	_ =	shalt  }
0x43: {  	_ =	shalt  }
0x44: {  	_ =	shalt  }
0x45: {  	_ =	shalt  }
0x46: {  	_ =	shalt  }
0x47: {  	_ =	shalt  }
0x48: {  	_ =	shalt  }
0x49: {  	_ =	shalt  }
0x4a: {  	_ =	shalt  }
0x4b: {  	_ =	shalt  }
0x4c: {  	_ =	shalt  }
0x4d: {  	_ =	shalt  }
0x4e: {  	_ =	shalt  }
0x4f: {  	_ =	shalt  }
0x50: {  	_ =	shalt  }
0x51: {  	_ =	shalt  }
0x52: {  	_ =	shalt  }
0x53: {  	_ =	shalt  }
0x54: {  	_ =	shalt  }
0x55: {  	_ =	shalt  }
0x56: {  	_ =	shalt  }
0x57: {  	_ =	shalt  }
0x58: {  	_ =	shalt  }
0x59: {  	_ =	shalt  }
0x5a: {  	_ =	shalt  }
0x5b: {  	_ =	shalt  }
0x5c: {  	_ =	shalt  }
0x5d: {  	_ =	shalt  }
0x5e: {  	_ =	shalt  }
0x5f: {  	_ =	shalt  }
0x60: {  	_ =	shalt  }
0x61: {  	_ =	shalt  }
0x62: {  	_ =	shalt  }
0x63: {  	_ =	shalt  }
0x64: {  	_ =	shalt  }
0x65: {  	_ =	shalt  }
0x66: {  	_ =	shalt  }
0x67: {  	_ =	shalt  }
0x68: {  	_ =	shalt  }
0x69: {  	_ =	shalt  }
0x6a: {  	_ =	shalt  }
0x6b: {  	_ =	shalt  }
0x6c: {  	_ =	shalt  }
0x6d: {  	_ =	shalt  }
0x6e: {  	_ =	shalt  }
0x6f: {  	_ =	shalt  }
0x70: {  	_ =	shalt  }
0x71: {  	_ =	shalt  }
0x72: {  	_ =	shalt  }
0x73: {  	_ =	shalt  }
0x74: {  	_ =	shalt  }
0x75: {  	_ =	shalt  }
0x76: {  	_ =	shalt  }
0x77: {  	_ =	shalt  }
0x78: {  	_ =	shalt  }
0x79: {  	_ =	shalt  }
0x7a: {  	_ =	shalt  }
0x7b: {  	_ =	shalt  }
0x7c: {  	_ =	shalt  }
0x7d: {  	_ =	shalt  }
0x7e: {  	_ =	shalt  }
0x7f: {  	_ =	shalt  }
0x80: {  	_ =	shalt  }
0x81: {  	_ =	shalt  }
0x82: {  	_ =	shalt  }
0x83: {  	_ =	shalt  }
0x84: {  	_ =	shalt  }
0x85: {  	_ =	shalt  }
0x86: {  	_ =	shalt  }
0x87: {  	_ =	shalt  }
.Lfunc_end0:
.L_simem_size_0:
called_computation.1_lowered:
.L_overlay_start_0:
0x88: {  	s2 =	sld [smem:$0x3FD9]  }
0x89: {  	s3 =	sld [smem:$0x3FFE];
	_ =	sdelay $0x1  }
0x8a: {  	s1 =	srdreg.scid  }
0x8b: {  	s0 =	sand.u32 $0x1, s1  }
0x8c: {  	s17 =	sshll.u32 s0, $0xA;
	s2 =	sadd.s32 s3, s2  }
0x8d: {  	s2 =	sadd.s32 s2, s17  }
0x8e: {  	[smem:$0x3FB2] =	sst s2  }
0x8f: {  	_ = 	snop  }
0x90: {  	s2 =	sld [smem:$0x3FBB];
	(tm) =	ssettm $0x1  }
0x91: {  	s18 =	sld [smem:$0x3FFB];
	_ =	sdelay $0x3  }
0x92: {  	_ =	strace s18  }
0x93: {  	s3 =	sld [smem:$0x3FFC];
	_ =	sdelay $0x3  }
0x94: {  	_ =	strace s3  }
0x95: {  	s3 =	sld [smem:$0x3FFD];
	_ =	sdelay $0x3  }
0x96: {  	_ =	strace s3  }
0x97: {  	_ =	strace $0x8FFFFFFF  }
0x98: {  	s19 =	sld [smem:$0x3FDB];
	_ =	sdelay $0x1  }
0x99: {  	s4 =	simm.s32 $_scs_section_size  }
0x9a: {  	s5 =	simm.s32 $_size__tile_overlayer_lowered;
	s6 =	simm.s32 $_tile_overlayer_lowered  }
0x9b: {  	s22 =	simm.s32 $0x1BFF;
	s21 =	sshll.u32 s6, $0x1;
	s3 =	sadd.s32 s4, s19  }
0x9c: {  	s7 =	simm.s32 $0x0;
	s20 =	sshll.u32 s5, $0x1;
	s5 =	sadd.s32 s21, s3  }
0x9d: {  	[timem:s7], [sflag:s22] =	dma.local [hbm:s5], s20  }
0x9e: {  	_ =	swait.ge [sflag:s22], s20  }
0x9f: {  	s4 =	ssub.s32 $0x0, s20;
	[sflag:s22] =	ssyncset.done $0x0  }
0xa0: {  	[sflag:s22] =	ssyncadd.s32 s4;
	_ =	sdelay $0x1  }
0xa1: {  	s23 =	simm.s32 $0x1B8B  }
0xa2: {  	_ =	swait.ge [sflag:s23], $0x1  }
0xa3: {  	[sflag:s23] =	ssyncset.done $0x0  }
0xa4: {  	s25 =	simm.s32 $0x1B8E;
	s24 =	sld [smem:$0x3FFE];
	[sflag:s23] =	ssyncadd.s32 $0xFFFFFFFF  }
0xa5: {  	s26 =	simm.s32 $execute0_lowered;
	[smem:$0x3FD2] =	sst s25  }
0xa6: {  	s5 =	sshll.u32 s26, $0x1;
	_ =	strace $0x80000049;
	[dreg:$0x1] =	wrdreg $0xFFFFFFFF  }
0xa7: {  	s28 =	simm.s32 $_size_execute0_lowered;
	s3 =	sadd.s32 s3, s5;
	[dreg:$0x0] =	wrdreg $0x0  }
0xa8: {  	s5 =	sshll.u32 s28, $0x1;
	[dreg:$0x2] =	wrdreg s3  }
0xa9: {  	[dreg:$0x3] =	wrdreg s5  }
0xaa: {  	[dreg:$0x4] =	wrdreg $0xC0  }
0xab: {  	_ =	task [dreg:s7], $0x5FFFF  }
0xac: {  	[dreg:$0x1] =	wrdreg $0xFFFFFFFF  }
0xad: {  	[dreg:$0x0] =	wrdreg $0x60  }
0xae: {  	[dreg:$0x2] =	wrdreg s24  }
0xaf: {  	[dreg:$0x3] =	wrdreg s2  }
0xb0: {  	[dreg:$0x4] =	wrdreg $0xB9800  }
0xb1: {  	[dreg:$0x5] =	wrdreg $0x9  }
0xb2: {  	_ =	task.clear_ibuf [dreg:s7], $0x6FFFF;
	_ =	strace $0x90000049  }
0xb3: {  	s29 =	simm.s32 $0x9;
	_ =	strace $0x8000004B  }
0xb4: {  	_ =	swait.ge [sflag:s29], $0x1  }
0xb5: {  	[sflag:s29] =	ssyncadd.s32 $0xFFFFFFFF  }
0xb6: {  	_ =	strace $0x9000004B  }
0xb7: {  	_ =	sfence  }
0xb8: {  	s30 =	sld [smem:$0x0];
	_ =	sdelay $0x2  }
0xb9: {  	s31 =	sshll.u32 s1, $0xD;
	s1 =	sshrl.u32 s1, $0x2  }
0xba: {  	s3 =	sand.u32 $0x4000, s31;
	s1 =	sadd.s32 s1, s30  }
0xbb: {  	s0 =	sor.u32 s3, s0;
	s1 =	sshll.u32 s1, $0x11  }
0xbc: {  	s0 =	sor.u32 s1, s0  }
0xbd: {  	s0 =	sadd.s32 $0x8F2B, s0  }
0xbe: {  	[sflag:s0] =	ssyncadd.remote.s32 $0x1  }
0xbf: {  	_ =	sfence.sel $0xFFFF  }
0xc0: {  	[dreg:$0x0] =	wrdreg $0xFFFFFFFF;
	(pc) =	sbr.abs _section_cstart, $3  }
0xc1: {  	[dreg:$0x1] =	wrdreg $0xFFFFFFFF  }
0xc2: {  	_ =	task.clear_ibuf [dreg:s7], $0x2FFFF;
	_ =	strace $0x9FFFFFFF  }
0xc3: {  	(tm) =	ssettm $0x7FFFFFFF  }
tec
execute0_lowered:
.L_overlay_start_1:
0x0: {  	(tag) =	ssettag $0x1  }
0x1: {  	s0 =	rddreg [dreg:$0x0]  }
0x2: {  	s2 =	rddreg [dreg:$0x2];
	s3 =	simm.s32 $0x0;
	s1 =	srdreg.scid  }
0x3: {  	s13 =	stileid.u32;
	s28 =	simm.s32 $0x60;
	s29 =	simm.s32 $0x3100  }
0x4: {  	s30 =	simm.s32 $0x2;
	s31 =	simm.s32 $0x3;
	[smem:$0x7FF] =	sst s3  }
0x5: {  	s1 =	sand.u32 $0x1, s1;
	s5 =	sadd.s32 $0x4800, s0;
	s11 =	smul.u32 $0x13C00, s13  }
0x6: {  	v0 =	vimm.s32 $0xEDCBA987;
	s6 =	sadd.s32 $0x2BA00, s0;
	s7 =	sadd.s32 $0xF1AC00, s0;
	s15 =	smul.u32 $0x4F000, s13  }
0x7: {  	v1 =	vimm.s32 $0x65432100;
	s8 =	sadd.s32 $0x4E6800, s0;
	s12 =	sshll.u32 s13, $0x7;
	s10 =	smul.u32 $0x13C000, s1  }
0x8: {  	v2 =	vimm.s32 $0xDCBA9876;
	v0 =	vunpack.c.l.s4.s8 v0;
	s9 =	sadd.s32 $0x4F0A00, s0;
	s18 =	sshll.u32 s13, $0x1;
	_ =	strace $0x8000004A  }
0x9: {  	v3 =	vimm.s32 $0x54321000;
	v1 =	vunpack.c.l.s4.s8 v1;
	v2 =	vunpack.c.l.s4.s8 v2;
	s4 =	sshll.u32 s1, $0x4;
	s10 =	sadd.s32 s11, s10;
	s11 =	sshrl.u32 s15, $0x2  }
0xa: {  	v5 =	vimm.s32 $0xFFEDCBA9;
	v3 =	vunpack.c.l.s4.s8 v3;
	s14 =	sand.u32 $0x380, s12;
	s16 =	ssub.s32 $0x2, s1;
	v0 =	vunpack.c.0.s8.s32 v0;
	s11 =	sadd.s32 s11, s2  }
0xb: {  	v6 =	vimm.s32 $0x87654321;
	s1 =	sor.u32 s1, s18;
	v1 =	vunpack.c.0.s8.s32 v1;
	v2 =	vunpack.c.0.s8.s32 v2;
	s19 =	sadd.s32 $0x3000, s11;
	[dreg:$0x5] =	wrdreg s11  }
0xc: {  	v5 =	vunpack.c.l.s4.s8 v5;
	s4 =	sor.u32 s13, s4;
	v3 =	vunpack.c.0.s8.s32 v3;
	v0 =	vand.u32 $0xF, v0;
	s20 =	sadd.s32 $0x6000, s11;
	[dreg:$0x6] =	wrdreg s19  }
0xd: {  	v6 =	vunpack.c.l.s4.s8 v6;
	s17 =	sshrl.u32 s16, $0x1;
	v0 =	vcombine.low v1, v0;
	v1 =	vand.u32 $0xF, v2;
	s21 =	sadd.s32 $0x9000, s11;
	[dreg:$0x7] =	wrdreg s20  }
0xe: {  	s4 =	sshrl.u32 s4, $0x3;
	v2 =	vimm.s32 $0x32100000;
	s22 =	sadd.s32 $0xC000, s11;
	v1 =	vcombine.low v3, v1;
	v3 =	vimm.s32 $0xBA987654;
	[dreg:$0x8] =	wrdreg s21  }
0xf: {  	s4 =	smul.u32 $0x13C00, s4;
	s23 =	sadd.s32 $0xF000, s11;
	v4 =	vunpack.c.l.s4.s8 v2;
	[dreg:$0x9] =	wrdreg s22;
	v2 =	vunpack.c.l.s4.s8 v3;
	v3 =	vimm.s32 $0xE40000  }
0x10: {  	vm0 =	vcmask $0x3F04;
	s10 =	sshrl.u32 s10, $0x3;
	s24 =	sadd.s32 $0x12000, s11;
	[dreg:$0xa] =	wrdreg s23;
	v3 =	vunpack.c.l.s2.s4 v3  }
0x11: {  	vm3 =	vcmask $0x3F30;
	v5 =	vunpack.c.0.s8.s32 v5;
	v6 =	vunpack.c.0.s8.s32 v6;
	s10 =	sadd.s32 s10, s0;
	s4 =	sor.u32 s14, s4;
	[dreg:$0xb] =	wrdreg s24  }
0x12: {  	vm1 =	vcmask $0x3F08;
	s25 =	sadd.s32 $0x52C00, s10;
	s21 =	simm.s32 $0x100;
	s22 =	simm.s32 $0x4;
	v7 =	vunpack.c.0.s8.s32 v2;
	v8 =	vunpack.c.l.s4.s8 v3  }
0x13: {  	vm2 =	vcmask $0x3F10;
	v6 =	vcombine.low v6, v5;
	s24 =	simm.s32 $0x80;
	s23 =	simm.s32 $0x0;
	s4 =	sshrl.u32 s4, $0x3;
	v4 =	vunpack.c.0.s8.s32 v4  }
0x14: {  	[dreg:$0xc] =	wrdreg s25;
	s25 =	simm.s32 $0x6100;
	s0 =	sadd.s32 s4, s0;
	v3 =	vand.u32 $0xF, v7;
	v7 =	vimm.s32 $0x7060504;
	v8 =	vunpack.c.0.s8.s32 v8  }
0x15: {  	vm4 =	vcmask $0x3F3C;
	v6 =	vand.u32 $0xF, v6;
	s4 =	ssub.s32 s16, s17;
	s17 =	smul.u32 $0x6C, s1;
	s0 =	sadd.s32 $0xA1C00, s0;
	v5 =	vunpack.c.0.s8.s32 v7  }
0x16: {  	s1 =	simm.s32 $0x9180;
	v2 =	vimm.f32 $0.0e+00;
	s26 =	smax.u32 s4, $0x1;
	[dreg:$0xd] =	wrdreg s0;
	v3 =	vcombine.low v4, v3;
	v7 =	vand.u32 $0x3, v8  }
0x17: {  	[dreg:$0xe] =	wrdreg s26;
	s26 =	simm.s32 $0x1;
	s0 =	simm.s32 $0x9100;
	v4 =	vimm.f32 $-5.000000000e-01;
	v5 =	vsel vm3, v5, v7;
	vm3 =	vcmask $0x3F20  }
.LBB2_1:
0x18: {  	s4 =	simm.s32 $0x0;
	s10 =	simm.s32 $0x200  }
.LBB2_2:
0x19: {  	p0 =	sne.s32 s10, $0xBE00;
	[tilespmem:s4+$0x170] =	vst v2  }
0x1a: {  	[tilespmem:s4+$0x100] =	vst v2  }
0x1b: {  	[tilespmem:s4+$0x110] =	vst v2  }
.Ltmp0:
0x1c: {  	[tilespmem:s4+$0x120] =	vst v2;
	(pc) =	sbr.rel @p0 .LBB2_2-.Ltmp0, $4  }
0x1d: {  	[tilespmem:s4+$0x130] =	vst v2  }
0x1e: {  	[tilespmem:s4+$0x140] =	vst v2  }
0x1f: {  	[tilespmem:s4+$0x150] =	vst v2  }
0x20: {  	[tilespmem:s4+$0x160] =	vst v2;
	s4 =	sshra.s32 s10, $0x2;
	s10 =	sadd.s32 $0x200, s10  }
0x21: {  	[tilespmem:s4+$0x170] =	vst v2  }
0x22: {  	[tilespmem:s4+$0x100] =	vst v2  }
0x23: {  	[tilespmem:s4+$0x110] =	vst v2  }
0x24: {  	[tilespmem:s4+$0x120] =	vst v2  }
0x25: {  	[tilespmem:s4+$0x130] =	vst v2  }
0x26: {  	[tilespmem:s4+$0x140] =	vst v2  }
0x27: {  	[tilespmem:s4+$0x150] =	vst v2  }
0x28: {  	[dreg:$0x4] =	wrdreg s3;
	[tilespmem:s4+$0x160] =	vst v2;
	s4 =	simm.s32 $0x40;
	s10 =	simm.s32 $0x0  }
.LBB2_4:
0x29: {  	p0 =	sne.s32 s4, $0x9DC0;
	[tilespmem:s10+$0x9180] =	vst v2;
	s10 =	smov.u32 s4;
	s4 =	sadd.s32 $0x40, s4  }
.Ltmp1:
0x2a: {  	(pc) =	sbr.rel @p0 .LBB2_4-.Ltmp1, $2  }
0x2b: {  	_ =	sdelay $0x2  }
0x2c: {  	s10 =	sshra.s32 s10, $0x2  }
0x2d: {  	[tilespmem:s10+$0x9180] =	vst v2  }
0x2e: {  	[spmem:s11] =	stream.linear.scatter [tilespmem:s21], [sflag:$0x4], $0x3000, $0x38;
	[tilespmem:$0x1F580] =	vst v63  }
0x2f: {  	_ =	swait.ge [sflag:s22], $0x3000  }
0x30: {  	[sflag:s22] =	ssyncset.done $0x0  }
0x31: {  	s3 =	rddreg [dreg:$0x6];
	[sflag:s22] =	ssyncadd.s32 $0xFFFFD000  }
0x32: {  	[spmem:s3] =	stream.linear.scatter [tilespmem:s21], [sflag:$0x4], $0x3000, $0x38;
	[tilespmem:$0x1F580] =	vst v63  }
0x33: {  	_ =	swait.ge [sflag:s22], $0x3000  }
0x34: {  	[sflag:s22] =	ssyncset.done $0x0  }
0x35: {  	s14 =	rddreg [dreg:$0x7];
	[sflag:s22] =	ssyncadd.s32 $0xFFFFD000  }
0x36: {  	[spmem:s14] =	stream.linear.scatter [tilespmem:s21], [sflag:$0x4], $0x3000, $0x38;
	[tilespmem:$0x1F580] =	vst v63  }
0x37: {  	_ =	swait.ge [sflag:s22], $0x3000  }
0x38: {  	[sflag:s22] =	ssyncset.done $0x0  }
0x39: {  	s15 =	rddreg [dreg:$0x8];
	[sflag:s22] =	ssyncadd.s32 $0xFFFFD000  }
0x3a: {  	[spmem:s15] =	stream.linear.scatter [tilespmem:s21], [sflag:$0x4], $0x3000, $0x38;
	[tilespmem:$0x1F580] =	vst v63  }
0x3b: {  	_ =	swait.ge [sflag:s22], $0x3000  }
0x3c: {  	[sflag:s22] =	ssyncset.done $0x0  }
0x3d: {  	s16 =	rddreg [dreg:$0x9];
	[sflag:s22] =	ssyncadd.s32 $0xFFFFD000  }
0x3e: {  	[spmem:s16] =	stream.linear.scatter [tilespmem:s21], [sflag:$0x4], $0x3000, $0x38;
	[tilespmem:$0x1F580] =	vst v63  }
0x3f: {  	_ =	swait.ge [sflag:s22], $0x3000  }
0x40: {  	[sflag:s22] =	ssyncset.done $0x0  }
0x41: {  	s18 =	rddreg [dreg:$0xa];
	[sflag:s22] =	ssyncadd.s32 $0xFFFFD000  }
0x42: {  	[spmem:s18] =	stream.linear.scatter [tilespmem:s21], [sflag:$0x4], $0x3000, $0x38;
	[tilespmem:$0x1F580] =	vst v63  }
0x43: {  	_ =	swait.ge [sflag:s22], $0x3000  }
0x44: {  	[sflag:s22] =	ssyncset.done $0x0  }
0x45: {  	s19 =	rddreg [dreg:$0xb];
	[sflag:s22] =	ssyncadd.s32 $0xFFFFD000  }
0x46: {  	[spmem:s19] =	stream.linear.scatter [tilespmem:s21], [sflag:$0x4], $0x1C00, $0x38;
	[tilespmem:$0x1F580] =	vst v63  }
0x47: {  	_ =	swait.ge [sflag:s22], $0x1C00  }
0x48: {  	[sflag:s22] =	ssyncset.done $0x0  }
0x49: {  	[sflag:s22] =	ssyncadd.s32 $0xFFFFE400  }
0x4a: {  	s4 =	simm.s32 $0xB900;
	s20 =	rddreg [dreg:$0x1]  }
0x4b: {  	[tilespmem:s4], [sflag:$0x4] =	stream.linear.gather [hbm4b:s20+s23], $0x80, $0x38;
	[tilespmem:$0x1F580] =	vst v63  }
0x4c: {  	_ =	swait.ge [sflag:s22], $0x80  }
0x4d: {  	[sflag:s22] =	ssyncset.done $0x0  }
0x4e: {  	[sflag:s22] =	ssyncadd.s32 $0xFFFFFF80  }
0x4f: {  	[bflag:$0x0] =	sbarrier.arrive $0xFFFF  }
0x50: {  	v7 =	vld [tilespmem:$0xB900]  }
0x51: {  	v8 =	vld [tilespmem:$0xB910]  }
0x52: {  	v9 =	vld [tilespmem:$0xB920]  }
0x53: {  	v10 =	vld [tilespmem:$0xB930]  }
0x54: {  	v11 =	vld [tilespmem:$0xB940]  }
0x55: {  	v12 =	vld [tilespmem:$0xB950]  }
0x56: {  	v13 =	vld [tilespmem:$0xB960]  }
0x57: {  	s4 =	simm.s32 $0x0;
	v14 =	vld [tilespmem:$0xB970]  }
.LBB2_6:
0x58: {  	s10 =	sadd.s32 s17, s4  }
0x59: {  	s11 =	smul.u32 $0x60, s10;
	_ =	sdelay $0x1  }
0x5a: {  	s12 =	sshrl.u32 s11, $0x3  }
0x5b: {  	s13 =	sadd.s32 s8, s12  }
0x5c: {  	[tilespmem:s23], [sflag:$0x1] =	stream.linear.gather [hbm4b:s13+s23], $0x60, $0x38;
	[tilespmem:$0x1F580] =	vst v63  }
0x5d: {  	s10 =	smul.u32 $0x600, s10;
	s12 =	sadd.s32 s9, s12  }
0x5e: {  	[tilespmem:s24], [sflag:$0x1] =	stream.linear.gather [hbm4b:s12+s23], $0x60, $0x38;
	[tilespmem:$0x1F580] =	vst v63  }
0x5f: {  	s10 =	sadd.s32 s7, s10  }
0x60: {  	[tilespmem:s25], [sflag:$0x3] =	stream.linear.gather [hbm4b:s10+s23], $0x3000, $0x38;
	[tilespmem:$0x1F580] =	vst v63  }
0x61: {  	_ =	swait.ge [sflag:s26], $0x60  }
0x62: {  	[sflag:s26] =	ssyncset.done $0x0  }
0x63: {  	[sflag:s26] =	ssyncadd.s32 $0xFFFFFFA0  }
0x64: {  	_ =	swait.ge [sflag:s26], $0x60  }
0x65: {  	[sflag:s26] =	ssyncset.done $0x0  }
0x66: {  	[sflag:s26] =	ssyncadd.s32 $0xFFFFFFA0  }
0x67: {  	[tilespmem:s21], [sflag:$0x2] =	stream.indirect.gather [hbm4b:s5+s28], $0x80, s23, s28, $0xb8;
	[tilespmem:$0x1F580] =	vst v63  }
0x68: {  	_ = 	snop  }
0x69: {  	[tilespmem:s29], [sflag:$0x2] =	stream.indirect.gather [hbm4b:s6+s28], $0x80, s24, s28, $0xb8;
	[tilespmem:$0x1F580] =	vst v63  }
0x6a: {  	_ =	swait.ge [sflag:s30], $0x3000  }
0x6b: {  	[sflag:s30] =	ssyncset.done $0x0  }
0x6c: {  	[sflag:s30] =	ssyncadd.s32 $0xFFFFD000  }
0x6d: {  	_ =	swait.ge [sflag:s30], $0x3000  }
0x6e: {  	[sflag:s30] =	ssyncset.done $0x0  }
0x6f: {  	[sflag:s30] =	ssyncadd.s32 $0xFFFFD000  }
0x70: {  	_ =	swait.ge [sflag:s31], $0x3000  }
0x71: {  	[sflag:s31] =	ssyncset.done $0x0  }
0x72: {  	s12 =	simm.s32 $0x180;
	[sflag:s31] =	ssyncadd.s32 $0xFFFFD000  }
0x73: {  	s13 =	simm.s32 $0x6180;
	v15 =	vld [tilespmem:s12+$0xFFFFFFB0]  }
0x74: {  	v16 =	vld [tilespmem:s13+$0xFFFFFF80]  }
0x75: {  	v17 =	vld [tilespmem:s13+$0xFFFFFFA0]  }
0x76: {  	s14 =	simm.s32 $0x3180;
	v18 =	vld [tilespmem:s12+$0xFFFFFFA0]  }
0x77: {  	v19 =	vld [tilespmem:s14+$0xFFFFFFA0]  }
0x78: {  	v20 =	vld [tilespmem:s12+$0xFFFFFF80]  }
0x79: {  	v21 =	vld [tilespmem:s12+$0xFFFFFF90]  }
0x7a: {  	v22 =	vld [tilespmem:s14+$0xFFFFFF90]  }
0x7b: {  	v23 =	vld [tilespmem:s14+$0xFFFFFF80]  }
0x7c: {  	v24 =	vld [tilespmem:s14+$0xFFFFFFB0]  }
0x7d: {  	v25 =	vld [tilespmem:s13+$0xFFFFFF90]  }
0x7e: {  	v26 =	vld [tilespmem:s13+$0xFFFFFFB0]  }
0x7f: {  	v27 =	vld [tilespmem:s14+$0xFFFFFFF0]  }
0x80: {  	v28 =	vld [tilespmem:s14+$0xFFFFFFD0];
	v20 =	vadd.f32 v23, v20  }
0x81: {  	v23 =	vld [tilespmem:s14+$0xFFFFFFE0]  }
0x82: {  	v21 =	vadd.f32 v22, v21;
	v22 =	vld [tilespmem:s12+$0xFFFFFFC0];
	v16 =	vadd.f32 v16, v20  }
0x83: {  	v18 =	vadd.f32 v19, v18;
	v20 =	vld [tilespmem:s14+$0xFFFFFFC0]  }
0x84: {  	v15 =	vadd.f32 v24, v15;
	v24 =	vld [tilespmem:s13+$0xFFFFFFC0];
	v19 =	vadd.f32 v25, v21;
	v21 =	vmul.f32 $2.000000030e-01, v16  }
0x85: {  	v25 =	vld [tilespmem:s12+$0xFFFFFFD0];
	v17 =	vadd.f32 v17, v18  }
0x86: {  	v15 =	vadd.f32 v26, v15;
	v26 =	vld [tilespmem:s13+$0xFFFFFFD0];
	v18 =	vmul.f32 $2.000000030e-01, v19;
	v16 =	vmax.f32 v16, v21  }
0x87: {  	v21 =	vld [tilespmem:s12+$0xFFFFFFE0];
	v16 =	vmul.f32 v16, v7  }
0x88: {  	v29 =	vmul.f32 $2.000000030e-01, v17;
	v18 =	vmax.f32 v19, v18;
	v19 =	vadd.f32 v20, v22;
	v20 =	vld [tilespmem:s12+$0xFFFFFFF0]  }
0x89: {  	v30 =	vld [tilespmem:s13+$0xFFFFFFE0];
	v22 =	vmul.f32 $2.000000030e-01, v15;
	v18 =	vmul.f32 v18, v8;
	v16 =	vadd.f32 $0.0e+00, v16  }
0x8a: {  	v17 =	vmax.f32 v17, v29;
	v25 =	vadd.f32 v28, v25;
	v19 =	vadd.f32 v24, v19  }
0x8b: {  	v17 =	vmul.f32 v17, v9;
	v15 =	vmax.f32 v15, v22;
	v22 =	vld [tilespmem:s13+$0xFFFFFFF0];
	v16 =	vadd.f32 v18, v16  }
0x8c: {  	v24 =	vadd.f32 v26, v25;
	v18 =	vmul.f32 $2.000000030e-01, v19;
	v21 =	vadd.f32 v23, v21  }
0x8d: {  	v15 =	vmul.f32 v15, v10;
	v16 =	vadd.f32 v17, v16;
	v17 =	vadd.f32 v27, v20  }
0x8e: {  	v18 =	vmax.f32 v19, v18;
	v19 =	vmul.f32 $2.000000030e-01, v24;
	v20 =	vadd.f32 v30, v21  }
0x8f: {  	v15 =	vadd.f32 v15, v16;
	v16 =	vmul.f32 v18, v11  }
0x90: {  	v17 =	vadd.f32 v22, v17;
	v18 =	vmax.f32 v24, v19;
	v19 =	vmul.f32 $2.000000030e-01, v20  }
0x91: {  	v15 =	vadd.f32 v16, v15;
	v16 =	vmul.f32 v18, v12  }
0x92: {  	v18 =	vmul.f32 $2.000000030e-01, v17;
	v19 =	vmax.f32 v20, v19  }
0x93: {  	v15 =	vadd.f32 v16, v15;
	v16 =	vmul.f32 v19, v13  }
0x94: {  	v17 =	vmax.f32 v17, v18  }
0x95: {  	v15 =	vadd.f32 v16, v15;
	v16 =	vmul.f32 v17, v14;
	_ =	sdelay $0x1  }
0x96: {  	v15 =	vadd.f32 v16, v15;
	_ =	sdelay $0x1  }
0x97: {  	(xrf2) =	vadd.scan.msk.f32 $0xffff, v15;
	_ =	sdelay $0x4  }
0x98: {  	v15 =	vmov s23  }
0x99: {  	v15 =	vand.u32 $0xFFFFFFFE, v15  }
0x9a: {  	v15 =	vbroadcast v15, $0x0;
	_ =	sdelay $0x2  }
0x9b: {  	v16, _, _ =	vpop (xrf2)  }
0x9c: {  	v16 =	vbroadcast v16, $0xF;
	_ =	sdelay $0x1  }
0x9d: {  	[tilespmem:v15+s0+$0x0] =	vst.idx.msk $0x1, v16  }
0x9e: {  	v17 =	vld [tilespmem:s14+$0x20]  }
0x9f: {  	v21 =	vld [tilespmem:s14+$0x0]  }
0xa0: {  	v18 =	vld [tilespmem:s13+$0x10]  }
0xa1: {  	v19 =	vld [tilespmem:s13+$0x0]  }
0xa2: {  	v20 =	vld [tilespmem:s12+$0x20]  }
0xa3: {  	v15 =	vld [tilespmem:s14+$0x70]  }
0xa4: {  	v25 =	vld [tilespmem:s13+$0x20]  }
0xa5: {  	v16 =	vld [tilespmem:s14+$0x60]  }
0xa6: {  	v24 =	vld [tilespmem:s12+$0x0]  }
0xa7: {  	v22 =	vld [tilespmem:s14+$0x10];
	v17 =	vadd.f32 v17, v20  }
0xa8: {  	s19 =	simm.s32 $0x2;
	s20 =	simm.s32 $0x3180;
	v23 =	vld [tilespmem:s12+$0x10]  }
0xa9: {  	s18 =	simm.s32 $0x180;
	s16 =	simm.s32 $0x6180;
	s15 =	simm.s32 $0x0;
	v20 =	vadd.f32 v25, v17;
	v17 =	vld [tilespmem:s14+$0x50]  }
.LBB2_7:
0xaa: {  	s20 =	sadd.s32 $0x100, s20  }
0xab: {  	v25 =	vld [tilespmem:s14+$0x40];
	s13 =	sadd.s32 $0x100, s13;
	s12 =	sadd.s32 $0x100, s12;
	s10 =	smov.u32 s19  }
0xac: {  	p0 =	slt.u32 s19, $0x5E;
	s19 =	sadd.s32 $0x2, s19;
	v21 =	vadd.f32 v21, v24;
	v24 =	vmul.f32 $2.000000030e-01, v20;
	v26 =	vld [tilespmem:s14+$0x30];
	s14 =	smov.u32 s20  }
0xad: {  	v27 =	vld [tilespmem:s18+$0x30]  }
0xae: {  	v19 =	vadd.f32 v19, v21;
	v21 =	vadd.f32 v22, v23;
	v20 =	vmax.f32 v20, v24;
	v22 =	vld [tilespmem:s18+$0x40]  }
0xaf: {  	v23 =	vld [tilespmem:s16+$0x30]  }
0xb0: {  	v24 =	vmul.f32 $2.000000030e-01, v19;
	v18 =	vadd.f32 v18, v21;
	v21 =	vld [tilespmem:s16+$0x40]  }
0xb1: {  	v28 =	vld [tilespmem:s18+$0x50]  }
0xb2: {  	v19 =	vmax.f32 v19, v24;
	v24 =	vmul.f32 $2.000000030e-01, v18;
	v26 =	vadd.f32 v26, v27;
	v27 =	vld [tilespmem:s18+$0x60]  }
0xb3: {  	v19 =	vmul.f32 v19, v7;
	v22 =	vadd.f32 v25, v22;
	v25 =	vld [tilespmem:s16+$0x50]  }
0xb4: {  	v18 =	vmax.f32 v18, v24;
	v23 =	vadd.f32 v23, v26;
	v24 =	vld [tilespmem:s18+$0x70];
	s18 =	smov.u32 s12  }
0xb5: {  	v19 =	vadd.f32 $0.0e+00, v19;
	v18 =	vmul.f32 v18, v8;
	v21 =	vadd.f32 v21, v22;
	v22 =	vld [tilespmem:s16+$0x60]  }
0xb6: {  	v26 =	vmul.f32 $2.000000030e-01, v23;
	v17 =	vadd.f32 v17, v28;
	v28 =	vld [tilespmem:s16+$0x70];
	s16 =	smov.u32 s13  }
0xb7: {  	v18 =	vadd.f32 v18, v19;
	v19 =	vmul.f32 v20, v9;
	v20 =	vmul.f32 $2.000000030e-01, v21  }
0xb8: {  	v16 =	vadd.f32 v16, v27;
	v23 =	vmax.f32 v23, v26;
	v17 =	vadd.f32 v25, v17  }
0xb9: {  	v18 =	vadd.f32 v19, v18;
	v19 =	vmul.f32 v23, v10;
	v15 =	vadd.f32 v15, v24  }
0xba: {  	v20 =	vmax.f32 v21, v20;
	v21 =	vmul.f32 $2.000000030e-01, v17;
	v16 =	vadd.f32 v22, v16  }
0xbb: {  	v18 =	vadd.f32 v19, v18;
	v19 =	vmul.f32 v20, v11;
	v15 =	vadd.f32 v28, v15  }
0xbc: {  	v17 =	vmax.f32 v17, v21;
	v20 =	vmul.f32 $2.000000030e-01, v16  }
0xbd: {  	v18 =	vadd.f32 v19, v18;
	v17 =	vmul.f32 v17, v12;
	v19 =	vmul.f32 $2.000000030e-01, v15  }
0xbe: {  	v16 =	vmax.f32 v16, v20  }
0xbf: {  	v17 =	vadd.f32 v17, v18;
	v16 =	vmul.f32 v16, v13;
	v15 =	vmax.f32 v15, v19;
	_ =	sdelay $0x1  }
0xc0: {  	v15 =	vmul.f32 v15, v14;
	v16 =	vadd.f32 v16, v17;
	_ =	sdelay $0x1  }
0xc1: {  	v15 =	vadd.f32 v15, v16;
	_ =	sdelay $0x1  }
0xc2: {  	(xrf2) =	vadd.scan.msk.f32 $0xffff, v15;
	_ =	sdelay $0x6  }
0xc3: {  	s3 =	sadd.s32 $0x1, s15;
	s15 =	smov.u32 s10  }
0xc4: {  	v15 =	vmov s3;
	_ =	sdelay $0x1  }
0xc5: {  	v16, _, _ =	vpop (xrf2)  }
0xc6: {  	v16 =	vbroadcast v16, $0xF;
	_ =	sdelay $0x1  }
0xc7: {  	[tilespmem:v15+s0+$0x0] =	vst.idx.msk $0x1, v16  }
0xc8: {  	v15 =	vld [tilespmem:s12+$0xFFFFFFB0]  }
0xc9: {  	v16 =	vld [tilespmem:s13+$0xFFFFFF80]  }
0xca: {  	v17 =	vld [tilespmem:s13+$0xFFFFFFA0]  }
0xcb: {  	v18 =	vld [tilespmem:s12+$0xFFFFFFA0]  }
0xcc: {  	v19 =	vld [tilespmem:s20+$0xFFFFFFA0]  }
0xcd: {  	v20 =	vld [tilespmem:s12+$0xFFFFFF80]  }
0xce: {  	v21 =	vld [tilespmem:s12+$0xFFFFFF90]  }
0xcf: {  	v22 =	vld [tilespmem:s20+$0xFFFFFF90]  }
0xd0: {  	v23 =	vld [tilespmem:s20+$0xFFFFFF80]  }
0xd1: {  	v18 =	vadd.f32 v19, v18;
	v19 =	vld [tilespmem:s20+$0xFFFFFFB0]  }
0xd2: {  	v24 =	vld [tilespmem:s13+$0xFFFFFF90]  }
0xd3: {  	v17 =	vadd.f32 v17, v18;
	v18 =	vld [tilespmem:s13+$0xFFFFFFB0]  }
0xd4: {  	v21 =	vadd.f32 v22, v21;
	v22 =	vld [tilespmem:s20+$0xFFFFFFF0]  }
0xd5: {  	v20 =	vadd.f32 v23, v20;
	v23 =	vmul.f32 $2.000000030e-01, v17;
	v25 =	vld [tilespmem:s20+$0xFFFFFFE0]  }
0xd6: {  	v15 =	vadd.f32 v19, v15;
	v19 =	vld [tilespmem:s20+$0xFFFFFFD0]  }
0xd7: {  	v16 =	vadd.f32 v16, v20;
	v20 =	vadd.f32 v24, v21;
	v17 =	vmax.f32 v17, v23;
	v21 =	vld [tilespmem:s20+$0xFFFFFFC0]  }
0xd8: {  	v15 =	vadd.f32 v18, v15;
	v18 =	vld [tilespmem:s12+$0xFFFFFFC0]  }
0xd9: {  	v23 =	vmul.f32 $2.000000030e-01, v16;
	v24 =	vmul.f32 $2.000000030e-01, v20;
	v26 =	vld [tilespmem:s12+$0xFFFFFFD0]  }
0xda: {  	v27 =	vmul.f32 $2.000000030e-01, v15;
	v28 =	vld [tilespmem:s13+$0xFFFFFFC0]  }
0xdb: {  	v16 =	vmax.f32 v16, v23;
	v20 =	vmax.f32 v20, v24;
	v23 =	vld [tilespmem:s12+$0xFFFFFFE0]  }
0xdc: {  	v16 =	vmul.f32 v16, v7;
	v15 =	vmax.f32 v15, v27;
	v24 =	vld [tilespmem:s13+$0xFFFFFFD0]  }
0xdd: {  	v18 =	vadd.f32 v21, v18;
	v21 =	vld [tilespmem:s12+$0xFFFFFFF0]  }
0xde: {  	v20 =	vmul.f32 v20, v8;
	v16 =	vadd.f32 $0.0e+00, v16;
	v19 =	vadd.f32 v19, v26;
	v26 =	vld [tilespmem:s13+$0xFFFFFFE0]  }
0xdf: {  	v18 =	vadd.f32 v28, v18;
	v27 =	vld [tilespmem:s13+$0xFFFFFFF0]  }
0xe0: {  	v17 =	vmul.f32 v17, v9;
	v15 =	vmul.f32 v15, v10;
	v16 =	vadd.f32 v20, v16  }
0xe1: {  	v23 =	vadd.f32 v25, v23;
	v20 =	vmul.f32 $2.000000030e-01, v18;
	v19 =	vadd.f32 v24, v19  }
0xe2: {  	v16 =	vadd.f32 v17, v16;
	v17 =	vadd.f32 v22, v21  }
0xe3: {  	v18 =	vmax.f32 v18, v20;
	v20 =	vmul.f32 $2.000000030e-01, v19;
	v21 =	vadd.f32 v26, v23  }
0xe4: {  	v15 =	vadd.f32 v15, v16;
	v16 =	vmul.f32 v18, v11;
	v17 =	vadd.f32 v27, v17  }
0xe5: {  	v18 =	vmax.f32 v19, v20;
	v19 =	vmul.f32 $2.000000030e-01, v21  }
0xe6: {  	v15 =	vadd.f32 v16, v15;
	v16 =	vmul.f32 v18, v12;
	v18 =	vmul.f32 $2.000000030e-01, v17  }
0xe7: {  	v19 =	vmax.f32 v21, v19  }
0xe8: {  	v15 =	vadd.f32 v16, v15;
	v16 =	vmul.f32 v19, v13;
	v17 =	vmax.f32 v17, v18;
	_ =	sdelay $0x1  }
0xe9: {  	v15 =	vadd.f32 v16, v15;
	v16 =	vmul.f32 v17, v14;
	_ =	sdelay $0x1  }
0xea: {  	v15 =	vadd.f32 v16, v15;
	_ =	sdelay $0x1  }
0xeb: {  	(xrf2) =	vadd.scan.msk.f32 $0xffff, v15;
	_ =	sdelay $0x4  }
0xec: {  	v15 =	vmov s15  }
0xed: {  	v15 =	vand.u32 $0xFFFFFFFE, v15  }
0xee: {  	v15 =	vbroadcast v15, $0x0;
	_ =	sdelay $0x2  }
0xef: {  	v16, _, _ =	vpop (xrf2)  }
0xf0: {  	v16 =	vbroadcast v16, $0xF;
	_ =	sdelay $0x1  }
0xf1: {  	[tilespmem:v15+s0+$0x0] =	vst.idx.msk $0x1, v16  }
0xf2: {  	v17 =	vld [tilespmem:s20+$0x20]  }
0xf3: {  	v21 =	vld [tilespmem:s20+$0x0]  }
0xf4: {  	v18 =	vld [tilespmem:s13+$0x10]  }
0xf5: {  	v19 =	vld [tilespmem:s13+$0x0]  }
0xf6: {  	v20 =	vld [tilespmem:s12+$0x20]  }
0xf7: {  	v15 =	vld [tilespmem:s20+$0x70]  }
0xf8: {  	v25 =	vld [tilespmem:s13+$0x20]  }
.Ltmp2:
0xf9: {  	v16 =	vld [tilespmem:s20+$0x60];
	(pc) =	sbr.rel @p0 .LBB2_7-.Ltmp2, $4  }
0xfa: {  	v24 =	vld [tilespmem:s12+$0x0]  }
0xfb: {  	v22 =	vld [tilespmem:s20+$0x10];
	v17 =	vadd.f32 v17, v20  }
0xfc: {  	v23 =	vld [tilespmem:s12+$0x10]  }
0xfd: {  	v20 =	vadd.f32 v25, v17;
	v17 =	vld [tilespmem:s20+$0x50]  }
0xfe: {  	v25 =	vld [tilespmem:s14+$0x40]  }
0xff: {  	v44 =	vld [tilespmem:s14+$0x30];
	v21 =	vadd.f32 v21, v24  }
0x100: {  	v26 =	vld [tilespmem:s18+$0x30]  }
0x101: {  	v46 =	vld [tilespmem:s18+$0x40];
	v19 =	vadd.f32 v19, v21;
	v45 =	vadd.f32 v22, v23  }
0x102: {  	v47 =	vld [tilespmem:s16+$0x30]  }
0x103: {  	v48 =	vld [tilespmem:s16+$0x40];
	v27 =	vmul.f32 $2.000000030e-01, v19;
	v18 =	vadd.f32 v18, v45  }
0x104: {  	v28 =	vld [tilespmem:s18+$0x50]  }
0x105: {  	v50 =	vld [tilespmem:s18+$0x60];
	v24 =	vadd.f32 v44, v26;
	v19 =	vmax.f32 v19, v27;
	v49 =	vmul.f32 $2.000000030e-01, v18  }
0x106: {  	v51 =	vld [tilespmem:s16+$0x50];
	v52 =	vmul.f32 $2.000000030e-01, v20;
	v19 =	vmul.f32 v19, v7  }
0x107: {  	v53 =	vld [tilespmem:s18+$0x70];
	v22 =	vadd.f32 v25, v46;
	v23 =	vadd.f32 v47, v24;
	v18 =	vmax.f32 v18, v49  }
0x108: {  	v54 =	vld [tilespmem:s16+$0x60];
	v20 =	vmax.f32 v20, v52;
	v19 =	vadd.f32 $0.0e+00, v19;
	v18 =	vmul.f32 v18, v8  }
0x109: {  	v17 =	vadd.f32 v17, v28;
	v21 =	vadd.f32 v48, v22;
	v55 =	vmul.f32 $2.000000030e-01, v23  }
0x10a: {  	v56 =	vld [tilespmem:s16+$0x70];
	v16 =	vadd.f32 v16, v50;
	v18 =	vadd.f32 v18, v19;
	v19 =	vmul.f32 v20, v9  }
0x10b: {  	v17 =	vadd.f32 v51, v17;
	v23 =	vmax.f32 v23, v55;
	v20 =	vmul.f32 $2.000000030e-01, v21  }
0x10c: {  	v15 =	vadd.f32 v15, v53;
	v18 =	vadd.f32 v19, v18;
	v19 =	vmul.f32 v23, v10  }
0x10d: {  	v16 =	vadd.f32 v54, v16;
	v57 =	vmul.f32 $2.000000030e-01, v17;
	v20 =	vmax.f32 v21, v20  }
0x10e: {  	v18 =	vadd.f32 v19, v18;
	v19 =	vmul.f32 v20, v11  }
0x10f: {  	v15 =	vadd.f32 v56, v15;
	v17 =	vmax.f32 v17, v57;
	v20 =	vmul.f32 $2.000000030e-01, v16  }
0x110: {  	v17 =	vmul.f32 v17, v12;
	v18 =	vadd.f32 v19, v18  }
0x111: {  	v19 =	vmul.f32 $2.000000030e-01, v15;
	v16 =	vmax.f32 v16, v20  }
0x112: {  	v16 =	vmul.f32 v16, v13;
	v17 =	vadd.f32 v17, v18  }
0x113: {  	v15 =	vmax.f32 v15, v19  }
0x114: {  	v15 =	vmul.f32 v15, v14;
	v16 =	vadd.f32 v16, v17;
	_ =	sdelay $0x1  }
0x115: {  	v15 =	vadd.f32 v15, v16;
	_ =	sdelay $0x1  }
0x116: {  	(xrf2) =	vadd.scan.msk.f32 $0xffff, v15;
	_ =	sdelay $0x6  }
0x117: {  	s3 =	sadd.s32 $0x1, s15  }
0x118: {  	v15 =	vmov s3;
	_ =	sdelay $0x1  }
0x119: {  	v16, _, _ =	vpop (xrf2)  }
0x11a: {  	v16 =	vbroadcast v16, $0xF;
	_ =	sdelay $0x1  }
0x11b: {  	[tilespmem:v15+s0+$0x0] =	vst.idx.msk $0x1, v16  }
0x11c: {  	v15 =	vld [tilespmem:$0x9100];
	_ =	sdelay $0x4  }
0x11d: {  	v15 =	vmul.f32 $1.442695020e+00, v15;
	_ =	sdelay $0x1  }
0x11e: {  	vm5 =	vge.f32 v15, $0.0e+00  }
0x11f: {  	v16 =	vsel vm5, $0x3F000000, v4  }
0x120: {  	v16 =	vadd.f32 v16, v15;
	_ =	sdelay $0x1  }
0x121: {  	v16 =	vtrunc.f32 v16  }
0x122: {  	v16 =	vcvt.f32.s32 v16;
	_ =	sdelay $0x1  }
0x123: {  	v17 =	vcvt.s32.f32 v16;
	_ =	sdelay $0x1  }
0x124: {  	v15 =	vsub.f32 v15, v17;
	_ =	sdelay $0x1  }
0x125: {  	v15 =	vmul.f32 $6.931471820e-01, v15;
	_ =	sdelay $0x1  }
0x126: {  	v17 =	vmul.f32 $1.388888920e-03, v15;
	_ =	sdelay $0x1  }
0x127: {  	v17 =	vadd.f32 $8.333333770e-03, v17;
	_ =	sdelay $0x1  }
0x128: {  	v17 =	vmul.f32 v17, v15;
	_ =	sdelay $0x1  }
0x129: {  	v17 =	vadd.f32 $4.166666790e-02, v17;
	_ =	sdelay $0x1  }
0x12a: {  	v17 =	vmul.f32 v17, v15;
	_ =	sdelay $0x1  }
0x12b: {  	v17 =	vadd.f32 $1.666666720e-01, v17;
	_ =	sdelay $0x1  }
0x12c: {  	v17 =	vmul.f32 v17, v15;
	_ =	sdelay $0x1  }
0x12d: {  	v17 =	vadd.f32 $5.000000000e-01, v17;
	_ =	sdelay $0x1  }
0x12e: {  	v17 =	vmul.f32 v17, v15;
	_ =	sdelay $0x1  }
0x12f: {  	vm5 =	vgt.s32 v16, $0xFFFFFF82;
	v17 =	vadd.f32 $1.000000000e+00, v17  }
0x130: {  	v16 =	vnsel vm5, $0xFFFFFF82, v16  }
0x131: {  	vm5 =	vlt.s32 v16, $0x7F;
	v15 =	vmul.f32 v17, v15  }
0x132: {  	v16 =	vnsel vm5, $0x7F, v16;
	v17 =	vld [tilespmem:$0x80]  }
0x133: {  	v16 =	vshll.u32 v16, $0x17;
	v15 =	vadd.f32 $1.000000000e+00, v15  }
0x134: {  	v16 =	vadd.s32 $0x3F800000, v16  }
0x135: {  	v15 =	vmul.f32 v16, v15  }
0x136: {  	p0 =	slt.u32 s11, $0x50910  }
0x137: {  	v16 =	vxor.u32 $0x80000000, v17;
	v15 =	vpsel !p0, $0x0, v15  }
0x138: {  	(xrf1) =	vsort.ascd.msk.u32 $0xffff, v16, v15;
	_ =	sdelay $0xd  }
0x139: {  	v16, v17, _ =	vpop (xrf1)  }
0x13a: {  	v16 =	vxor.u32 $0x80000000, v16  }
0x13b: {  	v18 =	vperm.xlane v16, v0;
	_ =	sdelay $0x1  }
0x13c: {  	vm5 =	veq.s32 v18, v16;
	v18 =	vperm.xlane v17, v0  }
0x13d: {  	vm5 =	vmand vm5, vm0  }
0x13e: {  	v18 =	vnsel vm5, $0x0, v18  }
0x13f: {  	v17 =	vadd.f32 v18, v17;
	v18 =	vperm.xlane v16, v1;
	_ =	sdelay $0x1  }
0x140: {  	vm5 =	veq.s32 v18, v16;
	v18 =	vperm.xlane v17, v1  }
0x141: {  	vm5 =	vmand vm5, vm1  }
0x142: {  	v18 =	vnsel vm5, $0x0, v18  }
0x143: {  	v17 =	vadd.f32 v17, v18;
	v18 =	vperm.xlane v16, v3;
	_ =	sdelay $0x1  }
0x144: {  	vm5 =	veq.s32 v18, v16;
	v18 =	vperm.xlane v17, v3  }
0x145: {  	vm5 =	vmand vm5, vm2  }
0x146: {  	v18 =	vnsel vm5, $0x0, v18  }
0x147: {  	v19 =	vperm.xlane v16, v6;
	v17 =	vadd.f32 v17, v18;
	v18 =	vperm.xlane v16, v5  }
0x148: {  	[tilespmem:$0x9100] =	vst v15  }
0x149: {  	vm6 =	vne.s32 v16, v19;
	vm5 =	veq.s32 v18, v16;
	v15 =	vperm.xlane v17, v5;
	v18 =	vld.idx.msk [tilespmem:v16+s1+$0x0], $0xffff  }
0x14a: {  	vm6 =	vmor vm6, vm4;
	vm5 =	vmand vm5, vm3  }
0x14b: {  	v15 =	vnsel vm5, $0x0, v15  }
0x14c: {  	v15 =	vadd.f32 v17, v15;
	_ =	sdelay $0x1  }
0x14d: {  	v15 =	vadd.f32 v15, v18;
	_ =	sdelay $0x1  }
0x14e: {  	[tilespmem:v16+s1+$0x0] =	vst.idx.msk vm6, v15  }
0x14f: {  	v15 =	vld [tilespmem:$0x9110];
	_ =	sdelay $0x4  }
0x150: {  	v15 =	vmul.f32 $1.442695020e+00, v15;
	_ =	sdelay $0x1  }
0x151: {  	vm5 =	vge.f32 v15, $0.0e+00  }
0x152: {  	v16 =	vsel vm5, $0x3F000000, v4  }
0x153: {  	v16 =	vadd.f32 v16, v15;
	_ =	sdelay $0x1  }
0x154: {  	v16 =	vtrunc.f32 v16  }
0x155: {  	v16 =	vcvt.f32.s32 v16;
	_ =	sdelay $0x1  }
0x156: {  	v17 =	vcvt.s32.f32 v16;
	_ =	sdelay $0x1  }
0x157: {  	v15 =	vsub.f32 v15, v17;
	_ =	sdelay $0x1  }
0x158: {  	v15 =	vmul.f32 $6.931471820e-01, v15;
	_ =	sdelay $0x1  }
0x159: {  	v17 =	vmul.f32 $1.388888920e-03, v15;
	_ =	sdelay $0x1  }
0x15a: {  	v17 =	vadd.f32 $8.333333770e-03, v17;
	_ =	sdelay $0x1  }
0x15b: {  	v17 =	vmul.f32 v17, v15;
	_ =	sdelay $0x1  }
0x15c: {  	v17 =	vadd.f32 $4.166666790e-02, v17;
	_ =	sdelay $0x1  }
0x15d: {  	v17 =	vmul.f32 v17, v15;
	_ =	sdelay $0x1  }
0x15e: {  	v17 =	vadd.f32 $1.666666720e-01, v17;
	_ =	sdelay $0x1  }
0x15f: {  	v17 =	vmul.f32 v17, v15;
	_ =	sdelay $0x1  }
0x160: {  	v17 =	vadd.f32 $5.000000000e-01, v17;
	_ =	sdelay $0x1  }
0x161: {  	v17 =	vmul.f32 v17, v15;
	_ =	sdelay $0x1  }
0x162: {  	vm5 =	vgt.s32 v16, $0xFFFFFF82;
	v17 =	vadd.f32 $1.000000000e+00, v17  }
0x163: {  	v16 =	vnsel vm5, $0xFFFFFF82, v16  }
0x164: {  	vm5 =	vlt.s32 v16, $0x7F;
	v15 =	vmul.f32 v17, v15  }
0x165: {  	v16 =	vnsel vm5, $0x7F, v16;
	v17 =	vld [tilespmem:$0x90]  }
0x166: {  	v16 =	vshll.u32 v16, $0x17;
	v15 =	vadd.f32 $1.000000000e+00, v15  }
0x167: {  	v16 =	vadd.s32 $0x3F800000, v16  }
0x168: {  	s13 =	sor.u32 $0x10, s11;
	v15 =	vmul.f32 v16, v15  }
0x169: {  	p2 =	slt.u32 s13, $0x50910  }
0x16a: {  	v16 =	vxor.u32 $0x80000000, v17;
	v15 =	vpsel !p2, $0x0, v15  }
0x16b: {  	(xrf1) =	vsort.ascd.msk.u32 $0xffff, v16, v15;
	_ =	sdelay $0xd  }
0x16c: {  	v16, v17, _ =	vpop (xrf1)  }
0x16d: {  	v16 =	vxor.u32 $0x80000000, v16  }
0x16e: {  	v18 =	vperm.xlane v16, v0;
	_ =	sdelay $0x1  }
0x16f: {  	vm5 =	veq.s32 v18, v16;
	v18 =	vperm.xlane v17, v0  }
0x170: {  	vm5 =	vmand vm5, vm0  }
0x171: {  	v18 =	vnsel vm5, $0x0, v18  }
0x172: {  	v17 =	vadd.f32 v18, v17;
	v18 =	vperm.xlane v16, v1;
	_ =	sdelay $0x1  }
0x173: {  	vm5 =	veq.s32 v18, v16;
	v18 =	vperm.xlane v17, v1  }
0x174: {  	vm5 =	vmand vm5, vm1  }
0x175: {  	v18 =	vnsel vm5, $0x0, v18  }
0x176: {  	v17 =	vadd.f32 v17, v18;
	v18 =	vperm.xlane v16, v3;
	_ =	sdelay $0x1  }
0x177: {  	vm5 =	veq.s32 v18, v16;
	v18 =	vperm.xlane v17, v3  }
0x178: {  	vm5 =	vmand vm5, vm2  }
0x179: {  	v18 =	vnsel vm5, $0x0, v18  }
0x17a: {  	v19 =	vperm.xlane v16, v6;
	v17 =	vadd.f32 v17, v18;
	v18 =	vperm.xlane v16, v5  }
0x17b: {  	[tilespmem:$0x9110] =	vst v15  }
0x17c: {  	vm6 =	vne.s32 v16, v19;
	vm5 =	veq.s32 v18, v16;
	v15 =	vperm.xlane v17, v5;
	v18 =	vld.idx.msk [tilespmem:v16+s1+$0x0], $0xffff  }
0x17d: {  	vm6 =	vmor vm6, vm4;
	vm5 =	vmand vm5, vm3  }
0x17e: {  	v15 =	vnsel vm5, $0x0, v15  }
0x17f: {  	v15 =	vadd.f32 v17, v15;
	_ =	sdelay $0x1  }
0x180: {  	v15 =	vadd.f32 v15, v18;
	_ =	sdelay $0x1  }
0x181: {  	[tilespmem:v16+s1+$0x0] =	vst.idx.msk vm6, v15  }
0x182: {  	v15 =	vld [tilespmem:$0x9120];
	_ =	sdelay $0x4  }
0x183: {  	v15 =	vmul.f32 $1.442695020e+00, v15;
	_ =	sdelay $0x1  }
0x184: {  	vm5 =	vge.f32 v15, $0.0e+00  }
0x185: {  	v16 =	vsel vm5, $0x3F000000, v4  }
0x186: {  	v16 =	vadd.f32 v16, v15;
	_ =	sdelay $0x1  }
0x187: {  	v16 =	vtrunc.f32 v16  }
0x188: {  	v16 =	vcvt.f32.s32 v16;
	_ =	sdelay $0x1  }
0x189: {  	v17 =	vcvt.s32.f32 v16;
	_ =	sdelay $0x1  }
0x18a: {  	v15 =	vsub.f32 v15, v17;
	_ =	sdelay $0x1  }
0x18b: {  	v15 =	vmul.f32 $6.931471820e-01, v15;
	_ =	sdelay $0x1  }
0x18c: {  	v17 =	vmul.f32 $1.388888920e-03, v15;
	_ =	sdelay $0x1  }
0x18d: {  	v17 =	vadd.f32 $8.333333770e-03, v17;
	_ =	sdelay $0x1  }
0x18e: {  	v17 =	vmul.f32 v17, v15;
	_ =	sdelay $0x1  }
0x18f: {  	v17 =	vadd.f32 $4.166666790e-02, v17;
	_ =	sdelay $0x1  }
0x190: {  	v17 =	vmul.f32 v17, v15;
	_ =	sdelay $0x1  }
0x191: {  	v17 =	vadd.f32 $1.666666720e-01, v17;
	_ =	sdelay $0x1  }
0x192: {  	v17 =	vmul.f32 v17, v15;
	_ =	sdelay $0x1  }
0x193: {  	v17 =	vadd.f32 $5.000000000e-01, v17;
	_ =	sdelay $0x1  }
0x194: {  	v17 =	vmul.f32 v17, v15;
	_ =	sdelay $0x1  }
0x195: {  	vm5 =	vgt.s32 v16, $0xFFFFFF82;
	v17 =	vadd.f32 $1.000000000e+00, v17  }
0x196: {  	v16 =	vnsel vm5, $0xFFFFFF82, v16  }
0x197: {  	vm5 =	vlt.s32 v16, $0x7F;
	v15 =	vmul.f32 v17, v15  }
0x198: {  	v16 =	vnsel vm5, $0x7F, v16;
	v17 =	vld [tilespmem:$0xA0]  }
0x199: {  	v16 =	vshll.u32 v16, $0x17;
	v15 =	vadd.f32 $1.000000000e+00, v15  }
0x19a: {  	v16 =	vadd.s32 $0x3F800000, v16  }
0x19b: {  	s14 =	sadd.s32 $0x20, s11;
	v15 =	vmul.f32 v16, v15  }
0x19c: {  	p3 =	slt.u32 s14, $0x50910  }
0x19d: {  	v16 =	vxor.u32 $0x80000000, v17;
	v15 =	vpsel !p3, $0x0, v15  }
0x19e: {  	(xrf1) =	vsort.ascd.msk.u32 $0xffff, v16, v15;
	_ =	sdelay $0xd  }
0x19f: {  	v16, v17, _ =	vpop (xrf1)  }
0x1a0: {  	v16 =	vxor.u32 $0x80000000, v16  }
0x1a1: {  	v18 =	vperm.xlane v16, v0;
	_ =	sdelay $0x1  }
0x1a2: {  	vm5 =	veq.s32 v18, v16;
	v18 =	vperm.xlane v17, v0  }
0x1a3: {  	vm5 =	vmand vm5, vm0  }
0x1a4: {  	v18 =	vnsel vm5, $0x0, v18  }
0x1a5: {  	v17 =	vadd.f32 v18, v17;
	v18 =	vperm.xlane v16, v1;
	_ =	sdelay $0x1  }
0x1a6: {  	vm5 =	veq.s32 v18, v16;
	v18 =	vperm.xlane v17, v1  }
0x1a7: {  	vm5 =	vmand vm5, vm1  }
0x1a8: {  	v18 =	vnsel vm5, $0x0, v18  }
0x1a9: {  	v17 =	vadd.f32 v17, v18;
	v18 =	vperm.xlane v16, v3;
	_ =	sdelay $0x1  }
0x1aa: {  	vm5 =	veq.s32 v18, v16;
	v18 =	vperm.xlane v17, v3  }
0x1ab: {  	vm5 =	vmand vm5, vm2  }
0x1ac: {  	v18 =	vnsel vm5, $0x0, v18  }
0x1ad: {  	v19 =	vperm.xlane v16, v6;
	v17 =	vadd.f32 v17, v18;
	v18 =	vperm.xlane v16, v5  }
0x1ae: {  	[tilespmem:$0x9120] =	vst v15  }
0x1af: {  	vm6 =	vne.s32 v16, v19;
	vm5 =	veq.s32 v18, v16;
	v15 =	vperm.xlane v17, v5;
	v18 =	vld.idx.msk [tilespmem:v16+s1+$0x0], $0xffff  }
0x1b0: {  	vm6 =	vmor vm6, vm4;
	vm5 =	vmand vm5, vm3  }
0x1b1: {  	v15 =	vnsel vm5, $0x0, v15  }
0x1b2: {  	v15 =	vadd.f32 v17, v15;
	_ =	sdelay $0x1  }
0x1b3: {  	v15 =	vadd.f32 v15, v18;
	_ =	sdelay $0x1  }
0x1b4: {  	[tilespmem:v16+s1+$0x0] =	vst.idx.msk vm6, v15  }
0x1b5: {  	v15 =	vld [tilespmem:$0x9130];
	_ =	sdelay $0x4  }
0x1b6: {  	v15 =	vmul.f32 $1.442695020e+00, v15;
	_ =	sdelay $0x1  }
0x1b7: {  	vm5 =	vge.f32 v15, $0.0e+00  }
0x1b8: {  	v16 =	vsel vm5, $0x3F000000, v4  }
0x1b9: {  	v16 =	vadd.f32 v16, v15;
	_ =	sdelay $0x1  }
0x1ba: {  	v16 =	vtrunc.f32 v16  }
0x1bb: {  	v16 =	vcvt.f32.s32 v16;
	_ =	sdelay $0x1  }
0x1bc: {  	v17 =	vcvt.s32.f32 v16;
	_ =	sdelay $0x1  }
0x1bd: {  	v15 =	vsub.f32 v15, v17;
	_ =	sdelay $0x1  }
0x1be: {  	v15 =	vmul.f32 $6.931471820e-01, v15;
	_ =	sdelay $0x1  }
0x1bf: {  	v17 =	vmul.f32 $1.388888920e-03, v15;
	_ =	sdelay $0x1  }
0x1c0: {  	v17 =	vadd.f32 $8.333333770e-03, v17;
	_ =	sdelay $0x1  }
0x1c1: {  	v17 =	vmul.f32 v17, v15;
	_ =	sdelay $0x1  }
0x1c2: {  	v17 =	vadd.f32 $4.166666790e-02, v17;
	_ =	sdelay $0x1  }
0x1c3: {  	v17 =	vmul.f32 v17, v15;
	_ =	sdelay $0x1  }
0x1c4: {  	v17 =	vadd.f32 $1.666666720e-01, v17;
	_ =	sdelay $0x1  }
0x1c5: {  	v17 =	vmul.f32 v17, v15;
	_ =	sdelay $0x1  }
0x1c6: {  	v17 =	vadd.f32 $5.000000000e-01, v17;
	_ =	sdelay $0x1  }
0x1c7: {  	v17 =	vmul.f32 v17, v15;
	_ =	sdelay $0x1  }
0x1c8: {  	vm5 =	vgt.s32 v16, $0xFFFFFF82;
	v17 =	vadd.f32 $1.000000000e+00, v17  }
0x1c9: {  	v16 =	vnsel vm5, $0xFFFFFF82, v16  }
0x1ca: {  	vm5 =	vlt.s32 v16, $0x7F;
	v15 =	vmul.f32 v17, v15  }
0x1cb: {  	v16 =	vnsel vm5, $0x7F, v16;
	v17 =	vld [tilespmem:$0xB0]  }
0x1cc: {  	v16 =	vshll.u32 v16, $0x17;
	v15 =	vadd.f32 $1.000000000e+00, v15  }
0x1cd: {  	v16 =	vadd.s32 $0x3F800000, v16  }
0x1ce: {  	s15 =	sadd.s32 $0x30, s11;
	v15 =	vmul.f32 v16, v15  }
0x1cf: {  	p4 =	slt.u32 s15, $0x50910  }
0x1d0: {  	v16 =	vxor.u32 $0x80000000, v17;
	v15 =	vpsel !p4, $0x0, v15  }
0x1d1: {  	(xrf1) =	vsort.ascd.msk.u32 $0xffff, v16, v15;
	_ =	sdelay $0xd  }
0x1d2: {  	v16, v17, _ =	vpop (xrf1)  }
0x1d3: {  	v16 =	vxor.u32 $0x80000000, v16  }
0x1d4: {  	v18 =	vperm.xlane v16, v0;
	_ =	sdelay $0x1  }
0x1d5: {  	vm5 =	veq.s32 v18, v16;
	v18 =	vperm.xlane v17, v0  }
0x1d6: {  	vm5 =	vmand vm5, vm0  }
0x1d7: {  	v18 =	vnsel vm5, $0x0, v18  }
0x1d8: {  	v17 =	vadd.f32 v18, v17;
	v18 =	vperm.xlane v16, v1;
	_ =	sdelay $0x1  }
0x1d9: {  	vm5 =	veq.s32 v18, v16;
	v18 =	vperm.xlane v17, v1  }
0x1da: {  	vm5 =	vmand vm5, vm1  }
0x1db: {  	v18 =	vnsel vm5, $0x0, v18  }
0x1dc: {  	v17 =	vadd.f32 v17, v18;
	v18 =	vperm.xlane v16, v3;
	_ =	sdelay $0x1  }
0x1dd: {  	vm5 =	veq.s32 v18, v16;
	v18 =	vperm.xlane v17, v3  }
0x1de: {  	vm5 =	vmand vm5, vm2  }
0x1df: {  	v18 =	vnsel vm5, $0x0, v18  }
0x1e0: {  	v19 =	vperm.xlane v16, v6;
	v17 =	vadd.f32 v17, v18;
	v18 =	vperm.xlane v16, v5  }
0x1e1: {  	[tilespmem:$0x9130] =	vst v15  }
0x1e2: {  	vm6 =	vne.s32 v16, v19;
	vm5 =	veq.s32 v18, v16;
	v15 =	vperm.xlane v17, v5;
	v18 =	vld.idx.msk [tilespmem:v16+s1+$0x0], $0xffff  }
0x1e3: {  	vm6 =	vmor vm6, vm4;
	vm5 =	vmand vm5, vm3  }
0x1e4: {  	v15 =	vnsel vm5, $0x0, v15  }
0x1e5: {  	v15 =	vadd.f32 v17, v15;
	_ =	sdelay $0x1  }
0x1e6: {  	v15 =	vadd.f32 v15, v18;
	_ =	sdelay $0x1  }
0x1e7: {  	[tilespmem:v16+s1+$0x0] =	vst.idx.msk vm6, v15  }
0x1e8: {  	v15 =	vld [tilespmem:$0x9140];
	_ =	sdelay $0x4  }
0x1e9: {  	v15 =	vmul.f32 $1.442695020e+00, v15;
	_ =	sdelay $0x1  }
0x1ea: {  	vm5 =	vge.f32 v15, $0.0e+00  }
0x1eb: {  	v16 =	vsel vm5, $0x3F000000, v4  }
0x1ec: {  	v16 =	vadd.f32 v16, v15;
	_ =	sdelay $0x1  }
0x1ed: {  	v16 =	vtrunc.f32 v16  }
0x1ee: {  	v16 =	vcvt.f32.s32 v16;
	_ =	sdelay $0x1  }
0x1ef: {  	v17 =	vcvt.s32.f32 v16;
	_ =	sdelay $0x1  }
0x1f0: {  	v15 =	vsub.f32 v15, v17;
	_ =	sdelay $0x1  }
0x1f1: {  	v15 =	vmul.f32 $6.931471820e-01, v15;
	_ =	sdelay $0x1  }
0x1f2: {  	v17 =	vmul.f32 $1.388888920e-03, v15;
	_ =	sdelay $0x1  }
0x1f3: {  	v17 =	vadd.f32 $8.333333770e-03, v17;
	_ =	sdelay $0x1  }
0x1f4: {  	v17 =	vmul.f32 v17, v15;
	_ =	sdelay $0x1  }
0x1f5: {  	v17 =	vadd.f32 $4.166666790e-02, v17;
	_ =	sdelay $0x1  }
0x1f6: {  	v17 =	vmul.f32 v17, v15;
	_ =	sdelay $0x1  }
0x1f7: {  	v17 =	vadd.f32 $1.666666720e-01, v17;
	_ =	sdelay $0x1  }
0x1f8: {  	v17 =	vmul.f32 v17, v15;
	_ =	sdelay $0x1  }
0x1f9: {  	v17 =	vadd.f32 $5.000000000e-01, v17;
	_ =	sdelay $0x1  }
0x1fa: {  	v17 =	vmul.f32 v17, v15;
	_ =	sdelay $0x1  }
0x1fb: {  	vm5 =	vgt.s32 v16, $0xFFFFFF82;
	v17 =	vadd.f32 $1.000000000e+00, v17  }
0x1fc: {  	v16 =	vnsel vm5, $0xFFFFFF82, v16  }
0x1fd: {  	vm5 =	vlt.s32 v16, $0x7F;
	v15 =	vmul.f32 v17, v15  }
0x1fe: {  	v16 =	vnsel vm5, $0x7F, v16;
	v17 =	vld [tilespmem:$0xC0]  }
0x1ff: {  	v16 =	vshll.u32 v16, $0x17;
	v15 =	vadd.f32 $1.000000000e+00, v15  }
0x200: {  	v16 =	vadd.s32 $0x3F800000, v16  }
0x201: {  	s16 =	sadd.s32 $0x40, s11;
	v15 =	vmul.f32 v16, v15  }
0x202: {  	p5 =	slt.u32 s16, $0x50910  }
0x203: {  	v16 =	vxor.u32 $0x80000000, v17;
	v15 =	vpsel !p5, $0x0, v15  }
0x204: {  	(xrf1) =	vsort.ascd.msk.u32 $0xffff, v16, v15;
	_ =	sdelay $0xd  }
0x205: {  	v16, v17, _ =	vpop (xrf1)  }
0x206: {  	v16 =	vxor.u32 $0x80000000, v16  }
0x207: {  	v18 =	vperm.xlane v16, v0;
	_ =	sdelay $0x1  }
0x208: {  	vm5 =	veq.s32 v18, v16;
	v18 =	vperm.xlane v17, v0  }
0x209: {  	vm5 =	vmand vm5, vm0  }
0x20a: {  	v18 =	vnsel vm5, $0x0, v18  }
0x20b: {  	v17 =	vadd.f32 v18, v17;
	v18 =	vperm.xlane v16, v1;
	_ =	sdelay $0x1  }
0x20c: {  	vm5 =	veq.s32 v18, v16;
	v18 =	vperm.xlane v17, v1  }
0x20d: {  	vm5 =	vmand vm5, vm1  }
0x20e: {  	v18 =	vnsel vm5, $0x0, v18  }
0x20f: {  	v17 =	vadd.f32 v17, v18;
	v18 =	vperm.xlane v16, v3;
	_ =	sdelay $0x1  }
0x210: {  	vm5 =	veq.s32 v18, v16;
	v18 =	vperm.xlane v17, v3  }
0x211: {  	vm5 =	vmand vm5, vm2  }
0x212: {  	v18 =	vnsel vm5, $0x0, v18  }
0x213: {  	v19 =	vperm.xlane v16, v6;
	v17 =	vadd.f32 v17, v18;
	v18 =	vperm.xlane v16, v5  }
0x214: {  	[tilespmem:$0x9140] =	vst v15  }
0x215: {  	vm6 =	vne.s32 v16, v19;
	vm5 =	veq.s32 v18, v16;
	v15 =	vperm.xlane v17, v5;
	v18 =	vld.idx.msk [tilespmem:v16+s1+$0x0], $0xffff  }
0x216: {  	vm6 =	vmor vm6, vm4;
	vm5 =	vmand vm5, vm3  }
0x217: {  	v15 =	vnsel vm5, $0x0, v15  }
0x218: {  	v15 =	vadd.f32 v17, v15;
	_ =	sdelay $0x1  }
0x219: {  	v15 =	vadd.f32 v15, v18;
	_ =	sdelay $0x1  }
0x21a: {  	[tilespmem:v16+s1+$0x0] =	vst.idx.msk vm6, v15  }
0x21b: {  	v15 =	vld [tilespmem:$0x9150];
	_ =	sdelay $0x4  }
0x21c: {  	v15 =	vmul.f32 $1.442695020e+00, v15;
	_ =	sdelay $0x1  }
0x21d: {  	vm5 =	vge.f32 v15, $0.0e+00  }
0x21e: {  	v16 =	vsel vm5, $0x3F000000, v4  }
0x21f: {  	v16 =	vadd.f32 v16, v15;
	_ =	sdelay $0x1  }
0x220: {  	v16 =	vtrunc.f32 v16  }
0x221: {  	v16 =	vcvt.f32.s32 v16;
	_ =	sdelay $0x1  }
0x222: {  	v17 =	vcvt.s32.f32 v16;
	_ =	sdelay $0x1  }
0x223: {  	v15 =	vsub.f32 v15, v17;
	_ =	sdelay $0x1  }
0x224: {  	v15 =	vmul.f32 $6.931471820e-01, v15;
	_ =	sdelay $0x1  }
0x225: {  	v17 =	vmul.f32 $1.388888920e-03, v15;
	_ =	sdelay $0x1  }
0x226: {  	v17 =	vadd.f32 $8.333333770e-03, v17;
	_ =	sdelay $0x1  }
0x227: {  	v17 =	vmul.f32 v17, v15;
	_ =	sdelay $0x1  }
0x228: {  	v17 =	vadd.f32 $4.166666790e-02, v17;
	_ =	sdelay $0x1  }
0x229: {  	v17 =	vmul.f32 v17, v15;
	_ =	sdelay $0x1  }
0x22a: {  	v17 =	vadd.f32 $1.666666720e-01, v17;
	_ =	sdelay $0x1  }
0x22b: {  	v17 =	vmul.f32 v17, v15;
	_ =	sdelay $0x1  }
0x22c: {  	v17 =	vadd.f32 $5.000000000e-01, v17;
	_ =	sdelay $0x1  }
0x22d: {  	v17 =	vmul.f32 v17, v15;
	_ =	sdelay $0x1  }
0x22e: {  	vm5 =	vgt.s32 v16, $0xFFFFFF82;
	v17 =	vadd.f32 $1.000000000e+00, v17  }
0x22f: {  	v16 =	vnsel vm5, $0xFFFFFF82, v16  }
0x230: {  	vm5 =	vlt.s32 v16, $0x7F;
	v15 =	vmul.f32 v17, v15  }
0x231: {  	v16 =	vnsel vm5, $0x7F, v16;
	v17 =	vld [tilespmem:$0xD0]  }
0x232: {  	v16 =	vshll.u32 v16, $0x17;
	v15 =	vadd.f32 $1.000000000e+00, v15  }
0x233: {  	v16 =	vadd.s32 $0x3F800000, v16  }
0x234: {  	s18 =	sadd.s32 $0x50, s11;
	v15 =	vmul.f32 v16, v15  }
0x235: {  	p6 =	slt.u32 s18, $0x50910  }
0x236: {  	v16 =	vxor.u32 $0x80000000, v17;
	v15 =	vpsel !p6, $0x0, v15  }
0x237: {  	(xrf1) =	vsort.ascd.msk.u32 $0xffff, v16, v15;
	_ =	sdelay $0xd  }
0x238: {  	v16, v17, _ =	vpop (xrf1)  }
0x239: {  	v16 =	vxor.u32 $0x80000000, v16  }
0x23a: {  	v18 =	vperm.xlane v16, v0;
	_ =	sdelay $0x1  }
0x23b: {  	vm5 =	veq.s32 v18, v16;
	v18 =	vperm.xlane v17, v0  }
0x23c: {  	vm5 =	vmand vm5, vm0  }
0x23d: {  	v18 =	vnsel vm5, $0x0, v18  }
0x23e: {  	v17 =	vadd.f32 v18, v17;
	v18 =	vperm.xlane v16, v1;
	_ =	sdelay $0x1  }
0x23f: {  	vm5 =	veq.s32 v18, v16;
	v18 =	vperm.xlane v17, v1  }
0x240: {  	vm5 =	vmand vm5, vm1  }
0x241: {  	v18 =	vnsel vm5, $0x0, v18  }
0x242: {  	v17 =	vadd.f32 v17, v18;
	v18 =	vperm.xlane v16, v3;
	_ =	sdelay $0x1  }
0x243: {  	vm5 =	veq.s32 v18, v16;
	v18 =	vperm.xlane v17, v3  }
0x244: {  	vm5 =	vmand vm5, vm2  }
0x245: {  	v18 =	vnsel vm5, $0x0, v18  }
0x246: {  	v17 =	vadd.f32 v17, v18;
	v18 =	vperm.xlane v16, v5;
	_ =	sdelay $0x1  }
0x247: {  	[tilespmem:$0x9150] =	vst v15;
	v19 =	vperm.xlane v16, v6;
	vm5 =	veq.s32 v18, v16;
	v15 =	vperm.xlane v17, v5  }
0x248: {  	vm5 =	vmand vm5, vm3  }
0x249: {  	s19 =	simm.s32 $0x0;
	vm6 =	vne.s32 v16, v19;
	v18 =	vld.idx.msk [tilespmem:v16+s1+$0x0], $0xffff;
	v15 =	vnsel vm5, $0x0, v15  }
0x24a: {  	vm6 =	vmor vm6, vm4;
	v15 =	vadd.f32 v17, v15;
	v17 =	vmov s19  }
0x24b: {  	v17 =	vand.u32 $0xFFFFFFFE, v17  }
0x24c: {  	v17 =	vbroadcast v17, $0x0;
	_ =	sdelay $0x1  }
0x24d: {  	v15 =	vadd.f32 v15, v18;
	_ =	sdelay $0x1  }
0x24e: {  	s11 =	simm.s32 $0x180;
	[tilespmem:v16+s1+$0x0] =	vst.idx.msk vm6, v15  }
0x24f: {  	v16 =	vld [tilespmem:s11+$0xFFFFFFF0]  }
0x250: {  	v17 =	vld.idx.msk [tilespmem:v17+s0+$0x0], $0xffff  }
0x251: {  	v20 =	vld [tilespmem:s11+$0xFFFFFF80]  }
0x252: {  	v58 =	vld [tilespmem:s11+$0xFFFFFFA0]  }
0x253: {  	v19 =	vld [tilespmem:s11+$0xFFFFFFB0]  }
0x254: {  	v18 =	vld [tilespmem:s11+$0xFFFFFFD0]  }
0x255: {  	v60 =	vld [tilespmem:s11+$0xFFFFFF90];
	v62 =	vmul.f32 v16, v17  }
0x256: {  	v59 =	vld [tilespmem:s11+$0xFFFFFFE0];
	v20 =	vmul.f32 v20, v17  }
0x257: {  	v61 =	vld [tilespmem:s11+$0xFFFFFFC0];
	v21 =	vmul.f32 v58, v17;
	[tilespmem:s11+$0xFFFFFFF0] =	vst v62  }
0x258: {  	v19 =	vmul.f32 v19, v17;
	[tilespmem:s11+$0xFFFFFF80] =	vst v20  }
0x259: {  	s20 =	simm.s32 $0x1;
	v18 =	vmul.f32 v18, v17;
	[tilespmem:s11+$0xFFFFFFA0] =	vst v21  }
0x25a: {  	v63 =	vmov s20;
	v20 =	vmul.f32 v60, v17;
	[tilespmem:s11+$0xFFFFFFB0] =	vst v19  }
0x25b: {  	v15 =	vld [tilespmem:s11+$0x0];
	v19 =	vmul.f32 v59, v17;
	[tilespmem:s11+$0xFFFFFFD0] =	vst v18  }
0x25c: {  	v16 =	vld [tilespmem:s11+$0x10];
	v17 =	vmul.f32 v61, v17;
	[tilespmem:s11+$0xFFFFFF90] =	vst v20  }
0x25d: {  	v18 =	vld [tilespmem:s11+$0x70];
	[tilespmem:s11+$0xFFFFFFE0] =	vst v19  }
0x25e: {  	v19 =	vld [tilespmem:s11+$0x30];
	[tilespmem:s11+$0xFFFFFFC0] =	vst v17  }
0x25f: {  	s10 =	simm.s32 $0x2;
	s12 =	simm.s32 $0x180;
	v17 =	vld.idx.msk [tilespmem:v63+s0+$0x0], $0xffff  }
.LBB2_9:
0x260: {  	p0 =	slt.u32 s10, $0x5E  }
0x261: {  	v20 =	vld [tilespmem:s11+$0x20];
	s12 =	sadd.s32 $0x100, s12;
	s13 =	smov.u32 s10;
	s10 =	sadd.s32 $0x2, s10  }
0x262: {  	v21 =	vld [tilespmem:s11+$0x40]  }
0x263: {  	v22 =	vld [tilespmem:s11+$0x50]  }
0x264: {  	v23 =	vld [tilespmem:s11+$0x60];
	_ =	sdelay $0x1  }
0x265: {  	v15 =	vmul.f32 v15, v17;
	v16 =	vmul.f32 v16, v17  }
0x266: {  	v19 =	vmul.f32 v19, v17;
	v20 =	vmul.f32 v20, v17  }
0x267: {  	v24 =	vmov s13;
	v21 =	vmul.f32 v21, v17;
	[tilespmem:s11+$0x0] =	vst v15;
	v22 =	vmul.f32 v22, v17  }
0x268: {  	v24 =	vand.u32 $0xFFFFFFFE, v24;
	v15 =	vld [tilespmem:s12+$0x0];
	[tilespmem:s11+$0x30] =	vst v19;
	v19 =	vmul.f32 v23, v17;
	v17 =	vmul.f32 v18, v17  }
0x269: {  	v18 =	vbroadcast v24, $0x0;
	[tilespmem:s11+$0x10] =	vst v16  }
0x26a: {  	[tilespmem:s11+$0x70] =	vst v17  }
0x26b: {  	v17 =	vld [tilespmem:s12+$0xFFFFFFD0];
	[tilespmem:s11+$0x20] =	vst v20  }
0x26c: {  	v20 =	vld [tilespmem:s12+$0xFFFFFFB0];
	[tilespmem:s11+$0x60] =	vst v19  }
0x26d: {  	v19 =	vld [tilespmem:s12+$0xFFFFFFE0];
	[tilespmem:s11+$0x40] =	vst v21  }
0x26e: {  	v21 =	vld [tilespmem:s12+$0xFFFFFFF0];
	[tilespmem:s11+$0x50] =	vst v22;
	s11 =	smov.u32 s12  }
0x26f: {  	v18 =	vld.idx.msk [tilespmem:v18+s0+$0x0], $0xffff  }
0x270: {  	v22 =	vld [tilespmem:s12+$0xFFFFFF80]  }
0x271: {  	v23 =	vld [tilespmem:s12+$0xFFFFFFA0]  }
0x272: {  	v24 =	vld [tilespmem:s12+$0xFFFFFF90]  }
0x273: {  	v25 =	vld [tilespmem:s12+$0xFFFFFFC0]  }
0x274: {  	v16 =	vld [tilespmem:s12+$0x10]  }
0x275: {  	v21 =	vmul.f32 v21, v18;
	v22 =	vmul.f32 v22, v18  }
0x276: {  	v19 =	vmul.f32 v19, v18;
	v23 =	vmul.f32 v23, v18  }
0x277: {  	v20 =	vmul.f32 v20, v18;
	v24 =	vmul.f32 v24, v18;
	[tilespmem:s12+$0xFFFFFFF0] =	vst v21  }
0x278: {  	v17 =	vmul.f32 v17, v18;
	[tilespmem:s12+$0xFFFFFF80] =	vst v22;
	v21 =	vmul.f32 v25, v18  }
0x279: {  	s3 =	sadd.s32 $0x1, s13;
	[tilespmem:s12+$0xFFFFFFA0] =	vst v23  }
0x27a: {  	[tilespmem:s12+$0xFFFFFFB0] =	vst v20;
	v20 =	vmov s3  }
.Ltmp3:
0x27b: {  	[tilespmem:s12+$0xFFFFFFD0] =	vst v17;
	(pc) =	sbr.rel @p0 .LBB2_9-.Ltmp3, $4  }
0x27c: {  	[tilespmem:s12+$0xFFFFFF90] =	vst v24  }
0x27d: {  	[tilespmem:s12+$0xFFFFFFE0] =	vst v19;
	v19 =	vld [tilespmem:s12+$0x30]  }
0x27e: {  	[tilespmem:s12+$0xFFFFFFC0] =	vst v21;
	v18 =	vld [tilespmem:s12+$0x70]  }
0x27f: {  	v17 =	vld.idx.msk [tilespmem:v20+s0+$0x0], $0xffff  }
0x280: {  	_ =	sdelay $0x1  }
0x281: {  	v20 =	vld [tilespmem:s11+$0x20]  }
0x282: {  	v21 =	vld [tilespmem:s11+$0x60]  }
0x283: {  	v15 =	vmul.f32 v15, v17  }
0x284: {  	v23 =	vld [tilespmem:s11+$0x50];
	v19 =	vmul.f32 v19, v17  }
0x285: {  	v22 =	vld [tilespmem:s11+$0x40];
	v16 =	vmul.f32 v16, v17;
	[tilespmem:s11+$0x0] =	vst v15  }
0x286: {  	v61 =	vmul.f32 v20, v17;
	[tilespmem:s11+$0x30] =	vst v19  }
0x287: {  	v62 =	vmul.f32 v21, v17;
	[tilespmem:s11+$0x10] =	vst v16  }
0x288: {  	v15 =	vmul.f32 v18, v17;
	[tilespmem:s11+$0x20] =	vst v61  }
0x289: {  	v63 =	vmul.f32 v23, v17;
	[tilespmem:s11+$0x60] =	vst v62  }
0x28a: {  	s4 =	sadd.s32 $0x1, s4;
	[tilespmem:s11+$0x70] =	vst v15;
	v15 =	vmul.f32 v22, v17  }
0x28b: {  	p0 =	sne.s32 s4, $0x6C;
	[tilespmem:s11+$0x50] =	vst v63  }
.Ltmp4:
0x28c: {  	[tilespmem:s11+$0x40] =	vst v15;
	(pc) =	sbr.rel @p0 .LBB2_6-.Ltmp4, $4  }
0x28d: {  	[spmem:s2] =	stream.indirect.scatter.add.f32 [tilespmem:s21], [sflag:$0x4], $0x80, s24, s28, $0xb8;
	[tilespmem:$0x1F580] =	vst v63  }
0x28e: {  	_ =	swait.ge [sflag:s22], $0x3000  }
0x28f: {  	[sflag:s22] =	ssyncset.done $0x0  }
0x290: {  	[sflag:s22] =	ssyncadd.s32 $0xFFFFD000  }
0x291: {  	s3 =	stileid.u32;
	[bflag:$0x0] =	sbarrier.arrive $0xFFFF  }
0x292: {  	s3 =	sshll.u32 s3, $0x6;
	s11 =	rddreg [dreg:$0x5]  }
0x293: {  	s10 =	rddreg [dreg:$0xc];
	s3 =	sor.u32 $0x1C04, s3;
	s4 =	sshrl.u32 s11, $0x3  }
0x294: {  	[hbm:s10], [sflag:s3] =	dma.local [spmem:s4], $0x2780  }
0x295: {  	_ =	swait.ge [sflag:s22], $0x2780  }
0x296: {  	[sflag:s22] =	ssyncset.done $0x0  }
0x297: {  	s18 =	simm.s32 $0x400;
	s16 =	rddreg [dreg:$0xd];
	[sflag:s22] =	ssyncadd.s32 $0xFFFFD880  }
0x298: {  	[hbm4b:s16+s24] =	stream.strided.scatter [tilespmem:s1], [sflag:$0x4], $0x2780, s18, s24, $0x38;
	[tilespmem:$0x1F580] =	vst v63  }
0x299: {  	_ =	swait.ge [sflag:s22], $0x2780  }
0x29a: {  	s19 =	rddreg [dreg:$0x4]  }
0x29b: {  	s20 =	rddreg [dreg:$0xe];
	s3 =	sadd.s32 $0x1, s19  }
0x29c: {  	p0 =	sne.s32 s3, s20  }
.Ltmp5:
0x29d: {  	_ = 	snop;
	(pc) =	sbr.rel @p0 .LBB2_1-.Ltmp5, $3  }
0x29e: {  	_ =	sdelay $0x1  }
0x29f: {  	[sflag:s22] =	ssyncset.done $0x0  }
0x2a0: {  	[sflag:s22] =	ssyncadd.s32 $0xFFFFD880  }
0x2a1: {  	_ =	sfence.sel $0x180000  }
0x2a2: {  	[bflag:$0x0] =	sbarrier.arrive $0xFFFF  }
0x2a3: {  	_ =	strace $0x9000004A  }
0x2a4: {  	s0 =	stileid.u32;
	[bflag:$0x2] =	sbarrier.arrive $0xFFFF  }
0x2a5: {  	p0 =	sne.s32 s0, $0x0;
	s0 =	rddreg [dreg:$0x3]  }
0x2a6: {  	s0 =	sadd.s32 @!p0 $0x100000, s0  }
0x2a7: {  	[sflag:s0] =	ssyncadd.tile.s32 @!p0 $0x1;
	_ =	shalt  }
.Lfunc_end2:
_tile_overlayer_lowered:
.L_overlay_start_2:
0x2a8: {  	(tag) =	ssettag $0x2  }
0x2a9: {  	s0 =	rddreg [dreg:$0x0];
	s2 =	stileid.u32  }
0x2aa: {  	s1 =	rddreg [dreg:$0x1];
	p0 =	sne.s32 s2, $0x0  }
0x2ab: {  	s3 =	rddreg [dreg:$0x2];
	[bflag:$0x3] =	sbarrier.arrive $0xFFFF;
	s2 =	simm.s32 @!p0 $0x1C04  }
0x2ac: {  	[timem:s3], [sflag:s2] =	dma.local @!p0 [hbm:s0], s1  }
0x2ad: {  	s0 =	simm.s32 @!p0 $0x4  }
0x2ae: {  	_ =	swait.ge @!p0 [sflag:s0], s1  }
0x2af: {  	s1 =	ssub.s32 @!p0 $0x0, s1;
	[sflag:s0] =	ssyncset.done @!p0 $0x0  }
0x2b0: {  	[sflag:s0] =	ssyncadd.s32 @!p0 s1  }
0x2b1: {  	[bflag:$0x3] =	sbarrier.arrive $0xFFFF  }
0x2b2: {  	_ =	shalt  }

// kernel: kernel.9.cloned.1.call-start
scs
__scs_entry_jumppad:
0x0: {  	(pc) =	sbr.rel $0x88, $3  }
0x1: {  	(tag) =	ssettag $0x0;
	lr =	simm.s32 $0x1  }
0x2: {  	[smem:$0x3F8B] =	sst lr;
	_ =	strace $0xD0000000  }
0x3: {  	_ = 	snop  }
0x4: {  	_ = 	snop  }
0x5: {  	_ = 	snop  }
0x6: {  	_ = 	snop  }
0x7: {  	_ = 	snop  }
__scs_overlays_trampoline_lowered:
0x8: {  	[smem:$0x3F9A] =	sst s0  }
0x9: {  	[smem:$0x3F9B] =	sst s1  }
0xa: {  	[smem:$0x3F9C] =	sst s2  }
0xb: {  	[smem:$0x3F9D] =	sst s3  }
0xc: {  	[smem:$0x3F9E] =	sst s4  }
0xd: {  	[smem:$0x3F9F] =	sst s5  }
0xe: {  	[smem:$0x3FA0] =	sst s6  }
0xf: {  	[smem:$0x3FA1] =	sst s7  }
0x10: {  	[smem:$0x3FA2] =	sst s8  }
0x11: {  	[smem:$0x3FA3] =	sst s9;
	s0 =	simm.s32 @!p0 $0x0  }
0x12: {  	s1 =	sld [smem:$0x3F89];
	s0 =	simm.s32 @p0 $0x1  }
0x13: {  	[smem:$0x3FA4] =	sst s0;
	s0 =	simm.s32 @!p1 $0x0  }
0x14: {  	s2 =	sld [smem:$0x3F88];
	s0 =	simm.s32 @p1 $0x1  }
0x15: {  	[smem:$0x3FA5] =	sst s0;
	s0 =	simm.s32 @!p2 $0x0  }
0x16: {  	s3 =	sld [smem:$0x3FDB];
	s0 =	simm.s32 @p2 $0x1  }
0x17: {  	s4 =	simm.s32 $0x1BF5;
	[smem:$0x3FA7] =	sst s0  }
0x18: {  	s0 =	sld [smem:$0x3F8A];
	_ =	swait.ge [sflag:s4], $0x0  }
0x19: {  	s7 =	sld [smem:$0x3F8B]  }
0x1a: {  	s8 =	sadd.s32 $0xFFFFE003, lr  }
0x1b: {  	s9 =	sadd.s32 $0xFFFFFEF7, lr;
	s5 =	simm.s32 $0xFFFFFFFF;
	p2 =	slt.u32 s8, $0xFFFFF086  }
0x1c: {  	p1 =	slt.u32 s9, $0xF7A;
	s5 =	simm.s32 @!p2 $0x0  }
0x1d: {  	s5 =	simm.s32 @p1 $0x1;
	p0 =	seq.s32 s7, s2  }
0x1e: {  	s7 =	smul.u32 @!p0 $0xF7A, s2;
	p2 =	seq.s32 @!p0 s5, $0x0  }
0x1f: {  	s9 =	smul.u32 $0xF7A, s1;
	s8 =	simm.s32 @!p0 $0x1BF5;
	p2 =	por !p2, p0  }
0x20: {  	[sflag:s8] =	ssyncset.s32 @!p0 $0xFFFFF086;
	s6 =	sadd.s32 @!p0 s3, s7;
	s7 =	simm.s32 @!p0 $0x108  }
0x21: {  	s3 =	sadd.s32 s3, s9;
	s6 =	sadd.s32 @!p0 $0x88, s6;
	s7 =	simm.s32 @p2 $0x1082  }
0x22: {  	[simem:s7], [sflag:s8] =	dma.local @!p0 [hbm:s6], $0xF7A  }
0x23: {  	s9 =	sor.u32 $0xD0000000, s2;
	s6 =	simm.s32 $0x108;
	_ =	swait.ge @!p0 [sflag:s8], $0x0  }
0x24: {  	s3 =	sadd.s32 $0x88, s3;
	s6 =	simm.s32 @!p1 $0x1082;
	[sflag:s4] =	ssyncset.s32 $0xFFFFF086  }
0x25: {  	[simem:s6], [sflag:s4] =	dma.local [hbm:s3], $0xF7A  }
0x26: {  	[smem:$0x3F8B] =	sst s1;
	(tag) =	ssettag s2;
	_ =	strace s9  }
0x27: {  	s1 =	sld [smem:$0x3F9B]  }
0x28: {  	s2 =	sld [smem:$0x3F9C]  }
0x29: {  	s4 =	sld [smem:$0x3F9E]  }
0x2a: {  	p0 =	seq.s32 s5, $0x0;
	s5 =	sld [smem:$0x3F9F]  }
0x2b: {  	s6 =	sld [smem:$0x3FA0]  }
0x2c: {  	s7 =	sld [smem:$0x3FA1]  }
0x2d: {  	s3 =	simm.s32 $0x108;
	s8 =	sld [smem:$0x3FA2]  }
0x2e: {  	s3 =	simm.s32 @!p0 $0x1082;
	s9 =	sld [smem:$0x3FA3]  }
0x2f: {  	lr =	sadd.s32 s0, s3;
	s0 =	sld [smem:$0x3F9A]  }
0x30: {  	s3 =	sld [smem:$0x3F9D]  }
0x31: {  	[smem:$0x3FA6] =	sst s10  }
0x32: {  	s10 =	sld [smem:$0x3FA4];
	_ =	sdelay $0x3  }
0x33: {  	p0 =	seq.s32 s10, $0x1;
	s10 =	sld [smem:$0x3FA6];
	_ =	sdelay $0x3  }
0x34: {  	[smem:$0x3FA6] =	sst s10  }
0x35: {  	s10 =	sld [smem:$0x3FA5];
	_ =	sdelay $0x3  }
0x36: {  	p1 =	seq.s32 s10, $0x1;
	s10 =	sld [smem:$0x3FA6];
	_ =	sdelay $0x3  }
0x37: {  	[smem:$0x3FA6] =	sst s10  }
0x38: {  	s10 =	sld [smem:$0x3FA7]  }
0x39: {  	_ = 	snop;
	(pc) =	sbr.ind lr, $3  }
0x3a: {  	_ = 	snop  }
0x3b: {  	_ = 	snop  }
0x3c: {  	p2 =	seq.s32 s10, $0x1;
	s10 =	sld [smem:$0x3FA6]  }
0x3d: {  	_ =	shalt  }
0x3e: {  	_ =	shalt  }
0x3f: {  	_ =	shalt  }
0x40: {  	_ =	shalt  }
0x41: {  	_ =	shalt  }
0x42: {  	_ =	shalt  }
0x43: {  	_ =	shalt  }
0x44: {  	_ =	shalt  }
0x45: {  	_ =	shalt  }
0x46: {  	_ =	shalt  }
0x47: {  	_ =	shalt  }
0x48: {  	_ =	shalt  }
0x49: {  	_ =	shalt  }
0x4a: {  	_ =	shalt  }
0x4b: {  	_ =	shalt  }
0x4c: {  	_ =	shalt  }
0x4d: {  	_ =	shalt  }
0x4e: {  	_ =	shalt  }
0x4f: {  	_ =	shalt  }
0x50: {  	_ =	shalt  }
0x51: {  	_ =	shalt  }
0x52: {  	_ =	shalt  }
0x53: {  	_ =	shalt  }
0x54: {  	_ =	shalt  }
0x55: {  	_ =	shalt  }
0x56: {  	_ =	shalt  }
0x57: {  	_ =	shalt  }
0x58: {  	_ =	shalt  }
0x59: {  	_ =	shalt  }
0x5a: {  	_ =	shalt  }
0x5b: {  	_ =	shalt  }
0x5c: {  	_ =	shalt  }
0x5d: {  	_ =	shalt  }
0x5e: {  	_ =	shalt  }
0x5f: {  	_ =	shalt  }
0x60: {  	_ =	shalt  }
0x61: {  	_ =	shalt  }
0x62: {  	_ =	shalt  }
0x63: {  	_ =	shalt  }
0x64: {  	_ =	shalt  }
0x65: {  	_ =	shalt  }
0x66: {  	_ =	shalt  }
0x67: {  	_ =	shalt  }
0x68: {  	_ =	shalt  }
0x69: {  	_ =	shalt  }
0x6a: {  	_ =	shalt  }
0x6b: {  	_ =	shalt  }
0x6c: {  	_ =	shalt  }
0x6d: {  	_ =	shalt  }
0x6e: {  	_ =	shalt  }
0x6f: {  	_ =	shalt  }
0x70: {  	_ =	shalt  }
0x71: {  	_ =	shalt  }
0x72: {  	_ =	shalt  }
0x73: {  	_ =	shalt  }
0x74: {  	_ =	shalt  }
0x75: {  	_ =	shalt  }
0x76: {  	_ =	shalt  }
0x77: {  	_ =	shalt  }
0x78: {  	_ =	shalt  }
0x79: {  	_ =	shalt  }
0x7a: {  	_ =	shalt  }
0x7b: {  	_ =	shalt  }
0x7c: {  	_ =	shalt  }
0x7d: {  	_ =	shalt  }
0x7e: {  	_ =	shalt  }
0x7f: {  	_ =	shalt  }
0x80: {  	_ =	shalt  }
0x81: {  	_ =	shalt  }
0x82: {  	_ =	shalt  }
0x83: {  	_ =	shalt  }
0x84: {  	_ =	shalt  }
0x85: {  	_ =	shalt  }
0x86: {  	_ =	shalt  }
0x87: {  	_ =	shalt  }
.Lfunc_end0:
.L_simem_size_0:
called_computation_lowered:
.L_overlay_start_0:
0x88: {  	s2 =	sld [smem:$0x3FD9]  }
0x89: {  	s3 =	sld [smem:$0x3FFE];
	_ =	sdelay $0x1  }
0x8a: {  	s1 =	srdreg.scid  }
0x8b: {  	s0 =	sand.u32 $0x1, s1  }
0x8c: {  	s17 =	sshll.u32 s0, $0xA;
	s2 =	sadd.s32 s3, s2  }
0x8d: {  	s2 =	sadd.s32 s2, s17  }
0x8e: {  	[smem:$0x3FB2] =	sst s2  }
0x8f: {  	_ = 	snop  }
0x90: {  	s2 =	sld [smem:$0x3FC2];
	(tm) =	ssettm $0x1  }
0x91: {  	s18 =	sld [smem:$0x3FFB];
	_ =	sdelay $0x3  }
0x92: {  	_ =	strace s18  }
0x93: {  	s3 =	sld [smem:$0x3FFC];
	_ =	sdelay $0x3  }
0x94: {  	_ =	strace s3  }
0x95: {  	s3 =	sld [smem:$0x3FFD];
	_ =	sdelay $0x3  }
0x96: {  	_ =	strace s3  }
0x97: {  	_ =	strace $0x8FFFFFFF  }
0x98: {  	s19 =	sld [smem:$0x3FDB];
	_ =	sdelay $0x1  }
0x99: {  	s4 =	simm.s32 $_scs_section_size  }
0x9a: {  	s5 =	simm.s32 $_size__tile_overlayer_lowered;
	s6 =	simm.s32 $_tile_overlayer_lowered  }
0x9b: {  	s22 =	simm.s32 $0x1BFF;
	s21 =	sshll.u32 s6, $0x1;
	s3 =	sadd.s32 s4, s19  }
0x9c: {  	s7 =	simm.s32 $0x0;
	s20 =	sshll.u32 s5, $0x1;
	s5 =	sadd.s32 s21, s3  }
0x9d: {  	[timem:s7], [sflag:s22] =	dma.local [hbm:s5], s20  }
0x9e: {  	_ =	swait.ge [sflag:s22], s20  }
0x9f: {  	s4 =	ssub.s32 $0x0, s20;
	[sflag:s22] =	ssyncset.done $0x0  }
0xa0: {  	[sflag:s22] =	ssyncadd.s32 s4;
	_ =	sdelay $0x1  }
0xa1: {  	s23 =	simm.s32 $0x1B8B  }
0xa2: {  	_ =	swait.ge [sflag:s23], $0x1  }
0xa3: {  	[sflag:s23] =	ssyncset.done $0x0  }
0xa4: {  	s25 =	simm.s32 $0x1B8E;
	s24 =	sld [smem:$0x3FFE];
	[sflag:s23] =	ssyncadd.s32 $0xFFFFFFFF  }
0xa5: {  	s26 =	simm.s32 $execute0_lowered;
	[smem:$0x3FD2] =	sst s25  }
0xa6: {  	s5 =	sshll.u32 s26, $0x1;
	_ =	strace $0x80000046;
	[dreg:$0x1] =	wrdreg $0xFFFFFFFF  }
0xa7: {  	s28 =	simm.s32 $_size_execute0_lowered;
	s3 =	sadd.s32 s3, s5;
	[dreg:$0x0] =	wrdreg $0x0  }
0xa8: {  	s5 =	sshll.u32 s28, $0x1;
	[dreg:$0x2] =	wrdreg s3  }
0xa9: {  	[dreg:$0x3] =	wrdreg s5  }
0xaa: {  	[dreg:$0x4] =	wrdreg $0xC0  }
0xab: {  	_ =	task [dreg:s7], $0x5FFFF  }
0xac: {  	[dreg:$0x1] =	wrdreg $0xFFFFFFFF  }
0xad: {  	[dreg:$0x0] =	wrdreg $0x60  }
0xae: {  	[dreg:$0x2] =	wrdreg s24  }
0xaf: {  	[dreg:$0x3] =	wrdreg s2  }
0xb0: {  	[dreg:$0x4] =	wrdreg $0xB9800  }
0xb1: {  	[dreg:$0x5] =	wrdreg $0x9  }
0xb2: {  	_ =	task.clear_ibuf [dreg:s7], $0x6FFFF;
	_ =	strace $0x90000046  }
0xb3: {  	s29 =	simm.s32 $0x9;
	_ =	strace $0x80000048  }
0xb4: {  	_ =	swait.ge [sflag:s29], $0x1  }
0xb5: {  	[sflag:s29] =	ssyncadd.s32 $0xFFFFFFFF  }
0xb6: {  	_ =	strace $0x90000048  }
0xb7: {  	_ =	sfence  }
0xb8: {  	s30 =	sld [smem:$0x0];
	_ =	sdelay $0x2  }
0xb9: {  	s31 =	sshll.u32 s1, $0xD;
	s1 =	sshrl.u32 s1, $0x2  }
0xba: {  	s3 =	sand.u32 $0x4000, s31;
	s1 =	sadd.s32 s1, s30  }
0xbb: {  	s0 =	sor.u32 s3, s0;
	s1 =	sshll.u32 s1, $0x11  }
0xbc: {  	s0 =	sor.u32 s1, s0  }
0xbd: {  	s0 =	sadd.s32 $0x8F2B, s0  }
0xbe: {  	[sflag:s0] =	ssyncadd.remote.s32 $0x1  }
0xbf: {  	_ =	sfence.sel $0xFFFF  }
0xc0: {  	[dreg:$0x0] =	wrdreg $0xFFFFFFFF;
	(pc) =	sbr.abs _section_cstart, $3  }
0xc1: {  	[dreg:$0x1] =	wrdreg $0xFFFFFFFF  }
0xc2: {  	_ =	task.clear_ibuf [dreg:s7], $0x2FFFF;
	_ =	strace $0x9FFFFFFF  }
0xc3: {  	(tm) =	ssettm $0x7FFFFFFF  }
tec
execute0_lowered:
.L_overlay_start_1:
0x0: {  	(tag) =	ssettag $0x1  }
0x1: {  	s0 =	rddreg [dreg:$0x0]  }
0x2: {  	s2 =	rddreg [dreg:$0x2];
	s3 =	simm.s32 $0x0;
	s1 =	srdreg.scid  }
0x3: {  	s13 =	stileid.u32;
	s28 =	simm.s32 $0x60;
	s29 =	simm.s32 $0x3100  }
0x4: {  	s30 =	simm.s32 $0x2;
	s31 =	simm.s32 $0x3;
	[smem:$0x7FF] =	sst s3  }
0x5: {  	s1 =	sand.u32 $0x1, s1;
	s5 =	sadd.s32 $0x4800, s0;
	s11 =	smul.u32 $0x13C00, s13  }
0x6: {  	v0 =	vimm.s32 $0xEDCBA987;
	s6 =	sadd.s32 $0x2BA00, s0;
	s7 =	sadd.s32 $0xA0AC00, s0;
	s15 =	smul.u32 $0x4F000, s13  }
0x7: {  	v1 =	vimm.s32 $0x65432100;
	s8 =	sadd.s32 $0x4E6800, s0;
	s12 =	sshll.u32 s13, $0x7;
	s10 =	smul.u32 $0x13C000, s1  }
0x8: {  	v2 =	vimm.s32 $0xDCBA9876;
	v0 =	vunpack.c.l.s4.s8 v0;
	s9 =	sadd.s32 $0x4F0A00, s0;
	s18 =	sshll.u32 s13, $0x1;
	_ =	strace $0x80000047  }
0x9: {  	v3 =	vimm.s32 $0x54321000;
	v1 =	vunpack.c.l.s4.s8 v1;
	v2 =	vunpack.c.l.s4.s8 v2;
	s4 =	sshll.u32 s1, $0x4;
	s10 =	sadd.s32 s11, s10;
	s11 =	sshrl.u32 s15, $0x2  }
0xa: {  	v5 =	vimm.s32 $0xFFEDCBA9;
	v3 =	vunpack.c.l.s4.s8 v3;
	s14 =	sand.u32 $0x380, s12;
	s16 =	ssub.s32 $0x2, s1;
	v0 =	vunpack.c.0.s8.s32 v0;
	s11 =	sadd.s32 s11, s2  }
0xb: {  	v6 =	vimm.s32 $0x87654321;
	s1 =	sor.u32 s1, s18;
	v1 =	vunpack.c.0.s8.s32 v1;
	v2 =	vunpack.c.0.s8.s32 v2;
	s19 =	sadd.s32 $0x3000, s11;
	[dreg:$0x5] =	wrdreg s11  }
0xc: {  	v5 =	vunpack.c.l.s4.s8 v5;
	s4 =	sor.u32 s13, s4;
	v3 =	vunpack.c.0.s8.s32 v3;
	v0 =	vand.u32 $0xF, v0;
	s20 =	sadd.s32 $0x6000, s11;
	[dreg:$0x6] =	wrdreg s19  }
0xd: {  	v6 =	vunpack.c.l.s4.s8 v6;
	s17 =	sshrl.u32 s16, $0x1;
	v0 =	vcombine.low v1, v0;
	v1 =	vand.u32 $0xF, v2;
	s21 =	sadd.s32 $0x9000, s11;
	[dreg:$0x7] =	wrdreg s20  }
0xe: {  	s4 =	sshrl.u32 s4, $0x3;
	v2 =	vimm.s32 $0x32100000;
	s22 =	sadd.s32 $0xC000, s11;
	v1 =	vcombine.low v3, v1;
	v3 =	vimm.s32 $0xBA987654;
	[dreg:$0x8] =	wrdreg s21  }
0xf: {  	s4 =	smul.u32 $0x13C00, s4;
	s23 =	sadd.s32 $0xF000, s11;
	v4 =	vunpack.c.l.s4.s8 v2;
	[dreg:$0x9] =	wrdreg s22;
	v2 =	vunpack.c.l.s4.s8 v3;
	v3 =	vimm.s32 $0xE40000  }
0x10: {  	vm0 =	vcmask $0x3F04;
	s10 =	sshrl.u32 s10, $0x3;
	s24 =	sadd.s32 $0x12000, s11;
	[dreg:$0xa] =	wrdreg s23;
	v3 =	vunpack.c.l.s2.s4 v3  }
0x11: {  	vm3 =	vcmask $0x3F30;
	v5 =	vunpack.c.0.s8.s32 v5;
	v6 =	vunpack.c.0.s8.s32 v6;
	s10 =	sadd.s32 s10, s0;
	s4 =	sor.u32 s14, s4;
	[dreg:$0xb] =	wrdreg s24  }
0x12: {  	vm1 =	vcmask $0x3F08;
	s25 =	sadd.s32 $0x52C00, s10;
	s21 =	simm.s32 $0x100;
	s22 =	simm.s32 $0x4;
	v7 =	vunpack.c.0.s8.s32 v2;
	v8 =	vunpack.c.l.s4.s8 v3  }
0x13: {  	vm2 =	vcmask $0x3F10;
	v6 =	vcombine.low v6, v5;
	s24 =	simm.s32 $0x80;
	s23 =	simm.s32 $0x0;
	s4 =	sshrl.u32 s4, $0x3;
	v4 =	vunpack.c.0.s8.s32 v4  }
0x14: {  	[dreg:$0xc] =	wrdreg s25;
	s25 =	simm.s32 $0x6100;
	s0 =	sadd.s32 s4, s0;
	v3 =	vand.u32 $0xF, v7;
	v7 =	vimm.s32 $0x7060504;
	v8 =	vunpack.c.0.s8.s32 v8  }
0x15: {  	vm4 =	vcmask $0x3F3C;
	v6 =	vand.u32 $0xF, v6;
	s4 =	ssub.s32 s16, s17;
	s17 =	smul.u32 $0x6C, s1;
	s0 =	sadd.s32 $0xA1C00, s0;
	v5 =	vunpack.c.0.s8.s32 v7  }
0x16: {  	s1 =	simm.s32 $0x9180;
	v2 =	vimm.f32 $0.0e+00;
	s26 =	smax.u32 s4, $0x1;
	[dreg:$0xd] =	wrdreg s0;
	v3 =	vcombine.low v4, v3;
	v7 =	vand.u32 $0x3, v8  }
0x17: {  	[dreg:$0xe] =	wrdreg s26;
	s26 =	simm.s32 $0x1;
	s0 =	simm.s32 $0x9100;
	v4 =	vimm.f32 $-5.000000000e-01;
	v5 =	vsel vm3, v5, v7;
	vm3 =	vcmask $0x3F20  }
.LBB2_1:
0x18: {  	s4 =	simm.s32 $0x0;
	s10 =	simm.s32 $0x200  }
.LBB2_2:
0x19: {  	p0 =	sne.s32 s10, $0xBE00;
	[tilespmem:s4+$0x170] =	vst v2  }
0x1a: {  	[tilespmem:s4+$0x100] =	vst v2  }
0x1b: {  	[tilespmem:s4+$0x110] =	vst v2  }
.Ltmp0:
0x1c: {  	[tilespmem:s4+$0x120] =	vst v2;
	(pc) =	sbr.rel @p0 .LBB2_2-.Ltmp0, $4  }
0x1d: {  	[tilespmem:s4+$0x130] =	vst v2  }
0x1e: {  	[tilespmem:s4+$0x140] =	vst v2  }
0x1f: {  	[tilespmem:s4+$0x150] =	vst v2  }
0x20: {  	[tilespmem:s4+$0x160] =	vst v2;
	s4 =	sshra.s32 s10, $0x2;
	s10 =	sadd.s32 $0x200, s10  }
0x21: {  	[tilespmem:s4+$0x170] =	vst v2  }
0x22: {  	[tilespmem:s4+$0x100] =	vst v2  }
0x23: {  	[tilespmem:s4+$0x110] =	vst v2  }
0x24: {  	[tilespmem:s4+$0x120] =	vst v2  }
0x25: {  	[tilespmem:s4+$0x130] =	vst v2  }
0x26: {  	[tilespmem:s4+$0x140] =	vst v2  }
0x27: {  	[tilespmem:s4+$0x150] =	vst v2  }
0x28: {  	[dreg:$0x4] =	wrdreg s3;
	[tilespmem:s4+$0x160] =	vst v2;
	s4 =	simm.s32 $0x40;
	s10 =	simm.s32 $0x0  }
.LBB2_4:
0x29: {  	p0 =	sne.s32 s4, $0x9DC0;
	[tilespmem:s10+$0x9180] =	vst v2;
	s10 =	smov.u32 s4;
	s4 =	sadd.s32 $0x40, s4  }
.Ltmp1:
0x2a: {  	(pc) =	sbr.rel @p0 .LBB2_4-.Ltmp1, $2  }
0x2b: {  	_ =	sdelay $0x2  }
0x2c: {  	s10 =	sshra.s32 s10, $0x2  }
0x2d: {  	[tilespmem:s10+$0x9180] =	vst v2  }
0x2e: {  	[spmem:s11] =	stream.linear.scatter [tilespmem:s21], [sflag:$0x4], $0x3000, $0x38;
	[tilespmem:$0x1F580] =	vst v63  }
0x2f: {  	_ =	swait.ge [sflag:s22], $0x3000  }
0x30: {  	[sflag:s22] =	ssyncset.done $0x0  }
0x31: {  	s3 =	rddreg [dreg:$0x6];
	[sflag:s22] =	ssyncadd.s32 $0xFFFFD000  }
0x32: {  	[spmem:s3] =	stream.linear.scatter [tilespmem:s21], [sflag:$0x4], $0x3000, $0x38;
	[tilespmem:$0x1F580] =	vst v63  }
0x33: {  	_ =	swait.ge [sflag:s22], $0x3000  }
0x34: {  	[sflag:s22] =	ssyncset.done $0x0  }
0x35: {  	s14 =	rddreg [dreg:$0x7];
	[sflag:s22] =	ssyncadd.s32 $0xFFFFD000  }
0x36: {  	[spmem:s14] =	stream.linear.scatter [tilespmem:s21], [sflag:$0x4], $0x3000, $0x38;
	[tilespmem:$0x1F580] =	vst v63  }
0x37: {  	_ =	swait.ge [sflag:s22], $0x3000  }
0x38: {  	[sflag:s22] =	ssyncset.done $0x0  }
0x39: {  	s15 =	rddreg [dreg:$0x8];
	[sflag:s22] =	ssyncadd.s32 $0xFFFFD000  }
0x3a: {  	[spmem:s15] =	stream.linear.scatter [tilespmem:s21], [sflag:$0x4], $0x3000, $0x38;
	[tilespmem:$0x1F580] =	vst v63  }
0x3b: {  	_ =	swait.ge [sflag:s22], $0x3000  }
0x3c: {  	[sflag:s22] =	ssyncset.done $0x0  }
0x3d: {  	s16 =	rddreg [dreg:$0x9];
	[sflag:s22] =	ssyncadd.s32 $0xFFFFD000  }
0x3e: {  	[spmem:s16] =	stream.linear.scatter [tilespmem:s21], [sflag:$0x4], $0x3000, $0x38;
	[tilespmem:$0x1F580] =	vst v63  }
0x3f: {  	_ =	swait.ge [sflag:s22], $0x3000  }
0x40: {  	[sflag:s22] =	ssyncset.done $0x0  }
0x41: {  	s18 =	rddreg [dreg:$0xa];
	[sflag:s22] =	ssyncadd.s32 $0xFFFFD000  }
0x42: {  	[spmem:s18] =	stream.linear.scatter [tilespmem:s21], [sflag:$0x4], $0x3000, $0x38;
	[tilespmem:$0x1F580] =	vst v63  }
0x43: {  	_ =	swait.ge [sflag:s22], $0x3000  }
0x44: {  	[sflag:s22] =	ssyncset.done $0x0  }
0x45: {  	s19 =	rddreg [dreg:$0xb];
	[sflag:s22] =	ssyncadd.s32 $0xFFFFD000  }
0x46: {  	[spmem:s19] =	stream.linear.scatter [tilespmem:s21], [sflag:$0x4], $0x1C00, $0x38;
	[tilespmem:$0x1F580] =	vst v63  }
0x47: {  	_ =	swait.ge [sflag:s22], $0x1C00  }
0x48: {  	[sflag:s22] =	ssyncset.done $0x0  }
0x49: {  	[sflag:s22] =	ssyncadd.s32 $0xFFFFE400  }
0x4a: {  	s4 =	simm.s32 $0xB900;
	s20 =	rddreg [dreg:$0x1]  }
0x4b: {  	[tilespmem:s4], [sflag:$0x4] =	stream.linear.gather [hbm4b:s20+s23], $0x80, $0x38;
	[tilespmem:$0x1F580] =	vst v63  }
0x4c: {  	_ =	swait.ge [sflag:s22], $0x80  }
0x4d: {  	[sflag:s22] =	ssyncset.done $0x0  }
0x4e: {  	[sflag:s22] =	ssyncadd.s32 $0xFFFFFF80  }
0x4f: {  	[bflag:$0x0] =	sbarrier.arrive $0xFFFF  }
0x50: {  	v7 =	vld [tilespmem:$0xB900]  }
0x51: {  	v8 =	vld [tilespmem:$0xB910]  }
0x52: {  	v9 =	vld [tilespmem:$0xB920]  }
0x53: {  	v10 =	vld [tilespmem:$0xB930]  }
0x54: {  	v11 =	vld [tilespmem:$0xB940]  }
0x55: {  	v12 =	vld [tilespmem:$0xB950]  }
0x56: {  	v13 =	vld [tilespmem:$0xB960]  }
0x57: {  	s4 =	simm.s32 $0x0;
	v14 =	vld [tilespmem:$0xB970]  }
.LBB2_6:
0x58: {  	s10 =	sadd.s32 s17, s4  }
0x59: {  	s11 =	smul.u32 $0x60, s10;
	_ =	sdelay $0x1  }
0x5a: {  	s12 =	sshrl.u32 s11, $0x3  }
0x5b: {  	s13 =	sadd.s32 s8, s12  }
0x5c: {  	[tilespmem:s23], [sflag:$0x1] =	stream.linear.gather [hbm4b:s13+s23], $0x60, $0x38;
	[tilespmem:$0x1F580] =	vst v63  }
0x5d: {  	s10 =	smul.u32 $0x600, s10;
	s12 =	sadd.s32 s9, s12  }
0x5e: {  	[tilespmem:s24], [sflag:$0x1] =	stream.linear.gather [hbm4b:s12+s23], $0x60, $0x38;
	[tilespmem:$0x1F580] =	vst v63  }
0x5f: {  	s10 =	sadd.s32 s7, s10  }
0x60: {  	[tilespmem:s25], [sflag:$0x3] =	stream.linear.gather [hbm4b:s10+s23], $0x3000, $0x38;
	[tilespmem:$0x1F580] =	vst v63  }
0x61: {  	_ =	swait.ge [sflag:s26], $0x60  }
0x62: {  	[sflag:s26] =	ssyncset.done $0x0  }
0x63: {  	[sflag:s26] =	ssyncadd.s32 $0xFFFFFFA0  }
0x64: {  	_ =	swait.ge [sflag:s26], $0x60  }
0x65: {  	[sflag:s26] =	ssyncset.done $0x0  }
0x66: {  	[sflag:s26] =	ssyncadd.s32 $0xFFFFFFA0  }
0x67: {  	[tilespmem:s21], [sflag:$0x2] =	stream.indirect.gather [hbm4b:s5+s28], $0x80, s23, s28, $0xb8;
	[tilespmem:$0x1F580] =	vst v63  }
0x68: {  	_ = 	snop  }
0x69: {  	[tilespmem:s29], [sflag:$0x2] =	stream.indirect.gather [hbm4b:s6+s28], $0x80, s24, s28, $0xb8;
	[tilespmem:$0x1F580] =	vst v63  }
0x6a: {  	_ =	swait.ge [sflag:s30], $0x3000  }
0x6b: {  	[sflag:s30] =	ssyncset.done $0x0  }
0x6c: {  	[sflag:s30] =	ssyncadd.s32 $0xFFFFD000  }
0x6d: {  	_ =	swait.ge [sflag:s30], $0x3000  }
0x6e: {  	[sflag:s30] =	ssyncset.done $0x0  }
0x6f: {  	[sflag:s30] =	ssyncadd.s32 $0xFFFFD000  }
0x70: {  	_ =	swait.ge [sflag:s31], $0x3000  }
0x71: {  	[sflag:s31] =	ssyncset.done $0x0  }
0x72: {  	s12 =	simm.s32 $0x180;
	[sflag:s31] =	ssyncadd.s32 $0xFFFFD000  }
0x73: {  	s13 =	simm.s32 $0x6180;
	v15 =	vld [tilespmem:s12+$0xFFFFFFB0]  }
0x74: {  	v16 =	vld [tilespmem:s13+$0xFFFFFF80]  }
0x75: {  	v17 =	vld [tilespmem:s13+$0xFFFFFFA0]  }
0x76: {  	s14 =	simm.s32 $0x3180;
	v18 =	vld [tilespmem:s12+$0xFFFFFFA0]  }
0x77: {  	v19 =	vld [tilespmem:s14+$0xFFFFFFA0]  }
0x78: {  	v20 =	vld [tilespmem:s12+$0xFFFFFF80]  }
0x79: {  	v21 =	vld [tilespmem:s12+$0xFFFFFF90]  }
0x7a: {  	v22 =	vld [tilespmem:s14+$0xFFFFFF90]  }
0x7b: {  	v23 =	vld [tilespmem:s14+$0xFFFFFF80]  }
0x7c: {  	v24 =	vld [tilespmem:s14+$0xFFFFFFB0]  }
0x7d: {  	v25 =	vld [tilespmem:s13+$0xFFFFFF90]  }
0x7e: {  	v26 =	vld [tilespmem:s13+$0xFFFFFFB0]  }
0x7f: {  	v27 =	vld [tilespmem:s14+$0xFFFFFFF0]  }
0x80: {  	v28 =	vld [tilespmem:s14+$0xFFFFFFD0];
	v20 =	vadd.f32 v23, v20  }
0x81: {  	v23 =	vld [tilespmem:s14+$0xFFFFFFE0]  }
0x82: {  	v21 =	vadd.f32 v22, v21;
	v22 =	vld [tilespmem:s12+$0xFFFFFFC0];
	v16 =	vadd.f32 v16, v20  }
0x83: {  	v18 =	vadd.f32 v19, v18;
	v20 =	vld [tilespmem:s14+$0xFFFFFFC0]  }
0x84: {  	v15 =	vadd.f32 v24, v15;
	v24 =	vld [tilespmem:s13+$0xFFFFFFC0];
	v19 =	vadd.f32 v25, v21;
	v21 =	vmul.f32 $2.000000030e-01, v16  }
0x85: {  	v25 =	vld [tilespmem:s12+$0xFFFFFFD0];
	v17 =	vadd.f32 v17, v18  }
0x86: {  	v15 =	vadd.f32 v26, v15;
	v26 =	vld [tilespmem:s13+$0xFFFFFFD0];
	v18 =	vmul.f32 $2.000000030e-01, v19;
	v16 =	vmax.f32 v16, v21  }
0x87: {  	v21 =	vld [tilespmem:s12+$0xFFFFFFE0];
	v16 =	vmul.f32 v16, v7  }
0x88: {  	v29 =	vmul.f32 $2.000000030e-01, v17;
	v18 =	vmax.f32 v19, v18;
	v19 =	vadd.f32 v20, v22;
	v20 =	vld [tilespmem:s12+$0xFFFFFFF0]  }
0x89: {  	v30 =	vld [tilespmem:s13+$0xFFFFFFE0];
	v22 =	vmul.f32 $2.000000030e-01, v15;
	v18 =	vmul.f32 v18, v8;
	v16 =	vadd.f32 $0.0e+00, v16  }
0x8a: {  	v17 =	vmax.f32 v17, v29;
	v25 =	vadd.f32 v28, v25;
	v19 =	vadd.f32 v24, v19  }
0x8b: {  	v17 =	vmul.f32 v17, v9;
	v15 =	vmax.f32 v15, v22;
	v22 =	vld [tilespmem:s13+$0xFFFFFFF0];
	v16 =	vadd.f32 v18, v16  }
0x8c: {  	v24 =	vadd.f32 v26, v25;
	v18 =	vmul.f32 $2.000000030e-01, v19;
	v21 =	vadd.f32 v23, v21  }
0x8d: {  	v15 =	vmul.f32 v15, v10;
	v16 =	vadd.f32 v17, v16;
	v17 =	vadd.f32 v27, v20  }
0x8e: {  	v18 =	vmax.f32 v19, v18;
	v19 =	vmul.f32 $2.000000030e-01, v24;
	v20 =	vadd.f32 v30, v21  }
0x8f: {  	v15 =	vadd.f32 v15, v16;
	v16 =	vmul.f32 v18, v11  }
0x90: {  	v17 =	vadd.f32 v22, v17;
	v18 =	vmax.f32 v24, v19;
	v19 =	vmul.f32 $2.000000030e-01, v20  }
0x91: {  	v15 =	vadd.f32 v16, v15;
	v16 =	vmul.f32 v18, v12  }
0x92: {  	v18 =	vmul.f32 $2.000000030e-01, v17;
	v19 =	vmax.f32 v20, v19  }
0x93: {  	v15 =	vadd.f32 v16, v15;
	v16 =	vmul.f32 v19, v13  }
0x94: {  	v17 =	vmax.f32 v17, v18  }
0x95: {  	v15 =	vadd.f32 v16, v15;
	v16 =	vmul.f32 v17, v14;
	_ =	sdelay $0x1  }
0x96: {  	v15 =	vadd.f32 v16, v15;
	_ =	sdelay $0x1  }
0x97: {  	(xrf2) =	vadd.scan.msk.f32 $0xffff, v15;
	_ =	sdelay $0x4  }
0x98: {  	v15 =	vmov s23  }
0x99: {  	v15 =	vand.u32 $0xFFFFFFFE, v15  }
0x9a: {  	v15 =	vbroadcast v15, $0x0;
	_ =	sdelay $0x2  }
0x9b: {  	v16, _, _ =	vpop (xrf2)  }
0x9c: {  	v16 =	vbroadcast v16, $0xF;
	_ =	sdelay $0x1  }
0x9d: {  	[tilespmem:v15+s0+$0x0] =	vst.idx.msk $0x1, v16  }
0x9e: {  	v17 =	vld [tilespmem:s14+$0x20]  }
0x9f: {  	v21 =	vld [tilespmem:s14+$0x0]  }
0xa0: {  	v18 =	vld [tilespmem:s13+$0x10]  }
0xa1: {  	v19 =	vld [tilespmem:s13+$0x0]  }
0xa2: {  	v20 =	vld [tilespmem:s12+$0x20]  }
0xa3: {  	v15 =	vld [tilespmem:s14+$0x70]  }
0xa4: {  	v25 =	vld [tilespmem:s13+$0x20]  }
0xa5: {  	v16 =	vld [tilespmem:s14+$0x60]  }
0xa6: {  	v24 =	vld [tilespmem:s12+$0x0]  }
0xa7: {  	v22 =	vld [tilespmem:s14+$0x10];
	v17 =	vadd.f32 v17, v20  }
0xa8: {  	s19 =	simm.s32 $0x2;
	s20 =	simm.s32 $0x3180;
	v23 =	vld [tilespmem:s12+$0x10]  }
0xa9: {  	s18 =	simm.s32 $0x180;
	s16 =	simm.s32 $0x6180;
	s15 =	simm.s32 $0x0;
	v20 =	vadd.f32 v25, v17;
	v17 =	vld [tilespmem:s14+$0x50]  }
.LBB2_7:
0xaa: {  	s20 =	sadd.s32 $0x100, s20  }
0xab: {  	v25 =	vld [tilespmem:s14+$0x40];
	s13 =	sadd.s32 $0x100, s13;
	s12 =	sadd.s32 $0x100, s12;
	s10 =	smov.u32 s19  }
0xac: {  	p0 =	slt.u32 s19, $0x5E;
	s19 =	sadd.s32 $0x2, s19;
	v21 =	vadd.f32 v21, v24;
	v24 =	vmul.f32 $2.000000030e-01, v20;
	v26 =	vld [tilespmem:s14+$0x30];
	s14 =	smov.u32 s20  }
0xad: {  	v27 =	vld [tilespmem:s18+$0x30]  }
0xae: {  	v19 =	vadd.f32 v19, v21;
	v21 =	vadd.f32 v22, v23;
	v20 =	vmax.f32 v20, v24;
	v22 =	vld [tilespmem:s18+$0x40]  }
0xaf: {  	v23 =	vld [tilespmem:s16+$0x30]  }
0xb0: {  	v24 =	vmul.f32 $2.000000030e-01, v19;
	v18 =	vadd.f32 v18, v21;
	v21 =	vld [tilespmem:s16+$0x40]  }
0xb1: {  	v28 =	vld [tilespmem:s18+$0x50]  }
0xb2: {  	v19 =	vmax.f32 v19, v24;
	v24 =	vmul.f32 $2.000000030e-01, v18;
	v26 =	vadd.f32 v26, v27;
	v27 =	vld [tilespmem:s18+$0x60]  }
0xb3: {  	v19 =	vmul.f32 v19, v7;
	v22 =	vadd.f32 v25, v22;
	v25 =	vld [tilespmem:s16+$0x50]  }
0xb4: {  	v18 =	vmax.f32 v18, v24;
	v23 =	vadd.f32 v23, v26;
	v24 =	vld [tilespmem:s18+$0x70];
	s18 =	smov.u32 s12  }
0xb5: {  	v19 =	vadd.f32 $0.0e+00, v19;
	v18 =	vmul.f32 v18, v8;
	v21 =	vadd.f32 v21, v22;
	v22 =	vld [tilespmem:s16+$0x60]  }
0xb6: {  	v26 =	vmul.f32 $2.000000030e-01, v23;
	v17 =	vadd.f32 v17, v28;
	v28 =	vld [tilespmem:s16+$0x70];
	s16 =	smov.u32 s13  }
0xb7: {  	v18 =	vadd.f32 v18, v19;
	v19 =	vmul.f32 v20, v9;
	v20 =	vmul.f32 $2.000000030e-01, v21  }
0xb8: {  	v16 =	vadd.f32 v16, v27;
	v23 =	vmax.f32 v23, v26;
	v17 =	vadd.f32 v25, v17  }
0xb9: {  	v18 =	vadd.f32 v19, v18;
	v19 =	vmul.f32 v23, v10;
	v15 =	vadd.f32 v15, v24  }
0xba: {  	v20 =	vmax.f32 v21, v20;
	v21 =	vmul.f32 $2.000000030e-01, v17;
	v16 =	vadd.f32 v22, v16  }
0xbb: {  	v18 =	vadd.f32 v19, v18;
	v19 =	vmul.f32 v20, v11;
	v15 =	vadd.f32 v28, v15  }
0xbc: {  	v17 =	vmax.f32 v17, v21;
	v20 =	vmul.f32 $2.000000030e-01, v16  }
0xbd: {  	v18 =	vadd.f32 v19, v18;
	v17 =	vmul.f32 v17, v12;
	v19 =	vmul.f32 $2.000000030e-01, v15  }
0xbe: {  	v16 =	vmax.f32 v16, v20  }
0xbf: {  	v17 =	vadd.f32 v17, v18;
	v16 =	vmul.f32 v16, v13;
	v15 =	vmax.f32 v15, v19;
	_ =	sdelay $0x1  }
0xc0: {  	v15 =	vmul.f32 v15, v14;
	v16 =	vadd.f32 v16, v17;
	_ =	sdelay $0x1  }
0xc1: {  	v15 =	vadd.f32 v15, v16;
	_ =	sdelay $0x1  }
0xc2: {  	(xrf2) =	vadd.scan.msk.f32 $0xffff, v15;
	_ =	sdelay $0x6  }
0xc3: {  	s3 =	sadd.s32 $0x1, s15;
	s15 =	smov.u32 s10  }
0xc4: {  	v15 =	vmov s3;
	_ =	sdelay $0x1  }
0xc5: {  	v16, _, _ =	vpop (xrf2)  }
0xc6: {  	v16 =	vbroadcast v16, $0xF;
	_ =	sdelay $0x1  }
0xc7: {  	[tilespmem:v15+s0+$0x0] =	vst.idx.msk $0x1, v16  }
0xc8: {  	v15 =	vld [tilespmem:s12+$0xFFFFFFB0]  }
0xc9: {  	v16 =	vld [tilespmem:s13+$0xFFFFFF80]  }
0xca: {  	v17 =	vld [tilespmem:s13+$0xFFFFFFA0]  }
0xcb: {  	v18 =	vld [tilespmem:s12+$0xFFFFFFA0]  }
0xcc: {  	v19 =	vld [tilespmem:s20+$0xFFFFFFA0]  }
0xcd: {  	v20 =	vld [tilespmem:s12+$0xFFFFFF80]  }
0xce: {  	v21 =	vld [tilespmem:s12+$0xFFFFFF90]  }
0xcf: {  	v22 =	vld [tilespmem:s20+$0xFFFFFF90]  }
0xd0: {  	v23 =	vld [tilespmem:s20+$0xFFFFFF80]  }
0xd1: {  	v18 =	vadd.f32 v19, v18;
	v19 =	vld [tilespmem:s20+$0xFFFFFFB0]  }
0xd2: {  	v24 =	vld [tilespmem:s13+$0xFFFFFF90]  }
0xd3: {  	v17 =	vadd.f32 v17, v18;
	v18 =	vld [tilespmem:s13+$0xFFFFFFB0]  }
0xd4: {  	v21 =	vadd.f32 v22, v21;
	v22 =	vld [tilespmem:s20+$0xFFFFFFF0]  }
0xd5: {  	v20 =	vadd.f32 v23, v20;
	v23 =	vmul.f32 $2.000000030e-01, v17;
	v25 =	vld [tilespmem:s20+$0xFFFFFFE0]  }
0xd6: {  	v15 =	vadd.f32 v19, v15;
	v19 =	vld [tilespmem:s20+$0xFFFFFFD0]  }
0xd7: {  	v16 =	vadd.f32 v16, v20;
	v20 =	vadd.f32 v24, v21;
	v17 =	vmax.f32 v17, v23;
	v21 =	vld [tilespmem:s20+$0xFFFFFFC0]  }
0xd8: {  	v15 =	vadd.f32 v18, v15;
	v18 =	vld [tilespmem:s12+$0xFFFFFFC0]  }
0xd9: {  	v23 =	vmul.f32 $2.000000030e-01, v16;
	v24 =	vmul.f32 $2.000000030e-01, v20;
	v26 =	vld [tilespmem:s12+$0xFFFFFFD0]  }
0xda: {  	v27 =	vmul.f32 $2.000000030e-01, v15;
	v28 =	vld [tilespmem:s13+$0xFFFFFFC0]  }
0xdb: {  	v16 =	vmax.f32 v16, v23;
	v20 =	vmax.f32 v20, v24;
	v23 =	vld [tilespmem:s12+$0xFFFFFFE0]  }
0xdc: {  	v16 =	vmul.f32 v16, v7;
	v15 =	vmax.f32 v15, v27;
	v24 =	vld [tilespmem:s13+$0xFFFFFFD0]  }
0xdd: {  	v18 =	vadd.f32 v21, v18;
	v21 =	vld [tilespmem:s12+$0xFFFFFFF0]  }
0xde: {  	v20 =	vmul.f32 v20, v8;
	v16 =	vadd.f32 $0.0e+00, v16;
	v19 =	vadd.f32 v19, v26;
	v26 =	vld [tilespmem:s13+$0xFFFFFFE0]  }
0xdf: {  	v18 =	vadd.f32 v28, v18;
	v27 =	vld [tilespmem:s13+$0xFFFFFFF0]  }
0xe0: {  	v17 =	vmul.f32 v17, v9;
	v15 =	vmul.f32 v15, v10;
	v16 =	vadd.f32 v20, v16  }
0xe1: {  	v23 =	vadd.f32 v25, v23;
	v20 =	vmul.f32 $2.000000030e-01, v18;
	v19 =	vadd.f32 v24, v19  }
0xe2: {  	v16 =	vadd.f32 v17, v16;
	v17 =	vadd.f32 v22, v21  }
0xe3: {  	v18 =	vmax.f32 v18, v20;
	v20 =	vmul.f32 $2.000000030e-01, v19;
	v21 =	vadd.f32 v26, v23  }
0xe4: {  	v15 =	vadd.f32 v15, v16;
	v16 =	vmul.f32 v18, v11;
	v17 =	vadd.f32 v27, v17  }
0xe5: {  	v18 =	vmax.f32 v19, v20;
	v19 =	vmul.f32 $2.000000030e-01, v21  }
0xe6: {  	v15 =	vadd.f32 v16, v15;
	v16 =	vmul.f32 v18, v12;
	v18 =	vmul.f32 $2.000000030e-01, v17  }
0xe7: {  	v19 =	vmax.f32 v21, v19  }
0xe8: {  	v15 =	vadd.f32 v16, v15;
	v16 =	vmul.f32 v19, v13;
	v17 =	vmax.f32 v17, v18;
	_ =	sdelay $0x1  }
0xe9: {  	v15 =	vadd.f32 v16, v15;
	v16 =	vmul.f32 v17, v14;
	_ =	sdelay $0x1  }
0xea: {  	v15 =	vadd.f32 v16, v15;
	_ =	sdelay $0x1  }
0xeb: {  	(xrf2) =	vadd.scan.msk.f32 $0xffff, v15;
	_ =	sdelay $0x4  }
0xec: {  	v15 =	vmov s15  }
0xed: {  	v15 =	vand.u32 $0xFFFFFFFE, v15  }
0xee: {  	v15 =	vbroadcast v15, $0x0;
	_ =	sdelay $0x2  }
0xef: {  	v16, _, _ =	vpop (xrf2)  }
0xf0: {  	v16 =	vbroadcast v16, $0xF;
	_ =	sdelay $0x1  }
0xf1: {  	[tilespmem:v15+s0+$0x0] =	vst.idx.msk $0x1, v16  }
0xf2: {  	v17 =	vld [tilespmem:s20+$0x20]  }
0xf3: {  	v21 =	vld [tilespmem:s20+$0x0]  }
0xf4: {  	v18 =	vld [tilespmem:s13+$0x10]  }
0xf5: {  	v19 =	vld [tilespmem:s13+$0x0]  }
0xf6: {  	v20 =	vld [tilespmem:s12+$0x20]  }
0xf7: {  	v15 =	vld [tilespmem:s20+$0x70]  }
0xf8: {  	v25 =	vld [tilespmem:s13+$0x20]  }
.Ltmp2:
0xf9: {  	v16 =	vld [tilespmem:s20+$0x60];
	(pc) =	sbr.rel @p0 .LBB2_7-.Ltmp2, $4  }
0xfa: {  	v24 =	vld [tilespmem:s12+$0x0]  }
0xfb: {  	v22 =	vld [tilespmem:s20+$0x10];
	v17 =	vadd.f32 v17, v20  }
0xfc: {  	v23 =	vld [tilespmem:s12+$0x10]  }
0xfd: {  	v20 =	vadd.f32 v25, v17;
	v17 =	vld [tilespmem:s20+$0x50]  }
0xfe: {  	v25 =	vld [tilespmem:s14+$0x40]  }
0xff: {  	v44 =	vld [tilespmem:s14+$0x30];
	v21 =	vadd.f32 v21, v24  }
0x100: {  	v26 =	vld [tilespmem:s18+$0x30]  }
0x101: {  	v46 =	vld [tilespmem:s18+$0x40];
	v19 =	vadd.f32 v19, v21;
	v45 =	vadd.f32 v22, v23  }
0x102: {  	v47 =	vld [tilespmem:s16+$0x30]  }
0x103: {  	v48 =	vld [tilespmem:s16+$0x40];
	v27 =	vmul.f32 $2.000000030e-01, v19;
	v18 =	vadd.f32 v18, v45  }
0x104: {  	v28 =	vld [tilespmem:s18+$0x50]  }
0x105: {  	v50 =	vld [tilespmem:s18+$0x60];
	v24 =	vadd.f32 v44, v26;
	v19 =	vmax.f32 v19, v27;
	v49 =	vmul.f32 $2.000000030e-01, v18  }
0x106: {  	v51 =	vld [tilespmem:s16+$0x50];
	v52 =	vmul.f32 $2.000000030e-01, v20;
	v19 =	vmul.f32 v19, v7  }
0x107: {  	v53 =	vld [tilespmem:s18+$0x70];
	v22 =	vadd.f32 v25, v46;
	v23 =	vadd.f32 v47, v24;
	v18 =	vmax.f32 v18, v49  }
0x108: {  	v54 =	vld [tilespmem:s16+$0x60];
	v20 =	vmax.f32 v20, v52;
	v19 =	vadd.f32 $0.0e+00, v19;
	v18 =	vmul.f32 v18, v8  }
0x109: {  	v17 =	vadd.f32 v17, v28;
	v21 =	vadd.f32 v48, v22;
	v55 =	vmul.f32 $2.000000030e-01, v23  }
0x10a: {  	v56 =	vld [tilespmem:s16+$0x70];
	v16 =	vadd.f32 v16, v50;
	v18 =	vadd.f32 v18, v19;
	v19 =	vmul.f32 v20, v9  }
0x10b: {  	v17 =	vadd.f32 v51, v17;
	v23 =	vmax.f32 v23, v55;
	v20 =	vmul.f32 $2.000000030e-01, v21  }
0x10c: {  	v15 =	vadd.f32 v15, v53;
	v18 =	vadd.f32 v19, v18;
	v19 =	vmul.f32 v23, v10  }
0x10d: {  	v16 =	vadd.f32 v54, v16;
	v57 =	vmul.f32 $2.000000030e-01, v17;
	v20 =	vmax.f32 v21, v20  }
0x10e: {  	v18 =	vadd.f32 v19, v18;
	v19 =	vmul.f32 v20, v11  }
0x10f: {  	v15 =	vadd.f32 v56, v15;
	v17 =	vmax.f32 v17, v57;
	v20 =	vmul.f32 $2.000000030e-01, v16  }
0x110: {  	v17 =	vmul.f32 v17, v12;
	v18 =	vadd.f32 v19, v18  }
0x111: {  	v19 =	vmul.f32 $2.000000030e-01, v15;
	v16 =	vmax.f32 v16, v20  }
0x112: {  	v16 =	vmul.f32 v16, v13;
	v17 =	vadd.f32 v17, v18  }
0x113: {  	v15 =	vmax.f32 v15, v19  }
0x114: {  	v15 =	vmul.f32 v15, v14;
	v16 =	vadd.f32 v16, v17;
	_ =	sdelay $0x1  }
0x115: {  	v15 =	vadd.f32 v15, v16;
	_ =	sdelay $0x1  }
0x116: {  	(xrf2) =	vadd.scan.msk.f32 $0xffff, v15;
	_ =	sdelay $0x6  }
0x117: {  	s3 =	sadd.s32 $0x1, s15  }
0x118: {  	v15 =	vmov s3;
	_ =	sdelay $0x1  }
0x119: {  	v16, _, _ =	vpop (xrf2)  }
0x11a: {  	v16 =	vbroadcast v16, $0xF;
	_ =	sdelay $0x1  }
0x11b: {  	[tilespmem:v15+s0+$0x0] =	vst.idx.msk $0x1, v16  }
0x11c: {  	v15 =	vld [tilespmem:$0x9100];
	_ =	sdelay $0x4  }
0x11d: {  	v15 =	vmul.f32 $1.442695020e+00, v15;
	_ =	sdelay $0x1  }
0x11e: {  	vm5 =	vge.f32 v15, $0.0e+00  }
0x11f: {  	v16 =	vsel vm5, $0x3F000000, v4  }
0x120: {  	v16 =	vadd.f32 v16, v15;
	_ =	sdelay $0x1  }
0x121: {  	v16 =	vtrunc.f32 v16  }
0x122: {  	v16 =	vcvt.f32.s32 v16;
	_ =	sdelay $0x1  }
0x123: {  	v17 =	vcvt.s32.f32 v16;
	_ =	sdelay $0x1  }
0x124: {  	v15 =	vsub.f32 v15, v17;
	_ =	sdelay $0x1  }
0x125: {  	v15 =	vmul.f32 $6.931471820e-01, v15;
	_ =	sdelay $0x1  }
0x126: {  	v17 =	vmul.f32 $1.388888920e-03, v15;
	_ =	sdelay $0x1  }
0x127: {  	v17 =	vadd.f32 $8.333333770e-03, v17;
	_ =	sdelay $0x1  }
0x128: {  	v17 =	vmul.f32 v17, v15;
	_ =	sdelay $0x1  }
0x129: {  	v17 =	vadd.f32 $4.166666790e-02, v17;
	_ =	sdelay $0x1  }
0x12a: {  	v17 =	vmul.f32 v17, v15;
	_ =	sdelay $0x1  }
0x12b: {  	v17 =	vadd.f32 $1.666666720e-01, v17;
	_ =	sdelay $0x1  }
0x12c: {  	v17 =	vmul.f32 v17, v15;
	_ =	sdelay $0x1  }
0x12d: {  	v17 =	vadd.f32 $5.000000000e-01, v17;
	_ =	sdelay $0x1  }
0x12e: {  	v17 =	vmul.f32 v17, v15;
	_ =	sdelay $0x1  }
0x12f: {  	vm5 =	vgt.s32 v16, $0xFFFFFF82;
	v17 =	vadd.f32 $1.000000000e+00, v17  }
0x130: {  	v16 =	vnsel vm5, $0xFFFFFF82, v16  }
0x131: {  	vm5 =	vlt.s32 v16, $0x7F;
	v15 =	vmul.f32 v17, v15  }
0x132: {  	v16 =	vnsel vm5, $0x7F, v16;
	v17 =	vld [tilespmem:$0x80]  }
0x133: {  	v16 =	vshll.u32 v16, $0x17;
	v15 =	vadd.f32 $1.000000000e+00, v15  }
0x134: {  	v16 =	vadd.s32 $0x3F800000, v16  }
0x135: {  	v15 =	vmul.f32 v16, v15  }
0x136: {  	p0 =	slt.u32 s11, $0x50910  }
0x137: {  	v16 =	vxor.u32 $0x80000000, v17;
	v15 =	vpsel !p0, $0x0, v15  }
0x138: {  	(xrf1) =	vsort.ascd.msk.u32 $0xffff, v16, v15;
	_ =	sdelay $0xd  }
0x139: {  	v16, v17, _ =	vpop (xrf1)  }
0x13a: {  	v16 =	vxor.u32 $0x80000000, v16  }
0x13b: {  	v18 =	vperm.xlane v16, v0;
	_ =	sdelay $0x1  }
0x13c: {  	vm5 =	veq.s32 v18, v16;
	v18 =	vperm.xlane v17, v0  }
0x13d: {  	vm5 =	vmand vm5, vm0  }
0x13e: {  	v18 =	vnsel vm5, $0x0, v18  }
0x13f: {  	v17 =	vadd.f32 v18, v17;
	v18 =	vperm.xlane v16, v1;
	_ =	sdelay $0x1  }
0x140: {  	vm5 =	veq.s32 v18, v16;
	v18 =	vperm.xlane v17, v1  }
0x141: {  	vm5 =	vmand vm5, vm1  }
0x142: {  	v18 =	vnsel vm5, $0x0, v18  }
0x143: {  	v17 =	vadd.f32 v17, v18;
	v18 =	vperm.xlane v16, v3;
	_ =	sdelay $0x1  }
0x144: {  	vm5 =	veq.s32 v18, v16;
	v18 =	vperm.xlane v17, v3  }
0x145: {  	vm5 =	vmand vm5, vm2  }
0x146: {  	v18 =	vnsel vm5, $0x0, v18  }
0x147: {  	v19 =	vperm.xlane v16, v6;
	v17 =	vadd.f32 v17, v18;
	v18 =	vperm.xlane v16, v5  }
0x148: {  	[tilespmem:$0x9100] =	vst v15  }
0x149: {  	vm6 =	vne.s32 v16, v19;
	vm5 =	veq.s32 v18, v16;
	v15 =	vperm.xlane v17, v5;
	v18 =	vld.idx.msk [tilespmem:v16+s1+$0x0], $0xffff  }
0x14a: {  	vm6 =	vmor vm6, vm4;
	vm5 =	vmand vm5, vm3  }
0x14b: {  	v15 =	vnsel vm5, $0x0, v15  }
0x14c: {  	v15 =	vadd.f32 v17, v15;
	_ =	sdelay $0x1  }
0x14d: {  	v15 =	vadd.f32 v15, v18;
	_ =	sdelay $0x1  }
0x14e: {  	[tilespmem:v16+s1+$0x0] =	vst.idx.msk vm6, v15  }
0x14f: {  	v15 =	vld [tilespmem:$0x9110];
	_ =	sdelay $0x4  }
0x150: {  	v15 =	vmul.f32 $1.442695020e+00, v15;
	_ =	sdelay $0x1  }
0x151: {  	vm5 =	vge.f32 v15, $0.0e+00  }
0x152: {  	v16 =	vsel vm5, $0x3F000000, v4  }
0x153: {  	v16 =	vadd.f32 v16, v15;
	_ =	sdelay $0x1  }
0x154: {  	v16 =	vtrunc.f32 v16  }
0x155: {  	v16 =	vcvt.f32.s32 v16;
	_ =	sdelay $0x1  }
0x156: {  	v17 =	vcvt.s32.f32 v16;
	_ =	sdelay $0x1  }
0x157: {  	v15 =	vsub.f32 v15, v17;
	_ =	sdelay $0x1  }
0x158: {  	v15 =	vmul.f32 $6.931471820e-01, v15;
	_ =	sdelay $0x1  }
0x159: {  	v17 =	vmul.f32 $1.388888920e-03, v15;
	_ =	sdelay $0x1  }
0x15a: {  	v17 =	vadd.f32 $8.333333770e-03, v17;
	_ =	sdelay $0x1  }
0x15b: {  	v17 =	vmul.f32 v17, v15;
	_ =	sdelay $0x1  }
0x15c: {  	v17 =	vadd.f32 $4.166666790e-02, v17;
	_ =	sdelay $0x1  }
0x15d: {  	v17 =	vmul.f32 v17, v15;
	_ =	sdelay $0x1  }
0x15e: {  	v17 =	vadd.f32 $1.666666720e-01, v17;
	_ =	sdelay $0x1  }
0x15f: {  	v17 =	vmul.f32 v17, v15;
	_ =	sdelay $0x1  }
0x160: {  	v17 =	vadd.f32 $5.000000000e-01, v17;
	_ =	sdelay $0x1  }
0x161: {  	v17 =	vmul.f32 v17, v15;
	_ =	sdelay $0x1  }
0x162: {  	vm5 =	vgt.s32 v16, $0xFFFFFF82;
	v17 =	vadd.f32 $1.000000000e+00, v17  }
0x163: {  	v16 =	vnsel vm5, $0xFFFFFF82, v16  }
0x164: {  	vm5 =	vlt.s32 v16, $0x7F;
	v15 =	vmul.f32 v17, v15  }
0x165: {  	v16 =	vnsel vm5, $0x7F, v16;
	v17 =	vld [tilespmem:$0x90]  }
0x166: {  	v16 =	vshll.u32 v16, $0x17;
	v15 =	vadd.f32 $1.000000000e+00, v15  }
0x167: {  	v16 =	vadd.s32 $0x3F800000, v16  }
0x168: {  	s13 =	sor.u32 $0x10, s11;
	v15 =	vmul.f32 v16, v15  }
0x169: {  	p2 =	slt.u32 s13, $0x50910  }
0x16a: {  	v16 =	vxor.u32 $0x80000000, v17;
	v15 =	vpsel !p2, $0x0, v15  }
0x16b: {  	(xrf1) =	vsort.ascd.msk.u32 $0xffff, v16, v15;
	_ =	sdelay $0xd  }
0x16c: {  	v16, v17, _ =	vpop (xrf1)  }
0x16d: {  	v16 =	vxor.u32 $0x80000000, v16  }
0x16e: {  	v18 =	vperm.xlane v16, v0;
	_ =	sdelay $0x1  }
0x16f: {  	vm5 =	veq.s32 v18, v16;
	v18 =	vperm.xlane v17, v0  }
0x170: {  	vm5 =	vmand vm5, vm0  }
0x171: {  	v18 =	vnsel vm5, $0x0, v18  }
0x172: {  	v17 =	vadd.f32 v18, v17;
	v18 =	vperm.xlane v16, v1;
	_ =	sdelay $0x1  }
0x173: {  	vm5 =	veq.s32 v18, v16;
	v18 =	vperm.xlane v17, v1  }
0x174: {  	vm5 =	vmand vm5, vm1  }
0x175: {  	v18 =	vnsel vm5, $0x0, v18  }
0x176: {  	v17 =	vadd.f32 v17, v18;
	v18 =	vperm.xlane v16, v3;
	_ =	sdelay $0x1  }
0x177: {  	vm5 =	veq.s32 v18, v16;
	v18 =	vperm.xlane v17, v3  }
0x178: {  	vm5 =	vmand vm5, vm2  }
0x179: {  	v18 =	vnsel vm5, $0x0, v18  }
0x17a: {  	v19 =	vperm.xlane v16, v6;
	v17 =	vadd.f32 v17, v18;
	v18 =	vperm.xlane v16, v5  }
0x17b: {  	[tilespmem:$0x9110] =	vst v15  }
0x17c: {  	vm6 =	vne.s32 v16, v19;
	vm5 =	veq.s32 v18, v16;
	v15 =	vperm.xlane v17, v5;
	v18 =	vld.idx.msk [tilespmem:v16+s1+$0x0], $0xffff  }
0x17d: {  	vm6 =	vmor vm6, vm4;
	vm5 =	vmand vm5, vm3  }
0x17e: {  	v15 =	vnsel vm5, $0x0, v15  }
0x17f: {  	v15 =	vadd.f32 v17, v15;
	_ =	sdelay $0x1  }
0x180: {  	v15 =	vadd.f32 v15, v18;
	_ =	sdelay $0x1  }
0x181: {  	[tilespmem:v16+s1+$0x0] =	vst.idx.msk vm6, v15  }
0x182: {  	v15 =	vld [tilespmem:$0x9120];
	_ =	sdelay $0x4  }
0x183: {  	v15 =	vmul.f32 $1.442695020e+00, v15;
	_ =	sdelay $0x1  }
0x184: {  	vm5 =	vge.f32 v15, $0.0e+00  }
0x185: {  	v16 =	vsel vm5, $0x3F000000, v4  }
0x186: {  	v16 =	vadd.f32 v16, v15;
	_ =	sdelay $0x1  }
0x187: {  	v16 =	vtrunc.f32 v16  }
0x188: {  	v16 =	vcvt.f32.s32 v16;
	_ =	sdelay $0x1  }
0x189: {  	v17 =	vcvt.s32.f32 v16;
	_ =	sdelay $0x1  }
0x18a: {  	v15 =	vsub.f32 v15, v17;
	_ =	sdelay $0x1  }
0x18b: {  	v15 =	vmul.f32 $6.931471820e-01, v15;
	_ =	sdelay $0x1  }
0x18c: {  	v17 =	vmul.f32 $1.388888920e-03, v15;
	_ =	sdelay $0x1  }
0x18d: {  	v17 =	vadd.f32 $8.333333770e-03, v17;
	_ =	sdelay $0x1  }
0x18e: {  	v17 =	vmul.f32 v17, v15;
	_ =	sdelay $0x1  }
0x18f: {  	v17 =	vadd.f32 $4.166666790e-02, v17;
	_ =	sdelay $0x1  }
0x190: {  	v17 =	vmul.f32 v17, v15;
	_ =	sdelay $0x1  }
0x191: {  	v17 =	vadd.f32 $1.666666720e-01, v17;
	_ =	sdelay $0x1  }
0x192: {  	v17 =	vmul.f32 v17, v15;
	_ =	sdelay $0x1  }
0x193: {  	v17 =	vadd.f32 $5.000000000e-01, v17;
	_ =	sdelay $0x1  }
0x194: {  	v17 =	vmul.f32 v17, v15;
	_ =	sdelay $0x1  }
0x195: {  	vm5 =	vgt.s32 v16, $0xFFFFFF82;
	v17 =	vadd.f32 $1.000000000e+00, v17  }
0x196: {  	v16 =	vnsel vm5, $0xFFFFFF82, v16  }
0x197: {  	vm5 =	vlt.s32 v16, $0x7F;
	v15 =	vmul.f32 v17, v15  }
0x198: {  	v16 =	vnsel vm5, $0x7F, v16;
	v17 =	vld [tilespmem:$0xA0]  }
0x199: {  	v16 =	vshll.u32 v16, $0x17;
	v15 =	vadd.f32 $1.000000000e+00, v15  }
0x19a: {  	v16 =	vadd.s32 $0x3F800000, v16  }
0x19b: {  	s14 =	sadd.s32 $0x20, s11;
	v15 =	vmul.f32 v16, v15  }
0x19c: {  	p3 =	slt.u32 s14, $0x50910  }
0x19d: {  	v16 =	vxor.u32 $0x80000000, v17;
	v15 =	vpsel !p3, $0x0, v15  }
0x19e: {  	(xrf1) =	vsort.ascd.msk.u32 $0xffff, v16, v15;
	_ =	sdelay $0xd  }
0x19f: {  	v16, v17, _ =	vpop (xrf1)  }
0x1a0: {  	v16 =	vxor.u32 $0x80000000, v16  }
0x1a1: {  	v18 =	vperm.xlane v16, v0;
	_ =	sdelay $0x1  }
0x1a2: {  	vm5 =	veq.s32 v18, v16;
	v18 =	vperm.xlane v17, v0  }
0x1a3: {  	vm5 =	vmand vm5, vm0  }
0x1a4: {  	v18 =	vnsel vm5, $0x0, v18  }
0x1a5: {  	v17 =	vadd.f32 v18, v17;
	v18 =	vperm.xlane v16, v1;
	_ =	sdelay $0x1  }
0x1a6: {  	vm5 =	veq.s32 v18, v16;
	v18 =	vperm.xlane v17, v1  }
0x1a7: {  	vm5 =	vmand vm5, vm1  }
0x1a8: {  	v18 =	vnsel vm5, $0x0, v18  }
0x1a9: {  	v17 =	vadd.f32 v17, v18;
	v18 =	vperm.xlane v16, v3;
	_ =	sdelay $0x1  }
0x1aa: {  	vm5 =	veq.s32 v18, v16;
	v18 =	vperm.xlane v17, v3  }
0x1ab: {  	vm5 =	vmand vm5, vm2  }
0x1ac: {  	v18 =	vnsel vm5, $0x0, v18  }
0x1ad: {  	v19 =	vperm.xlane v16, v6;
	v17 =	vadd.f32 v17, v18;
	v18 =	vperm.xlane v16, v5  }
0x1ae: {  	[tilespmem:$0x9120] =	vst v15  }
0x1af: {  	vm6 =	vne.s32 v16, v19;
	vm5 =	veq.s32 v18, v16;
	v15 =	vperm.xlane v17, v5;
	v18 =	vld.idx.msk [tilespmem:v16+s1+$0x0], $0xffff  }
0x1b0: {  	vm6 =	vmor vm6, vm4;
	vm5 =	vmand vm5, vm3  }
0x1b1: {  	v15 =	vnsel vm5, $0x0, v15  }
0x1b2: {  	v15 =	vadd.f32 v17, v15;
	_ =	sdelay $0x1  }
0x1b3: {  	v15 =	vadd.f32 v15, v18;
	_ =	sdelay $0x1  }
0x1b4: {  	[tilespmem:v16+s1+$0x0] =	vst.idx.msk vm6, v15  }
0x1b5: {  	v15 =	vld [tilespmem:$0x9130];
	_ =	sdelay $0x4  }
0x1b6: {  	v15 =	vmul.f32 $1.442695020e+00, v15;
	_ =	sdelay $0x1  }
0x1b7: {  	vm5 =	vge.f32 v15, $0.0e+00  }
0x1b8: {  	v16 =	vsel vm5, $0x3F000000, v4  }
0x1b9: {  	v16 =	vadd.f32 v16, v15;
	_ =	sdelay $0x1  }
0x1ba: {  	v16 =	vtrunc.f32 v16  }
0x1bb: {  	v16 =	vcvt.f32.s32 v16;
	_ =	sdelay $0x1  }
0x1bc: {  	v17 =	vcvt.s32.f32 v16;
	_ =	sdelay $0x1  }
0x1bd: {  	v15 =	vsub.f32 v15, v17;
	_ =	sdelay $0x1  }
0x1be: {  	v15 =	vmul.f32 $6.931471820e-01, v15;
	_ =	sdelay $0x1  }
0x1bf: {  	v17 =	vmul.f32 $1.388888920e-03, v15;
	_ =	sdelay $0x1  }
0x1c0: {  	v17 =	vadd.f32 $8.333333770e-03, v17;
	_ =	sdelay $0x1  }
0x1c1: {  	v17 =	vmul.f32 v17, v15;
	_ =	sdelay $0x1  }
0x1c2: {  	v17 =	vadd.f32 $4.166666790e-02, v17;
	_ =	sdelay $0x1  }
0x1c3: {  	v17 =	vmul.f32 v17, v15;
	_ =	sdelay $0x1  }
0x1c4: {  	v17 =	vadd.f32 $1.666666720e-01, v17;
	_ =	sdelay $0x1  }
0x1c5: {  	v17 =	vmul.f32 v17, v15;
	_ =	sdelay $0x1  }
0x1c6: {  	v17 =	vadd.f32 $5.000000000e-01, v17;
	_ =	sdelay $0x1  }
0x1c7: {  	v17 =	vmul.f32 v17, v15;
	_ =	sdelay $0x1  }
0x1c8: {  	vm5 =	vgt.s32 v16, $0xFFFFFF82;
	v17 =	vadd.f32 $1.000000000e+00, v17  }
0x1c9: {  	v16 =	vnsel vm5, $0xFFFFFF82, v16  }
0x1ca: {  	vm5 =	vlt.s32 v16, $0x7F;
	v15 =	vmul.f32 v17, v15  }
0x1cb: {  	v16 =	vnsel vm5, $0x7F, v16;
	v17 =	vld [tilespmem:$0xB0]  }
0x1cc: {  	v16 =	vshll.u32 v16, $0x17;
	v15 =	vadd.f32 $1.000000000e+00, v15  }
0x1cd: {  	v16 =	vadd.s32 $0x3F800000, v16  }
0x1ce: {  	s15 =	sadd.s32 $0x30, s11;
	v15 =	vmul.f32 v16, v15  }
0x1cf: {  	p4 =	slt.u32 s15, $0x50910  }
0x1d0: {  	v16 =	vxor.u32 $0x80000000, v17;
	v15 =	vpsel !p4, $0x0, v15  }
0x1d1: {  	(xrf1) =	vsort.ascd.msk.u32 $0xffff, v16, v15;
	_ =	sdelay $0xd  }
0x1d2: {  	v16, v17, _ =	vpop (xrf1)  }
0x1d3: {  	v16 =	vxor.u32 $0x80000000, v16  }
0x1d4: {  	v18 =	vperm.xlane v16, v0;
	_ =	sdelay $0x1  }
0x1d5: {  	vm5 =	veq.s32 v18, v16;
	v18 =	vperm.xlane v17, v0  }
0x1d6: {  	vm5 =	vmand vm5, vm0  }
0x1d7: {  	v18 =	vnsel vm5, $0x0, v18  }
0x1d8: {  	v17 =	vadd.f32 v18, v17;
	v18 =	vperm.xlane v16, v1;
	_ =	sdelay $0x1  }
0x1d9: {  	vm5 =	veq.s32 v18, v16;
	v18 =	vperm.xlane v17, v1  }
0x1da: {  	vm5 =	vmand vm5, vm1  }
0x1db: {  	v18 =	vnsel vm5, $0x0, v18  }
0x1dc: {  	v17 =	vadd.f32 v17, v18;
	v18 =	vperm.xlane v16, v3;
	_ =	sdelay $0x1  }
0x1dd: {  	vm5 =	veq.s32 v18, v16;
	v18 =	vperm.xlane v17, v3  }
0x1de: {  	vm5 =	vmand vm5, vm2  }
0x1df: {  	v18 =	vnsel vm5, $0x0, v18  }
0x1e0: {  	v19 =	vperm.xlane v16, v6;
	v17 =	vadd.f32 v17, v18;
	v18 =	vperm.xlane v16, v5  }
0x1e1: {  	[tilespmem:$0x9130] =	vst v15  }
0x1e2: {  	vm6 =	vne.s32 v16, v19;
	vm5 =	veq.s32 v18, v16;
	v15 =	vperm.xlane v17, v5;
	v18 =	vld.idx.msk [tilespmem:v16+s1+$0x0], $0xffff  }
0x1e3: {  	vm6 =	vmor vm6, vm4;
	vm5 =	vmand vm5, vm3  }
0x1e4: {  	v15 =	vnsel vm5, $0x0, v15  }
0x1e5: {  	v15 =	vadd.f32 v17, v15;
	_ =	sdelay $0x1  }
0x1e6: {  	v15 =	vadd.f32 v15, v18;
	_ =	sdelay $0x1  }
0x1e7: {  	[tilespmem:v16+s1+$0x0] =	vst.idx.msk vm6, v15  }
0x1e8: {  	v15 =	vld [tilespmem:$0x9140];
	_ =	sdelay $0x4  }
0x1e9: {  	v15 =	vmul.f32 $1.442695020e+00, v15;
	_ =	sdelay $0x1  }
0x1ea: {  	vm5 =	vge.f32 v15, $0.0e+00  }
0x1eb: {  	v16 =	vsel vm5, $0x3F000000, v4  }
0x1ec: {  	v16 =	vadd.f32 v16, v15;
	_ =	sdelay $0x1  }
0x1ed: {  	v16 =	vtrunc.f32 v16  }
0x1ee: {  	v16 =	vcvt.f32.s32 v16;
	_ =	sdelay $0x1  }
0x1ef: {  	v17 =	vcvt.s32.f32 v16;
	_ =	sdelay $0x1  }
0x1f0: {  	v15 =	vsub.f32 v15, v17;
	_ =	sdelay $0x1  }
0x1f1: {  	v15 =	vmul.f32 $6.931471820e-01, v15;
	_ =	sdelay $0x1  }
0x1f2: {  	v17 =	vmul.f32 $1.388888920e-03, v15;
	_ =	sdelay $0x1  }
0x1f3: {  	v17 =	vadd.f32 $8.333333770e-03, v17;
	_ =	sdelay $0x1  }
0x1f4: {  	v17 =	vmul.f32 v17, v15;
	_ =	sdelay $0x1  }
0x1f5: {  	v17 =	vadd.f32 $4.166666790e-02, v17;
	_ =	sdelay $0x1  }
0x1f6: {  	v17 =	vmul.f32 v17, v15;
	_ =	sdelay $0x1  }
0x1f7: {  	v17 =	vadd.f32 $1.666666720e-01, v17;
	_ =	sdelay $0x1  }
0x1f8: {  	v17 =	vmul.f32 v17, v15;
	_ =	sdelay $0x1  }
0x1f9: {  	v17 =	vadd.f32 $5.000000000e-01, v17;
	_ =	sdelay $0x1  }
0x1fa: {  	v17 =	vmul.f32 v17, v15;
	_ =	sdelay $0x1  }
0x1fb: {  	vm5 =	vgt.s32 v16, $0xFFFFFF82;
	v17 =	vadd.f32 $1.000000000e+00, v17  }
0x1fc: {  	v16 =	vnsel vm5, $0xFFFFFF82, v16  }
0x1fd: {  	vm5 =	vlt.s32 v16, $0x7F;
	v15 =	vmul.f32 v17, v15  }
0x1fe: {  	v16 =	vnsel vm5, $0x7F, v16;
	v17 =	vld [tilespmem:$0xC0]  }
0x1ff: {  	v16 =	vshll.u32 v16, $0x17;
	v15 =	vadd.f32 $1.000000000e+00, v15  }
0x200: {  	v16 =	vadd.s32 $0x3F800000, v16  }
0x201: {  	s16 =	sadd.s32 $0x40, s11;
	v15 =	vmul.f32 v16, v15  }
0x202: {  	p5 =	slt.u32 s16, $0x50910  }
0x203: {  	v16 =	vxor.u32 $0x80000000, v17;
	v15 =	vpsel !p5, $0x0, v15  }
0x204: {  	(xrf1) =	vsort.ascd.msk.u32 $0xffff, v16, v15;
	_ =	sdelay $0xd  }
0x205: {  	v16, v17, _ =	vpop (xrf1)  }
0x206: {  	v16 =	vxor.u32 $0x80000000, v16  }
0x207: {  	v18 =	vperm.xlane v16, v0;
	_ =	sdelay $0x1  }
0x208: {  	vm5 =	veq.s32 v18, v16;
	v18 =	vperm.xlane v17, v0  }
0x209: {  	vm5 =	vmand vm5, vm0  }
0x20a: {  	v18 =	vnsel vm5, $0x0, v18  }
0x20b: {  	v17 =	vadd.f32 v18, v17;
	v18 =	vperm.xlane v16, v1;
	_ =	sdelay $0x1  }
0x20c: {  	vm5 =	veq.s32 v18, v16;
	v18 =	vperm.xlane v17, v1  }
0x20d: {  	vm5 =	vmand vm5, vm1  }
0x20e: {  	v18 =	vnsel vm5, $0x0, v18  }
0x20f: {  	v17 =	vadd.f32 v17, v18;
	v18 =	vperm.xlane v16, v3;
	_ =	sdelay $0x1  }
0x210: {  	vm5 =	veq.s32 v18, v16;
	v18 =	vperm.xlane v17, v3  }
0x211: {  	vm5 =	vmand vm5, vm2  }
0x212: {  	v18 =	vnsel vm5, $0x0, v18  }
0x213: {  	v19 =	vperm.xlane v16, v6;
	v17 =	vadd.f32 v17, v18;
	v18 =	vperm.xlane v16, v5  }
0x214: {  	[tilespmem:$0x9140] =	vst v15  }
0x215: {  	vm6 =	vne.s32 v16, v19;
	vm5 =	veq.s32 v18, v16;
	v15 =	vperm.xlane v17, v5;
	v18 =	vld.idx.msk [tilespmem:v16+s1+$0x0], $0xffff  }
0x216: {  	vm6 =	vmor vm6, vm4;
	vm5 =	vmand vm5, vm3  }
0x217: {  	v15 =	vnsel vm5, $0x0, v15  }
0x218: {  	v15 =	vadd.f32 v17, v15;
	_ =	sdelay $0x1  }
0x219: {  	v15 =	vadd.f32 v15, v18;
	_ =	sdelay $0x1  }
0x21a: {  	[tilespmem:v16+s1+$0x0] =	vst.idx.msk vm6, v15  }
0x21b: {  	v15 =	vld [tilespmem:$0x9150];
	_ =	sdelay $0x4  }
0x21c: {  	v15 =	vmul.f32 $1.442695020e+00, v15;
	_ =	sdelay $0x1  }
0x21d: {  	vm5 =	vge.f32 v15, $0.0e+00  }
0x21e: {  	v16 =	vsel vm5, $0x3F000000, v4  }
0x21f: {  	v16 =	vadd.f32 v16, v15;
	_ =	sdelay $0x1  }
0x220: {  	v16 =	vtrunc.f32 v16  }
0x221: {  	v16 =	vcvt.f32.s32 v16;
	_ =	sdelay $0x1  }
0x222: {  	v17 =	vcvt.s32.f32 v16;
	_ =	sdelay $0x1  }
0x223: {  	v15 =	vsub.f32 v15, v17;
	_ =	sdelay $0x1  }
0x224: {  	v15 =	vmul.f32 $6.931471820e-01, v15;
	_ =	sdelay $0x1  }
0x225: {  	v17 =	vmul.f32 $1.388888920e-03, v15;
	_ =	sdelay $0x1  }
0x226: {  	v17 =	vadd.f32 $8.333333770e-03, v17;
	_ =	sdelay $0x1  }
0x227: {  	v17 =	vmul.f32 v17, v15;
	_ =	sdelay $0x1  }
0x228: {  	v17 =	vadd.f32 $4.166666790e-02, v17;
	_ =	sdelay $0x1  }
0x229: {  	v17 =	vmul.f32 v17, v15;
	_ =	sdelay $0x1  }
0x22a: {  	v17 =	vadd.f32 $1.666666720e-01, v17;
	_ =	sdelay $0x1  }
0x22b: {  	v17 =	vmul.f32 v17, v15;
	_ =	sdelay $0x1  }
0x22c: {  	v17 =	vadd.f32 $5.000000000e-01, v17;
	_ =	sdelay $0x1  }
0x22d: {  	v17 =	vmul.f32 v17, v15;
	_ =	sdelay $0x1  }
0x22e: {  	vm5 =	vgt.s32 v16, $0xFFFFFF82;
	v17 =	vadd.f32 $1.000000000e+00, v17  }
0x22f: {  	v16 =	vnsel vm5, $0xFFFFFF82, v16  }
0x230: {  	vm5 =	vlt.s32 v16, $0x7F;
	v15 =	vmul.f32 v17, v15  }
0x231: {  	v16 =	vnsel vm5, $0x7F, v16;
	v17 =	vld [tilespmem:$0xD0]  }
0x232: {  	v16 =	vshll.u32 v16, $0x17;
	v15 =	vadd.f32 $1.000000000e+00, v15  }
0x233: {  	v16 =	vadd.s32 $0x3F800000, v16  }
0x234: {  	s18 =	sadd.s32 $0x50, s11;
	v15 =	vmul.f32 v16, v15  }
0x235: {  	p6 =	slt.u32 s18, $0x50910  }
0x236: {  	v16 =	vxor.u32 $0x80000000, v17;
	v15 =	vpsel !p6, $0x0, v15  }
0x237: {  	(xrf1) =	vsort.ascd.msk.u32 $0xffff, v16, v15;
	_ =	sdelay $0xd  }
0x238: {  	v16, v17, _ =	vpop (xrf1)  }
0x239: {  	v16 =	vxor.u32 $0x80000000, v16  }
0x23a: {  	v18 =	vperm.xlane v16, v0;
	_ =	sdelay $0x1  }
0x23b: {  	vm5 =	veq.s32 v18, v16;
	v18 =	vperm.xlane v17, v0  }
0x23c: {  	vm5 =	vmand vm5, vm0  }
0x23d: {  	v18 =	vnsel vm5, $0x0, v18  }
0x23e: {  	v17 =	vadd.f32 v18, v17;
	v18 =	vperm.xlane v16, v1;
	_ =	sdelay $0x1  }
0x23f: {  	vm5 =	veq.s32 v18, v16;
	v18 =	vperm.xlane v17, v1  }
0x240: {  	vm5 =	vmand vm5, vm1  }
0x241: {  	v18 =	vnsel vm5, $0x0, v18  }
0x242: {  	v17 =	vadd.f32 v17, v18;
	v18 =	vperm.xlane v16, v3;
	_ =	sdelay $0x1  }
0x243: {  	vm5 =	veq.s32 v18, v16;
	v18 =	vperm.xlane v17, v3  }
0x244: {  	vm5 =	vmand vm5, vm2  }
0x245: {  	v18 =	vnsel vm5, $0x0, v18  }
0x246: {  	v17 =	vadd.f32 v17, v18;
	v18 =	vperm.xlane v16, v5;
	_ =	sdelay $0x1  }
0x247: {  	[tilespmem:$0x9150] =	vst v15;
	v19 =	vperm.xlane v16, v6;
	vm5 =	veq.s32 v18, v16;
	v15 =	vperm.xlane v17, v5  }
0x248: {  	vm5 =	vmand vm5, vm3  }
0x249: {  	s19 =	simm.s32 $0x0;
	vm6 =	vne.s32 v16, v19;
	v18 =	vld.idx.msk [tilespmem:v16+s1+$0x0], $0xffff;
	v15 =	vnsel vm5, $0x0, v15  }
0x24a: {  	vm6 =	vmor vm6, vm4;
	v15 =	vadd.f32 v17, v15;
	v17 =	vmov s19  }
0x24b: {  	v17 =	vand.u32 $0xFFFFFFFE, v17  }
0x24c: {  	v17 =	vbroadcast v17, $0x0;
	_ =	sdelay $0x1  }
0x24d: {  	v15 =	vadd.f32 v15, v18;
	_ =	sdelay $0x1  }
0x24e: {  	s11 =	simm.s32 $0x180;
	[tilespmem:v16+s1+$0x0] =	vst.idx.msk vm6, v15  }
0x24f: {  	v16 =	vld [tilespmem:s11+$0xFFFFFFF0]  }
0x250: {  	v17 =	vld.idx.msk [tilespmem:v17+s0+$0x0], $0xffff  }
0x251: {  	v20 =	vld [tilespmem:s11+$0xFFFFFF80]  }
0x252: {  	v58 =	vld [tilespmem:s11+$0xFFFFFFA0]  }
0x253: {  	v19 =	vld [tilespmem:s11+$0xFFFFFFB0]  }
0x254: {  	v18 =	vld [tilespmem:s11+$0xFFFFFFD0]  }
0x255: {  	v60 =	vld [tilespmem:s11+$0xFFFFFF90];
	v62 =	vmul.f32 v16, v17  }
0x256: {  	v59 =	vld [tilespmem:s11+$0xFFFFFFE0];
	v20 =	vmul.f32 v20, v17  }
0x257: {  	v61 =	vld [tilespmem:s11+$0xFFFFFFC0];
	v21 =	vmul.f32 v58, v17;
	[tilespmem:s11+$0xFFFFFFF0] =	vst v62  }
0x258: {  	v19 =	vmul.f32 v19, v17;
	[tilespmem:s11+$0xFFFFFF80] =	vst v20  }
0x259: {  	s20 =	simm.s32 $0x1;
	v18 =	vmul.f32 v18, v17;
	[tilespmem:s11+$0xFFFFFFA0] =	vst v21  }
0x25a: {  	v63 =	vmov s20;
	v20 =	vmul.f32 v60, v17;
	[tilespmem:s11+$0xFFFFFFB0] =	vst v19  }
0x25b: {  	v15 =	vld [tilespmem:s11+$0x0];
	v19 =	vmul.f32 v59, v17;
	[tilespmem:s11+$0xFFFFFFD0] =	vst v18  }
0x25c: {  	v16 =	vld [tilespmem:s11+$0x10];
	v17 =	vmul.f32 v61, v17;
	[tilespmem:s11+$0xFFFFFF90] =	vst v20  }
0x25d: {  	v18 =	vld [tilespmem:s11+$0x70];
	[tilespmem:s11+$0xFFFFFFE0] =	vst v19  }
0x25e: {  	v19 =	vld [tilespmem:s11+$0x30];
	[tilespmem:s11+$0xFFFFFFC0] =	vst v17  }
0x25f: {  	s10 =	simm.s32 $0x2;
	s12 =	simm.s32 $0x180;
	v17 =	vld.idx.msk [tilespmem:v63+s0+$0x0], $0xffff  }
.LBB2_9:
0x260: {  	p0 =	slt.u32 s10, $0x5E  }
0x261: {  	v20 =	vld [tilespmem:s11+$0x20];
	s12 =	sadd.s32 $0x100, s12;
	s13 =	smov.u32 s10;
	s10 =	sadd.s32 $0x2, s10  }
0x262: {  	v21 =	vld [tilespmem:s11+$0x40]  }
0x263: {  	v22 =	vld [tilespmem:s11+$0x50]  }
0x264: {  	v23 =	vld [tilespmem:s11+$0x60];
	_ =	sdelay $0x1  }
0x265: {  	v15 =	vmul.f32 v15, v17;
	v16 =	vmul.f32 v16, v17  }
0x266: {  	v19 =	vmul.f32 v19, v17;
	v20 =	vmul.f32 v20, v17  }
0x267: {  	v24 =	vmov s13;
	v21 =	vmul.f32 v21, v17;
	[tilespmem:s11+$0x0] =	vst v15;
	v22 =	vmul.f32 v22, v17  }
0x268: {  	v24 =	vand.u32 $0xFFFFFFFE, v24;
	v15 =	vld [tilespmem:s12+$0x0];
	[tilespmem:s11+$0x30] =	vst v19;
	v19 =	vmul.f32 v23, v17;
	v17 =	vmul.f32 v18, v17  }
0x269: {  	v18 =	vbroadcast v24, $0x0;
	[tilespmem:s11+$0x10] =	vst v16  }
0x26a: {  	[tilespmem:s11+$0x70] =	vst v17  }
0x26b: {  	v17 =	vld [tilespmem:s12+$0xFFFFFFD0];
	[tilespmem:s11+$0x20] =	vst v20  }
0x26c: {  	v20 =	vld [tilespmem:s12+$0xFFFFFFB0];
	[tilespmem:s11+$0x60] =	vst v19  }
0x26d: {  	v19 =	vld [tilespmem:s12+$0xFFFFFFE0];
	[tilespmem:s11+$0x40] =	vst v21  }
0x26e: {  	v21 =	vld [tilespmem:s12+$0xFFFFFFF0];
	[tilespmem:s11+$0x50] =	vst v22;
	s11 =	smov.u32 s12  }
0x26f: {  	v18 =	vld.idx.msk [tilespmem:v18+s0+$0x0], $0xffff  }
0x270: {  	v22 =	vld [tilespmem:s12+$0xFFFFFF80]  }
0x271: {  	v23 =	vld [tilespmem:s12+$0xFFFFFFA0]  }
0x272: {  	v24 =	vld [tilespmem:s12+$0xFFFFFF90]  }
0x273: {  	v25 =	vld [tilespmem:s12+$0xFFFFFFC0]  }
0x274: {  	v16 =	vld [tilespmem:s12+$0x10]  }
0x275: {  	v21 =	vmul.f32 v21, v18;
	v22 =	vmul.f32 v22, v18  }
0x276: {  	v19 =	vmul.f32 v19, v18;
	v23 =	vmul.f32 v23, v18  }
0x277: {  	v20 =	vmul.f32 v20, v18;
	v24 =	vmul.f32 v24, v18;
	[tilespmem:s12+$0xFFFFFFF0] =	vst v21  }
0x278: {  	v17 =	vmul.f32 v17, v18;
	[tilespmem:s12+$0xFFFFFF80] =	vst v22;
	v21 =	vmul.f32 v25, v18  }
0x279: {  	s3 =	sadd.s32 $0x1, s13;
	[tilespmem:s12+$0xFFFFFFA0] =	vst v23  }
0x27a: {  	[tilespmem:s12+$0xFFFFFFB0] =	vst v20;
	v20 =	vmov s3  }
.Ltmp3:
0x27b: {  	[tilespmem:s12+$0xFFFFFFD0] =	vst v17;
	(pc) =	sbr.rel @p0 .LBB2_9-.Ltmp3, $4  }
0x27c: {  	[tilespmem:s12+$0xFFFFFF90] =	vst v24  }
0x27d: {  	[tilespmem:s12+$0xFFFFFFE0] =	vst v19;
	v19 =	vld [tilespmem:s12+$0x30]  }
0x27e: {  	[tilespmem:s12+$0xFFFFFFC0] =	vst v21;
	v18 =	vld [tilespmem:s12+$0x70]  }
0x27f: {  	v17 =	vld.idx.msk [tilespmem:v20+s0+$0x0], $0xffff  }
0x280: {  	_ =	sdelay $0x1  }
0x281: {  	v20 =	vld [tilespmem:s11+$0x20]  }
0x282: {  	v21 =	vld [tilespmem:s11+$0x60]  }
0x283: {  	v15 =	vmul.f32 v15, v17  }
0x284: {  	v23 =	vld [tilespmem:s11+$0x50];
	v19 =	vmul.f32 v19, v17  }
0x285: {  	v22 =	vld [tilespmem:s11+$0x40];
	v16 =	vmul.f32 v16, v17;
	[tilespmem:s11+$0x0] =	vst v15  }
0x286: {  	v61 =	vmul.f32 v20, v17;
	[tilespmem:s11+$0x30] =	vst v19  }
0x287: {  	v62 =	vmul.f32 v21, v17;
	[tilespmem:s11+$0x10] =	vst v16  }
0x288: {  	v15 =	vmul.f32 v18, v17;
	[tilespmem:s11+$0x20] =	vst v61  }
0x289: {  	v63 =	vmul.f32 v23, v17;
	[tilespmem:s11+$0x60] =	vst v62  }
0x28a: {  	s4 =	sadd.s32 $0x1, s4;
	[tilespmem:s11+$0x70] =	vst v15;
	v15 =	vmul.f32 v22, v17  }
0x28b: {  	p0 =	sne.s32 s4, $0x6C;
	[tilespmem:s11+$0x50] =	vst v63  }
.Ltmp4:
0x28c: {  	[tilespmem:s11+$0x40] =	vst v15;
	(pc) =	sbr.rel @p0 .LBB2_6-.Ltmp4, $4  }
0x28d: {  	[spmem:s2] =	stream.indirect.scatter.add.f32 [tilespmem:s21], [sflag:$0x4], $0x80, s24, s28, $0xb8;
	[tilespmem:$0x1F580] =	vst v63  }
0x28e: {  	_ =	swait.ge [sflag:s22], $0x3000  }
0x28f: {  	[sflag:s22] =	ssyncset.done $0x0  }
0x290: {  	[sflag:s22] =	ssyncadd.s32 $0xFFFFD000  }
0x291: {  	s3 =	stileid.u32;
	[bflag:$0x0] =	sbarrier.arrive $0xFFFF  }
0x292: {  	s3 =	sshll.u32 s3, $0x6;
	s11 =	rddreg [dreg:$0x5]  }
0x293: {  	s10 =	rddreg [dreg:$0xc];
	s3 =	sor.u32 $0x1C04, s3;
	s4 =	sshrl.u32 s11, $0x3  }
0x294: {  	[hbm:s10], [sflag:s3] =	dma.local [spmem:s4], $0x2780  }
0x295: {  	_ =	swait.ge [sflag:s22], $0x2780  }
0x296: {  	[sflag:s22] =	ssyncset.done $0x0  }
0x297: {  	s18 =	simm.s32 $0x400;
	s16 =	rddreg [dreg:$0xd];
	[sflag:s22] =	ssyncadd.s32 $0xFFFFD880  }
0x298: {  	[hbm4b:s16+s24] =	stream.strided.scatter [tilespmem:s1], [sflag:$0x4], $0x2780, s18, s24, $0x38;
	[tilespmem:$0x1F580] =	vst v63  }
0x299: {  	_ =	swait.ge [sflag:s22], $0x2780  }
0x29a: {  	s19 =	rddreg [dreg:$0x4]  }
0x29b: {  	s20 =	rddreg [dreg:$0xe];
	s3 =	sadd.s32 $0x1, s19  }
0x29c: {  	p0 =	sne.s32 s3, s20  }
.Ltmp5:
0x29d: {  	_ = 	snop;
	(pc) =	sbr.rel @p0 .LBB2_1-.Ltmp5, $3  }
0x29e: {  	_ =	sdelay $0x1  }
0x29f: {  	[sflag:s22] =	ssyncset.done $0x0  }
0x2a0: {  	[sflag:s22] =	ssyncadd.s32 $0xFFFFD880  }
0x2a1: {  	_ =	sfence.sel $0x180000  }
0x2a2: {  	[bflag:$0x0] =	sbarrier.arrive $0xFFFF  }
0x2a3: {  	_ =	strace $0x90000047  }
0x2a4: {  	s0 =	stileid.u32;
	[bflag:$0x2] =	sbarrier.arrive $0xFFFF  }
0x2a5: {  	p0 =	sne.s32 s0, $0x0;
	s0 =	rddreg [dreg:$0x3]  }
0x2a6: {  	s0 =	sadd.s32 @!p0 $0x100000, s0  }
0x2a7: {  	[sflag:s0] =	ssyncadd.tile.s32 @!p0 $0x1;
	_ =	shalt  }
.Lfunc_end2:
_tile_overlayer_lowered:
.L_overlay_start_2:
0x2a8: {  	(tag) =	ssettag $0x2  }
0x2a9: {  	s0 =	rddreg [dreg:$0x0];
	s2 =	stileid.u32  }
0x2aa: {  	s1 =	rddreg [dreg:$0x1];
	p0 =	sne.s32 s2, $0x0  }
0x2ab: {  	s3 =	rddreg [dreg:$0x2];
	[bflag:$0x3] =	sbarrier.arrive $0xFFFF;
	s2 =	simm.s32 @!p0 $0x1C04  }
0x2ac: {  	[timem:s3], [sflag:s2] =	dma.local @!p0 [hbm:s0], s1  }
0x2ad: {  	s0 =	simm.s32 @!p0 $0x4  }
0x2ae: {  	_ =	swait.ge @!p0 [sflag:s0], s1  }
0x2af: {  	s1 =	ssub.s32 @!p0 $0x0, s1;
	[sflag:s0] =	ssyncset.done @!p0 $0x0  }
0x2b0: {  	[sflag:s0] =	ssyncadd.s32 @!p0 s1  }
0x2b1: {  	[bflag:$0x3] =	sbarrier.arrive $0xFFFF  }
0x2b2: {  	_ =	shalt  }

</sc_bundles>
